<compile_context>
chip_gen: v7x
topology: tpu7x:2x2x1
jax: 0.10.2.dev20260603
libtpu: 0.0.44.dev20260713+nightly
codegen_flags: <defaults>
</compile_context>

<pallas_src>
import functools

import jax
import jax.numpy as jnp
from jax import lax
from jax.experimental import pallas as pl
from jax.experimental.pallas import tpu as pltpu
from jax.experimental.pallas import tpu_sc as plsc

N = 10000
E = 320000
D_IN = 128
H = 64

NC = 2
NS = 16
NW = NC * NS
EPW = E // NW
NPAD = 10240
ROWS_PER_TILE = NPAD // NS

_SC_MESH = plsc.VectorSubcoreMesh(
    core_axis_name="c", subcore_axis_name="s", num_cores=NC, num_subcores=NS)


def _fill(buf, nrows, ncol16, vec):
  assert nrows % 4 == 0
  def frow(i, _):
    for u in range(4):
      for j in range(ncol16):
        buf[i * 4 + u, pl.ds(j * 16, 16)] = vec
    return 0
  lax.fori_loop(0, nrows // 4, frow, 0)


def _make_agg(Hp, CH):
  nch = EPW // CH
  NB = 3
  ngrp = (nch + NB - 1) // NB

  @functools.partial(
      pl.kernel,
      out_type=jax.ShapeDtypeStruct((NC, NPAD, Hp), jnp.float32),
      mesh=_SC_MESH,
      scratch_types=[
          pltpu.VMEM((NB, 2, CH), jnp.int32),
          pltpu.VMEM((CH, Hp), jnp.float32),
          pltpu.VMEM((CH, Hp), jnp.float32),
          pltpu.VMEM((CH, Hp), jnp.float32),
          pltpu.VMEM_SHARED((NPAD, Hp), jnp.float32),
          pltpu.SemaphoreType.DMA,
          pltpu.SemaphoreType.DMA,
          pltpu.SemaphoreType.DMA,
          pltpu.SemaphoreType.DMA,
          pltpu.SemaphoreType.DMA,
          pltpu.SemaphoreType.DMA,
      ],
      compiler_params=pltpu.CompilerParams(use_tc_tiling_on_sc=False),
  )
  def agg(ei_hbm, y_hbm, out_hbm, idx_v, rows0, rows1, rows2, acc_sh,
          gsem0, gsem1, gsem2, ssem0, ssem1, ssem2):
    rows = (rows0, rows1, rows2)
    gsems = (gsem0, gsem1, gsem2)
    ssems = (ssem0, ssem1, ssem2)
    c = lax.axis_index("c")
    s = lax.axis_index("s")
    wid = s * NC + c
    z16 = jnp.zeros((16,), jnp.float32)

    _fill(rows0, CH, Hp // 16, z16)
    _fill(rows1, ROWS_PER_TILE - CH, Hp // 16, z16)
    pltpu.sync_copy(rows0, acc_sh.at[pl.ds(s * ROWS_PER_TILE, CH)])
    pltpu.sync_copy(
        rows1.at[pl.ds(0, ROWS_PER_TILE - CH)],
        acc_sh.at[pl.ds(s * ROWS_PER_TILE + CH, ROWS_PER_TILE - CH)])
    plsc.subcore_barrier()

    base = wid * EPW

    def _stage(q, bq):
      off = base + q * CH
      pltpu.sync_copy(ei_hbm.at[:, pl.ds(off, CH)], idx_v.at[bq])
      pltpu.async_copy(y_hbm.at[idx_v.at[bq, 0]], rows[bq], gsems[bq],
                       priority=1)

    def _scatter_wait(b):
      pltpu.make_async_copy(rows[b], acc_sh.at[idx_v.at[b, 1]],
                            ssems[b]).wait()

    for q in range(NB - 1):
      _stage(q, q)

    def grp(k, _):
      for b in range(NB):
        g = NB * k + b

        @pl.when(g < nch)
        def _step():
          pltpu.make_async_copy(y_hbm.at[idx_v.at[b, 0]], rows[b],
                                gsems[b]).wait()
          pltpu.async_copy(rows[b], acc_sh.at[idx_v.at[b, 1]], ssems[b],
                           add=True)

          q = g + NB - 1
          bq = (b + NB - 1) % NB

          @pl.when(q < nch)
          def _prefetch():
            @pl.when(g >= 1)
            def _drain():
              _scatter_wait(bq)
            _stage(q, bq)

      return 0

    lax.fori_loop(0, ngrp, grp, 0)
    for b in range(NB):
      _scatter_wait(b)
    plsc.subcore_barrier()

    pltpu.sync_copy(
        acc_sh.at[pl.ds(s * ROWS_PER_TILE, ROWS_PER_TILE)],
        out_hbm.at[c, pl.ds(s * ROWS_PER_TILE, ROWS_PER_TILE)])

  return agg


_agg64_l1 = _make_agg(64, 400)
_agg64_l2 = _make_agg(64, 400)
_agg16 = _make_agg(16, 400)

_DEG_CH = 2000


@functools.partial(
    pl.kernel,
    out_type=[jax.ShapeDtypeStruct((NC, NPAD, 16), jnp.float32),
              jax.ShapeDtypeStruct((2, E), jnp.int32)],
    mesh=_SC_MESH,
    scratch_types=[
        pltpu.VMEM((2, _DEG_CH), jnp.int32),
        pltpu.VMEM((_DEG_CH, 16), jnp.float32),
        pltpu.VMEM_SHARED((NPAD, 16), jnp.float32),
    ],
    compiler_params=pltpu.CompilerParams(use_tc_tiling_on_sc=False),
)
def _deg(ei_hbm, out_hbm, eiu_hbm, idx2_v, ones_v, acc_sh):
  c = lax.axis_index("c")
  s = lax.axis_index("s")
  wid = s * NC + c

  z16 = jnp.zeros((16,), jnp.float32)
  _fill(ones_v, ROWS_PER_TILE, 1, z16)
  pltpu.sync_copy(
      ones_v.at[pl.ds(0, ROWS_PER_TILE)],
      acc_sh.at[pl.ds(s * ROWS_PER_TILE, ROWS_PER_TILE)])

  onehot = jnp.where(lax.iota(jnp.int32, 16) == 0, 1.0, 0.0)
  _fill(ones_v, _DEG_CH, 1, onehot)
  plsc.subcore_barrier()

  base = wid * EPW

  def chunk(t, _):
    off = base + t * _DEG_CH
    pltpu.sync_copy(ei_hbm.at[:, pl.ds(off, _DEG_CH)], idx2_v)
    pltpu.sync_copy(idx2_v, eiu_hbm.at[:, pl.ds(off, _DEG_CH)])
    pltpu.sync_copy(ones_v, acc_sh.at[idx2_v.at[1]], add=True)
    return 0

  lax.fori_loop(0, EPW // _DEG_CH, chunk, 0)
  plsc.subcore_barrier()

  pltpu.sync_copy(
      acc_sh.at[pl.ds(s * ROWS_PER_TILE, ROWS_PER_TILE)],
      out_hbm.at[c, pl.ds(s * ROWS_PER_TILE, ROWS_PER_TILE)])


def _unpack(p_ref, Hp):
  a = p_ref[0] + p_ref[1]
  return lax.slice(a, (0, 0), (N, Hp))


def _tc_mm_body(x_ref, w_ref, y_ref):
  y_ref[...] = jnp.dot(x_ref[...], w_ref[...],
                       preferred_element_type=jnp.float32)


def _mm(x, w, dout):
  return pl.pallas_call(
      _tc_mm_body,
      out_shape=jax.ShapeDtypeStruct((N, dout), jnp.float32),
  )(x, w)


def _tc_mid1_body(p_ref, pdeg_ref, r_ref, b1l_ref, b1r_ref, w2l_ref,
                  y2_ref, h_ref, inv_ref):
  agg = _unpack(p_ref, H)
  deg = lax.slice(_unpack(pdeg_ref, 16), (0, 0), (N, 1))
  inv = 1.0 / jnp.maximum(deg, 1.0)
  mean = agg * inv
  h = jnp.maximum(mean + b1l_ref[...] + r_ref[...] + b1r_ref[...], 0.0)
  y2_ref[...] = jnp.dot(h, w2l_ref[...], preferred_element_type=jnp.float32)
  h_ref[...] = h
  inv_ref[...] = inv


def _tc_mid2_body(p_ref, inv_ref, r_ref, b2l_ref, b2r_ref, w3lp_ref, w3r_ref,
                  y3p_ref, r3_ref):
  mean = _unpack(p_ref, H) * inv_ref[...]
  h = jnp.maximum(mean + b2l_ref[...] + r_ref[...] + b2r_ref[...], 0.0)
  y3p_ref[...] = jnp.dot(h, w3lp_ref[...], preferred_element_type=jnp.float32)
  r3_ref[...] = jnp.dot(h, w3r_ref[...], preferred_element_type=jnp.float32)


def _tc_final_body(p_ref, inv_ref, r3_ref, b3l_ref, b3r_ref, out_ref):
  val = lax.slice(_unpack(p_ref, 16), (0, 0), (N, 1))
  res = val * inv_ref[...] + b3l_ref[...] + r3_ref[...] + b3r_ref[...]
  out_ref[...] = jnp.reshape(res, (N,))


def kernel(x, edge_index, W1l, b1l, W1r, b1r, W2l, b2l, W2r, b2r,
           W3l, b3l, W3r, b3r):
  w3lp = jnp.pad(W3l, ((0, 0), (0, 15)))

  f32 = jnp.float32
  y1 = _mm(x, W1l, H)
  pdeg, ei_u = _deg(edge_index)

  p1 = _agg64_l1(ei_u, y1)
  r1 = _mm(x, W1r, H)

  y2, h1, inv = pl.pallas_call(
      _tc_mid1_body,
      out_shape=[jax.ShapeDtypeStruct((N, H), f32),
                 jax.ShapeDtypeStruct((N, H), f32),
                 jax.ShapeDtypeStruct((N, 1), f32)],
  )(p1, pdeg, r1, b1l, b1r, W2l)

  p2 = _agg64_l2(ei_u, y2)
  r2 = _mm(h1, W2r, H)

  y3p, r3 = pl.pallas_call(
      _tc_mid2_body,
      out_shape=[jax.ShapeDtypeStruct((N, 16), f32),
                 jax.ShapeDtypeStruct((N, 1), f32)],
  )(p2, inv, r2, b2l, b2r, w3lp, W3r)

  p3 = _agg16(ei_u, y3p)

  out = pl.pallas_call(
      _tc_final_body,
      out_shape=jax.ShapeDtypeStruct((N,), f32),
  )(p3, inv, r3, b3l, b3r)

  return out

# --- scband reference (transcript-rebuilt; emitter-appended) ---
"""Pipeline reference for scband-graph-sagemodel-83623013253774 (READ-ONLY COPY).

The authoritative reference and input builder live on the scoring server;
editing this copy changes nothing except your own understanding.
"""

import jax, jax.numpy as jnp
import numpy as np

N = 10000
E = 320000
D_IN = 128
H = 64


def _sage_conv(x, src, dst, Wl, bl, Wr, br):
    # PyG-style SAGEConv with mean aggregation:
    #   out = lin_l(mean_{j in N(i)} x_j) + lin_r(x_i)
    msg = x[src]
    agg = jax.ops.segment_sum(msg, dst, num_segments=N)
    deg = jax.ops.segment_sum(jnp.ones((src.shape[0],), dtype=x.dtype), dst, num_segments=N)
    mean = agg / jnp.clip(deg, 1.0)[:, None]
    return mean @ Wl + bl + x @ Wr + br


def setup_inputs(seed: int = 0):
    key = jax.random.key(seed)
    ks = jax.random.split(key, 10)
    inp = {}
    inp["x"] = jax.random.normal(ks[0], (N, D_IN), dtype=jnp.float32)
    inp["edge_index"] = jax.random.randint(ks[1], (2, E), 0, N, dtype=jnp.int32)
    dims = [(D_IN, H), (H, H), (H, 1)]
    i = 2
    for li, (din, dout) in enumerate(dims, start=1):
        s = 1.0 / np.sqrt(din)
        inp[f"W{li}l"] = jax.random.uniform(ks[i], (din, dout), minval=-s, maxval=s, dtype=jnp.float32)
        i += 1
        inp[f"b{li}l"] = jnp.zeros((dout,), dtype=jnp.float32)
        inp[f"W{li}r"] = jax.random.uniform(ks[i], (din, dout), minval=-s, maxval=s, dtype=jnp.float32)
        i += 1
        inp[f"b{li}r"] = jnp.zeros((dout,), dtype=jnp.float32)
    return inp


def reference(x, edge_index, W1l, b1l, W1r, b1r, W2l, b2l, W2r, b2r, W3l, b3l, W3r, b3r):
    src = edge_index[0]
    dst = edge_index[1]
    h = _sage_conv(x, src, dst, W1l, b1l, W1r, b1r)
    h = jax.nn.relu(h)
    # dropout is identity in eval mode
    h = _sage_conv(h, src, dst, W2l, b2l, W2r, b2r)
    h = jax.nn.relu(h)
    h = _sage_conv(h, src, dst, W3l, b3l, W3r, b3r)
    return h.squeeze(-1)

if __name__ == "__main__":
    import jax
    _d = setup_inputs()
    print(jax.jit(kernel)(*tuple(_d.values())))

</pallas_src>

<mosaic_0001>
#map = affine_map<(d0, d1) -> (0, 0)>
#map1 = affine_map<(d0, d1) -> (0, 0, 0)>
module attributes {stable_mosaic.version = 14 : i64} {
  func.func @_deg(%arg0: i32, %arg1: i32, %arg2: memref<2x320000xi32, #tpu.memory_space<hbm>>, %arg3: memref<2x10240x16xf32, #tpu.memory_space<hbm>>, %arg4: memref<2x320000xi32, #tpu.memory_space<hbm>>, %arg5: memref<2x2000xi32, #tpu.memory_space<vmem>>, %arg6: memref<2000x16xf32, #tpu.memory_space<vmem>>, %arg7: memref<10240x16xf32, #tpu.memory_space<vmem_shared>>) attributes {dimension_semantics = [#tpu.dimension_semantics<core_parallel>, #tpu.dimension_semantics<subcore_parallel>], iteration_bounds = array<i64: 2, 16>, scalar_prefetch = 0 : i64, scratch_operands = 3 : i64, tpu.core_type = #tpu.core_type<sc_vector_subcore>, window_params = [{transform_indices = #map}, {transform_indices = #map1}, {transform_indices = #map}]} {
    %mul3A = arith.constant 2 : i32
    %mul3A_0 = arith.muli %arg1, %mul3A : i32
    %add3A = arith.addi %mul3A_0, %arg0 : i32
    %broadcast_in_dim3A = arith.constant 0.000000e+00 : f32
    %broadcast_in_dim3A_1 = vector.broadcast %broadcast_in_dim3A : f32 to vector<16xf32>
    %scan3A = arith.constant 0 : i32
    %scan3A_2 = arith.constant 0 : i32
    %scan3A_3 = arith.constant 160 : i32
    %scan3A_4 = arith.addi %scan3A_2, %scan3A_3 : i32
    %scan3A_5 = arith.constant 1 : i32
    %scan3A_6 = scf.for %scan3A_36 = %scan3A_2 to %scan3A_4 step %scan3A_5 iter_args(%scan3A_37 = %scan3A) -> (i32)  : i32 {
      %mul3A_38 = arith.constant 4 : i32
      %mul3A_39 = arith.muli %scan3A_36, %mul3A_38 : i32
      %add3A_40 = arith.constant 0 : i32
      %add3A_41 = arith.addi %mul3A_39, %add3A_40 : i32
      %swap3A = arith.index_cast %add3A_41 : i32 to index
      %swap3A_42 = arith.constant 0 : index
      %swap3A_43 = tpu.vector_load %arg6[%swap3A, %swap3A_42] {strides = array<i32>} : memref<2000x16xf32, #tpu.memory_space<vmem>>, vector<1x16xf32>,
      %swap3A_44 = vector.shape_cast %swap3A_43 : vector<1x16xf32> to vector<16xf32>
      %swap3A_45 = vector.shape_cast %broadcast_in_dim3A_1 : vector<16xf32> to vector<1x16xf32>
      tpu.vector_store %arg6[%swap3A, %swap3A_42], %swap3A_45 {strides = array<i32>} : memref<2000x16xf32, #tpu.memory_space<vmem>>, vector<1x16xf32>,
      %mul3A_46 = arith.constant 4 : i32
      %mul3A_47 = arith.muli %scan3A_36, %mul3A_46 : i32
      %add3A_48 = arith.constant 1 : i32
      %add3A_49 = arith.addi %mul3A_47, %add3A_48 : i32
      %swap3A_50 = arith.index_cast %add3A_49 : i32 to index
      %swap3A_51 = arith.constant 0 : index
      %swap3A_52 = tpu.vector_load %arg6[%swap3A_50, %swap3A_51] {strides = array<i32>} : memref<2000x16xf32, #tpu.memory_space<vmem>>, vector<1x16xf32>,
      %swap3A_53 = vector.shape_cast %swap3A_52 : vector<1x16xf32> to vector<16xf32>
      %swap3A_54 = vector.shape_cast %broadcast_in_dim3A_1 : vector<16xf32> to vector<1x16xf32>
      tpu.vector_store %arg6[%swap3A_50, %swap3A_51], %swap3A_54 {strides = array<i32>} : memref<2000x16xf32, #tpu.memory_space<vmem>>, vector<1x16xf32>,
      %mul3A_55 = arith.constant 4 : i32
      %mul3A_56 = arith.muli %scan3A_36, %mul3A_55 : i32
      %add3A_57 = arith.constant 2 : i32
      %add3A_58 = arith.addi %mul3A_56, %add3A_57 : i32
      %swap3A_59 = arith.index_cast %add3A_58 : i32 to index
      %swap3A_60 = arith.constant 0 : index
      %swap3A_61 = tpu.vector_load %arg6[%swap3A_59, %swap3A_60] {strides = array<i32>} : memref<2000x16xf32, #tpu.memory_space<vmem>>, vector<1x16xf32>,
      %swap3A_62 = vector.shape_cast %swap3A_61 : vector<1x16xf32> to vector<16xf32>
      %swap3A_63 = vector.shape_cast %broadcast_in_dim3A_1 : vector<16xf32> to vector<1x16xf32>
      tpu.vector_store %arg6[%swap3A_59, %swap3A_60], %swap3A_63 {strides = array<i32>} : memref<2000x16xf32, #tpu.memory_space<vmem>>, vector<1x16xf32>,
      %mul3A_64 = arith.constant 4 : i32
      %mul3A_65 = arith.muli %scan3A_36, %mul3A_64 : i32
      %add3A_66 = arith.constant 3 : i32
      %add3A_67 = arith.addi %mul3A_65, %add3A_66 : i32
      %swap3A_68 = arith.index_cast %add3A_67 : i32 to index
      %swap3A_69 = arith.constant 0 : index
      %swap3A_70 = tpu.vector_load %arg6[%swap3A_68, %swap3A_69] {strides = array<i32>} : memref<2000x16xf32, #tpu.memory_space<vmem>>, vector<1x16xf32>,
      %swap3A_71 = vector.shape_cast %swap3A_70 : vector<1x16xf32> to vector<16xf32>
      %swap3A_72 = vector.shape_cast %broadcast_in_dim3A_1 : vector<16xf32> to vector<1x16xf32>
      tpu.vector_store %arg6[%swap3A_68, %swap3A_69], %swap3A_72 {strides = array<i32>} : memref<2000x16xf32, #tpu.memory_space<vmem>>, vector<1x16xf32>,
      %scan3A_73 = arith.constant 0 : i32
      scf.yield %scan3A_73 : i32
    }
    %scan3A_7 = arith.constant 160 : i32
    %mul3A_8 = arith.constant 640 : i32
    %mul3A_9 = arith.muli %arg1, %mul3A_8 : i32
    "tpu.region"() ({
      %run_scoped3A = tpu.sem_alloc : memref<!tpu.dma_semaphore, #tpu.memory_space<semaphore_mem>>
      %dma_start3A = arith.constant 0 : i32
      %dma_start3A_36 = arith.constant 0 : i32
      %dma_start3A_37 = tpu.memref_slice %arg6[%dma_start3A, %dma_start3A_36] : memref<2000x16xf32, #tpu.memory_space<vmem>> -> memref<640x16xf32, #tpu.memory_space<vmem>>
      %dma_start3A_38 = arith.constant 0 : i32
      %dma_start3A_39 = tpu.memref_slice %arg7[%mul3A_9, %dma_start3A_38] : memref<10240x16xf32, #tpu.memory_space<vmem_shared>> -> memref<640x16xf32, #tpu.memory_space<vmem_shared>>
      %dma_start3A_40 = arith.constant 0 : i32
      %dma_start3A_41 = tpu.memref_slice %arg7[%mul3A_9, %dma_start3A_40] : memref<10240x16xf32, #tpu.memory_space<vmem_shared>> -> memref<640x16xf32, #tpu.memory_space<vmem_shared>>
      %dma_start3A_42 = arith.constant 0 : i32
      %dma_start3A_43 = arith.constant 0 : i32
      %dma_start3A_44 = tpu.memref_slice %arg6[%dma_start3A_42, %dma_start3A_43] : memref<2000x16xf32, #tpu.memory_space<vmem>> -> memref<640x16xf32, #tpu.memory_space<vmem>>
      tpu.enqueue_dma source(%dma_start3A_44 : memref<640x16xf32, #tpu.memory_space<vmem>>) target(%dma_start3A_41 : memref<640x16xf32, #tpu.memory_space<vmem_shared>>) target_semaphore(%run_scoped3A : memref<!tpu.dma_semaphore, #tpu.memory_space<semaphore_mem>>)
      %dma_wait3A = arith.constant 0 : i32
      %dma_wait3A_45 = arith.constant 0 : i32
      %dma_wait3A_46 = tpu.memref_slice %arg6[%dma_wait3A, %dma_wait3A_45] : memref<2000x16xf32, #tpu.memory_space<vmem>> -> memref<640x16xf32, #tpu.memory_space<vmem>>
      %dma_wait3A_47 = arith.constant 0 : i32
      %dma_wait3A_48 = tpu.memref_slice %arg7[%mul3A_9, %dma_wait3A_47] : memref<10240x16xf32, #tpu.memory_space<vmem_shared>> -> memref<640x16xf32, #tpu.memory_space<vmem_shared>>
      %dma_wait3A_49 = arith.constant 0 : i32
      %dma_wait3A_50 = tpu.memref_slice %arg7[%mul3A_9, %dma_wait3A_49] : memref<10240x16xf32, #tpu.memory_space<vmem_shared>> -> memref<640x16xf32, #tpu.memory_space<vmem_shared>>
      %dma_wait3A_51 = arith.constant 0 : i32
      %dma_wait3A_52 = arith.constant 0 : i32
      %dma_wait3A_53 = tpu.memref_slice %arg6[%dma_wait3A_51, %dma_wait3A_52] : memref<2000x16xf32, #tpu.memory_space<vmem>> -> memref<640x16xf32, #tpu.memory_space<vmem>>
      tpu.wait_dma2 semaphore(%run_scoped3A : memref<!tpu.dma_semaphore, #tpu.memory_space<semaphore_mem>>) src(%dma_wait3A_53 : memref<640x16xf32, #tpu.memory_space<vmem>>) dst(%dma_wait3A_50 : memref<640x16xf32, #tpu.memory_space<vmem_shared>>)
      tpu.yield
    }) : () -> ()
    %iota3A = tpu.iota {dimensions = array<i32: 0>} : vector<16xi32>
    %eq3A = arith.constant 0 : i32
    %eq3A_10 = vector.broadcast %eq3A : i32 to vector<16xi32>
    %eq3A_11 = arith.cmpi eq, %iota3A, %eq3A_10 : vector<16xi32>
    %jit3A = arith.constant 1.000000e+00 : f32
    %jit3A_12 = arith.constant 0.000000e+00 : f32
    %broadcast_in_dim3A_13 = vector.broadcast %jit3A : f32 to vector<16xf32>
    %broadcast_in_dim3A_14 = vector.broadcast %jit3A_12 : f32 to vector<16xf32>
    %select_n3A = arith.select %eq3A_11, %broadcast_in_dim3A_13, %broadcast_in_dim3A_14 : vector<16xi1>, vector<16xf32>
    %scan3A_15 = arith.constant 0 : i32
    %scan3A_16 = arith.constant 0 : i32
    %scan3A_17 = arith.constant 500 : i32
    %scan3A_18 = arith.addi %scan3A_16, %scan3A_17 : i32
    %scan3A_19 = arith.constant 1 : i32
    %scan3A_20 = scf.for %scan3A_36 = %scan3A_16 to %scan3A_18 step %scan3A_19 iter_args(%scan3A_37 = %scan3A_15) -> (i32)  : i32 {
      %mul3A_38 = arith.constant 4 : i32
      %mul3A_39 = arith.muli %scan3A_36, %mul3A_38 : i32
      %add3A_40 = arith.constant 0 : i32
      %add3A_41 = arith.addi %mul3A_39, %add3A_40 : i32
      %swap3A = arith.index_cast %add3A_41 : i32 to index
      %swap3A_42 = arith.constant 0 : index
      %swap3A_43 = tpu.vector_load %arg6[%swap3A, %swap3A_42] {strides = array<i32>} : memref<2000x16xf32, #tpu.memory_space<vmem>>, vector<1x16xf32>,
      %swap3A_44 = vector.shape_cast %swap3A_43 : vector<1x16xf32> to vector<16xf32>
      %swap3A_45 = vector.shape_cast %select_n3A : vector<16xf32> to vector<1x16xf32>
      tpu.vector_store %arg6[%swap3A, %swap3A_42], %swap3A_45 {strides = array<i32>} : memref<2000x16xf32, #tpu.memory_space<vmem>>, vector<1x16xf32>,
      %mul3A_46 = arith.constant 4 : i32
      %mul3A_47 = arith.muli %scan3A_36, %mul3A_46 : i32
      %add3A_48 = arith.constant 1 : i32
      %add3A_49 = arith.addi %mul3A_47, %add3A_48 : i32
      %swap3A_50 = arith.index_cast %add3A_49 : i32 to index
      %swap3A_51 = arith.constant 0 : index
      %swap3A_52 = tpu.vector_load %arg6[%swap3A_50, %swap3A_51] {strides = array<i32>} : memref<2000x16xf32, #tpu.memory_space<vmem>>, vector<1x16xf32>,
      %swap3A_53 = vector.shape_cast %swap3A_52 : vector<1x16xf32> to vector<16xf32>
      %swap3A_54 = vector.shape_cast %select_n3A : vector<16xf32> to vector<1x16xf32>
      tpu.vector_store %arg6[%swap3A_50, %swap3A_51], %swap3A_54 {strides = array<i32>} : memref<2000x16xf32, #tpu.memory_space<vmem>>, vector<1x16xf32>,
      %mul3A_55 = arith.constant 4 : i32
      %mul3A_56 = arith.muli %scan3A_36, %mul3A_55 : i32
      %add3A_57 = arith.constant 2 : i32
      %add3A_58 = arith.addi %mul3A_56, %add3A_57 : i32
      %swap3A_59 = arith.index_cast %add3A_58 : i32 to index
      %swap3A_60 = arith.constant 0 : index
      %swap3A_61 = tpu.vector_load %arg6[%swap3A_59, %swap3A_60] {strides = array<i32>} : memref<2000x16xf32, #tpu.memory_space<vmem>>, vector<1x16xf32>,
      %swap3A_62 = vector.shape_cast %swap3A_61 : vector<1x16xf32> to vector<16xf32>
      %swap3A_63 = vector.shape_cast %select_n3A : vector<16xf32> to vector<1x16xf32>
      tpu.vector_store %arg6[%swap3A_59, %swap3A_60], %swap3A_63 {strides = array<i32>} : memref<2000x16xf32, #tpu.memory_space<vmem>>, vector<1x16xf32>,
      %mul3A_64 = arith.constant 4 : i32
      %mul3A_65 = arith.muli %scan3A_36, %mul3A_64 : i32
      %add3A_66 = arith.constant 3 : i32
      %add3A_67 = arith.addi %mul3A_65, %add3A_66 : i32
      %swap3A_68 = arith.index_cast %add3A_67 : i32 to index
      %swap3A_69 = arith.constant 0 : index
      %swap3A_70 = tpu.vector_load %arg6[%swap3A_68, %swap3A_69] {strides = array<i32>} : memref<2000x16xf32, #tpu.memory_space<vmem>>, vector<1x16xf32>,
      %swap3A_71 = vector.shape_cast %swap3A_70 : vector<1x16xf32> to vector<16xf32>
      %swap3A_72 = vector.shape_cast %select_n3A : vector<16xf32> to vector<1x16xf32>
      tpu.vector_store %arg6[%swap3A_68, %swap3A_69], %swap3A_72 {strides = array<i32>} : memref<2000x16xf32, #tpu.memory_space<vmem>>, vector<1x16xf32>,
      %scan3A_73 = arith.constant 0 : i32
      scf.yield %scan3A_73 : i32
    }
    %scan3A_21 = arith.constant 500 : i32
    %barrier3A = arith.constant 0 : index
    tpu.barrier barrier_id(%barrier3A)
    %mul3A_22 = arith.constant 10000 : i32
    %mul3A_23 = arith.muli %add3A, %mul3A_22 : i32
    %scan3A_24 = arith.constant 0 : i32
    %scan3A_25 = arith.constant 0 : i32
    %scan3A_26 = arith.constant 5 : i32
    %scan3A_27 = arith.addi %scan3A_25, %scan3A_26 : i32
    %scan3A_28 = arith.constant 1 : i32
    %scan3A_29 = scf.for %scan3A_36 = %scan3A_25 to %scan3A_27 step %scan3A_28 iter_args(%scan3A_37 = %scan3A_24) -> (i32)  : i32 {
      %mul3A_38 = arith.constant 2000 : i32
      %mul3A_39 = arith.muli %scan3A_36, %mul3A_38 : i32
      %add3A_40 = arith.addi %mul3A_23, %mul3A_39 : i32
      "tpu.region"() ({
        %run_scoped3A_42 = tpu.sem_alloc : memref<!tpu.dma_semaphore, #tpu.memory_space<semaphore_mem>>
        %dma_start3A = arith.constant 0 : i32
        %dma_start3A_43 = tpu.memref_slice %arg2[%dma_start3A, %add3A_40] : memref<2x320000xi32, #tpu.memory_space<hbm>> -> memref<2x2000xi32, #tpu.memory_space<hbm>>
        %dma_start3A_44 = arith.constant 0 : i32
        %dma_start3A_45 = tpu.memref_slice %arg2[%dma_start3A_44, %add3A_40] : memref<2x320000xi32, #tpu.memory_space<hbm>> -> memref<2x2000xi32, #tpu.memory_space<hbm>>
        tpu.enqueue_dma source(%dma_start3A_45 : memref<2x2000xi32, #tpu.memory_space<hbm>>) target(%arg5 : memref<2x2000xi32, #tpu.memory_space<vmem>>) target_semaphore(%run_scoped3A_42 : memref<!tpu.dma_semaphore, #tpu.memory_space<semaphore_mem>>)
        %dma_wait3A = arith.constant 0 : i32
        %dma_wait3A_46 = tpu.memref_slice %arg2[%dma_wait3A, %add3A_40] : memref<2x320000xi32, #tpu.memory_space<hbm>> -> memref<2x2000xi32, #tpu.memory_space<hbm>>
        %dma_wait3A_47 = arith.constant 0 : i32
        %dma_wait3A_48 = tpu.memref_slice %arg2[%dma_wait3A_47, %add3A_40] : memref<2x320000xi32, #tpu.memory_space<hbm>> -> memref<2x2000xi32, #tpu.memory_space<hbm>>
        tpu.wait_dma2 semaphore(%run_scoped3A_42 : memref<!tpu.dma_semaphore, #tpu.memory_space<semaphore_mem>>) src(%dma_wait3A_48 : memref<2x2000xi32, #tpu.memory_space<hbm>>) dst(%arg5 : memref<2x2000xi32, #tpu.memory_space<vmem>>)
        tpu.yield
      }) : () -> ()
      "tpu.region"() ({
        %run_scoped3A_42 = tpu.sem_alloc : memref<!tpu.dma_semaphore, #tpu.memory_space<semaphore_mem>>
        %dma_start3A = arith.constant 0 : i32
        %dma_start3A_43 = tpu.memref_slice %arg4[%dma_start3A, %add3A_40] : memref<2x320000xi32, #tpu.memory_space<hbm>> -> memref<2x2000xi32, #tpu.memory_space<hbm>>
        %dma_start3A_44 = arith.constant 0 : i32
        %dma_start3A_45 = tpu.memref_slice %arg4[%dma_start3A_44, %add3A_40] : memref<2x320000xi32, #tpu.memory_space<hbm>> -> memref<2x2000xi32, #tpu.memory_space<hbm>>
        tpu.enqueue_dma source(%arg5 : memref<2x2000xi32, #tpu.memory_space<vmem>>) target(%dma_start3A_45 : memref<2x2000xi32, #tpu.memory_space<hbm>>) target_semaphore(%run_scoped3A_42 : memref<!tpu.dma_semaphore, #tpu.memory_space<semaphore_mem>>)
        %dma_wait3A = arith.constant 0 : i32
        %dma_wait3A_46 = tpu.memref_slice %arg4[%dma_wait3A, %add3A_40] : memref<2x320000xi32, #tpu.memory_space<hbm>> -> memref<2x2000xi32, #tpu.memory_space<hbm>>
        %dma_wait3A_47 = arith.constant 0 : i32
        %dma_wait3A_48 = tpu.memref_slice %arg4[%dma_wait3A_47, %add3A_40] : memref<2x320000xi32, #tpu.memory_space<hbm>> -> memref<2x2000xi32, #tpu.memory_space<hbm>>
        tpu.wait_dma2 semaphore(%run_scoped3A_42 : memref<!tpu.dma_semaphore, #tpu.memory_space<semaphore_mem>>) src(%arg5 : memref<2x2000xi32, #tpu.memory_space<vmem>>) dst(%dma_wait3A_48 : memref<2x2000xi32, #tpu.memory_space<hbm>>)
        tpu.yield
      }) : () -> ()
      %run_scoped3A = arith.constant 1 : i32
      "tpu.region"() ({
        %run_scoped3A_42 = tpu.sem_alloc : memref<!tpu.dma_semaphore, #tpu.memory_space<semaphore_mem>>
        %dma_start3A = arith.constant 0 : i32
        %dma_start3A_43 = tpu.memref_slice %arg5[%run_scoped3A, %dma_start3A] : memref<2x2000xi32, #tpu.memory_space<vmem>> -> memref<1x2000xi32, #tpu.memory_space<vmem>>
        %dma_start3A_44 = tpu.memref_squeeze %dma_start3A_43 : memref<1x2000xi32, #tpu.memory_space<vmem>> -> memref<2000xi32, #tpu.memory_space<vmem>>
        %dma_start3A_45 = arith.constant 0 : i32
        %dma_start3A_46 = arith.constant 0 : i32
        %dma_start3A_47 = tpu.memref_slice %arg7[%dma_start3A_45, %dma_start3A_46] : memref<10240x16xf32, #tpu.memory_space<vmem_shared>> -> memref<10240x16xf32, #tpu.memory_space<vmem_shared>>
        tpu.enqueue_indirect_dma source(%arg6 : memref<2000x16xf32, #tpu.memory_space<vmem>>) target(%dma_start3A_47 : memref<10240x16xf32, #tpu.memory_space<vmem_shared>>) offsets(%dma_start3A_44 : memref<2000xi32, #tpu.memory_space<vmem>>) semaphore(%run_scoped3A_42 : memref<!tpu.dma_semaphore, #tpu.memory_space<semaphore_mem>>) {add = true}
        %dma_wait3A = arith.constant 0 : i32
        %dma_wait3A_48 = tpu.memref_slice %arg5[%run_scoped3A, %dma_wait3A] : memref<2x2000xi32, #tpu.memory_space<vmem>> -> memref<1x2000xi32, #tpu.memory_space<vmem>>
        %dma_wait3A_49 = tpu.memref_squeeze %dma_wait3A_48 : memref<1x2000xi32, #tpu.memory_space<vmem>> -> memref<2000xi32, #tpu.memory_space<vmem>>
        %dma_wait3A_50 = arith.constant 0 : i32
        %dma_wait3A_51 = arith.constant 0 : i32
        %dma_wait3A_52 = tpu.memref_slice %arg7[%dma_wait3A_50, %dma_wait3A_51] : memref<10240x16xf32, #tpu.memory_space<vmem_shared>> -> memref<10240x16xf32, #tpu.memory_space<vmem_shared>>
        tpu.wait_indirect_dma semaphore(%run_scoped3A_42 : memref<!tpu.dma_semaphore, #tpu.memory_space<semaphore_mem>>) src(%arg6 : memref<2000x16xf32, #tpu.memory_space<vmem>>) dst(%dma_wait3A_52 : memref<10240x16xf32, #tpu.memory_space<vmem_shared>>)
        tpu.yield
      }) : () -> ()
      %scan3A_41 = arith.constant 0 : i32
      scf.yield %scan3A_41 : i32
    }
    %scan3A_30 = arith.constant 5 : i32
    %barrier3A_31 = arith.constant 0 : index
    tpu.barrier barrier_id(%barrier3A_31)
    %mul3A_32 = arith.constant 640 : i32
    %mul3A_33 = arith.muli %arg1, %mul3A_32 : i32
    %mul3A_34 = arith.constant 640 : i32
    %mul3A_35 = arith.muli %arg1, %mul3A_34 : i32
    "tpu.region"() ({
      %run_scoped3A = tpu.sem_alloc : memref<!tpu.dma_semaphore, #tpu.memory_space<semaphore_mem>>
      %dma_start3A = arith.constant 0 : i32
      %dma_start3A_36 = tpu.memref_slice %arg3[%arg0, %mul3A_35, %dma_start3A] : memref<2x10240x16xf32, #tpu.memory_space<hbm>> -> memref<1x640x16xf32, #tpu.memory_space<hbm>>
      %dma_start3A_37 = tpu.memref_squeeze %dma_start3A_36 : memref<1x640x16xf32, #tpu.memory_space<hbm>> -> memref<640x16xf32, #tpu.memory_space<hbm>>
      %dma_start3A_38 = arith.constant 0 : i32
      %dma_start3A_39 = tpu.memref_slice %arg7[%mul3A_33, %dma_start3A_38] : memref<10240x16xf32, #tpu.memory_space<vmem_shared>> -> memref<640x16xf32, #tpu.memory_space<vmem_shared>>
      tpu.enqueue_dma source(%dma_start3A_39 : memref<640x16xf32, #tpu.memory_space<vmem_shared>>) target(%dma_start3A_37 : memref<640x16xf32, #tpu.memory_space<hbm>>) target_semaphore(%run_scoped3A : memref<!tpu.dma_semaphore, #tpu.memory_space<semaphore_mem>>)
      %dma_wait3A = arith.constant 0 : i32
      %dma_wait3A_40 = tpu.memref_slice %arg3[%arg0, %mul3A_35, %dma_wait3A] : memref<2x10240x16xf32, #tpu.memory_space<hbm>> -> memref<1x640x16xf32, #tpu.memory_space<hbm>>
      %dma_wait3A_41 = tpu.memref_squeeze %dma_wait3A_40 : memref<1x640x16xf32, #tpu.memory_space<hbm>> -> memref<640x16xf32, #tpu.memory_space<hbm>>
      %dma_wait3A_42 = arith.constant 0 : i32
      %dma_wait3A_43 = tpu.memref_slice %arg7[%mul3A_33, %dma_wait3A_42] : memref<10240x16xf32, #tpu.memory_space<vmem_shared>> -> memref<640x16xf32, #tpu.memory_space<vmem_shared>>
      tpu.wait_dma2 semaphore(%run_scoped3A : memref<!tpu.dma_semaphore, #tpu.memory_space<semaphore_mem>>) src(%dma_wait3A_43 : memref<640x16xf32, #tpu.memory_space<vmem_shared>>) dst(%dma_wait3A_41 : memref<640x16xf32, #tpu.memory_space<hbm>>)
      tpu.yield
    }) : () -> ()
    return
  }
}

#map = affine_map<(d0, d1) -> (0, 0)>
#map1 = affine_map<(d0, d1) -> (0, 0, 0)>
module attributes {stable_mosaic.version = 14 : i64} {
  func.func @agg(%arg0: i32, %arg1: i32, %arg2: memref<2x320000xi32, #tpu.memory_space<hbm>>, %arg3: memref<10000x64xf32, #tpu.memory_space<hbm>>, %arg4: memref<2x10240x64xf32, #tpu.memory_space<hbm>>, %arg5: memref<3x2x400xi32, #tpu.memory_space<vmem>>, %arg6: memref<400x64xf32, #tpu.memory_space<vmem>>, %arg7: memref<400x64xf32, #tpu.memory_space<vmem>>, %arg8: memref<400x64xf32, #tpu.memory_space<vmem>>, %arg9: memref<10240x64xf32, #tpu.memory_space<vmem_shared>>, %arg10: memref<!tpu.dma_semaphore, #tpu.memory_space<semaphore_mem>>, %arg11: memref<!tpu.dma_semaphore, #tpu.memory_space<semaphore_mem>>, %arg12: memref<!tpu.dma_semaphore, #tpu.memory_space<semaphore_mem>>, %arg13: memref<!tpu.dma_semaphore, #tpu.memory_space<semaphore_mem>>, %arg14: memref<!tpu.dma_semaphore, #tpu.memory_space<semaphore_mem>>, %arg15: memref<!tpu.dma_semaphore, #tpu.memory_space<semaphore_mem>>) attributes {dimension_semantics = [#tpu.dimension_semantics<core_parallel>, #tpu.dimension_semantics<subcore_parallel>], iteration_bounds = array<i64: 2, 16>, scalar_prefetch = 0 : i64, scratch_operands = 11 : i64, tpu.core_type = #tpu.core_type<sc_vector_subcore>, window_params = [{transform_indices = #map}, {transform_indices = #map}, {transform_indices = #map1}]} {
    %mul3A = arith.constant 2 : i32
    %mul3A_0 = arith.muli %arg1, %mul3A : i32
    %add3A = arith.addi %mul3A_0, %arg0 : i32
    %broadcast_in_dim3A = arith.constant 0.000000e+00 : f32
    %broadcast_in_dim3A_1 = vector.broadcast %broadcast_in_dim3A : f32 to vector<16xf32>
    %scan3A = arith.constant 0 : i32
    %scan3A_2 = arith.constant 0 : i32
    %scan3A_3 = arith.constant 100 : i32
    %scan3A_4 = arith.addi %scan3A_2, %scan3A_3 : i32
    %scan3A_5 = arith.constant 1 : i32
    %scan3A_6 = scf.for %scan3A_78 = %scan3A_2 to %scan3A_4 step %scan3A_5 iter_args(%scan3A_79 = %scan3A) -> (i32)  : i32 {
      %mul3A_80 = arith.constant 4 : i32
      %mul3A_81 = arith.muli %scan3A_78, %mul3A_80 : i32
      %add3A_82 = arith.constant 0 : i32
      %add3A_83 = arith.addi %mul3A_81, %add3A_82 : i32
      %swap3A = arith.index_cast %add3A_83 : i32 to index
      %swap3A_84 = arith.constant 0 : index
      %swap3A_85 = tpu.vector_load %arg6[%swap3A, %swap3A_84] {strides = array<i32>} : memref<400x64xf32, #tpu.memory_space<vmem>>, vector<1x16xf32>,
      %swap3A_86 = vector.shape_cast %swap3A_85 : vector<1x16xf32> to vector<16xf32>
      %swap3A_87 = vector.shape_cast %broadcast_in_dim3A_1 : vector<16xf32> to vector<1x16xf32>
      tpu.vector_store %arg6[%swap3A, %swap3A_84], %swap3A_87 {strides = array<i32>} : memref<400x64xf32, #tpu.memory_space<vmem>>, vector<1x16xf32>,
      %mul3A_88 = arith.constant 4 : i32
      %mul3A_89 = arith.muli %scan3A_78, %mul3A_88 : i32
      %add3A_90 = arith.constant 0 : i32
      %add3A_91 = arith.addi %mul3A_89, %add3A_90 : i32
      %swap3A_92 = arith.index_cast %add3A_91 : i32 to index
      %swap3A_93 = arith.constant 16 : index
      %swap3A_94 = tpu.vector_load %arg6[%swap3A_92, %swap3A_93] {strides = array<i32>} : memref<400x64xf32, #tpu.memory_space<vmem>>, vector<1x16xf32>,
      %swap3A_95 = vector.shape_cast %swap3A_94 : vector<1x16xf32> to vector<16xf32>
      %swap3A_96 = vector.shape_cast %broadcast_in_dim3A_1 : vector<16xf32> to vector<1x16xf32>
      tpu.vector_store %arg6[%swap3A_92, %swap3A_93], %swap3A_96 {strides = array<i32>} : memref<400x64xf32, #tpu.memory_space<vmem>>, vector<1x16xf32>,
      %mul3A_97 = arith.constant 4 : i32
      %mul3A_98 = arith.muli %scan3A_78, %mul3A_97 : i32
      %add3A_99 = arith.constant 0 : i32
      %add3A_100 = arith.addi %mul3A_98, %add3A_99 : i32
      %swap3A_101 = arith.index_cast %add3A_100 : i32 to index
      %swap3A_102 = arith.constant 32 : index
      %swap3A_103 = tpu.vector_load %arg6[%swap3A_101, %swap3A_102] {strides = array<i32>} : memref<400x64xf32, #tpu.memory_space<vmem>>, vector<1x16xf32>,
      %swap3A_104 = vector.shape_cast %swap3A_103 : vector<1x16xf32> to vector<16xf32>
      %swap3A_105 = vector.shape_cast %broadcast_in_dim3A_1 : vector<16xf32> to vector<1x16xf32>
      tpu.vector_store %arg6[%swap3A_101, %swap3A_102], %swap3A_105 {strides = array<i32>} : memref<400x64xf32, #tpu.memory_space<vmem>>, vector<1x16xf32>,
      %mul3A_106 = arith.constant 4 : i32
      %mul3A_107 = arith.muli %scan3A_78, %mul3A_106 : i32
      %add3A_108 = arith.constant 0 : i32
      %add3A_109 = arith.addi %mul3A_107, %add3A_108 : i32
      %swap3A_110 = arith.index_cast %add3A_109 : i32 to index
      %swap3A_111 = arith.constant 48 : index
      %swap3A_112 = tpu.vector_load %arg6[%swap3A_110, %swap3A_111] {strides = array<i32>} : memref<400x64xf32, #tpu.memory_space<vmem>>, vector<1x16xf32>,
      %swap3A_113 = vector.shape_cast %swap3A_112 : vector<1x16xf32> to vector<16xf32>
      %swap3A_114 = vector.shape_cast %broadcast_in_dim3A_1 : vector<16xf32> to vector<1x16xf32>
      tpu.vector_store %arg6[%swap3A_110, %swap3A_111], %swap3A_114 {strides = array<i32>} : memref<400x64xf32, #tpu.memory_space<vmem>>, vector<1x16xf32>,
      %mul3A_115 = arith.constant 4 : i32
      %mul3A_116 = arith.muli %scan3A_78, %mul3A_115 : i32
      %add3A_117 = arith.constant 1 : i32
      %add3A_118 = arith.addi %mul3A_116, %add3A_117 : i32
      %swap3A_119 = arith.index_cast %add3A_118 : i32 to index
      %swap3A_120 = arith.constant 0 : index
      %swap3A_121 = tpu.vector_load %arg6[%swap3A_119, %swap3A_120] {strides = array<i32>} : memref<400x64xf32, #tpu.memory_space<vmem>>, vector<1x16xf32>,
      %swap3A_122 = vector.shape_cast %swap3A_121 : vector<1x16xf32> to vector<16xf32>
      %swap3A_123 = vector.shape_cast %broadcast_in_dim3A_1 : vector<16xf32> to vector<1x16xf32>
      tpu.vector_store %arg6[%swap3A_119, %swap3A_120], %swap3A_123 {strides = array<i32>} : memref<400x64xf32, #tpu.memory_space<vmem>>, vector<1x16xf32>,
      %mul3A_124 = arith.constant 4 : i32
      %mul3A_125 = arith.muli %scan3A_78, %mul3A_124 : i32
      %add3A_126 = arith.constant 1 : i32
      %add3A_127 = arith.addi %mul3A_125, %add3A_126 : i32
      %swap3A_128 = arith.index_cast %add3A_127 : i32 to index
      %swap3A_129 = arith.constant 16 : index
      %swap3A_130 = tpu.vector_load %arg6[%swap3A_128, %swap3A_129] {strides = array<i32>} : memref<400x64xf32, #tpu.memory_space<vmem>>, vector<1x16xf32>,
      %swap3A_131 = vector.shape_cast %swap3A_130 : vector<1x16xf32> to vector<16xf32>
      %swap3A_132 = vector.shape_cast %broadcast_in_dim3A_1 : vector<16xf32> to vector<1x16xf32>
      tpu.vector_store %arg6[%swap3A_128, %swap3A_129], %swap3A_132 {strides = array<i32>} : memref<400x64xf32, #tpu.memory_space<vmem>>, vector<1x16xf32>,
      %mul3A_133 = arith.constant 4 : i32
      %mul3A_134 = arith.muli %scan3A_78, %mul3A_133 : i32
      %add3A_135 = arith.constant 1 : i32
      %add3A_136 = arith.addi %mul3A_134, %add3A_135 : i32
      %swap3A_137 = arith.index_cast %add3A_136 : i32 to index
      %swap3A_138 = arith.constant 32 : index
      %swap3A_139 = tpu.vector_load %arg6[%swap3A_137, %swap3A_138] {strides = array<i32>} : memref<400x64xf32, #tpu.memory_space<vmem>>, vector<1x16xf32>,
      %swap3A_140 = vector.shape_cast %swap3A_139 : vector<1x16xf32> to vector<16xf32>
      %swap3A_141 = vector.shape_cast %broadcast_in_dim3A_1 : vector<16xf32> to vector<1x16xf32>
      tpu.vector_store %arg6[%swap3A_137, %swap3A_138], %swap3A_141 {strides = array<i32>} : memref<400x64xf32, #tpu.memory_space<vmem>>, vector<1x16xf32>,
      %mul3A_142 = arith.constant 4 : i32
      %mul3A_143 = arith.muli %scan3A_78, %mul3A_142 : i32
      %add3A_144 = arith.constant 1 : i32
      %add3A_145 = arith.addi %mul3A_143, %add3A_144 : i32
      %swap3A_146 = arith.index_cast %add3A_145 : i32 to index
      %swap3A_147 = arith.constant 48 : index
      %swap3A_148 = tpu.vector_load %arg6[%swap3A_146, %swap3A_147] {strides = array<i32>} : memref<400x64xf32, #tpu.memory_space<vmem>>, vector<1x16xf32>,
      %swap3A_149 = vector.shape_cast %swap3A_148 : vector<1x16xf32> to vector<16xf32>
      %swap3A_150 = vector.shape_cast %broadcast_in_dim3A_1 : vector<16xf32> to vector<1x16xf32>
      tpu.vector_store %arg6[%swap3A_146, %swap3A_147], %swap3A_150 {strides = array<i32>} : memref<400x64xf32, #tpu.memory_space<vmem>>, vector<1x16xf32>,
      %mul3A_151 = arith.constant 4 : i32
      %mul3A_152 = arith.muli %scan3A_78, %mul3A_151 : i32
      %add3A_153 = arith.constant 2 : i32
      %add3A_154 = arith.addi %mul3A_152, %add3A_153 : i32
      %swap3A_155 = arith.index_cast %add3A_154 : i32 to index
      %swap3A_156 = arith.constant 0 : index
      %swap3A_157 = tpu.vector_load %arg6[%swap3A_155, %swap3A_156] {strides = array<i32>} : memref<400x64xf32, #tpu.memory_space<vmem>>, vector<1x16xf32>,
      %swap3A_158 = vector.shape_cast %swap3A_157 : vector<1x16xf32> to vector<16xf32>
      %swap3A_159 = vector.shape_cast %broadcast_in_dim3A_1 : vector<16xf32> to vector<1x16xf32>
      tpu.vector_store %arg6[%swap3A_155, %swap3A_156], %swap3A_159 {strides = array<i32>} : memref<400x64xf32, #tpu.memory_space<vmem>>, vector<1x16xf32>,
      %mul3A_160 = arith.constant 4 : i32
      %mul3A_161 = arith.muli %scan3A_78, %mul3A_160 : i32
      %add3A_162 = arith.constant 2 : i32
      %add3A_163 = arith.addi %mul3A_161, %add3A_162 : i32
      %swap3A_164 = arith.index_cast %add3A_163 : i32 to index
      %swap3A_165 = arith.constant 16 : index
      %swap3A_166 = tpu.vector_load %arg6[%swap3A_164, %swap3A_165] {strides = array<i32>} : memref<400x64xf32, #tpu.memory_space<vmem>>, vector<1x16xf32>,
      %swap3A_167 = vector.shape_cast %swap3A_166 : vector<1x16xf32> to vector<16xf32>
      %swap3A_168 = vector.shape_cast %broadcast_in_dim3A_1 : vector<16xf32> to vector<1x16xf32>
      tpu.vector_store %arg6[%swap3A_164, %swap3A_165], %swap3A_168 {strides = array<i32>} : memref<400x64xf32, #tpu.memory_space<vmem>>, vector<1x16xf32>,
      %mul3A_169 = arith.constant 4 : i32
      %mul3A_170 = arith.muli %scan3A_78, %mul3A_169 : i32
      %add3A_171 = arith.constant 2 : i32
      %add3A_172 = arith.addi %mul3A_170, %add3A_171 : i32
      %swap3A_173 = arith.index_cast %add3A_172 : i32 to index
      %swap3A_174 = arith.constant 32 : index
      %swap3A_175 = tpu.vector_load %arg6[%swap3A_173, %swap3A_174] {strides = array<i32>} : memref<400x64xf32, #tpu.memory_space<vmem>>, vector<1x16xf32>,
      %swap3A_176 = vector.shape_cast %swap3A_175 : vector<1x16xf32> to vector<16xf32>
      %swap3A_177 = vector.shape_cast %broadcast_in_dim3A_1 : vector<16xf32> to vector<1x16xf32>
      tpu.vector_store %arg6[%swap3A_173, %swap3A_174], %swap3A_177 {strides = array<i32>} : memref<400x64xf32, #tpu.memory_space<vmem>>, vector<1x16xf32>,
      %mul3A_178 = arith.constant 4 : i32
      %mul3A_179 = arith.muli %scan3A_78, %mul3A_178 : i32
      %add3A_180 = arith.constant 2 : i32
      %add3A_181 = arith.addi %mul3A_179, %add3A_180 : i32
      %swap3A_182 = arith.index_cast %add3A_181 : i32 to index
      %swap3A_183 = arith.constant 48 : index
      %swap3A_184 = tpu.vector_load %arg6[%swap3A_182, %swap3A_183] {strides = array<i32>} : memref<400x64xf32, #tpu.memory_space<vmem>>, vector<1x16xf32>,
      %swap3A_185 = vector.shape_cast %swap3A_184 : vector<1x16xf32> to vector<16xf32>
      %swap3A_186 = vector.shape_cast %broadcast_in_dim3A_1 : vector<16xf32> to vector<1x16xf32>
      tpu.vector_store %arg6[%swap3A_182, %swap3A_183], %swap3A_186 {strides = array<i32>} : memref<400x64xf32, #tpu.memory_space<vmem>>, vector<1x16xf32>,
      %mul3A_187 = arith.constant 4 : i32
      %mul3A_188 = arith.muli %scan3A_78, %mul3A_187 : i32
      %add3A_189 = arith.constant 3 : i32
      %add3A_190 = arith.addi %mul3A_188, %add3A_189 : i32
      %swap3A_191 = arith.index_cast %add3A_190 : i32 to index
      %swap3A_192 = arith.constant 0 : index
      %swap3A_193 = tpu.vector_load %arg6[%swap3A_191, %swap3A_192] {strides = array<i32>} : memref<400x64xf32, #tpu.memory_space<vmem>>, vector<1x16xf32>,
      %swap3A_194 = vector.shape_cast %swap3A_193 : vector<1x16xf32> to vector<16xf32>
      %swap3A_195 = vector.shape_cast %broadcast_in_dim3A_1 : vector<16xf32> to vector<1x16xf32>
      tpu.vector_store %arg6[%swap3A_191, %swap3A_192], %swap3A_195 {strides = array<i32>} : memref<400x64xf32, #tpu.memory_space<vmem>>, vector<1x16xf32>,
      %mul3A_196 = arith.constant 4 : i32
      %mul3A_197 = arith.muli %scan3A_78, %mul3A_196 : i32
      %add3A_198 = arith.constant 3 : i32
      %add3A_199 = arith.addi %mul3A_197, %add3A_198 : i32
      %swap3A_200 = arith.index_cast %add3A_199 : i32 to index
      %swap3A_201 = arith.constant 16 : index
      %swap3A_202 = tpu.vector_load %arg6[%swap3A_200, %swap3A_201] {strides = array<i32>} : memref<400x64xf32, #tpu.memory_space<vmem>>, vector<1x16xf32>,
      %swap3A_203 = vector.shape_cast %swap3A_202 : vector<1x16xf32> to vector<16xf32>
      %swap3A_204 = vector.shape_cast %broadcast_in_dim3A_1 : vector<16xf32> to vector<1x16xf32>
      tpu.vector_store %arg6[%swap3A_200, %swap3A_201], %swap3A_204 {strides = array<i32>} : memref<400x64xf32, #tpu.memory_space<vmem>>, vector<1x16xf32>,
      %mul3A_205 = arith.constant 4 : i32
      %mul3A_206 = arith.muli %scan3A_78, %mul3A_205 : i32
      %add3A_207 = arith.constant 3 : i32
      %add3A_208 = arith.addi %mul3A_206, %add3A_207 : i32
      %swap3A_209 = arith.index_cast %add3A_208 : i32 to index
      %swap3A_210 = arith.constant 32 : index
      %swap3A_211 = tpu.vector_load %arg6[%swap3A_209, %swap3A_210] {strides = array<i32>} : memref<400x64xf32, #tpu.memory_space<vmem>>, vector<1x16xf32>,
      %swap3A_212 = vector.shape_cast %swap3A_211 : vector<1x16xf32> to vector<16xf32>
      %swap3A_213 = vector.shape_cast %broadcast_in_dim3A_1 : vector<16xf32> to vector<1x16xf32>
      tpu.vector_store %arg6[%swap3A_209, %swap3A_210], %swap3A_213 {strides = array<i32>} : memref<400x64xf32, #tpu.memory_space<vmem>>, vector<1x16xf32>,
      %mul3A_214 = arith.constant 4 : i32
      %mul3A_215 = arith.muli %scan3A_78, %mul3A_214 : i32
      %add3A_216 = arith.constant 3 : i32
      %add3A_217 = arith.addi %mul3A_215, %add3A_216 : i32
      %swap3A_218 = arith.index_cast %add3A_217 : i32 to index
      %swap3A_219 = arith.constant 48 : index
      %swap3A_220 = tpu.vector_load %arg6[%swap3A_218, %swap3A_219] {strides = array<i32>} : memref<400x64xf32, #tpu.memory_space<vmem>>, vector<1x16xf32>,
      %swap3A_221 = vector.shape_cast %swap3A_220 : vector<1x16xf32> to vector<16xf32>
      %swap3A_222 = vector.shape_cast %broadcast_in_dim3A_1 : vector<16xf32> to vector<1x16xf32>
      tpu.vector_store %arg6[%swap3A_218, %swap3A_219], %swap3A_222 {strides = array<i32>} : memref<400x64xf32, #tpu.memory_space<vmem>>, vector<1x16xf32>,
      %scan3A_223 = arith.constant 0 : i32
      scf.yield %scan3A_223 : i32
    }
    %scan3A_7 = arith.constant 100 : i32
    %scan3A_8 = arith.constant 0 : i32
    %scan3A_9 = arith.constant 0 : i32
    %scan3A_10 = arith.constant 60 : i32
    %scan3A_11 = arith.addi %scan3A_9, %scan3A_10 : i32
    %scan3A_12 = arith.constant 1 : i32
    %scan3A_13 = scf.for %scan3A_78 = %scan3A_9 to %scan3A_11 step %scan3A_12 iter_args(%scan3A_79 = %scan3A_8) -> (i32)  : i32 {
      %mul3A_80 = arith.constant 4 : i32
      %mul3A_81 = arith.muli %scan3A_78, %mul3A_80 : i32
      %add3A_82 = arith.constant 0 : i32
      %add3A_83 = arith.addi %mul3A_81, %add3A_82 : i32
      %swap3A = arith.index_cast %add3A_83 : i32 to index
      %swap3A_84 = arith.constant 0 : index
      %swap3A_85 = tpu.vector_load %arg7[%swap3A, %swap3A_84] {strides = array<i32>} : memref<400x64xf32, #tpu.memory_space<vmem>>, vector<1x16xf32>,
      %swap3A_86 = vector.shape_cast %swap3A_85 : vector<1x16xf32> to vector<16xf32>
      %swap3A_87 = vector.shape_cast %broadcast_in_dim3A_1 : vector<16xf32> to vector<1x16xf32>
      tpu.vector_store %arg7[%swap3A, %swap3A_84], %swap3A_87 {strides = array<i32>} : memref<400x64xf32, #tpu.memory_space<vmem>>, vector<1x16xf32>,
      %mul3A_88 = arith.constant 4 : i32
      %mul3A_89 = arith.muli %scan3A_78, %mul3A_88 : i32
      %add3A_90 = arith.constant 0 : i32
      %add3A_91 = arith.addi %mul3A_89, %add3A_90 : i32
      %swap3A_92 = arith.index_cast %add3A_91 : i32 to index
      %swap3A_93 = arith.constant 16 : index
      %swap3A_94 = tpu.vector_load %arg7[%swap3A_92, %swap3A_93] {strides = array<i32>} : memref<400x64xf32, #tpu.memory_space<vmem>>, vector<1x16xf32>,
      %swap3A_95 = vector.shape_cast %swap3A_94 : vector<1x16xf32> to vector<16xf32>
      %swap3A_96 = vector.shape_cast %broadcast_in_dim3A_1 : vector<16xf32> to vector<1x16xf32>
      tpu.vector_store %arg7[%swap3A_92, %swap3A_93], %swap3A_96 {strides = array<i32>} : memref<400x64xf32, #tpu.memory_space<vmem>>, vector<1x16xf32>,
      %mul3A_97 = arith.constant 4 : i32
      %mul3A_98 = arith.muli %scan3A_78, %mul3A_97 : i32
      %add3A_99 = arith.constant 0 : i32
      %add3A_100 = arith.addi %mul3A_98, %add3A_99 : i32
      %swap3A_101 = arith.index_cast %add3A_100 : i32 to index
      %swap3A_102 = arith.constant 32 : index
      %swap3A_103 = tpu.vector_load %arg7[%swap3A_101, %swap3A_102] {strides = array<i32>} : memref<400x64xf32, #tpu.memory_space<vmem>>, vector<1x16xf32>,
      %swap3A_104 = vector.shape_cast %swap3A_103 : vector<1x16xf32> to vector<16xf32>
      %swap3A_105 = vector.shape_cast %broadcast_in_dim3A_1 : vector<16xf32> to vector<1x16xf32>
      tpu.vector_store %arg7[%swap3A_101, %swap3A_102], %swap3A_105 {strides = array<i32>} : memref<400x64xf32, #tpu.memory_space<vmem>>, vector<1x16xf32>,
      %mul3A_106 = arith.constant 4 : i32
      %mul3A_107 = arith.muli %scan3A_78, %mul3A_106 : i32
      %add3A_108 = arith.constant 0 : i32
      %add3A_109 = arith.addi %mul3A_107, %add3A_108 : i32
      %swap3A_110 = arith.index_cast %add3A_109 : i32 to index
      %swap3A_111 = arith.constant 48 : index
      %swap3A_112 = tpu.vector_load %arg7[%swap3A_110, %swap3A_111] {strides = array<i32>} : memref<400x64xf32, #tpu.memory_space<vmem>>, vector<1x16xf32>,
      %swap3A_113 = vector.shape_cast %swap3A_112 : vector<1x16xf32> to vector<16xf32>
      %swap3A_114 = vector.shape_cast %broadcast_in_dim3A_1 : vector<16xf32> to vector<1x16xf32>
      tpu.vector_store %arg7[%swap3A_110, %swap3A_111], %swap3A_114 {strides = array<i32>} : memref<400x64xf32, #tpu.memory_space<vmem>>, vector<1x16xf32>,
      %mul3A_115 = arith.constant 4 : i32
      %mul3A_116 = arith.muli %scan3A_78, %mul3A_115 : i32
      %add3A_117 = arith.constant 1 : i32
      %add3A_118 = arith.addi %mul3A_116, %add3A_117 : i32
      %swap3A_119 = arith.index_cast %add3A_118 : i32 to index
      %swap3A_120 = arith.constant 0 : index
      %swap3A_121 = tpu.vector_load %arg7[%swap3A_119, %swap3A_120] {strides = array<i32>} : memref<400x64xf32, #tpu.memory_space<vmem>>, vector<1x16xf32>,
      %swap3A_122 = vector.shape_cast %swap3A_121 : vector<1x16xf32> to vector<16xf32>
      %swap3A_123 = vector.shape_cast %broadcast_in_dim3A_1 : vector<16xf32> to vector<1x16xf32>
      tpu.vector_store %arg7[%swap3A_119, %swap3A_120], %swap3A_123 {strides = array<i32>} : memref<400x64xf32, #tpu.memory_space<vmem>>, vector<1x16xf32>,
      %mul3A_124 = arith.constant 4 : i32
      %mul3A_125 = arith.muli %scan3A_78, %mul3A_124 : i32
      %add3A_126 = arith.constant 1 : i32
      %add3A_127 = arith.addi %mul3A_125, %add3A_126 : i32
      %swap3A_128 = arith.index_cast %add3A_127 : i32 to index
      %swap3A_129 = arith.constant 16 : index
      %swap3A_130 = tpu.vector_load %arg7[%swap3A_128, %swap3A_129] {strides = array<i32>} : memref<400x64xf32, #tpu.memory_space<vmem>>, vector<1x16xf32>,
      %swap3A_131 = vector.shape_cast %swap3A_130 : vector<1x16xf32> to vector<16xf32>
      %swap3A_132 = vector.shape_cast %broadcast_in_dim3A_1 : vector<16xf32> to vector<1x16xf32>
      tpu.vector_store %arg7[%swap3A_128, %swap3A_129], %swap3A_132 {strides = array<i32>} : memref<400x64xf32, #tpu.memory_space<vmem>>, vector<1x16xf32>,
      %mul3A_133 = arith.constant 4 : i32
      %mul3A_134 = arith.muli %scan3A_78, %mul3A_133 : i32
      %add3A_135 = arith.constant 1 : i32
      %add3A_136 = arith.addi %mul3A_134, %add3A_135 : i32
      %swap3A_137 = arith.index_cast %add3A_136 : i32 to index
      %swap3A_138 = arith.constant 32 : index
      %swap3A_139 = tpu.vector_load %arg7[%swap3A_137, %swap3A_138] {strides = array<i32>} : memref<400x64xf32, #tpu.memory_space<vmem>>, vector<1x16xf32>,
      %swap3A_140 = vector.shape_cast %swap3A_139 : vector<1x16xf32> to vector<16xf32>
      %swap3A_141 = vector.shape_cast %broadcast_in_dim3A_1 : vector<16xf32> to vector<1x16xf32>
      tpu.vector_store %arg7[%swap3A_137, %swap3A_138], %swap3A_141 {strides = array<i32>} : memref<400x64xf32, #tpu.memory_space<vmem>>, vector<1x16xf32>,
      %mul3A_142 = arith.constant 4 : i32
      %mul3A_143 = arith.muli %scan3A_78, %mul3A_142 : i32
      %add3A_144 = arith.constant 1 : i32
      %add3A_145 = arith.addi %mul3A_143, %add3A_144 : i32
      %swap3A_146 = arith.index_cast %add3A_145 : i32 to index
      %swap3A_147 = arith.constant 48 : index
      %swap3A_148 = tpu.vector_load %arg7[%swap3A_146, %swap3A_147] {strides = array<i32>} : memref<400x64xf32, #tpu.memory_space<vmem>>, vector<1x16xf32>,
      %swap3A_149 = vector.shape_cast %swap3A_148 : vector<1x16xf32> to vector<16xf32>
      %swap3A_150 = vector.shape_cast %broadcast_in_dim3A_1 : vector<16xf32> to vector<1x16xf32>
      tpu.vector_store %arg7[%swap3A_146, %swap3A_147], %swap3A_150 {strides = array<i32>} : memref<400x64xf32, #tpu.memory_space<vmem>>, vector<1x16xf32>,
      %mul3A_151 = arith.constant 4 : i32
      %mul3A_152 = arith.muli %scan3A_78, %mul3A_151 : i32
      %add3A_153 = arith.constant 2 : i32
      %add3A_154 = arith.addi %mul3A_152, %add3A_153 : i32
      %swap3A_155 = arith.index_cast %add3A_154 : i32 to index
      %swap3A_156 = arith.constant 0 : index
      %swap3A_157 = tpu.vector_load %arg7[%swap3A_155, %swap3A_156] {strides = array<i32>} : memref<400x64xf32, #tpu.memory_space<vmem>>, vector<1x16xf32>,
      %swap3A_158 = vector.shape_cast %swap3A_157 : vector<1x16xf32> to vector<16xf32>
      %swap3A_159 = vector.shape_cast %broadcast_in_dim3A_1 : vector<16xf32> to vector<1x16xf32>
      tpu.vector_store %arg7[%swap3A_155, %swap3A_156], %swap3A_159 {strides = array<i32>} : memref<400x64xf32, #tpu.memory_space<vmem>>, vector<1x16xf32>,
      %mul3A_160 = arith.constant 4 : i32
      %mul3A_161 = arith.muli %scan3A_78, %mul3A_160 : i32
      %add3A_162 = arith.constant 2 : i32
      %add3A_163 = arith.addi %mul3A_161, %add3A_162 : i32
      %swap3A_164 = arith.index_cast %add3A_163 : i32 to index
      %swap3A_165 = arith.constant 16 : index
      %swap3A_166 = tpu.vector_load %arg7[%swap3A_164, %swap3A_165] {strides = array<i32>} : memref<400x64xf32, #tpu.memory_space<vmem>>, vector<1x16xf32>,
      %swap3A_167 = vector.shape_cast %swap3A_166 : vector<1x16xf32> to vector<16xf32>
      %swap3A_168 = vector.shape_cast %broadcast_in_dim3A_1 : vector<16xf32> to vector<1x16xf32>
      tpu.vector_store %arg7[%swap3A_164, %swap3A_165], %swap3A_168 {strides = array<i32>} : memref<400x64xf32, #tpu.memory_space<vmem>>, vector<1x16xf32>,
      %mul3A_169 = arith.constant 4 : i32
      %mul3A_170 = arith.muli %scan3A_78, %mul3A_169 : i32
      %add3A_171 = arith.constant 2 : i32
      %add3A_172 = arith.addi %mul3A_170, %add3A_171 : i32
      %swap3A_173 = arith.index_cast %add3A_172 : i32 to index
      %swap3A_174 = arith.constant 32 : index
      %swap3A_175 = tpu.vector_load %arg7[%swap3A_173, %swap3A_174] {strides = array<i32>} : memref<400x64xf32, #tpu.memory_space<vmem>>, vector<1x16xf32>,
      %swap3A_176 = vector.shape_cast %swap3A_175 : vector<1x16xf32> to vector<16xf32>
      %swap3A_177 = vector.shape_cast %broadcast_in_dim3A_1 : vector<16xf32> to vector<1x16xf32>
      tpu.vector_store %arg7[%swap3A_173, %swap3A_174], %swap3A_177 {strides = array<i32>} : memref<400x64xf32, #tpu.memory_space<vmem>>, vector<1x16xf32>,
      %mul3A_178 = arith.constant 4 : i32
      %mul3A_179 = arith.muli %scan3A_78, %mul3A_178 : i32
      %add3A_180 = arith.constant 2 : i32
      %add3A_181 = arith.addi %mul3A_179, %add3A_180 : i32
      %swap3A_182 = arith.index_cast %add3A_181 : i32 to index
      %swap3A_183 = arith.constant 48 : index
      %swap3A_184 = tpu.vector_load %arg7[%swap3A_182, %swap3A_183] {strides = array<i32>} : memref<400x64xf32, #tpu.memory_space<vmem>>, vector<1x16xf32>,
      %swap3A_185 = vector.shape_cast %swap3A_184 : vector<1x16xf32> to vector<16xf32>
      %swap3A_186 = vector.shape_cast %broadcast_in_dim3A_1 : vector<16xf32> to vector<1x16xf32>
      tpu.vector_store %arg7[%swap3A_182, %swap3A_183], %swap3A_186 {strides = array<i32>} : memref<400x64xf32, #tpu.memory_space<vmem>>, vector<1x16xf32>,
      %mul3A_187 = arith.constant 4 : i32
      %mul3A_188 = arith.muli %scan3A_78, %mul3A_187 : i32
      %add3A_189 = arith.constant 3 : i32
      %add3A_190 = arith.addi %mul3A_188, %add3A_189 : i32
      %swap3A_191 = arith.index_cast %add3A_190 : i32 to index
      %swap3A_192 = arith.constant 0 : index
      %swap3A_193 = tpu.vector_load %arg7[%swap3A_191, %swap3A_192] {strides = array<i32>} : memref<400x64xf32, #tpu.memory_space<vmem>>, vector<1x16xf32>,
      %swap3A_194 = vector.shape_cast %swap3A_193 : vector<1x16xf32> to vector<16xf32>
      %swap3A_195 = vector.shape_cast %broadcast_in_dim3A_1 : vector<16xf32> to vector<1x16xf32>
      tpu.vector_store %arg7[%swap3A_191, %swap3A_192], %swap3A_195 {strides = array<i32>} : memref<400x64xf32, #tpu.memory_space<vmem>>, vector<1x16xf32>,
      %mul3A_196 = arith.constant 4 : i32
      %mul3A_197 = arith.muli %scan3A_78, %mul3A_196 : i32
      %add3A_198 = arith.constant 3 : i32
      %add3A_199 = arith.addi %mul3A_197, %add3A_198 : i32
      %swap3A_200 = arith.index_cast %add3A_199 : i32 to index
      %swap3A_201 = arith.constant 16 : index
      %swap3A_202 = tpu.vector_load %arg7[%swap3A_200, %swap3A_201] {strides = array<i32>} : memref<400x64xf32, #tpu.memory_space<vmem>>, vector<1x16xf32>,
      %swap3A_203 = vector.shape_cast %swap3A_202 : vector<1x16xf32> to vector<16xf32>
      %swap3A_204 = vector.shape_cast %broadcast_in_dim3A_1 : vector<16xf32> to vector<1x16xf32>
      tpu.vector_store %arg7[%swap3A_200, %swap3A_201], %swap3A_204 {strides = array<i32>} : memref<400x64xf32, #tpu.memory_space<vmem>>, vector<1x16xf32>,
      %mul3A_205 = arith.constant 4 : i32
      %mul3A_206 = arith.muli %scan3A_78, %mul3A_205 : i32
      %add3A_207 = arith.constant 3 : i32
      %add3A_208 = arith.addi %mul3A_206, %add3A_207 : i32
      %swap3A_209 = arith.index_cast %add3A_208 : i32 to index
      %swap3A_210 = arith.constant 32 : index
      %swap3A_211 = tpu.vector_load %arg7[%swap3A_209, %swap3A_210] {strides = array<i32>} : memref<400x64xf32, #tpu.memory_space<vmem>>, vector<1x16xf32>,
      %swap3A_212 = vector.shape_cast %swap3A_211 : vector<1x16xf32> to vector<16xf32>
      %swap3A_213 = vector.shape_cast %broadcast_in_dim3A_1 : vector<16xf32> to vector<1x16xf32>
      tpu.vector_store %arg7[%swap3A_209, %swap3A_210], %swap3A_213 {strides = array<i32>} : memref<400x64xf32, #tpu.memory_space<vmem>>, vector<1x16xf32>,
      %mul3A_214 = arith.constant 4 : i32
      %mul3A_215 = arith.muli %scan3A_78, %mul3A_214 : i32
      %add3A_216 = arith.constant 3 : i32
      %add3A_217 = arith.addi %mul3A_215, %add3A_216 : i32
      %swap3A_218 = arith.index_cast %add3A_217 : i32 to index
      %swap3A_219 = arith.constant 48 : index
      %swap3A_220 = tpu.vector_load %arg7[%swap3A_218, %swap3A_219] {strides = array<i32>} : memref<400x64xf32, #tpu.memory_space<vmem>>, vector<1x16xf32>,
      %swap3A_221 = vector.shape_cast %swap3A_220 : vector<1x16xf32> to vector<16xf32>
      %swap3A_222 = vector.shape_cast %broadcast_in_dim3A_1 : vector<16xf32> to vector<1x16xf32>
      tpu.vector_store %arg7[%swap3A_218, %swap3A_219], %swap3A_222 {strides = array<i32>} : memref<400x64xf32, #tpu.memory_space<vmem>>, vector<1x16xf32>,
      %scan3A_223 = arith.constant 0 : i32
      scf.yield %scan3A_223 : i32
    }
    %scan3A_14 = arith.constant 60 : i32
    %mul3A_15 = arith.constant 640 : i32
    %mul3A_16 = arith.muli %arg1, %mul3A_15 : i32
    "tpu.region"() ({
      %run_scoped3A_78 = tpu.sem_alloc : memref<!tpu.dma_semaphore, #tpu.memory_space<semaphore_mem>>
      %dma_start3A_79 = arith.constant 0 : i32
      %dma_start3A_80 = tpu.memref_slice %arg9[%mul3A_16, %dma_start3A_79] : memref<10240x64xf32, #tpu.memory_space<vmem_shared>> -> memref<400x64xf32, #tpu.memory_space<vmem_shared>>
      %dma_start3A_81 = arith.constant 0 : i32
      %dma_start3A_82 = tpu.memref_slice %arg9[%mul3A_16, %dma_start3A_81] : memref<10240x64xf32, #tpu.memory_space<vmem_shared>> -> memref<400x64xf32, #tpu.memory_space<vmem_shared>>
      tpu.enqueue_dma source(%arg6 : memref<400x64xf32, #tpu.memory_space<vmem>>) target(%dma_start3A_82 : memref<400x64xf32, #tpu.memory_space<vmem_shared>>) target_semaphore(%run_scoped3A_78 : memref<!tpu.dma_semaphore, #tpu.memory_space<semaphore_mem>>)
      %dma_wait3A_83 = arith.constant 0 : i32
      %dma_wait3A_84 = tpu.memref_slice %arg9[%mul3A_16, %dma_wait3A_83] : memref<10240x64xf32, #tpu.memory_space<vmem_shared>> -> memref<400x64xf32, #tpu.memory_space<vmem_shared>>
      %dma_wait3A_85 = arith.constant 0 : i32
      %dma_wait3A_86 = tpu.memref_slice %arg9[%mul3A_16, %dma_wait3A_85] : memref<10240x64xf32, #tpu.memory_space<vmem_shared>> -> memref<400x64xf32, #tpu.memory_space<vmem_shared>>
      tpu.wait_dma2 semaphore(%run_scoped3A_78 : memref<!tpu.dma_semaphore, #tpu.memory_space<semaphore_mem>>) src(%arg6 : memref<400x64xf32, #tpu.memory_space<vmem>>) dst(%dma_wait3A_86 : memref<400x64xf32, #tpu.memory_space<vmem_shared>>)
      tpu.yield
    }) : () -> ()
    %mul3A_17 = arith.constant 640 : i32
    %mul3A_18 = arith.muli %arg1, %mul3A_17 : i32
    %add3A_19 = arith.constant 400 : i32
    %add3A_20 = arith.addi %mul3A_18, %add3A_19 : i32
    "tpu.region"() ({
      %run_scoped3A_78 = tpu.sem_alloc : memref<!tpu.dma_semaphore, #tpu.memory_space<semaphore_mem>>
      %dma_start3A_79 = arith.constant 0 : i32
      %dma_start3A_80 = arith.constant 0 : i32
      %dma_start3A_81 = tpu.memref_slice %arg7[%dma_start3A_79, %dma_start3A_80] : memref<400x64xf32, #tpu.memory_space<vmem>> -> memref<240x64xf32, #tpu.memory_space<vmem>>
      %dma_start3A_82 = arith.constant 0 : i32
      %dma_start3A_83 = tpu.memref_slice %arg9[%add3A_20, %dma_start3A_82] : memref<10240x64xf32, #tpu.memory_space<vmem_shared>> -> memref<240x64xf32, #tpu.memory_space<vmem_shared>>
      %dma_start3A_84 = arith.constant 0 : i32
      %dma_start3A_85 = tpu.memref_slice %arg9[%add3A_20, %dma_start3A_84] : memref<10240x64xf32, #tpu.memory_space<vmem_shared>> -> memref<240x64xf32, #tpu.memory_space<vmem_shared>>
      %dma_start3A_86 = arith.constant 0 : i32
      %dma_start3A_87 = arith.constant 0 : i32
      %dma_start3A_88 = tpu.memref_slice %arg7[%dma_start3A_86, %dma_start3A_87] : memref<400x64xf32, #tpu.memory_space<vmem>> -> memref<240x64xf32, #tpu.memory_space<vmem>>
      tpu.enqueue_dma source(%dma_start3A_88 : memref<240x64xf32, #tpu.memory_space<vmem>>) target(%dma_start3A_85 : memref<240x64xf32, #tpu.memory_space<vmem_shared>>) target_semaphore(%run_scoped3A_78 : memref<!tpu.dma_semaphore, #tpu.memory_space<semaphore_mem>>)
      %dma_wait3A_89 = arith.constant 0 : i32
      %dma_wait3A_90 = arith.constant 0 : i32
      %dma_wait3A_91 = tpu.memref_slice %arg7[%dma_wait3A_89, %dma_wait3A_90] : memref<400x64xf32, #tpu.memory_space<vmem>> -> memref<240x64xf32, #tpu.memory_space<vmem>>
      %dma_wait3A_92 = arith.constant 0 : i32
      %dma_wait3A_93 = tpu.memref_slice %arg9[%add3A_20, %dma_wait3A_92] : memref<10240x64xf32, #tpu.memory_space<vmem_shared>> -> memref<240x64xf32, #tpu.memory_space<vmem_shared>>
      %dma_wait3A_94 = arith.constant 0 : i32
      %dma_wait3A_95 = tpu.memref_slice %arg9[%add3A_20, %dma_wait3A_94] : memref<10240x64xf32, #tpu.memory_space<vmem_shared>> -> memref<240x64xf32, #tpu.memory_space<vmem_shared>>
      %dma_wait3A_96 = arith.constant 0 : i32
      %dma_wait3A_97 = arith.constant 0 : i32
      %dma_wait3A_98 = tpu.memref_slice %arg7[%dma_wait3A_96, %dma_wait3A_97] : memref<400x64xf32, #tpu.memory_space<vmem>> -> memref<240x64xf32, #tpu.memory_space<vmem>>
      tpu.wait_dma2 semaphore(%run_scoped3A_78 : memref<!tpu.dma_semaphore, #tpu.memory_space<semaphore_mem>>) src(%dma_wait3A_98 : memref<240x64xf32, #tpu.memory_space<vmem>>) dst(%dma_wait3A_95 : memref<240x64xf32, #tpu.memory_space<vmem_shared>>)
      tpu.yield
    }) : () -> ()
    %barrier3A = arith.constant 0 : index
    tpu.barrier barrier_id(%barrier3A)
    %mul3A_21 = arith.constant 10000 : i32
    %mul3A_22 = arith.muli %add3A, %mul3A_21 : i32
    %add3A_23 = arith.constant 0 : i32
    %add3A_24 = arith.addi %mul3A_22, %add3A_23 : i32
    %run_scoped3A = arith.constant 0 : i32
    "tpu.region"() ({
      %run_scoped3A_78 = tpu.sem_alloc : memref<!tpu.dma_semaphore, #tpu.memory_space<semaphore_mem>>
      %dma_start3A_79 = arith.constant 0 : i32
      %dma_start3A_80 = arith.constant 0 : i32
      %dma_start3A_81 = tpu.memref_slice %arg5[%run_scoped3A, %dma_start3A_79, %dma_start3A_80] : memref<3x2x400xi32, #tpu.memory_space<vmem>> -> memref<1x2x400xi32, #tpu.memory_space<vmem>>
      %dma_start3A_82 = tpu.memref_squeeze %dma_start3A_81 : memref<1x2x400xi32, #tpu.memory_space<vmem>> -> memref<2x400xi32, #tpu.memory_space<vmem>>
      %dma_start3A_83 = arith.constant 0 : i32
      %dma_start3A_84 = tpu.memref_slice %arg2[%dma_start3A_83, %add3A_24] : memref<2x320000xi32, #tpu.memory_space<hbm>> -> memref<2x400xi32, #tpu.memory_space<hbm>>
      %dma_start3A_85 = arith.constant 0 : i32
      %dma_start3A_86 = arith.constant 0 : i32
      %dma_start3A_87 = tpu.memref_slice %arg5[%run_scoped3A, %dma_start3A_85, %dma_start3A_86] : memref<3x2x400xi32, #tpu.memory_space<vmem>> -> memref<1x2x400xi32, #tpu.memory_space<vmem>>
      %dma_start3A_88 = tpu.memref_squeeze %dma_start3A_87 : memref<1x2x400xi32, #tpu.memory_space<vmem>> -> memref<2x400xi32, #tpu.memory_space<vmem>>
      %dma_start3A_89 = arith.constant 0 : i32
      %dma_start3A_90 = tpu.memref_slice %arg2[%dma_start3A_89, %add3A_24] : memref<2x320000xi32, #tpu.memory_space<hbm>> -> memref<2x400xi32, #tpu.memory_space<hbm>>
      tpu.enqueue_dma source(%dma_start3A_90 : memref<2x400xi32, #tpu.memory_space<hbm>>) target(%dma_start3A_88 : memref<2x400xi32, #tpu.memory_space<vmem>>) target_semaphore(%run_scoped3A_78 : memref<!tpu.dma_semaphore, #tpu.memory_space<semaphore_mem>>)
      %dma_wait3A_91 = arith.constant 0 : i32
      %dma_wait3A_92 = arith.constant 0 : i32
      %dma_wait3A_93 = tpu.memref_slice %arg5[%run_scoped3A, %dma_wait3A_91, %dma_wait3A_92] : memref<3x2x400xi32, #tpu.memory_space<vmem>> -> memref<1x2x400xi32, #tpu.memory_space<vmem>>
      %dma_wait3A_94 = tpu.memref_squeeze %dma_wait3A_93 : memref<1x2x400xi32, #tpu.memory_space<vmem>> -> memref<2x400xi32, #tpu.memory_space<vmem>>
      %dma_wait3A_95 = arith.constant 0 : i32
      %dma_wait3A_96 = tpu.memref_slice %arg2[%dma_wait3A_95, %add3A_24] : memref<2x320000xi32, #tpu.memory_space<hbm>> -> memref<2x400xi32, #tpu.memory_space<hbm>>
      %dma_wait3A_97 = arith.constant 0 : i32
      %dma_wait3A_98 = arith.constant 0 : i32
      %dma_wait3A_99 = tpu.memref_slice %arg5[%run_scoped3A, %dma_wait3A_97, %dma_wait3A_98] : memref<3x2x400xi32, #tpu.memory_space<vmem>> -> memref<1x2x400xi32, #tpu.memory_space<vmem>>
      %dma_wait3A_100 = tpu.memref_squeeze %dma_wait3A_99 : memref<1x2x400xi32, #tpu.memory_space<vmem>> -> memref<2x400xi32, #tpu.memory_space<vmem>>
      %dma_wait3A_101 = arith.constant 0 : i32
      %dma_wait3A_102 = tpu.memref_slice %arg2[%dma_wait3A_101, %add3A_24] : memref<2x320000xi32, #tpu.memory_space<hbm>> -> memref<2x400xi32, #tpu.memory_space<hbm>>
      tpu.wait_dma2 semaphore(%run_scoped3A_78 : memref<!tpu.dma_semaphore, #tpu.memory_space<semaphore_mem>>) src(%dma_wait3A_102 : memref<2x400xi32, #tpu.memory_space<hbm>>) dst(%dma_wait3A_100 : memref<2x400xi32, #tpu.memory_space<vmem>>)
      tpu.yield
    }) : () -> ()
    %dma_start3A = arith.constant 0 : i32
    %dma_start3A_25 = arith.constant 0 : i32
    %dma_start3A_26 = arith.constant 0 : i32
    %dma_start3A_27 = tpu.memref_slice %arg5[%dma_start3A, %dma_start3A_25, %dma_start3A_26] : memref<3x2x400xi32, #tpu.memory_space<vmem>> -> memref<1x1x400xi32, #tpu.memory_space<vmem>>
    %dma_start3A_28 = tpu.memref_squeeze %dma_start3A_27 : memref<1x1x400xi32, #tpu.memory_space<vmem>> -> memref<400xi32, #tpu.memory_space<vmem>>
    %dma_start3A_29 = arith.constant 0 : i32
    %dma_start3A_30 = arith.constant 0 : i32
    %dma_start3A_31 = tpu.memref_slice %arg3[%dma_start3A_29, %dma_start3A_30] : memref<10000x64xf32, #tpu.memory_space<hbm>> -> memref<10000x64xf32, #tpu.memory_space<hbm>>
    tpu.enqueue_indirect_dma source(%dma_start3A_31 : memref<10000x64xf32, #tpu.memory_space<hbm>>) target(%arg6 : memref<400x64xf32, #tpu.memory_space<vmem>>) offsets(%dma_start3A_28 : memref<400xi32, #tpu.memory_space<vmem>>) semaphore(%arg10 : memref<!tpu.dma_semaphore, #tpu.memory_space<semaphore_mem>>)
    %add3A_32 = arith.constant 400 : i32
    %add3A_33 = arith.addi %mul3A_22, %add3A_32 : i32
    %run_scoped3A_34 = arith.constant 1 : i32
    "tpu.region"() ({
      %run_scoped3A_78 = tpu.sem_alloc : memref<!tpu.dma_semaphore, #tpu.memory_space<semaphore_mem>>
      %dma_start3A_79 = arith.constant 0 : i32
      %dma_start3A_80 = arith.constant 0 : i32
      %dma_start3A_81 = tpu.memref_slice %arg5[%run_scoped3A_34, %dma_start3A_79, %dma_start3A_80] : memref<3x2x400xi32, #tpu.memory_space<vmem>> -> memref<1x2x400xi32, #tpu.memory_space<vmem>>
      %dma_start3A_82 = tpu.memref_squeeze %dma_start3A_81 : memref<1x2x400xi32, #tpu.memory_space<vmem>> -> memref<2x400xi32, #tpu.memory_space<vmem>>
      %dma_start3A_83 = arith.constant 0 : i32
      %dma_start3A_84 = tpu.memref_slice %arg2[%dma_start3A_83, %add3A_33] : memref<2x320000xi32, #tpu.memory_space<hbm>> -> memref<2x400xi32, #tpu.memory_space<hbm>>
      %dma_start3A_85 = arith.constant 0 : i32
      %dma_start3A_86 = arith.constant 0 : i32
      %dma_start3A_87 = tpu.memref_slice %arg5[%run_scoped3A_34, %dma_start3A_85, %dma_start3A_86] : memref<3x2x400xi32, #tpu.memory_space<vmem>> -> memref<1x2x400xi32, #tpu.memory_space<vmem>>
      %dma_start3A_88 = tpu.memref_squeeze %dma_start3A_87 : memref<1x2x400xi32, #tpu.memory_space<vmem>> -> memref<2x400xi32, #tpu.memory_space<vmem>>
      %dma_start3A_89 = arith.constant 0 : i32
      %dma_start3A_90 = tpu.memref_slice %arg2[%dma_start3A_89, %add3A_33] : memref<2x320000xi32, #tpu.memory_space<hbm>> -> memref<2x400xi32, #tpu.memory_space<hbm>>
      tpu.enqueue_dma source(%dma_start3A_90 : memref<2x400xi32, #tpu.memory_space<hbm>>) target(%dma_start3A_88 : memref<2x400xi32, #tpu.memory_space<vmem>>) target_semaphore(%run_scoped3A_78 : memref<!tpu.dma_semaphore, #tpu.memory_space<semaphore_mem>>)
      %dma_wait3A_91 = arith.constant 0 : i32
      %dma_wait3A_92 = arith.constant 0 : i32
      %dma_wait3A_93 = tpu.memref_slice %arg5[%run_scoped3A_34, %dma_wait3A_91, %dma_wait3A_92] : memref<3x2x400xi32, #tpu.memory_space<vmem>> -> memref<1x2x400xi32, #tpu.memory_space<vmem>>
      %dma_wait3A_94 = tpu.memref_squeeze %dma_wait3A_93 : memref<1x2x400xi32, #tpu.memory_space<vmem>> -> memref<2x400xi32, #tpu.memory_space<vmem>>
      %dma_wait3A_95 = arith.constant 0 : i32
      %dma_wait3A_96 = tpu.memref_slice %arg2[%dma_wait3A_95, %add3A_33] : memref<2x320000xi32, #tpu.memory_space<hbm>> -> memref<2x400xi32, #tpu.memory_space<hbm>>
      %dma_wait3A_97 = arith.constant 0 : i32
      %dma_wait3A_98 = arith.constant 0 : i32
      %dma_wait3A_99 = tpu.memref_slice %arg5[%run_scoped3A_34, %dma_wait3A_97, %dma_wait3A_98] : memref<3x2x400xi32, #tpu.memory_space<vmem>> -> memref<1x2x400xi32, #tpu.memory_space<vmem>>
      %dma_wait3A_100 = tpu.memref_squeeze %dma_wait3A_99 : memref<1x2x400xi32, #tpu.memory_space<vmem>> -> memref<2x400xi32, #tpu.memory_space<vmem>>
      %dma_wait3A_101 = arith.constant 0 : i32
      %dma_wait3A_102 = tpu.memref_slice %arg2[%dma_wait3A_101, %add3A_33] : memref<2x320000xi32, #tpu.memory_space<hbm>> -> memref<2x400xi32, #tpu.memory_space<hbm>>
      tpu.wait_dma2 semaphore(%run_scoped3A_78 : memref<!tpu.dma_semaphore, #tpu.memory_space<semaphore_mem>>) src(%dma_wait3A_102 : memref<2x400xi32, #tpu.memory_space<hbm>>) dst(%dma_wait3A_100 : memref<2x400xi32, #tpu.memory_space<vmem>>)
      tpu.yield
    }) : () -> ()
    %dma_start3A_35 = arith.constant 1 : i32
    %dma_start3A_36 = arith.constant 0 : i32
    %dma_start3A_37 = arith.constant 0 : i32
    %dma_start3A_38 = tpu.memref_slice %arg5[%dma_start3A_35, %dma_start3A_36, %dma_start3A_37] : memref<3x2x400xi32, #tpu.memory_space<vmem>> -> memref<1x1x400xi32, #tpu.memory_space<vmem>>
    %dma_start3A_39 = tpu.memref_squeeze %dma_start3A_38 : memref<1x1x400xi32, #tpu.memory_space<vmem>> -> memref<400xi32, #tpu.memory_space<vmem>>
    %dma_start3A_40 = arith.constant 0 : i32
    %dma_start3A_41 = arith.constant 0 : i32
    %dma_start3A_42 = tpu.memref_slice %arg3[%dma_start3A_40, %dma_start3A_41] : memref<10000x64xf32, #tpu.memory_space<hbm>> -> memref<10000x64xf32, #tpu.memory_space<hbm>>
    tpu.enqueue_indirect_dma source(%dma_start3A_42 : memref<10000x64xf32, #tpu.memory_space<hbm>>) target(%arg7 : memref<400x64xf32, #tpu.memory_space<vmem>>) offsets(%dma_start3A_39 : memref<400xi32, #tpu.memory_space<vmem>>) semaphore(%arg11 : memref<!tpu.dma_semaphore, #tpu.memory_space<semaphore_mem>>)
    %scan3A_43 = arith.constant 0 : i32
    %scan3A_44 = arith.constant 0 : i32
    %scan3A_45 = arith.constant 9 : i32
    %scan3A_46 = arith.addi %scan3A_44, %scan3A_45 : i32
    %scan3A_47 = arith.constant 1 : i32
    %scan3A_48 = scf.for %scan3A_78 = %scan3A_44 to %scan3A_46 step %scan3A_47 iter_args(%scan3A_79 = %scan3A_43) -> (i32)  : i32 {
      %mul3A_80 = arith.constant 3 : i32
      %mul3A_81 = arith.muli %mul3A_80, %scan3A_78 : i32
      %add3A_82 = arith.constant 0 : i32
      %add3A_83 = arith.addi %mul3A_81, %add3A_82 : i32
      %lt3A = arith.constant 25 : i32
      %lt3A_84 = arith.cmpi slt, %add3A_83, %lt3A : i32
      %convert_element_type3A = arith.extui %lt3A_84 : i1 to i32
      %cond3A = arith.constant 0 : i32
      %cond3A_85 = arith.cmpi ne, %convert_element_type3A, %cond3A : i32
      scf.if %cond3A_85 {
        %dma_wait3A_105 = arith.constant 0 : i32
        %dma_wait3A_106 = arith.constant 0 : i32
        %dma_wait3A_107 = arith.constant 0 : i32
        %dma_wait3A_108 = tpu.memref_slice %arg5[%dma_wait3A_105, %dma_wait3A_106, %dma_wait3A_107] : memref<3x2x400xi32, #tpu.memory_space<vmem>> -> memref<1x1x400xi32, #tpu.memory_space<vmem>>
        %dma_wait3A_109 = tpu.memref_squeeze %dma_wait3A_108 : memref<1x1x400xi32, #tpu.memory_space<vmem>> -> memref<400xi32, #tpu.memory_space<vmem>>
        %dma_wait3A_110 = arith.constant 0 : i32
        %dma_wait3A_111 = arith.constant 0 : i32
        %dma_wait3A_112 = tpu.memref_slice %arg3[%dma_wait3A_110, %dma_wait3A_111] : memref<10000x64xf32, #tpu.memory_space<hbm>> -> memref<10000x64xf32, #tpu.memory_space<hbm>>
        tpu.wait_indirect_dma semaphore(%arg10 : memref<!tpu.dma_semaphore, #tpu.memory_space<semaphore_mem>>) src(%dma_wait3A_112 : memref<10000x64xf32, #tpu.memory_space<hbm>>) dst(%arg6 : memref<400x64xf32, #tpu.memory_space<vmem>>)
        %dma_start3A_113 = arith.constant 0 : i32
        %dma_start3A_114 = arith.constant 1 : i32
        %dma_start3A_115 = arith.constant 0 : i32
        %dma_start3A_116 = tpu.memref_slice %arg5[%dma_start3A_113, %dma_start3A_114, %dma_start3A_115] : memref<3x2x400xi32, #tpu.memory_space<vmem>> -> memref<1x1x400xi32, #tpu.memory_space<vmem>>
        %dma_start3A_117 = tpu.memref_squeeze %dma_start3A_116 : memref<1x1x400xi32, #tpu.memory_space<vmem>> -> memref<400xi32, #tpu.memory_space<vmem>>
        %dma_start3A_118 = arith.constant 0 : i32
        %dma_start3A_119 = arith.constant 0 : i32
        %dma_start3A_120 = tpu.memref_slice %arg9[%dma_start3A_118, %dma_start3A_119] : memref<10240x64xf32, #tpu.memory_space<vmem_shared>> -> memref<10240x64xf32, #tpu.memory_space<vmem_shared>>
        tpu.enqueue_indirect_dma source(%arg6 : memref<400x64xf32, #tpu.memory_space<vmem>>) target(%dma_start3A_120 : memref<10240x64xf32, #tpu.memory_space<vmem_shared>>) offsets(%dma_start3A_117 : memref<400xi32, #tpu.memory_space<vmem>>) semaphore(%arg13 : memref<!tpu.dma_semaphore, #tpu.memory_space<semaphore_mem>>) {add = true}
        %add3A_121 = arith.constant 3 : i32
        %add3A_122 = arith.addi %add3A_83, %add3A_121 : i32
        %sub3A = arith.constant 1 : i32
        %sub3A_123 = arith.subi %add3A_122, %sub3A : i32
        %lt3A_124 = arith.constant 25 : i32
        %lt3A_125 = arith.cmpi slt, %sub3A_123, %lt3A_124 : i32
        %convert_element_type3A_126 = arith.extui %lt3A_125 : i1 to i32
        %cond3A_127 = arith.constant 0 : i32
        %cond3A_128 = arith.cmpi ne, %convert_element_type3A_126, %cond3A_127 : i32
        scf.if %cond3A_128 {
          %ge3A = arith.constant 1 : i32
          %ge3A_129 = arith.cmpi sge, %add3A_83, %ge3A : i32
          %convert_element_type3A_130 = arith.extui %ge3A_129 : i1 to i32
          %cond3A_131 = arith.constant 0 : i32
          %cond3A_132 = arith.cmpi ne, %convert_element_type3A_130, %cond3A_131 : i32
          scf.if %cond3A_132 {
            %dma_wait3A_145 = arith.constant 2 : i32
            %dma_wait3A_146 = arith.constant 1 : i32
            %dma_wait3A_147 = arith.constant 0 : i32
            %dma_wait3A_148 = tpu.memref_slice %arg5[%dma_wait3A_145, %dma_wait3A_146, %dma_wait3A_147] : memref<3x2x400xi32, #tpu.memory_space<vmem>> -> memref<1x1x400xi32, #tpu.memory_space<vmem>>
            %dma_wait3A_149 = tpu.memref_squeeze %dma_wait3A_148 : memref<1x1x400xi32, #tpu.memory_space<vmem>> -> memref<400xi32, #tpu.memory_space<vmem>>
            %dma_wait3A_150 = arith.constant 0 : i32
            %dma_wait3A_151 = arith.constant 0 : i32
            %dma_wait3A_152 = tpu.memref_slice %arg9[%dma_wait3A_150, %dma_wait3A_151] : memref<10240x64xf32, #tpu.memory_space<vmem_shared>> -> memref<10240x64xf32, #tpu.memory_space<vmem_shared>>
            tpu.wait_indirect_dma semaphore(%arg15 : memref<!tpu.dma_semaphore, #tpu.memory_space<semaphore_mem>>) src(%arg8 : memref<400x64xf32, #tpu.memory_space<vmem>>) dst(%dma_wait3A_152 : memref<10240x64xf32, #tpu.memory_space<vmem_shared>>)
          } else {
          }
          %mul3A_133 = arith.constant 400 : i32
          %mul3A_134 = arith.muli %sub3A_123, %mul3A_133 : i32
          %add3A_135 = arith.addi %mul3A_22, %mul3A_134 : i32
          %run_scoped3A_136 = arith.constant 2 : i32
          "tpu.region"() ({
            %run_scoped3A_145 = tpu.sem_alloc : memref<!tpu.dma_semaphore, #tpu.memory_space<semaphore_mem>>
            %dma_start3A_146 = arith.constant 0 : i32
            %dma_start3A_147 = arith.constant 0 : i32
            %dma_start3A_148 = tpu.memref_slice %arg5[%run_scoped3A_136, %dma_start3A_146, %dma_start3A_147] : memref<3x2x400xi32, #tpu.memory_space<vmem>> -> memref<1x2x400xi32, #tpu.memory_space<vmem>>
            %dma_start3A_149 = tpu.memref_squeeze %dma_start3A_148 : memref<1x2x400xi32, #tpu.memory_space<vmem>> -> memref<2x400xi32, #tpu.memory_space<vmem>>
            %dma_start3A_150 = arith.constant 0 : i32
            %dma_start3A_151 = tpu.memref_slice %arg2[%dma_start3A_150, %add3A_135] : memref<2x320000xi32, #tpu.memory_space<hbm>> -> memref<2x400xi32, #tpu.memory_space<hbm>>
            %dma_start3A_152 = arith.constant 0 : i32
            %dma_start3A_153 = arith.constant 0 : i32
            %dma_start3A_154 = tpu.memref_slice %arg5[%run_scoped3A_136, %dma_start3A_152, %dma_start3A_153] : memref<3x2x400xi32, #tpu.memory_space<vmem>> -> memref<1x2x400xi32, #tpu.memory_space<vmem>>
            %dma_start3A_155 = tpu.memref_squeeze %dma_start3A_154 : memref<1x2x400xi32, #tpu.memory_space<vmem>> -> memref<2x400xi32, #tpu.memory_space<vmem>>
            %dma_start3A_156 = arith.constant 0 : i32
            %dma_start3A_157 = tpu.memref_slice %arg2[%dma_start3A_156, %add3A_135] : memref<2x320000xi32, #tpu.memory_space<hbm>> -> memref<2x400xi32, #tpu.memory_space<hbm>>
            tpu.enqueue_dma source(%dma_start3A_157 : memref<2x400xi32, #tpu.memory_space<hbm>>) target(%dma_start3A_155 : memref<2x400xi32, #tpu.memory_space<vmem>>) target_semaphore(%run_scoped3A_145 : memref<!tpu.dma_semaphore, #tpu.memory_space<semaphore_mem>>)
            %dma_wait3A_158 = arith.constant 0 : i32
            %dma_wait3A_159 = arith.constant 0 : i32
            %dma_wait3A_160 = tpu.memref_slice %arg5[%run_scoped3A_136, %dma_wait3A_158, %dma_wait3A_159] : memref<3x2x400xi32, #tpu.memory_space<vmem>> -> memref<1x2x400xi32, #tpu.memory_space<vmem>>
            %dma_wait3A_161 = tpu.memref_squeeze %dma_wait3A_160 : memref<1x2x400xi32, #tpu.memory_space<vmem>> -> memref<2x400xi32, #tpu.memory_space<vmem>>
            %dma_wait3A_162 = arith.constant 0 : i32
            %dma_wait3A_163 = tpu.memref_slice %arg2[%dma_wait3A_162, %add3A_135] : memref<2x320000xi32, #tpu.memory_space<hbm>> -> memref<2x400xi32, #tpu.memory_space<hbm>>
            %dma_wait3A_164 = arith.constant 0 : i32
            %dma_wait3A_165 = arith.constant 0 : i32
            %dma_wait3A_166 = tpu.memref_slice %arg5[%run_scoped3A_136, %dma_wait3A_164, %dma_wait3A_165] : memref<3x2x400xi32, #tpu.memory_space<vmem>> -> memref<1x2x400xi32, #tpu.memory_space<vmem>>
            %dma_wait3A_167 = tpu.memref_squeeze %dma_wait3A_166 : memref<1x2x400xi32, #tpu.memory_space<vmem>> -> memref<2x400xi32, #tpu.memory_space<vmem>>
            %dma_wait3A_168 = arith.constant 0 : i32
            %dma_wait3A_169 = tpu.memref_slice %arg2[%dma_wait3A_168, %add3A_135] : memref<2x320000xi32, #tpu.memory_space<hbm>> -> memref<2x400xi32, #tpu.memory_space<hbm>>
            tpu.wait_dma2 semaphore(%run_scoped3A_145 : memref<!tpu.dma_semaphore, #tpu.memory_space<semaphore_mem>>) src(%dma_wait3A_169 : memref<2x400xi32, #tpu.memory_space<hbm>>) dst(%dma_wait3A_167 : memref<2x400xi32, #tpu.memory_space<vmem>>)
            tpu.yield
          }) : () -> ()
          %dma_start3A_137 = arith.constant 2 : i32
          %dma_start3A_138 = arith.constant 0 : i32
          %dma_start3A_139 = arith.constant 0 : i32
          %dma_start3A_140 = tpu.memref_slice %arg5[%dma_start3A_137, %dma_start3A_138, %dma_start3A_139] : memref<3x2x400xi32, #tpu.memory_space<vmem>> -> memref<1x1x400xi32, #tpu.memory_space<vmem>>
          %dma_start3A_141 = tpu.memref_squeeze %dma_start3A_140 : memref<1x1x400xi32, #tpu.memory_space<vmem>> -> memref<400xi32, #tpu.memory_space<vmem>>
          %dma_start3A_142 = arith.constant 0 : i32
          %dma_start3A_143 = arith.constant 0 : i32
          %dma_start3A_144 = tpu.memref_slice %arg3[%dma_start3A_142, %dma_start3A_143] : memref<10000x64xf32, #tpu.memory_space<hbm>> -> memref<10000x64xf32, #tpu.memory_space<hbm>>
          tpu.enqueue_indirect_dma source(%dma_start3A_144 : memref<10000x64xf32, #tpu.memory_space<hbm>>) target(%arg8 : memref<400x64xf32, #tpu.memory_space<vmem>>) offsets(%dma_start3A_141 : memref<400xi32, #tpu.memory_space<vmem>>) semaphore(%arg12 : memref<!tpu.dma_semaphore, #tpu.memory_space<semaphore_mem>>)
        } else {
        }
      } else {
      }
      %mul3A_86 = arith.constant 3 : i32
      %mul3A_87 = arith.muli %mul3A_86, %scan3A_78 : i32
      %add3A_88 = arith.constant 1 : i32
      %add3A_89 = arith.addi %mul3A_87, %add3A_88 : i32
      %lt3A_90 = arith.constant 25 : i32
      %lt3A_91 = arith.cmpi slt, %add3A_89, %lt3A_90 : i32
      %convert_element_type3A_92 = arith.extui %lt3A_91 : i1 to i32
      %cond3A_93 = arith.constant 0 : i32
      %cond3A_94 = arith.cmpi ne, %convert_element_type3A_92, %cond3A_93 : i32
      scf.if %cond3A_94 {
        %dma_wait3A_105 = arith.constant 1 : i32
        %dma_wait3A_106 = arith.constant 0 : i32
        %dma_wait3A_107 = arith.constant 0 : i32
        %dma_wait3A_108 = tpu.memref_slice %arg5[%dma_wait3A_105, %dma_wait3A_106, %dma_wait3A_107] : memref<3x2x400xi32, #tpu.memory_space<vmem>> -> memref<1x1x400xi32, #tpu.memory_space<vmem>>
        %dma_wait3A_109 = tpu.memref_squeeze %dma_wait3A_108 : memref<1x1x400xi32, #tpu.memory_space<vmem>> -> memref<400xi32, #tpu.memory_space<vmem>>
        %dma_wait3A_110 = arith.constant 0 : i32
        %dma_wait3A_111 = arith.constant 0 : i32
        %dma_wait3A_112 = tpu.memref_slice %arg3[%dma_wait3A_110, %dma_wait3A_111] : memref<10000x64xf32, #tpu.memory_space<hbm>> -> memref<10000x64xf32, #tpu.memory_space<hbm>>
        tpu.wait_indirect_dma semaphore(%arg11 : memref<!tpu.dma_semaphore, #tpu.memory_space<semaphore_mem>>) src(%dma_wait3A_112 : memref<10000x64xf32, #tpu.memory_space<hbm>>) dst(%arg7 : memref<400x64xf32, #tpu.memory_space<vmem>>)
        %dma_start3A_113 = arith.constant 1 : i32
        %dma_start3A_114 = arith.constant 1 : i32
        %dma_start3A_115 = arith.constant 0 : i32
        %dma_start3A_116 = tpu.memref_slice %arg5[%dma_start3A_113, %dma_start3A_114, %dma_start3A_115] : memref<3x2x400xi32, #tpu.memory_space<vmem>> -> memref<1x1x400xi32, #tpu.memory_space<vmem>>
        %dma_start3A_117 = tpu.memref_squeeze %dma_start3A_116 : memref<1x1x400xi32, #tpu.memory_space<vmem>> -> memref<400xi32, #tpu.memory_space<vmem>>
        %dma_start3A_118 = arith.constant 0 : i32
        %dma_start3A_119 = arith.constant 0 : i32
        %dma_start3A_120 = tpu.memref_slice %arg9[%dma_start3A_118, %dma_start3A_119] : memref<10240x64xf32, #tpu.memory_space<vmem_shared>> -> memref<10240x64xf32, #tpu.memory_space<vmem_shared>>
        tpu.enqueue_indirect_dma source(%arg7 : memref<400x64xf32, #tpu.memory_space<vmem>>) target(%dma_start3A_120 : memref<10240x64xf32, #tpu.memory_space<vmem_shared>>) offsets(%dma_start3A_117 : memref<400xi32, #tpu.memory_space<vmem>>) semaphore(%arg14 : memref<!tpu.dma_semaphore, #tpu.memory_space<semaphore_mem>>) {add = true}
        %add3A_121 = arith.constant 3 : i32
        %add3A_122 = arith.addi %add3A_89, %add3A_121 : i32
        %sub3A = arith.constant 1 : i32
        %sub3A_123 = arith.subi %add3A_122, %sub3A : i32
        %lt3A_124 = arith.constant 25 : i32
        %lt3A_125 = arith.cmpi slt, %sub3A_123, %lt3A_124 : i32
        %convert_element_type3A_126 = arith.extui %lt3A_125 : i1 to i32
        %cond3A_127 = arith.constant 0 : i32
        %cond3A_128 = arith.cmpi ne, %convert_element_type3A_126, %cond3A_127 : i32
        scf.if %cond3A_128 {
          %ge3A = arith.constant 1 : i32
          %ge3A_129 = arith.cmpi sge, %add3A_89, %ge3A : i32
          %convert_element_type3A_130 = arith.extui %ge3A_129 : i1 to i32
          %cond3A_131 = arith.constant 0 : i32
          %cond3A_132 = arith.cmpi ne, %convert_element_type3A_130, %cond3A_131 : i32
          scf.if %cond3A_132 {
            %dma_wait3A_145 = arith.constant 0 : i32
            %dma_wait3A_146 = arith.constant 1 : i32
            %dma_wait3A_147 = arith.constant 0 : i32
            %dma_wait3A_148 = tpu.memref_slice %arg5[%dma_wait3A_145, %dma_wait3A_146, %dma_wait3A_147] : memref<3x2x400xi32, #tpu.memory_space<vmem>> -> memref<1x1x400xi32, #tpu.memory_space<vmem>>
            %dma_wait3A_149 = tpu.memref_squeeze %dma_wait3A_148 : memref<1x1x400xi32, #tpu.memory_space<vmem>> -> memref<400xi32, #tpu.memory_space<vmem>>
            %dma_wait3A_150 = arith.constant 0 : i32
            %dma_wait3A_151 = arith.constant 0 : i32
            %dma_wait3A_152 = tpu.memref_slice %arg9[%dma_wait3A_150, %dma_wait3A_151] : memref<10240x64xf32, #tpu.memory_space<vmem_shared>> -> memref<10240x64xf32, #tpu.memory_space<vmem_shared>>
            tpu.wait_indirect_dma semaphore(%arg13 : memref<!tpu.dma_semaphore, #tpu.memory_space<semaphore_mem>>) src(%arg6 : memref<400x64xf32, #tpu.memory_space<vmem>>) dst(%dma_wait3A_152 : memref<10240x64xf32, #tpu.memory_space<vmem_shared>>)
          } else {
          }
          %mul3A_133 = arith.constant 400 : i32
          %mul3A_134 = arith.muli %sub3A_123, %mul3A_133 : i32
          %add3A_135 = arith.addi %mul3A_22, %mul3A_134 : i32
          %run_scoped3A_136 = arith.constant 0 : i32
          "tpu.region"() ({
            %run_scoped3A_145 = tpu.sem_alloc : memref<!tpu.dma_semaphore, #tpu.memory_space<semaphore_mem>>
            %dma_start3A_146 = arith.constant 0 : i32
            %dma_start3A_147 = arith.constant 0 : i32
            %dma_start3A_148 = tpu.memref_slice %arg5[%run_scoped3A_136, %dma_start3A_146, %dma_start3A_147] : memref<3x2x400xi32, #tpu.memory_space<vmem>> -> memref<1x2x400xi32, #tpu.memory_space<vmem>>
            %dma_start3A_149 = tpu.memref_squeeze %dma_start3A_148 : memref<1x2x400xi32, #tpu.memory_space<vmem>> -> memref<2x400xi32, #tpu.memory_space<vmem>>
            %dma_start3A_150 = arith.constant 0 : i32
            %dma_start3A_151 = tpu.memref_slice %arg2[%dma_start3A_150, %add3A_135] : memref<2x320000xi32, #tpu.memory_space<hbm>> -> memref<2x400xi32, #tpu.memory_space<hbm>>
            %dma_start3A_152 = arith.constant 0 : i32
            %dma_start3A_153 = arith.constant 0 : i32
            %dma_start3A_154 = tpu.memref_slice %arg5[%run_scoped3A_136, %dma_start3A_152, %dma_start3A_153] : memref<3x2x400xi32, #tpu.memory_space<vmem>> -> memref<1x2x400xi32, #tpu.memory_space<vmem>>
            %dma_start3A_155 = tpu.memref_squeeze %dma_start3A_154 : memref<1x2x400xi32, #tpu.memory_space<vmem>> -> memref<2x400xi32, #tpu.memory_space<vmem>>
            %dma_start3A_156 = arith.constant 0 : i32
            %dma_start3A_157 = tpu.memref_slice %arg2[%dma_start3A_156, %add3A_135] : memref<2x320000xi32, #tpu.memory_space<hbm>> -> memref<2x400xi32, #tpu.memory_space<hbm>>
            tpu.enqueue_dma source(%dma_start3A_157 : memref<2x400xi32, #tpu.memory_space<hbm>>) target(%dma_start3A_155 : memref<2x400xi32, #tpu.memory_space<vmem>>) target_semaphore(%run_scoped3A_145 : memref<!tpu.dma_semaphore, #tpu.memory_space<semaphore_mem>>)
            %dma_wait3A_158 = arith.constant 0 : i32
            %dma_wait3A_159 = arith.constant 0 : i32
            %dma_wait3A_160 = tpu.memref_slice %arg5[%run_scoped3A_136, %dma_wait3A_158, %dma_wait3A_159] : memref<3x2x400xi32, #tpu.memory_space<vmem>> -> memref<1x2x400xi32, #tpu.memory_space<vmem>>
            %dma_wait3A_161 = tpu.memref_squeeze %dma_wait3A_160 : memref<1x2x400xi32, #tpu.memory_space<vmem>> -> memref<2x400xi32, #tpu.memory_space<vmem>>
            %dma_wait3A_162 = arith.constant 0 : i32
            %dma_wait3A_163 = tpu.memref_slice %arg2[%dma_wait3A_162, %add3A_135] : memref<2x320000xi32, #tpu.memory_space<hbm>> -> memref<2x400xi32, #tpu.memory_space<hbm>>
            %dma_wait3A_164 = arith.constant 0 : i32
            %dma_wait3A_165 = arith.constant 0 : i32
            %dma_wait3A_166 = tpu.memref_slice %arg5[%run_scoped3A_136, %dma_wait3A_164, %dma_wait3A_165] : memref<3x2x400xi32, #tpu.memory_space<vmem>> -> memref<1x2x400xi32, #tpu.memory_space<vmem>>
            %dma_wait3A_167 = tpu.memref_squeeze %dma_wait3A_166 : memref<1x2x400xi32, #tpu.memory_space<vmem>> -> memref<2x400xi32, #tpu.memory_space<vmem>>
            %dma_wait3A_168 = arith.constant 0 : i32
            %dma_wait3A_169 = tpu.memref_slice %arg2[%dma_wait3A_168, %add3A_135] : memref<2x320000xi32, #tpu.memory_space<hbm>> -> memref<2x400xi32, #tpu.memory_space<hbm>>
            tpu.wait_dma2 semaphore(%run_scoped3A_145 : memref<!tpu.dma_semaphore, #tpu.memory_space<semaphore_mem>>) src(%dma_wait3A_169 : memref<2x400xi32, #tpu.memory_space<hbm>>) dst(%dma_wait3A_167 : memref<2x400xi32, #tpu.memory_space<vmem>>)
            tpu.yield
          }) : () -> ()
          %dma_start3A_137 = arith.constant 0 : i32
          %dma_start3A_138 = arith.constant 0 : i32
          %dma_start3A_139 = arith.constant 0 : i32
          %dma_start3A_140 = tpu.memref_slice %arg5[%dma_start3A_137, %dma_start3A_138, %dma_start3A_139] : memref<3x2x400xi32, #tpu.memory_space<vmem>> -> memref<1x1x400xi32, #tpu.memory_space<vmem>>
          %dma_start3A_141 = tpu.memref_squeeze %dma_start3A_140 : memref<1x1x400xi32, #tpu.memory_space<vmem>> -> memref<400xi32, #tpu.memory_space<vmem>>
          %dma_start3A_142 = arith.constant 0 : i32
          %dma_start3A_143 = arith.constant 0 : i32
          %dma_start3A_144 = tpu.memref_slice %arg3[%dma_start3A_142, %dma_start3A_143] : memref<10000x64xf32, #tpu.memory_space<hbm>> -> memref<10000x64xf32, #tpu.memory_space<hbm>>
          tpu.enqueue_indirect_dma source(%dma_start3A_144 : memref<10000x64xf32, #tpu.memory_space<hbm>>) target(%arg6 : memref<400x64xf32, #tpu.memory_space<vmem>>) offsets(%dma_start3A_141 : memref<400xi32, #tpu.memory_space<vmem>>) semaphore(%arg10 : memref<!tpu.dma_semaphore, #tpu.memory_space<semaphore_mem>>)
        } else {
        }
      } else {
      }
      %mul3A_95 = arith.constant 3 : i32
      %mul3A_96 = arith.muli %mul3A_95, %scan3A_78 : i32
      %add3A_97 = arith.constant 2 : i32
      %add3A_98 = arith.addi %mul3A_96, %add3A_97 : i32
      %lt3A_99 = arith.constant 25 : i32
      %lt3A_100 = arith.cmpi slt, %add3A_98, %lt3A_99 : i32
      %convert_element_type3A_101 = arith.extui %lt3A_100 : i1 to i32
      %cond3A_102 = arith.constant 0 : i32
      %cond3A_103 = arith.cmpi ne, %convert_element_type3A_101, %cond3A_102 : i32
      scf.if %cond3A_103 {
        %dma_wait3A_105 = arith.constant 2 : i32
        %dma_wait3A_106 = arith.constant 0 : i32
        %dma_wait3A_107 = arith.constant 0 : i32
        %dma_wait3A_108 = tpu.memref_slice %arg5[%dma_wait3A_105, %dma_wait3A_106, %dma_wait3A_107] : memref<3x2x400xi32, #tpu.memory_space<vmem>> -> memref<1x1x400xi32, #tpu.memory_space<vmem>>
        %dma_wait3A_109 = tpu.memref_squeeze %dma_wait3A_108 : memref<1x1x400xi32, #tpu.memory_space<vmem>> -> memref<400xi32, #tpu.memory_space<vmem>>
        %dma_wait3A_110 = arith.constant 0 : i32
        %dma_wait3A_111 = arith.constant 0 : i32
        %dma_wait3A_112 = tpu.memref_slice %arg3[%dma_wait3A_110, %dma_wait3A_111] : memref<10000x64xf32, #tpu.memory_space<hbm>> -> memref<10000x64xf32, #tpu.memory_space<hbm>>
        tpu.wait_indirect_dma semaphore(%arg12 : memref<!tpu.dma_semaphore, #tpu.memory_space<semaphore_mem>>) src(%dma_wait3A_112 : memref<10000x64xf32, #tpu.memory_space<hbm>>) dst(%arg8 : memref<400x64xf32, #tpu.memory_space<vmem>>)
        %dma_start3A_113 = arith.constant 2 : i32
        %dma_start3A_114 = arith.constant 1 : i32
        %dma_start3A_115 = arith.constant 0 : i32
        %dma_start3A_116 = tpu.memref_slice %arg5[%dma_start3A_113, %dma_start3A_114, %dma_start3A_115] : memref<3x2x400xi32, #tpu.memory_space<vmem>> -> memref<1x1x400xi32, #tpu.memory_space<vmem>>
        %dma_start3A_117 = tpu.memref_squeeze %dma_start3A_116 : memref<1x1x400xi32, #tpu.memory_space<vmem>> -> memref<400xi32, #tpu.memory_space<vmem>>
        %dma_start3A_118 = arith.constant 0 : i32
        %dma_start3A_119 = arith.constant 0 : i32
        %dma_start3A_120 = tpu.memref_slice %arg9[%dma_start3A_118, %dma_start3A_119] : memref<10240x64xf32, #tpu.memory_space<vmem_shared>> -> memref<10240x64xf32, #tpu.memory_space<vmem_shared>>
        tpu.enqueue_indirect_dma source(%arg8 : memref<400x64xf32, #tpu.memory_space<vmem>>) target(%dma_start3A_120 : memref<10240x64xf32, #tpu.memory_space<vmem_shared>>) offsets(%dma_start3A_117 : memref<400xi32, #tpu.memory_space<vmem>>) semaphore(%arg15 : memref<!tpu.dma_semaphore, #tpu.memory_space<semaphore_mem>>) {add = true}
        %add3A_121 = arith.constant 3 : i32
        %add3A_122 = arith.addi %add3A_98, %add3A_121 : i32
        %sub3A = arith.constant 1 : i32
        %sub3A_123 = arith.subi %add3A_122, %sub3A : i32
        %lt3A_124 = arith.constant 25 : i32
        %lt3A_125 = arith.cmpi slt, %sub3A_123, %lt3A_124 : i32
        %convert_element_type3A_126 = arith.extui %lt3A_125 : i1 to i32
        %cond3A_127 = arith.constant 0 : i32
        %cond3A_128 = arith.cmpi ne, %convert_element_type3A_126, %cond3A_127 : i32
        scf.if %cond3A_128 {
          %ge3A = arith.constant 1 : i32
          %ge3A_129 = arith.cmpi sge, %add3A_98, %ge3A : i32
          %convert_element_type3A_130 = arith.extui %ge3A_129 : i1 to i32
          %cond3A_131 = arith.constant 0 : i32
          %cond3A_132 = arith.cmpi ne, %convert_element_type3A_130, %cond3A_131 : i32
          scf.if %cond3A_132 {
            %dma_wait3A_145 = arith.constant 1 : i32
            %dma_wait3A_146 = arith.constant 1 : i32
            %dma_wait3A_147 = arith.constant 0 : i32
            %dma_wait3A_148 = tpu.memref_slice %arg5[%dma_wait3A_145, %dma_wait3A_146, %dma_wait3A_147] : memref<3x2x400xi32, #tpu.memory_space<vmem>> -> memref<1x1x400xi32, #tpu.memory_space<vmem>>
            %dma_wait3A_149 = tpu.memref_squeeze %dma_wait3A_148 : memref<1x1x400xi32, #tpu.memory_space<vmem>> -> memref<400xi32, #tpu.memory_space<vmem>>
            %dma_wait3A_150 = arith.constant 0 : i32
            %dma_wait3A_151 = arith.constant 0 : i32
            %dma_wait3A_152 = tpu.memref_slice %arg9[%dma_wait3A_150, %dma_wait3A_151] : memref<10240x64xf32, #tpu.memory_space<vmem_shared>> -> memref<10240x64xf32, #tpu.memory_space<vmem_shared>>
            tpu.wait_indirect_dma semaphore(%arg14 : memref<!tpu.dma_semaphore, #tpu.memory_space<semaphore_mem>>) src(%arg7 : memref<400x64xf32, #tpu.memory_space<vmem>>) dst(%dma_wait3A_152 : memref<10240x64xf32, #tpu.memory_space<vmem_shared>>)
          } else {
          }
          %mul3A_133 = arith.constant 400 : i32
          %mul3A_134 = arith.muli %sub3A_123, %mul3A_133 : i32
          %add3A_135 = arith.addi %mul3A_22, %mul3A_134 : i32
          %run_scoped3A_136 = arith.constant 1 : i32
          "tpu.region"() ({
            %run_scoped3A_145 = tpu.sem_alloc : memref<!tpu.dma_semaphore, #tpu.memory_space<semaphore_mem>>
            %dma_start3A_146 = arith.constant 0 : i32
            %dma_start3A_147 = arith.constant 0 : i32
            %dma_start3A_148 = tpu.memref_slice %arg5[%run_scoped3A_136, %dma_start3A_146, %dma_start3A_147] : memref<3x2x400xi32, #tpu.memory_space<vmem>> -> memref<1x2x400xi32, #tpu.memory_space<vmem>>
            %dma_start3A_149 = tpu.memref_squeeze %dma_start3A_148 : memref<1x2x400xi32, #tpu.memory_space<vmem>> -> memref<2x400xi32, #tpu.memory_space<vmem>>
            %dma_start3A_150 = arith.constant 0 : i32
            %dma_start3A_151 = tpu.memref_slice %arg2[%dma_start3A_150, %add3A_135] : memref<2x320000xi32, #tpu.memory_space<hbm>> -> memref<2x400xi32, #tpu.memory_space<hbm>>
            %dma_start3A_152 = arith.constant 0 : i32
            %dma_start3A_153 = arith.constant 0 : i32
            %dma_start3A_154 = tpu.memref_slice %arg5[%run_scoped3A_136, %dma_start3A_152, %dma_start3A_153] : memref<3x2x400xi32, #tpu.memory_space<vmem>> -> memref<1x2x400xi32, #tpu.memory_space<vmem>>
            %dma_start3A_155 = tpu.memref_squeeze %dma_start3A_154 : memref<1x2x400xi32, #tpu.memory_space<vmem>> -> memref<2x400xi32, #tpu.memory_space<vmem>>
            %dma_start3A_156 = arith.constant 0 : i32
            %dma_start3A_157 = tpu.memref_slice %arg2[%dma_start3A_156, %add3A_135] : memref<2x320000xi32, #tpu.memory_space<hbm>> -> memref<2x400xi32, #tpu.memory_space<hbm>>
            tpu.enqueue_dma source(%dma_start3A_157 : memref<2x400xi32, #tpu.memory_space<hbm>>) target(%dma_start3A_155 : memref<2x400xi32, #tpu.memory_space<vmem>>) target_semaphore(%run_scoped3A_145 : memref<!tpu.dma_semaphore, #tpu.memory_space<semaphore_mem>>)
            %dma_wait3A_158 = arith.constant 0 : i32
            %dma_wait3A_159 = arith.constant 0 : i32
            %dma_wait3A_160 = tpu.memref_slice %arg5[%run_scoped3A_136, %dma_wait3A_158, %dma_wait3A_159] : memref<3x2x400xi32, #tpu.memory_space<vmem>> -> memref<1x2x400xi32, #tpu.memory_space<vmem>>
            %dma_wait3A_161 = tpu.memref_squeeze %dma_wait3A_160 : memref<1x2x400xi32, #tpu.memory_space<vmem>> -> memref<2x400xi32, #tpu.memory_space<vmem>>
            %dma_wait3A_162 = arith.constant 0 : i32
            %dma_wait3A_163 = tpu.memref_slice %arg2[%dma_wait3A_162, %add3A_135] : memref<2x320000xi32, #tpu.memory_space<hbm>> -> memref<2x400xi32, #tpu.memory_space<hbm>>
            %dma_wait3A_164 = arith.constant 0 : i32
            %dma_wait3A_165 = arith.constant 0 : i32
            %dma_wait3A_166 = tpu.memref_slice %arg5[%run_scoped3A_136, %dma_wait3A_164, %dma_wait3A_165] : memref<3x2x400xi32, #tpu.memory_space<vmem>> -> memref<1x2x400xi32, #tpu.memory_space<vmem>>
            %dma_wait3A_167 = tpu.memref_squeeze %dma_wait3A_166 : memref<1x2x400xi32, #tpu.memory_space<vmem>> -> memref<2x400xi32, #tpu.memory_space<vmem>>
            %dma_wait3A_168 = arith.constant 0 : i32
            %dma_wait3A_169 = tpu.memref_slice %arg2[%dma_wait3A_168, %add3A_135] : memref<2x320000xi32, #tpu.memory_space<hbm>> -> memref<2x400xi32, #tpu.memory_space<hbm>>
            tpu.wait_dma2 semaphore(%run_scoped3A_145 : memref<!tpu.dma_semaphore, #tpu.memory_space<semaphore_mem>>) src(%dma_wait3A_169 : memref<2x400xi32, #tpu.memory_space<hbm>>) dst(%dma_wait3A_167 : memref<2x400xi32, #tpu.memory_space<vmem>>)
            tpu.yield
          }) : () -> ()
          %dma_start3A_137 = arith.constant 1 : i32
          %dma_start3A_138 = arith.constant 0 : i32
          %dma_start3A_139 = arith.constant 0 : i32
          %dma_start3A_140 = tpu.memref_slice %arg5[%dma_start3A_137, %dma_start3A_138, %dma_start3A_139] : memref<3x2x400xi32, #tpu.memory_space<vmem>> -> memref<1x1x400xi32, #tpu.memory_space<vmem>>
          %dma_start3A_141 = tpu.memref_squeeze %dma_start3A_140 : memref<1x1x400xi32, #tpu.memory_space<vmem>> -> memref<400xi32, #tpu.memory_space<vmem>>
          %dma_start3A_142 = arith.constant 0 : i32
          %dma_start3A_143 = arith.constant 0 : i32
          %dma_start3A_144 = tpu.memref_slice %arg3[%dma_start3A_142, %dma_start3A_143] : memref<10000x64xf32, #tpu.memory_space<hbm>> -> memref<10000x64xf32, #tpu.memory_space<hbm>>
          tpu.enqueue_indirect_dma source(%dma_start3A_144 : memref<10000x64xf32, #tpu.memory_space<hbm>>) target(%arg7 : memref<400x64xf32, #tpu.memory_space<vmem>>) offsets(%dma_start3A_141 : memref<400xi32, #tpu.memory_space<vmem>>) semaphore(%arg11 : memref<!tpu.dma_semaphore, #tpu.memory_space<semaphore_mem>>)
        } else {
        }
      } else {
      }
      %scan3A_104 = arith.constant 0 : i32
      scf.yield %scan3A_104 : i32
    }
    %scan3A_49 = arith.constant 9 : i32
    %dma_wait3A = arith.constant 0 : i32
    %dma_wait3A_50 = arith.constant 1 : i32
    %dma_wait3A_51 = arith.constant 0 : i32
    %dma_wait3A_52 = tpu.memref_slice %arg5[%dma_wait3A, %dma_wait3A_50, %dma_wait3A_51] : memref<3x2x400xi32, #tpu.memory_space<vmem>> -> memref<1x1x400xi32, #tpu.memory_space<vmem>>
    %dma_wait3A_53 = tpu.memref_squeeze %dma_wait3A_52 : memref<1x1x400xi32, #tpu.memory_space<vmem>> -> memref<400xi32, #tpu.memory_space<vmem>>
    %dma_wait3A_54 = arith.constant 0 : i32
    %dma_wait3A_55 = arith.constant 0 : i32
    %dma_wait3A_56 = tpu.memref_slice %arg9[%dma_wait3A_54, %dma_wait3A_55] : memref<10240x64xf32, #tpu.memory_space<vmem_shared>> -> memref<10240x64xf32, #tpu.memory_space<vmem_shared>>
    tpu.wait_indirect_dma semaphore(%arg13 : memref<!tpu.dma_semaphore, #tpu.memory_space<semaphore_mem>>) src(%arg6 : memref<400x64xf32, #tpu.memory_space<vmem>>) dst(%dma_wait3A_56 : memref<10240x64xf32, #tpu.memory_space<vmem_shared>>)
    %dma_wait3A_57 = arith.constant 1 : i32
    %dma_wait3A_58 = arith.constant 1 : i32
    %dma_wait3A_59 = arith.constant 0 : i32
    %dma_wait3A_60 = tpu.memref_slice %arg5[%dma_wait3A_57, %dma_wait3A_58, %dma_wait3A_59] : memref<3x2x400xi32, #tpu.memory_space<vmem>> -> memref<1x1x400xi32, #tpu.memory_space<vmem>>
    %dma_wait3A_61 = tpu.memref_squeeze %dma_wait3A_60 : memref<1x1x400xi32, #tpu.memory_space<vmem>> -> memref<400xi32, #tpu.memory_space<vmem>>
    %dma_wait3A_62 = arith.constant 0 : i32
    %dma_wait3A_63 = arith.constant 0 : i32
    %dma_wait3A_64 = tpu.memref_slice %arg9[%dma_wait3A_62, %dma_wait3A_63] : memref<10240x64xf32, #tpu.memory_space<vmem_shared>> -> memref<10240x64xf32, #tpu.memory_space<vmem_shared>>
    tpu.wait_indirect_dma semaphore(%arg14 : memref<!tpu.dma_semaphore, #tpu.memory_space<semaphore_mem>>) src(%arg7 : memref<400x64xf32, #tpu.memory_space<vmem>>) dst(%dma_wait3A_64 : memref<10240x64xf32, #tpu.memory_space<vmem_shared>>)
    %dma_wait3A_65 = arith.constant 2 : i32
    %dma_wait3A_66 = arith.constant 1 : i32
    %dma_wait3A_67 = arith.constant 0 : i32
    %dma_wait3A_68 = tpu.memref_slice %arg5[%dma_wait3A_65, %dma_wait3A_66, %dma_wait3A_67] : memref<3x2x400xi32, #tpu.memory_space<vmem>> -> memref<1x1x400xi32, #tpu.memory_space<vmem>>
    %dma_wait3A_69 = tpu.memref_squeeze %dma_wait3A_68 : memref<1x1x400xi32, #tpu.memory_space<vmem>> -> memref<400xi32, #tpu.memory_space<vmem>>
    %dma_wait3A_70 = arith.constant 0 : i32
    %dma_wait3A_71 = arith.constant 0 : i32
    %dma_wait3A_72 = tpu.memref_slice %arg9[%dma_wait3A_70, %dma_wait3A_71] : memref<10240x64xf32, #tpu.memory_space<vmem_shared>> -> memref<10240x64xf32, #tpu.memory_space<vmem_shared>>
    tpu.wait_indirect_dma semaphore(%arg15 : memref<!tpu.dma_semaphore, #tpu.memory_space<semaphore_mem>>) src(%arg8 : memref<400x64xf32, #tpu.memory_space<vmem>>) dst(%dma_wait3A_72 : memref<10240x64xf32, #tpu.memory_space<vmem_shared>>)
    %barrier3A_73 = arith.constant 0 : index
    tpu.barrier barrier_id(%barrier3A_73)
    %mul3A_74 = arith.constant 640 : i32
    %mul3A_75 = arith.muli %arg1, %mul3A_74 : i32
    %mul3A_76 = arith.constant 640 : i32
    %mul3A_77 = arith.muli %arg1, %mul3A_76 : i32
    "tpu.region"() ({
      %run_scoped3A_78 = tpu.sem_alloc : memref<!tpu.dma_semaphore, #tpu.memory_space<semaphore_mem>>
      %dma_start3A_79 = arith.constant 0 : i32
      %dma_start3A_80 = tpu.memref_slice %arg4[%arg0, %mul3A_77, %dma_start3A_79] : memref<2x10240x64xf32, #tpu.memory_space<hbm>> -> memref<1x640x64xf32, #tpu.memory_space<hbm>>
      %dma_start3A_81 = tpu.memref_squeeze %dma_start3A_80 : memref<1x640x64xf32, #tpu.memory_space<hbm>> -> memref<640x64xf32, #tpu.memory_space<hbm>>
      %dma_start3A_82 = arith.constant 0 : i32
      %dma_start3A_83 = tpu.memref_slice %arg9[%mul3A_75, %dma_start3A_82] : memref<10240x64xf32, #tpu.memory_space<vmem_shared>> -> memref<640x64xf32, #tpu.memory_space<vmem_shared>>
      tpu.enqueue_dma source(%dma_start3A_83 : memref<640x64xf32, #tpu.memory_space<vmem_shared>>) target(%dma_start3A_81 : memref<640x64xf32, #tpu.memory_space<hbm>>) target_semaphore(%run_scoped3A_78 : memref<!tpu.dma_semaphore, #tpu.memory_space<semaphore_mem>>)
      %dma_wait3A_84 = arith.constant 0 : i32
      %dma_wait3A_85 = tpu.memref_slice %arg4[%arg0, %mul3A_77, %dma_wait3A_84] : memref<2x10240x64xf32, #tpu.memory_space<hbm>> -> memref<1x640x64xf32, #tpu.memory_space<hbm>>
      %dma_wait3A_86 = tpu.memref_squeeze %dma_wait3A_85 : memref<1x640x64xf32, #tpu.memory_space<hbm>> -> memref<640x64xf32, #tpu.memory_space<hbm>>
      %dma_wait3A_87 = arith.constant 0 : i32
      %dma_wait3A_88 = tpu.memref_slice %arg9[%mul3A_75, %dma_wait3A_87] : memref<10240x64xf32, #tpu.memory_space<vmem_shared>> -> memref<640x64xf32, #tpu.memory_space<vmem_shared>>
      tpu.wait_dma2 semaphore(%run_scoped3A_78 : memref<!tpu.dma_semaphore, #tpu.memory_space<semaphore_mem>>) src(%dma_wait3A_88 : memref<640x64xf32, #tpu.memory_space<vmem_shared>>) dst(%dma_wait3A_86 : memref<640x64xf32, #tpu.memory_space<hbm>>)
      tpu.yield
    }) : () -> ()
    return
  }
}

#map = affine_map<(d0, d1) -> (0, 0)>
#map1 = affine_map<(d0, d1) -> (0, 0, 0)>
module attributes {stable_mosaic.version = 14 : i64} {
  func.func @agg(%arg0: i32, %arg1: i32, %arg2: memref<2x320000xi32, #tpu.memory_space<hbm>>, %arg3: memref<10000x64xf32, #tpu.memory_space<hbm>>, %arg4: memref<2x10240x64xf32, #tpu.memory_space<hbm>>, %arg5: memref<3x2x400xi32, #tpu.memory_space<vmem>>, %arg6: memref<400x64xf32, #tpu.memory_space<vmem>>, %arg7: memref<400x64xf32, #tpu.memory_space<vmem>>, %arg8: memref<400x64xf32, #tpu.memory_space<vmem>>, %arg9: memref<10240x64xf32, #tpu.memory_space<vmem_shared>>, %arg10: memref<!tpu.dma_semaphore, #tpu.memory_space<semaphore_mem>>, %arg11: memref<!tpu.dma_semaphore, #tpu.memory_space<semaphore_mem>>, %arg12: memref<!tpu.dma_semaphore, #tpu.memory_space<semaphore_mem>>, %arg13: memref<!tpu.dma_semaphore, #tpu.memory_space<semaphore_mem>>, %arg14: memref<!tpu.dma_semaphore, #tpu.memory_space<semaphore_mem>>, %arg15: memref<!tpu.dma_semaphore, #tpu.memory_space<semaphore_mem>>) attributes {dimension_semantics = [#tpu.dimension_semantics<core_parallel>, #tpu.dimension_semantics<subcore_parallel>], iteration_bounds = array<i64: 2, 16>, scalar_prefetch = 0 : i64, scratch_operands = 11 : i64, tpu.core_type = #tpu.core_type<sc_vector_subcore>, window_params = [{transform_indices = #map}, {transform_indices = #map}, {transform_indices = #map1}]} {
    %mul3A = arith.constant 2 : i32
    %mul3A_0 = arith.muli %arg1, %mul3A : i32
    %add3A = arith.addi %mul3A_0, %arg0 : i32
    %broadcast_in_dim3A = arith.constant 0.000000e+00 : f32
    %broadcast_in_dim3A_1 = vector.broadcast %broadcast_in_dim3A : f32 to vector<16xf32>
    %scan3A = arith.constant 0 : i32
    %scan3A_2 = arith.constant 0 : i32
    %scan3A_3 = arith.constant 100 : i32
    %scan3A_4 = arith.addi %scan3A_2, %scan3A_3 : i32
    %scan3A_5 = arith.constant 1 : i32
    %scan3A_6 = scf.for %scan3A_78 = %scan3A_2 to %scan3A_4 step %scan3A_5 iter_args(%scan3A_79 = %scan3A) -> (i32)  : i32 {
      %mul3A_80 = arith.constant 4 : i32
      %mul3A_81 = arith.muli %scan3A_78, %mul3A_80 : i32
      %add3A_82 = arith.constant 0 : i32
      %add3A_83 = arith.addi %mul3A_81, %add3A_82 : i32
      %swap3A = arith.index_cast %add3A_83 : i32 to index
      %swap3A_84 = arith.constant 0 : index
      %swap3A_85 = tpu.vector_load %arg6[%swap3A, %swap3A_84] {strides = array<i32>} : memref<400x64xf32, #tpu.memory_space<vmem>>, vector<1x16xf32>,
      %swap3A_86 = vector.shape_cast %swap3A_85 : vector<1x16xf32> to vector<16xf32>
      %swap3A_87 = vector.shape_cast %broadcast_in_dim3A_1 : vector<16xf32> to vector<1x16xf32>
      tpu.vector_store %arg6[%swap3A, %swap3A_84], %swap3A_87 {strides = array<i32>} : memref<400x64xf32, #tpu.memory_space<vmem>>, vector<1x16xf32>,
      %mul3A_88 = arith.constant 4 : i32
      %mul3A_89 = arith.muli %scan3A_78, %mul3A_88 : i32
      %add3A_90 = arith.constant 0 : i32
      %add3A_91 = arith.addi %mul3A_89, %add3A_90 : i32
      %swap3A_92 = arith.index_cast %add3A_91 : i32 to index
      %swap3A_93 = arith.constant 16 : index
      %swap3A_94 = tpu.vector_load %arg6[%swap3A_92, %swap3A_93] {strides = array<i32>} : memref<400x64xf32, #tpu.memory_space<vmem>>, vector<1x16xf32>,
      %swap3A_95 = vector.shape_cast %swap3A_94 : vector<1x16xf32> to vector<16xf32>
      %swap3A_96 = vector.shape_cast %broadcast_in_dim3A_1 : vector<16xf32> to vector<1x16xf32>
      tpu.vector_store %arg6[%swap3A_92, %swap3A_93], %swap3A_96 {strides = array<i32>} : memref<400x64xf32, #tpu.memory_space<vmem>>, vector<1x16xf32>,
      %mul3A_97 = arith.constant 4 : i32
      %mul3A_98 = arith.muli %scan3A_78, %mul3A_97 : i32
      %add3A_99 = arith.constant 0 : i32
      %add3A_100 = arith.addi %mul3A_98, %add3A_99 : i32
      %swap3A_101 = arith.index_cast %add3A_100 : i32 to index
      %swap3A_102 = arith.constant 32 : index
      %swap3A_103 = tpu.vector_load %arg6[%swap3A_101, %swap3A_102] {strides = array<i32>} : memref<400x64xf32, #tpu.memory_space<vmem>>, vector<1x16xf32>,
      %swap3A_104 = vector.shape_cast %swap3A_103 : vector<1x16xf32> to vector<16xf32>
      %swap3A_105 = vector.shape_cast %broadcast_in_dim3A_1 : vector<16xf32> to vector<1x16xf32>
      tpu.vector_store %arg6[%swap3A_101, %swap3A_102], %swap3A_105 {strides = array<i32>} : memref<400x64xf32, #tpu.memory_space<vmem>>, vector<1x16xf32>,
      %mul3A_106 = arith.constant 4 : i32
      %mul3A_107 = arith.muli %scan3A_78, %mul3A_106 : i32
      %add3A_108 = arith.constant 0 : i32
      %add3A_109 = arith.addi %mul3A_107, %add3A_108 : i32
      %swap3A_110 = arith.index_cast %add3A_109 : i32 to index
      %swap3A_111 = arith.constant 48 : index
      %swap3A_112 = tpu.vector_load %arg6[%swap3A_110, %swap3A_111] {strides = array<i32>} : memref<400x64xf32, #tpu.memory_space<vmem>>, vector<1x16xf32>,
      %swap3A_113 = vector.shape_cast %swap3A_112 : vector<1x16xf32> to vector<16xf32>
      %swap3A_114 = vector.shape_cast %broadcast_in_dim3A_1 : vector<16xf32> to vector<1x16xf32>
      tpu.vector_store %arg6[%swap3A_110, %swap3A_111], %swap3A_114 {strides = array<i32>} : memref<400x64xf32, #tpu.memory_space<vmem>>, vector<1x16xf32>,
      %mul3A_115 = arith.constant 4 : i32
      %mul3A_116 = arith.muli %scan3A_78, %mul3A_115 : i32
      %add3A_117 = arith.constant 1 : i32
      %add3A_118 = arith.addi %mul3A_116, %add3A_117 : i32
      %swap3A_119 = arith.index_cast %add3A_118 : i32 to index
      %swap3A_120 = arith.constant 0 : index
      %swap3A_121 = tpu.vector_load %arg6[%swap3A_119, %swap3A_120] {strides = array<i32>} : memref<400x64xf32, #tpu.memory_space<vmem>>, vector<1x16xf32>,
      %swap3A_122 = vector.shape_cast %swap3A_121 : vector<1x16xf32> to vector<16xf32>
      %swap3A_123 = vector.shape_cast %broadcast_in_dim3A_1 : vector<16xf32> to vector<1x16xf32>
      tpu.vector_store %arg6[%swap3A_119, %swap3A_120], %swap3A_123 {strides = array<i32>} : memref<400x64xf32, #tpu.memory_space<vmem>>, vector<1x16xf32>,
      %mul3A_124 = arith.constant 4 : i32
      %mul3A_125 = arith.muli %scan3A_78, %mul3A_124 : i32
      %add3A_126 = arith.constant 1 : i32
      %add3A_127 = arith.addi %mul3A_125, %add3A_126 : i32
      %swap3A_128 = arith.index_cast %add3A_127 : i32 to index
      %swap3A_129 = arith.constant 16 : index
      %swap3A_130 = tpu.vector_load %arg6[%swap3A_128, %swap3A_129] {strides = array<i32>} : memref<400x64xf32, #tpu.memory_space<vmem>>, vector<1x16xf32>,
      %swap3A_131 = vector.shape_cast %swap3A_130 : vector<1x16xf32> to vector<16xf32>
      %swap3A_132 = vector.shape_cast %broadcast_in_dim3A_1 : vector<16xf32> to vector<1x16xf32>
      tpu.vector_store %arg6[%swap3A_128, %swap3A_129], %swap3A_132 {strides = array<i32>} : memref<400x64xf32, #tpu.memory_space<vmem>>, vector<1x16xf32>,
      %mul3A_133 = arith.constant 4 : i32
      %mul3A_134 = arith.muli %scan3A_78, %mul3A_133 : i32
      %add3A_135 = arith.constant 1 : i32
      %add3A_136 = arith.addi %mul3A_134, %add3A_135 : i32
      %swap3A_137 = arith.index_cast %add3A_136 : i32 to index
      %swap3A_138 = arith.constant 32 : index
      %swap3A_139 = tpu.vector_load %arg6[%swap3A_137, %swap3A_138] {strides = array<i32>} : memref<400x64xf32, #tpu.memory_space<vmem>>, vector<1x16xf32>,
      %swap3A_140 = vector.shape_cast %swap3A_139 : vector<1x16xf32> to vector<16xf32>
      %swap3A_141 = vector.shape_cast %broadcast_in_dim3A_1 : vector<16xf32> to vector<1x16xf32>
      tpu.vector_store %arg6[%swap3A_137, %swap3A_138], %swap3A_141 {strides = array<i32>} : memref<400x64xf32, #tpu.memory_space<vmem>>, vector<1x16xf32>,
      %mul3A_142 = arith.constant 4 : i32
      %mul3A_143 = arith.muli %scan3A_78, %mul3A_142 : i32
      %add3A_144 = arith.constant 1 : i32
      %add3A_145 = arith.addi %mul3A_143, %add3A_144 : i32
      %swap3A_146 = arith.index_cast %add3A_145 : i32 to index
      %swap3A_147 = arith.constant 48 : index
      %swap3A_148 = tpu.vector_load %arg6[%swap3A_146, %swap3A_147] {strides = array<i32>} : memref<400x64xf32, #tpu.memory_space<vmem>>, vector<1x16xf32>,
      %swap3A_149 = vector.shape_cast %swap3A_148 : vector<1x16xf32> to vector<16xf32>
      %swap3A_150 = vector.shape_cast %broadcast_in_dim3A_1 : vector<16xf32> to vector<1x16xf32>
      tpu.vector_store %arg6[%swap3A_146, %swap3A_147], %swap3A_150 {strides = array<i32>} : memref<400x64xf32, #tpu.memory_space<vmem>>, vector<1x16xf32>,
      %mul3A_151 = arith.constant 4 : i32
      %mul3A_152 = arith.muli %scan3A_78, %mul3A_151 : i32
      %add3A_153 = arith.constant 2 : i32
      %add3A_154 = arith.addi %mul3A_152, %add3A_153 : i32
      %swap3A_155 = arith.index_cast %add3A_154 : i32 to index
      %swap3A_156 = arith.constant 0 : index
      %swap3A_157 = tpu.vector_load %arg6[%swap3A_155, %swap3A_156] {strides = array<i32>} : memref<400x64xf32, #tpu.memory_space<vmem>>, vector<1x16xf32>,
      %swap3A_158 = vector.shape_cast %swap3A_157 : vector<1x16xf32> to vector<16xf32>
      %swap3A_159 = vector.shape_cast %broadcast_in_dim3A_1 : vector<16xf32> to vector<1x16xf32>
      tpu.vector_store %arg6[%swap3A_155, %swap3A_156], %swap3A_159 {strides = array<i32>} : memref<400x64xf32, #tpu.memory_space<vmem>>, vector<1x16xf32>,
      %mul3A_160 = arith.constant 4 : i32
      %mul3A_161 = arith.muli %scan3A_78, %mul3A_160 : i32
      %add3A_162 = arith.constant 2 : i32
      %add3A_163 = arith.addi %mul3A_161, %add3A_162 : i32
      %swap3A_164 = arith.index_cast %add3A_163 : i32 to index
      %swap3A_165 = arith.constant 16 : index
      %swap3A_166 = tpu.vector_load %arg6[%swap3A_164, %swap3A_165] {strides = array<i32>} : memref<400x64xf32, #tpu.memory_space<vmem>>, vector<1x16xf32>,
      %swap3A_167 = vector.shape_cast %swap3A_166 : vector<1x16xf32> to vector<16xf32>
      %swap3A_168 = vector.shape_cast %broadcast_in_dim3A_1 : vector<16xf32> to vector<1x16xf32>
      tpu.vector_store %arg6[%swap3A_164, %swap3A_165], %swap3A_168 {strides = array<i32>} : memref<400x64xf32, #tpu.memory_space<vmem>>, vector<1x16xf32>,
      %mul3A_169 = arith.constant 4 : i32
      %mul3A_170 = arith.muli %scan3A_78, %mul3A_169 : i32
      %add3A_171 = arith.constant 2 : i32
      %add3A_172 = arith.addi %mul3A_170, %add3A_171 : i32
      %swap3A_173 = arith.index_cast %add3A_172 : i32 to index
      %swap3A_174 = arith.constant 32 : index
      %swap3A_175 = tpu.vector_load %arg6[%swap3A_173, %swap3A_174] {strides = array<i32>} : memref<400x64xf32, #tpu.memory_space<vmem>>, vector<1x16xf32>,
      %swap3A_176 = vector.shape_cast %swap3A_175 : vector<1x16xf32> to vector<16xf32>
      %swap3A_177 = vector.shape_cast %broadcast_in_dim3A_1 : vector<16xf32> to vector<1x16xf32>
      tpu.vector_store %arg6[%swap3A_173, %swap3A_174], %swap3A_177 {strides = array<i32>} : memref<400x64xf32, #tpu.memory_space<vmem>>, vector<1x16xf32>,
      %mul3A_178 = arith.constant 4 : i32
      %mul3A_179 = arith.muli %scan3A_78, %mul3A_178 : i32
      %add3A_180 = arith.constant 2 : i32
      %add3A_181 = arith.addi %mul3A_179, %add3A_180 : i32
      %swap3A_182 = arith.index_cast %add3A_181 : i32 to index
      %swap3A_183 = arith.constant 48 : index
      %swap3A_184 = tpu.vector_load %arg6[%swap3A_182, %swap3A_183] {strides = array<i32>} : memref<400x64xf32, #tpu.memory_space<vmem>>, vector<1x16xf32>,
      %swap3A_185 = vector.shape_cast %swap3A_184 : vector<1x16xf32> to vector<16xf32>
      %swap3A_186 = vector.shape_cast %broadcast_in_dim3A_1 : vector<16xf32> to vector<1x16xf32>
      tpu.vector_store %arg6[%swap3A_182, %swap3A_183], %swap3A_186 {strides = array<i32>} : memref<400x64xf32, #tpu.memory_space<vmem>>, vector<1x16xf32>,
      %mul3A_187 = arith.constant 4 : i32
      %mul3A_188 = arith.muli %scan3A_78, %mul3A_187 : i32
      %add3A_189 = arith.constant 3 : i32
      %add3A_190 = arith.addi %mul3A_188, %add3A_189 : i32
      %swap3A_191 = arith.index_cast %add3A_190 : i32 to index
      %swap3A_192 = arith.constant 0 : index
      %swap3A_193 = tpu.vector_load %arg6[%swap3A_191, %swap3A_192] {strides = array<i32>} : memref<400x64xf32, #tpu.memory_space<vmem>>, vector<1x16xf32>,
      %swap3A_194 = vector.shape_cast %swap3A_193 : vector<1x16xf32> to vector<16xf32>
      %swap3A_195 = vector.shape_cast %broadcast_in_dim3A_1 : vector<16xf32> to vector<1x16xf32>
      tpu.vector_store %arg6[%swap3A_191, %swap3A_192], %swap3A_195 {strides = array<i32>} : memref<400x64xf32, #tpu.memory_space<vmem>>, vector<1x16xf32>,
      %mul3A_196 = arith.constant 4 : i32
      %mul3A_197 = arith.muli %scan3A_78, %mul3A_196 : i32
      %add3A_198 = arith.constant 3 : i32
      %add3A_199 = arith.addi %mul3A_197, %add3A_198 : i32
      %swap3A_200 = arith.index_cast %add3A_199 : i32 to index
      %swap3A_201 = arith.constant 16 : index
      %swap3A_202 = tpu.vector_load %arg6[%swap3A_200, %swap3A_201] {strides = array<i32>} : memref<400x64xf32, #tpu.memory_space<vmem>>, vector<1x16xf32>,
      %swap3A_203 = vector.shape_cast %swap3A_202 : vector<1x16xf32> to vector<16xf32>
      %swap3A_204 = vector.shape_cast %broadcast_in_dim3A_1 : vector<16xf32> to vector<1x16xf32>
      tpu.vector_store %arg6[%swap3A_200, %swap3A_201], %swap3A_204 {strides = array<i32>} : memref<400x64xf32, #tpu.memory_space<vmem>>, vector<1x16xf32>,
      %mul3A_205 = arith.constant 4 : i32
      %mul3A_206 = arith.muli %scan3A_78, %mul3A_205 : i32
      %add3A_207 = arith.constant 3 : i32
      %add3A_208 = arith.addi %mul3A_206, %add3A_207 : i32
      %swap3A_209 = arith.index_cast %add3A_208 : i32 to index
      %swap3A_210 = arith.constant 32 : index
      %swap3A_211 = tpu.vector_load %arg6[%swap3A_209, %swap3A_210] {strides = array<i32>} : memref<400x64xf32, #tpu.memory_space<vmem>>, vector<1x16xf32>,
      %swap3A_212 = vector.shape_cast %swap3A_211 : vector<1x16xf32> to vector<16xf32>
      %swap3A_213 = vector.shape_cast %broadcast_in_dim3A_1 : vector<16xf32> to vector<1x16xf32>
      tpu.vector_store %arg6[%swap3A_209, %swap3A_210], %swap3A_213 {strides = array<i32>} : memref<400x64xf32, #tpu.memory_space<vmem>>, vector<1x16xf32>,
      %mul3A_214 = arith.constant 4 : i32
      %mul3A_215 = arith.muli %scan3A_78, %mul3A_214 : i32
      %add3A_216 = arith.constant 3 : i32
      %add3A_217 = arith.addi %mul3A_215, %add3A_216 : i32
      %swap3A_218 = arith.index_cast %add3A_217 : i32 to index
      %swap3A_219 = arith.constant 48 : index
      %swap3A_220 = tpu.vector_load %arg6[%swap3A_218, %swap3A_219] {strides = array<i32>} : memref<400x64xf32, #tpu.memory_space<vmem>>, vector<1x16xf32>,
      %swap3A_221 = vector.shape_cast %swap3A_220 : vector<1x16xf32> to vector<16xf32>
      %swap3A_222 = vector.shape_cast %broadcast_in_dim3A_1 : vector<16xf32> to vector<1x16xf32>
      tpu.vector_store %arg6[%swap3A_218, %swap3A_219], %swap3A_222 {strides = array<i32>} : memref<400x64xf32, #tpu.memory_space<vmem>>, vector<1x16xf32>,
      %scan3A_223 = arith.constant 0 : i32
      scf.yield %scan3A_223 : i32
    }
    %scan3A_7 = arith.constant 100 : i32
    %scan3A_8 = arith.constant 0 : i32
    %scan3A_9 = arith.constant 0 : i32
    %scan3A_10 = arith.constant 60 : i32
    %scan3A_11 = arith.addi %scan3A_9, %scan3A_10 : i32
    %scan3A_12 = arith.constant 1 : i32
    %scan3A_13 = scf.for %scan3A_78 = %scan3A_9 to %scan3A_11 step %scan3A_12 iter_args(%scan3A_79 = %scan3A_8) -> (i32)  : i32 {
      %mul3A_80 = arith.constant 4 : i32
      %mul3A_81 = arith.muli %scan3A_78, %mul3A_80 : i32
      %add3A_82 = arith.constant 0 : i32
      %add3A_83 = arith.addi %mul3A_81, %add3A_82 : i32
      %swap3A = arith.index_cast %add3A_83 : i32 to index
      %swap3A_84 = arith.constant 0 : index
      %swap3A_85 = tpu.vector_load %arg7[%swap3A, %swap3A_84] {strides = array<i32>} : memref<400x64xf32, #tpu.memory_space<vmem>>, vector<1x16xf32>,
      %swap3A_86 = vector.shape_cast %swap3A_85 : vector<1x16xf32> to vector<16xf32>
      %swap3A_87 = vector.shape_cast %broadcast_in_dim3A_1 : vector<16xf32> to vector<1x16xf32>
      tpu.vector_store %arg7[%swap3A, %swap3A_84], %swap3A_87 {strides = array<i32>} : memref<400x64xf32, #tpu.memory_space<vmem>>, vector<1x16xf32>,
      %mul3A_88 = arith.constant 4 : i32
      %mul3A_89 = arith.muli %scan3A_78, %mul3A_88 : i32
      %add3A_90 = arith.constant 0 : i32
      %add3A_91 = arith.addi %mul3A_89, %add3A_90 : i32
      %swap3A_92 = arith.index_cast %add3A_91 : i32 to index
      %swap3A_93 = arith.constant 16 : index
      %swap3A_94 = tpu.vector_load %arg7[%swap3A_92, %swap3A_93] {strides = array<i32>} : memref<400x64xf32, #tpu.memory_space<vmem>>, vector<1x16xf32>,
      %swap3A_95 = vector.shape_cast %swap3A_94 : vector<1x16xf32> to vector<16xf32>
      %swap3A_96 = vector.shape_cast %broadcast_in_dim3A_1 : vector<16xf32> to vector<1x16xf32>
      tpu.vector_store %arg7[%swap3A_92, %swap3A_93], %swap3A_96 {strides = array<i32>} : memref<400x64xf32, #tpu.memory_space<vmem>>, vector<1x16xf32>,
      %mul3A_97 = arith.constant 4 : i32
      %mul3A_98 = arith.muli %scan3A_78, %mul3A_97 : i32
      %add3A_99 = arith.constant 0 : i32
      %add3A_100 = arith.addi %mul3A_98, %add3A_99 : i32
      %swap3A_101 = arith.index_cast %add3A_100 : i32 to index
      %swap3A_102 = arith.constant 32 : index
      %swap3A_103 = tpu.vector_load %arg7[%swap3A_101, %swap3A_102] {strides = array<i32>} : memref<400x64xf32, #tpu.memory_space<vmem>>, vector<1x16xf32>,
      %swap3A_104 = vector.shape_cast %swap3A_103 : vector<1x16xf32> to vector<16xf32>
      %swap3A_105 = vector.shape_cast %broadcast_in_dim3A_1 : vector<16xf32> to vector<1x16xf32>
      tpu.vector_store %arg7[%swap3A_101, %swap3A_102], %swap3A_105 {strides = array<i32>} : memref<400x64xf32, #tpu.memory_space<vmem>>, vector<1x16xf32>,
      %mul3A_106 = arith.constant 4 : i32
      %mul3A_107 = arith.muli %scan3A_78, %mul3A_106 : i32
      %add3A_108 = arith.constant 0 : i32
      %add3A_109 = arith.addi %mul3A_107, %add3A_108 : i32
      %swap3A_110 = arith.index_cast %add3A_109 : i32 to index
      %swap3A_111 = arith.constant 48 : index
      %swap3A_112 = tpu.vector_load %arg7[%swap3A_110, %swap3A_111] {strides = array<i32>} : memref<400x64xf32, #tpu.memory_space<vmem>>, vector<1x16xf32>,
      %swap3A_113 = vector.shape_cast %swap3A_112 : vector<1x16xf32> to vector<16xf32>
      %swap3A_114 = vector.shape_cast %broadcast_in_dim3A_1 : vector<16xf32> to vector<1x16xf32>
      tpu.vector_store %arg7[%swap3A_110, %swap3A_111], %swap3A_114 {strides = array<i32>} : memref<400x64xf32, #tpu.memory_space<vmem>>, vector<1x16xf32>,
      %mul3A_115 = arith.constant 4 : i32
      %mul3A_116 = arith.muli %scan3A_78, %mul3A_115 : i32
      %add3A_117 = arith.constant 1 : i32
      %add3A_118 = arith.addi %mul3A_116, %add3A_117 : i32
      %swap3A_119 = arith.index_cast %add3A_118 : i32 to index
      %swap3A_120 = arith.constant 0 : index
      %swap3A_121 = tpu.vector_load %arg7[%swap3A_119, %swap3A_120] {strides = array<i32>} : memref<400x64xf32, #tpu.memory_space<vmem>>, vector<1x16xf32>,
      %swap3A_122 = vector.shape_cast %swap3A_121 : vector<1x16xf32> to vector<16xf32>
      %swap3A_123 = vector.shape_cast %broadcast_in_dim3A_1 : vector<16xf32> to vector<1x16xf32>
      tpu.vector_store %arg7[%swap3A_119, %swap3A_120], %swap3A_123 {strides = array<i32>} : memref<400x64xf32, #tpu.memory_space<vmem>>, vector<1x16xf32>,
      %mul3A_124 = arith.constant 4 : i32
      %mul3A_125 = arith.muli %scan3A_78, %mul3A_124 : i32
      %add3A_126 = arith.constant 1 : i32
      %add3A_127 = arith.addi %mul3A_125, %add3A_126 : i32
      %swap3A_128 = arith.index_cast %add3A_127 : i32 to index
      %swap3A_129 = arith.constant 16 : index
      %swap3A_130 = tpu.vector_load %arg7[%swap3A_128, %swap3A_129] {strides = array<i32>} : memref<400x64xf32, #tpu.memory_space<vmem>>, vector<1x16xf32>,
      %swap3A_131 = vector.shape_cast %swap3A_130 : vector<1x16xf32> to vector<16xf32>
      %swap3A_132 = vector.shape_cast %broadcast_in_dim3A_1 : vector<16xf32> to vector<1x16xf32>
      tpu.vector_store %arg7[%swap3A_128, %swap3A_129], %swap3A_132 {strides = array<i32>} : memref<400x64xf32, #tpu.memory_space<vmem>>, vector<1x16xf32>,
      %mul3A_133 = arith.constant 4 : i32
      %mul3A_134 = arith.muli %scan3A_78, %mul3A_133 : i32
      %add3A_135 = arith.constant 1 : i32
      %add3A_136 = arith.addi %mul3A_134, %add3A_135 : i32
      %swap3A_137 = arith.index_cast %add3A_136 : i32 to index
      %swap3A_138 = arith.constant 32 : index
      %swap3A_139 = tpu.vector_load %arg7[%swap3A_137, %swap3A_138] {strides = array<i32>} : memref<400x64xf32, #tpu.memory_space<vmem>>, vector<1x16xf32>,
      %swap3A_140 = vector.shape_cast %swap3A_139 : vector<1x16xf32> to vector<16xf32>
      %swap3A_141 = vector.shape_cast %broadcast_in_dim3A_1 : vector<16xf32> to vector<1x16xf32>
      tpu.vector_store %arg7[%swap3A_137, %swap3A_138], %swap3A_141 {strides = array<i32>} : memref<400x64xf32, #tpu.memory_space<vmem>>, vector<1x16xf32>,
      %mul3A_142 = arith.constant 4 : i32
      %mul3A_143 = arith.muli %scan3A_78, %mul3A_142 : i32
      %add3A_144 = arith.constant 1 : i32
      %add3A_145 = arith.addi %mul3A_143, %add3A_144 : i32
      %swap3A_146 = arith.index_cast %add3A_145 : i32 to index
      %swap3A_147 = arith.constant 48 : index
      %swap3A_148 = tpu.vector_load %arg7[%swap3A_146, %swap3A_147] {strides = array<i32>} : memref<400x64xf32, #tpu.memory_space<vmem>>, vector<1x16xf32>,
      %swap3A_149 = vector.shape_cast %swap3A_148 : vector<1x16xf32> to vector<16xf32>
      %swap3A_150 = vector.shape_cast %broadcast_in_dim3A_1 : vector<16xf32> to vector<1x16xf32>
      tpu.vector_store %arg7[%swap3A_146, %swap3A_147], %swap3A_150 {strides = array<i32>} : memref<400x64xf32, #tpu.memory_space<vmem>>, vector<1x16xf32>,
      %mul3A_151 = arith.constant 4 : i32
      %mul3A_152 = arith.muli %scan3A_78, %mul3A_151 : i32
      %add3A_153 = arith.constant 2 : i32
      %add3A_154 = arith.addi %mul3A_152, %add3A_153 : i32
      %swap3A_155 = arith.index_cast %add3A_154 : i32 to index
      %swap3A_156 = arith.constant 0 : index
      %swap3A_157 = tpu.vector_load %arg7[%swap3A_155, %swap3A_156] {strides = array<i32>} : memref<400x64xf32, #tpu.memory_space<vmem>>, vector<1x16xf32>,
      %swap3A_158 = vector.shape_cast %swap3A_157 : vector<1x16xf32> to vector<16xf32>
      %swap3A_159 = vector.shape_cast %broadcast_in_dim3A_1 : vector<16xf32> to vector<1x16xf32>
      tpu.vector_store %arg7[%swap3A_155, %swap3A_156], %swap3A_159 {strides = array<i32>} : memref<400x64xf32, #tpu.memory_space<vmem>>, vector<1x16xf32>,
      %mul3A_160 = arith.constant 4 : i32
      %mul3A_161 = arith.muli %scan3A_78, %mul3A_160 : i32
      %add3A_162 = arith.constant 2 : i32
      %add3A_163 = arith.addi %mul3A_161, %add3A_162 : i32
      %swap3A_164 = arith.index_cast %add3A_163 : i32 to index
      %swap3A_165 = arith.constant 16 : index
      %swap3A_166 = tpu.vector_load %arg7[%swap3A_164, %swap3A_165] {strides = array<i32>} : memref<400x64xf32, #tpu.memory_space<vmem>>, vector<1x16xf32>,
      %swap3A_167 = vector.shape_cast %swap3A_166 : vector<1x16xf32> to vector<16xf32>
      %swap3A_168 = vector.shape_cast %broadcast_in_dim3A_1 : vector<16xf32> to vector<1x16xf32>
      tpu.vector_store %arg7[%swap3A_164, %swap3A_165], %swap3A_168 {strides = array<i32>} : memref<400x64xf32, #tpu.memory_space<vmem>>, vector<1x16xf32>,
      %mul3A_169 = arith.constant 4 : i32
      %mul3A_170 = arith.muli %scan3A_78, %mul3A_169 : i32
      %add3A_171 = arith.constant 2 : i32
      %add3A_172 = arith.addi %mul3A_170, %add3A_171 : i32
      %swap3A_173 = arith.index_cast %add3A_172 : i32 to index
      %swap3A_174 = arith.constant 32 : index
      %swap3A_175 = tpu.vector_load %arg7[%swap3A_173, %swap3A_174] {strides = array<i32>} : memref<400x64xf32, #tpu.memory_space<vmem>>, vector<1x16xf32>,
      %swap3A_176 = vector.shape_cast %swap3A_175 : vector<1x16xf32> to vector<16xf32>
      %swap3A_177 = vector.shape_cast %broadcast_in_dim3A_1 : vector<16xf32> to vector<1x16xf32>
      tpu.vector_store %arg7[%swap3A_173, %swap3A_174], %swap3A_177 {strides = array<i32>} : memref<400x64xf32, #tpu.memory_space<vmem>>, vector<1x16xf32>,
      %mul3A_178 = arith.constant 4 : i32
      %mul3A_179 = arith.muli %scan3A_78, %mul3A_178 : i32
      %add3A_180 = arith.constant 2 : i32
      %add3A_181 = arith.addi %mul3A_179, %add3A_180 : i32
      %swap3A_182 = arith.index_cast %add3A_181 : i32 to index
      %swap3A_183 = arith.constant 48 : index
      %swap3A_184 = tpu.vector_load %arg7[%swap3A_182, %swap3A_183] {strides = array<i32>} : memref<400x64xf32, #tpu.memory_space<vmem>>, vector<1x16xf32>,
      %swap3A_185 = vector.shape_cast %swap3A_184 : vector<1x16xf32> to vector<16xf32>
      %swap3A_186 = vector.shape_cast %broadcast_in_dim3A_1 : vector<16xf32> to vector<1x16xf32>
      tpu.vector_store %arg7[%swap3A_182, %swap3A_183], %swap3A_186 {strides = array<i32>} : memref<400x64xf32, #tpu.memory_space<vmem>>, vector<1x16xf32>,
      %mul3A_187 = arith.constant 4 : i32
      %mul3A_188 = arith.muli %scan3A_78, %mul3A_187 : i32
      %add3A_189 = arith.constant 3 : i32
      %add3A_190 = arith.addi %mul3A_188, %add3A_189 : i32
      %swap3A_191 = arith.index_cast %add3A_190 : i32 to index
      %swap3A_192 = arith.constant 0 : index
      %swap3A_193 = tpu.vector_load %arg7[%swap3A_191, %swap3A_192] {strides = array<i32>} : memref<400x64xf32, #tpu.memory_space<vmem>>, vector<1x16xf32>,
      %swap3A_194 = vector.shape_cast %swap3A_193 : vector<1x16xf32> to vector<16xf32>
      %swap3A_195 = vector.shape_cast %broadcast_in_dim3A_1 : vector<16xf32> to vector<1x16xf32>
      tpu.vector_store %arg7[%swap3A_191, %swap3A_192], %swap3A_195 {strides = array<i32>} : memref<400x64xf32, #tpu.memory_space<vmem>>, vector<1x16xf32>,
      %mul3A_196 = arith.constant 4 : i32
      %mul3A_197 = arith.muli %scan3A_78, %mul3A_196 : i32
      %add3A_198 = arith.constant 3 : i32
      %add3A_199 = arith.addi %mul3A_197, %add3A_198 : i32
      %swap3A_200 = arith.index_cast %add3A_199 : i32 to index
      %swap3A_201 = arith.constant 16 : index
      %swap3A_202 = tpu.vector_load %arg7[%swap3A_200, %swap3A_201] {strides = array<i32>} : memref<400x64xf32, #tpu.memory_space<vmem>>, vector<1x16xf32>,
      %swap3A_203 = vector.shape_cast %swap3A_202 : vector<1x16xf32> to vector<16xf32>
      %swap3A_204 = vector.shape_cast %broadcast_in_dim3A_1 : vector<16xf32> to vector<1x16xf32>
      tpu.vector_store %arg7[%swap3A_200, %swap3A_201], %swap3A_204 {strides = array<i32>} : memref<400x64xf32, #tpu.memory_space<vmem>>, vector<1x16xf32>,
      %mul3A_205 = arith.constant 4 : i32
      %mul3A_206 = arith.muli %scan3A_78, %mul3A_205 : i32
      %add3A_207 = arith.constant 3 : i32
      %add3A_208 = arith.addi %mul3A_206, %add3A_207 : i32
      %swap3A_209 = arith.index_cast %add3A_208 : i32 to index
      %swap3A_210 = arith.constant 32 : index
      %swap3A_211 = tpu.vector_load %arg7[%swap3A_209, %swap3A_210] {strides = array<i32>} : memref<400x64xf32, #tpu.memory_space<vmem>>, vector<1x16xf32>,
      %swap3A_212 = vector.shape_cast %swap3A_211 : vector<1x16xf32> to vector<16xf32>
      %swap3A_213 = vector.shape_cast %broadcast_in_dim3A_1 : vector<16xf32> to vector<1x16xf32>
      tpu.vector_store %arg7[%swap3A_209, %swap3A_210], %swap3A_213 {strides = array<i32>} : memref<400x64xf32, #tpu.memory_space<vmem>>, vector<1x16xf32>,
      %mul3A_214 = arith.constant 4 : i32
      %mul3A_215 = arith.muli %scan3A_78, %mul3A_214 : i32
      %add3A_216 = arith.constant 3 : i32
      %add3A_217 = arith.addi %mul3A_215, %add3A_216 : i32
      %swap3A_218 = arith.index_cast %add3A_217 : i32 to index
      %swap3A_219 = arith.constant 48 : index
      %swap3A_220 = tpu.vector_load %arg7[%swap3A_218, %swap3A_219] {strides = array<i32>} : memref<400x64xf32, #tpu.memory_space<vmem>>, vector<1x16xf32>,
      %swap3A_221 = vector.shape_cast %swap3A_220 : vector<1x16xf32> to vector<16xf32>
      %swap3A_222 = vector.shape_cast %broadcast_in_dim3A_1 : vector<16xf32> to vector<1x16xf32>
      tpu.vector_store %arg7[%swap3A_218, %swap3A_219], %swap3A_222 {strides = array<i32>} : memref<400x64xf32, #tpu.memory_space<vmem>>, vector<1x16xf32>,
      %scan3A_223 = arith.constant 0 : i32
      scf.yield %scan3A_223 : i32
    }
    %scan3A_14 = arith.constant 60 : i32
    %mul3A_15 = arith.constant 640 : i32
    %mul3A_16 = arith.muli %arg1, %mul3A_15 : i32
    "tpu.region"() ({
      %run_scoped3A_78 = tpu.sem_alloc : memref<!tpu.dma_semaphore, #tpu.memory_space<semaphore_mem>>
      %dma_start3A_79 = arith.constant 0 : i32
      %dma_start3A_80 = tpu.memref_slice %arg9[%mul3A_16, %dma_start3A_79] : memref<10240x64xf32, #tpu.memory_space<vmem_shared>> -> memref<400x64xf32, #tpu.memory_space<vmem_shared>>
      %dma_start3A_81 = arith.constant 0 : i32
      %dma_start3A_82 = tpu.memref_slice %arg9[%mul3A_16, %dma_start3A_81] : memref<10240x64xf32, #tpu.memory_space<vmem_shared>> -> memref<400x64xf32, #tpu.memory_space<vmem_shared>>
      tpu.enqueue_dma source(%arg6 : memref<400x64xf32, #tpu.memory_space<vmem>>) target(%dma_start3A_82 : memref<400x64xf32, #tpu.memory_space<vmem_shared>>) target_semaphore(%run_scoped3A_78 : memref<!tpu.dma_semaphore, #tpu.memory_space<semaphore_mem>>)
      %dma_wait3A_83 = arith.constant 0 : i32
      %dma_wait3A_84 = tpu.memref_slice %arg9[%mul3A_16, %dma_wait3A_83] : memref<10240x64xf32, #tpu.memory_space<vmem_shared>> -> memref<400x64xf32, #tpu.memory_space<vmem_shared>>
      %dma_wait3A_85 = arith.constant 0 : i32
      %dma_wait3A_86 = tpu.memref_slice %arg9[%mul3A_16, %dma_wait3A_85] : memref<10240x64xf32, #tpu.memory_space<vmem_shared>> -> memref<400x64xf32, #tpu.memory_space<vmem_shared>>
      tpu.wait_dma2 semaphore(%run_scoped3A_78 : memref<!tpu.dma_semaphore, #tpu.memory_space<semaphore_mem>>) src(%arg6 : memref<400x64xf32, #tpu.memory_space<vmem>>) dst(%dma_wait3A_86 : memref<400x64xf32, #tpu.memory_space<vmem_shared>>)
      tpu.yield
    }) : () -> ()
    %mul3A_17 = arith.constant 640 : i32
    %mul3A_18 = arith.muli %arg1, %mul3A_17 : i32
    %add3A_19 = arith.constant 400 : i32
    %add3A_20 = arith.addi %mul3A_18, %add3A_19 : i32
    "tpu.region"() ({
      %run_scoped3A_78 = tpu.sem_alloc : memref<!tpu.dma_semaphore, #tpu.memory_space<semaphore_mem>>
      %dma_start3A_79 = arith.constant 0 : i32
      %dma_start3A_80 = arith.constant 0 : i32
      %dma_start3A_81 = tpu.memref_slice %arg7[%dma_start3A_79, %dma_start3A_80] : memref<400x64xf32, #tpu.memory_space<vmem>> -> memref<240x64xf32, #tpu.memory_space<vmem>>
      %dma_start3A_82 = arith.constant 0 : i32
      %dma_start3A_83 = tpu.memref_slice %arg9[%add3A_20, %dma_start3A_82] : memref<10240x64xf32, #tpu.memory_space<vmem_shared>> -> memref<240x64xf32, #tpu.memory_space<vmem_shared>>
      %dma_start3A_84 = arith.constant 0 : i32
      %dma_start3A_85 = tpu.memref_slice %arg9[%add3A_20, %dma_start3A_84] : memref<10240x64xf32, #tpu.memory_space<vmem_shared>> -> memref<240x64xf32, #tpu.memory_space<vmem_shared>>
      %dma_start3A_86 = arith.constant 0 : i32
      %dma_start3A_87 = arith.constant 0 : i32
      %dma_start3A_88 = tpu.memref_slice %arg7[%dma_start3A_86, %dma_start3A_87] : memref<400x64xf32, #tpu.memory_space<vmem>> -> memref<240x64xf32, #tpu.memory_space<vmem>>
      tpu.enqueue_dma source(%dma_start3A_88 : memref<240x64xf32, #tpu.memory_space<vmem>>) target(%dma_start3A_85 : memref<240x64xf32, #tpu.memory_space<vmem_shared>>) target_semaphore(%run_scoped3A_78 : memref<!tpu.dma_semaphore, #tpu.memory_space<semaphore_mem>>)
      %dma_wait3A_89 = arith.constant 0 : i32
      %dma_wait3A_90 = arith.constant 0 : i32
      %dma_wait3A_91 = tpu.memref_slice %arg7[%dma_wait3A_89, %dma_wait3A_90] : memref<400x64xf32, #tpu.memory_space<vmem>> -> memref<240x64xf32, #tpu.memory_space<vmem>>
      %dma_wait3A_92 = arith.constant 0 : i32
      %dma_wait3A_93 = tpu.memref_slice %arg9[%add3A_20, %dma_wait3A_92] : memref<10240x64xf32, #tpu.memory_space<vmem_shared>> -> memref<240x64xf32, #tpu.memory_space<vmem_shared>>
      %dma_wait3A_94 = arith.constant 0 : i32
      %dma_wait3A_95 = tpu.memref_slice %arg9[%add3A_20, %dma_wait3A_94] : memref<10240x64xf32, #tpu.memory_space<vmem_shared>> -> memref<240x64xf32, #tpu.memory_space<vmem_shared>>
      %dma_wait3A_96 = arith.constant 0 : i32
      %dma_wait3A_97 = arith.constant 0 : i32
      %dma_wait3A_98 = tpu.memref_slice %arg7[%dma_wait3A_96, %dma_wait3A_97] : memref<400x64xf32, #tpu.memory_space<vmem>> -> memref<240x64xf32, #tpu.memory_space<vmem>>
      tpu.wait_dma2 semaphore(%run_scoped3A_78 : memref<!tpu.dma_semaphore, #tpu.memory_space<semaphore_mem>>) src(%dma_wait3A_98 : memref<240x64xf32, #tpu.memory_space<vmem>>) dst(%dma_wait3A_95 : memref<240x64xf32, #tpu.memory_space<vmem_shared>>)
      tpu.yield
    }) : () -> ()
    %barrier3A = arith.constant 0 : index
    tpu.barrier barrier_id(%barrier3A)
    %mul3A_21 = arith.constant 10000 : i32
    %mul3A_22 = arith.muli %add3A, %mul3A_21 : i32
    %add3A_23 = arith.constant 0 : i32
    %add3A_24 = arith.addi %mul3A_22, %add3A_23 : i32
    %run_scoped3A = arith.constant 0 : i32
    "tpu.region"() ({
      %run_scoped3A_78 = tpu.sem_alloc : memref<!tpu.dma_semaphore, #tpu.memory_space<semaphore_mem>>
      %dma_start3A_79 = arith.constant 0 : i32
      %dma_start3A_80 = arith.constant 0 : i32
      %dma_start3A_81 = tpu.memref_slice %arg5[%run_scoped3A, %dma_start3A_79, %dma_start3A_80] : memref<3x2x400xi32, #tpu.memory_space<vmem>> -> memref<1x2x400xi32, #tpu.memory_space<vmem>>
      %dma_start3A_82 = tpu.memref_squeeze %dma_start3A_81 : memref<1x2x400xi32, #tpu.memory_space<vmem>> -> memref<2x400xi32, #tpu.memory_space<vmem>>
      %dma_start3A_83 = arith.constant 0 : i32
      %dma_start3A_84 = tpu.memref_slice %arg2[%dma_start3A_83, %add3A_24] : memref<2x320000xi32, #tpu.memory_space<hbm>> -> memref<2x400xi32, #tpu.memory_space<hbm>>
      %dma_start3A_85 = arith.constant 0 : i32
      %dma_start3A_86 = arith.constant 0 : i32
      %dma_start3A_87 = tpu.memref_slice %arg5[%run_scoped3A, %dma_start3A_85, %dma_start3A_86] : memref<3x2x400xi32, #tpu.memory_space<vmem>> -> memref<1x2x400xi32, #tpu.memory_space<vmem>>
      %dma_start3A_88 = tpu.memref_squeeze %dma_start3A_87 : memref<1x2x400xi32, #tpu.memory_space<vmem>> -> memref<2x400xi32, #tpu.memory_space<vmem>>
      %dma_start3A_89 = arith.constant 0 : i32
      %dma_start3A_90 = tpu.memref_slice %arg2[%dma_start3A_89, %add3A_24] : memref<2x320000xi32, #tpu.memory_space<hbm>> -> memref<2x400xi32, #tpu.memory_space<hbm>>
      tpu.enqueue_dma source(%dma_start3A_90 : memref<2x400xi32, #tpu.memory_space<hbm>>) target(%dma_start3A_88 : memref<2x400xi32, #tpu.memory_space<vmem>>) target_semaphore(%run_scoped3A_78 : memref<!tpu.dma_semaphore, #tpu.memory_space<semaphore_mem>>)
      %dma_wait3A_91 = arith.constant 0 : i32
      %dma_wait3A_92 = arith.constant 0 : i32
      %dma_wait3A_93 = tpu.memref_slice %arg5[%run_scoped3A, %dma_wait3A_91, %dma_wait3A_92] : memref<3x2x400xi32, #tpu.memory_space<vmem>> -> memref<1x2x400xi32, #tpu.memory_space<vmem>>
      %dma_wait3A_94 = tpu.memref_squeeze %dma_wait3A_93 : memref<1x2x400xi32, #tpu.memory_space<vmem>> -> memref<2x400xi32, #tpu.memory_space<vmem>>
      %dma_wait3A_95 = arith.constant 0 : i32
      %dma_wait3A_96 = tpu.memref_slice %arg2[%dma_wait3A_95, %add3A_24] : memref<2x320000xi32, #tpu.memory_space<hbm>> -> memref<2x400xi32, #tpu.memory_space<hbm>>
      %dma_wait3A_97 = arith.constant 0 : i32
      %dma_wait3A_98 = arith.constant 0 : i32
      %dma_wait3A_99 = tpu.memref_slice %arg5[%run_scoped3A, %dma_wait3A_97, %dma_wait3A_98] : memref<3x2x400xi32, #tpu.memory_space<vmem>> -> memref<1x2x400xi32, #tpu.memory_space<vmem>>
      %dma_wait3A_100 = tpu.memref_squeeze %dma_wait3A_99 : memref<1x2x400xi32, #tpu.memory_space<vmem>> -> memref<2x400xi32, #tpu.memory_space<vmem>>
      %dma_wait3A_101 = arith.constant 0 : i32
      %dma_wait3A_102 = tpu.memref_slice %arg2[%dma_wait3A_101, %add3A_24] : memref<2x320000xi32, #tpu.memory_space<hbm>> -> memref<2x400xi32, #tpu.memory_space<hbm>>
      tpu.wait_dma2 semaphore(%run_scoped3A_78 : memref<!tpu.dma_semaphore, #tpu.memory_space<semaphore_mem>>) src(%dma_wait3A_102 : memref<2x400xi32, #tpu.memory_space<hbm>>) dst(%dma_wait3A_100 : memref<2x400xi32, #tpu.memory_space<vmem>>)
      tpu.yield
    }) : () -> ()
    %dma_start3A = arith.constant 0 : i32
    %dma_start3A_25 = arith.constant 0 : i32
    %dma_start3A_26 = arith.constant 0 : i32
    %dma_start3A_27 = tpu.memref_slice %arg5[%dma_start3A, %dma_start3A_25, %dma_start3A_26] : memref<3x2x400xi32, #tpu.memory_space<vmem>> -> memref<1x1x400xi32, #tpu.memory_space<vmem>>
    %dma_start3A_28 = tpu.memref_squeeze %dma_start3A_27 : memref<1x1x400xi32, #tpu.memory_space<vmem>> -> memref<400xi32, #tpu.memory_space<vmem>>
    %dma_start3A_29 = arith.constant 0 : i32
    %dma_start3A_30 = arith.constant 0 : i32
    %dma_start3A_31 = tpu.memref_slice %arg3[%dma_start3A_29, %dma_start3A_30] : memref<10000x64xf32, #tpu.memory_space<hbm>> -> memref<10000x64xf32, #tpu.memory_space<hbm>>
    tpu.enqueue_indirect_dma source(%dma_start3A_31 : memref<10000x64xf32, #tpu.memory_space<hbm>>) target(%arg6 : memref<400x64xf32, #tpu.memory_space<vmem>>) offsets(%dma_start3A_28 : memref<400xi32, #tpu.memory_space<vmem>>) semaphore(%arg10 : memref<!tpu.dma_semaphore, #tpu.memory_space<semaphore_mem>>)
    %add3A_32 = arith.constant 400 : i32
    %add3A_33 = arith.addi %mul3A_22, %add3A_32 : i32
    %run_scoped3A_34 = arith.constant 1 : i32
    "tpu.region"() ({
      %run_scoped3A_78 = tpu.sem_alloc : memref<!tpu.dma_semaphore, #tpu.memory_space<semaphore_mem>>
      %dma_start3A_79 = arith.constant 0 : i32
      %dma_start3A_80 = arith.constant 0 : i32
      %dma_start3A_81 = tpu.memref_slice %arg5[%run_scoped3A_34, %dma_start3A_79, %dma_start3A_80] : memref<3x2x400xi32, #tpu.memory_space<vmem>> -> memref<1x2x400xi32, #tpu.memory_space<vmem>>
      %dma_start3A_82 = tpu.memref_squeeze %dma_start3A_81 : memref<1x2x400xi32, #tpu.memory_space<vmem>> -> memref<2x400xi32, #tpu.memory_space<vmem>>
      %dma_start3A_83 = arith.constant 0 : i32
      %dma_start3A_84 = tpu.memref_slice %arg2[%dma_start3A_83, %add3A_33] : memref<2x320000xi32, #tpu.memory_space<hbm>> -> memref<2x400xi32, #tpu.memory_space<hbm>>
      %dma_start3A_85 = arith.constant 0 : i32
      %dma_start3A_86 = arith.constant 0 : i32
      %dma_start3A_87 = tpu.memref_slice %arg5[%run_scoped3A_34, %dma_start3A_85, %dma_start3A_86] : memref<3x2x400xi32, #tpu.memory_space<vmem>> -> memref<1x2x400xi32, #tpu.memory_space<vmem>>
      %dma_start3A_88 = tpu.memref_squeeze %dma_start3A_87 : memref<1x2x400xi32, #tpu.memory_space<vmem>> -> memref<2x400xi32, #tpu.memory_space<vmem>>
      %dma_start3A_89 = arith.constant 0 : i32
      %dma_start3A_90 = tpu.memref_slice %arg2[%dma_start3A_89, %add3A_33] : memref<2x320000xi32, #tpu.memory_space<hbm>> -> memref<2x400xi32, #tpu.memory_space<hbm>>
      tpu.enqueue_dma source(%dma_start3A_90 : memref<2x400xi32, #tpu.memory_space<hbm>>) target(%dma_start3A_88 : memref<2x400xi32, #tpu.memory_space<vmem>>) target_semaphore(%run_scoped3A_78 : memref<!tpu.dma_semaphore, #tpu.memory_space<semaphore_mem>>)
      %dma_wait3A_91 = arith.constant 0 : i32
      %dma_wait3A_92 = arith.constant 0 : i32
      %dma_wait3A_93 = tpu.memref_slice %arg5[%run_scoped3A_34, %dma_wait3A_91, %dma_wait3A_92] : memref<3x2x400xi32, #tpu.memory_space<vmem>> -> memref<1x2x400xi32, #tpu.memory_space<vmem>>
      %dma_wait3A_94 = tpu.memref_squeeze %dma_wait3A_93 : memref<1x2x400xi32, #tpu.memory_space<vmem>> -> memref<2x400xi32, #tpu.memory_space<vmem>>
      %dma_wait3A_95 = arith.constant 0 : i32
      %dma_wait3A_96 = tpu.memref_slice %arg2[%dma_wait3A_95, %add3A_33] : memref<2x320000xi32, #tpu.memory_space<hbm>> -> memref<2x400xi32, #tpu.memory_space<hbm>>
      %dma_wait3A_97 = arith.constant 0 : i32
      %dma_wait3A_98 = arith.constant 0 : i32
      %dma_wait3A_99 = tpu.memref_slice %arg5[%run_scoped3A_34, %dma_wait3A_97, %dma_wait3A_98] : memref<3x2x400xi32, #tpu.memory_space<vmem>> -> memref<1x2x400xi32, #tpu.memory_space<vmem>>
      %dma_wait3A_100 = tpu.memref_squeeze %dma_wait3A_99 : memref<1x2x400xi32, #tpu.memory_space<vmem>> -> memref<2x400xi32, #tpu.memory_space<vmem>>
      %dma_wait3A_101 = arith.constant 0 : i32
      %dma_wait3A_102 = tpu.memref_slice %arg2[%dma_wait3A_101, %add3A_33] : memref<2x320000xi32, #tpu.memory_space<hbm>> -> memref<2x400xi32, #tpu.memory_space<hbm>>
      tpu.wait_dma2 semaphore(%run_scoped3A_78 : memref<!tpu.dma_semaphore, #tpu.memory_space<semaphore_mem>>) src(%dma_wait3A_102 : memref<2x400xi32, #tpu.memory_space<hbm>>) dst(%dma_wait3A_100 : memref<2x400xi32, #tpu.memory_space<vmem>>)
      tpu.yield
    }) : () -> ()
    %dma_start3A_35 = arith.constant 1 : i32
    %dma_start3A_36 = arith.constant 0 : i32
    %dma_start3A_37 = arith.constant 0 : i32
    %dma_start3A_38 = tpu.memref_slice %arg5[%dma_start3A_35, %dma_start3A_36, %dma_start3A_37] : memref<3x2x400xi32, #tpu.memory_space<vmem>> -> memref<1x1x400xi32, #tpu.memory_space<vmem>>
    %dma_start3A_39 = tpu.memref_squeeze %dma_start3A_38 : memref<1x1x400xi32, #tpu.memory_space<vmem>> -> memref<400xi32, #tpu.memory_space<vmem>>
    %dma_start3A_40 = arith.constant 0 : i32
    %dma_start3A_41 = arith.constant 0 : i32
    %dma_start3A_42 = tpu.memref_slice %arg3[%dma_start3A_40, %dma_start3A_41] : memref<10000x64xf32, #tpu.memory_space<hbm>> -> memref<10000x64xf32, #tpu.memory_space<hbm>>
    tpu.enqueue_indirect_dma source(%dma_start3A_42 : memref<10000x64xf32, #tpu.memory_space<hbm>>) target(%arg7 : memref<400x64xf32, #tpu.memory_space<vmem>>) offsets(%dma_start3A_39 : memref<400xi32, #tpu.memory_space<vmem>>) semaphore(%arg11 : memref<!tpu.dma_semaphore, #tpu.memory_space<semaphore_mem>>)
    %scan3A_43 = arith.constant 0 : i32
    %scan3A_44 = arith.constant 0 : i32
    %scan3A_45 = arith.constant 9 : i32
    %scan3A_46 = arith.addi %scan3A_44, %scan3A_45 : i32
    %scan3A_47 = arith.constant 1 : i32
    %scan3A_48 = scf.for %scan3A_78 = %scan3A_44 to %scan3A_46 step %scan3A_47 iter_args(%scan3A_79 = %scan3A_43) -> (i32)  : i32 {
      %mul3A_80 = arith.constant 3 : i32
      %mul3A_81 = arith.muli %mul3A_80, %scan3A_78 : i32
      %add3A_82 = arith.constant 0 : i32
      %add3A_83 = arith.addi %mul3A_81, %add3A_82 : i32
      %lt3A = arith.constant 25 : i32
      %lt3A_84 = arith.cmpi slt, %add3A_83, %lt3A : i32
      %convert_element_type3A = arith.extui %lt3A_84 : i1 to i32
      %cond3A = arith.constant 0 : i32
      %cond3A_85 = arith.cmpi ne, %convert_element_type3A, %cond3A : i32
      scf.if %cond3A_85 {
        %dma_wait3A_105 = arith.constant 0 : i32
        %dma_wait3A_106 = arith.constant 0 : i32
        %dma_wait3A_107 = arith.constant 0 : i32
        %dma_wait3A_108 = tpu.memref_slice %arg5[%dma_wait3A_105, %dma_wait3A_106, %dma_wait3A_107] : memref<3x2x400xi32, #tpu.memory_space<vmem>> -> memref<1x1x400xi32, #tpu.memory_space<vmem>>
        %dma_wait3A_109 = tpu.memref_squeeze %dma_wait3A_108 : memref<1x1x400xi32, #tpu.memory_space<vmem>> -> memref<400xi32, #tpu.memory_space<vmem>>
        %dma_wait3A_110 = arith.constant 0 : i32
        %dma_wait3A_111 = arith.constant 0 : i32
        %dma_wait3A_112 = tpu.memref_slice %arg3[%dma_wait3A_110, %dma_wait3A_111] : memref<10000x64xf32, #tpu.memory_space<hbm>> -> memref<10000x64xf32, #tpu.memory_space<hbm>>
        tpu.wait_indirect_dma semaphore(%arg10 : memref<!tpu.dma_semaphore, #tpu.memory_space<semaphore_mem>>) src(%dma_wait3A_112 : memref<10000x64xf32, #tpu.memory_space<hbm>>) dst(%arg6 : memref<400x64xf32, #tpu.memory_space<vmem>>)
        %dma_start3A_113 = arith.constant 0 : i32
        %dma_start3A_114 = arith.constant 1 : i32
        %dma_start3A_115 = arith.constant 0 : i32
        %dma_start3A_116 = tpu.memref_slice %arg5[%dma_start3A_113, %dma_start3A_114, %dma_start3A_115] : memref<3x2x400xi32, #tpu.memory_space<vmem>> -> memref<1x1x400xi32, #tpu.memory_space<vmem>>
        %dma_start3A_117 = tpu.memref_squeeze %dma_start3A_116 : memref<1x1x400xi32, #tpu.memory_space<vmem>> -> memref<400xi32, #tpu.memory_space<vmem>>
        %dma_start3A_118 = arith.constant 0 : i32
        %dma_start3A_119 = arith.constant 0 : i32
        %dma_start3A_120 = tpu.memref_slice %arg9[%dma_start3A_118, %dma_start3A_119] : memref<10240x64xf32, #tpu.memory_space<vmem_shared>> -> memref<10240x64xf32, #tpu.memory_space<vmem_shared>>
        tpu.enqueue_indirect_dma source(%arg6 : memref<400x64xf32, #tpu.memory_space<vmem>>) target(%dma_start3A_120 : memref<10240x64xf32, #tpu.memory_space<vmem_shared>>) offsets(%dma_start3A_117 : memref<400xi32, #tpu.memory_space<vmem>>) semaphore(%arg13 : memref<!tpu.dma_semaphore, #tpu.memory_space<semaphore_mem>>) {add = true}
        %add3A_121 = arith.constant 3 : i32
        %add3A_122 = arith.addi %add3A_83, %add3A_121 : i32
        %sub3A = arith.constant 1 : i32
        %sub3A_123 = arith.subi %add3A_122, %sub3A : i32
        %lt3A_124 = arith.constant 25 : i32
        %lt3A_125 = arith.cmpi slt, %sub3A_123, %lt3A_124 : i32
        %convert_element_type3A_126 = arith.extui %lt3A_125 : i1 to i32
        %cond3A_127 = arith.constant 0 : i32
        %cond3A_128 = arith.cmpi ne, %convert_element_type3A_126, %cond3A_127 : i32
        scf.if %cond3A_128 {
          %ge3A = arith.constant 1 : i32
          %ge3A_129 = arith.cmpi sge, %add3A_83, %ge3A : i32
          %convert_element_type3A_130 = arith.extui %ge3A_129 : i1 to i32
          %cond3A_131 = arith.constant 0 : i32
          %cond3A_132 = arith.cmpi ne, %convert_element_type3A_130, %cond3A_131 : i32
          scf.if %cond3A_132 {
            %dma_wait3A_145 = arith.constant 2 : i32
            %dma_wait3A_146 = arith.constant 1 : i32
            %dma_wait3A_147 = arith.constant 0 : i32
            %dma_wait3A_148 = tpu.memref_slice %arg5[%dma_wait3A_145, %dma_wait3A_146, %dma_wait3A_147] : memref<3x2x400xi32, #tpu.memory_space<vmem>> -> memref<1x1x400xi32, #tpu.memory_space<vmem>>
            %dma_wait3A_149 = tpu.memref_squeeze %dma_wait3A_148 : memref<1x1x400xi32, #tpu.memory_space<vmem>> -> memref<400xi32, #tpu.memory_space<vmem>>
            %dma_wait3A_150 = arith.constant 0 : i32
            %dma_wait3A_151 = arith.constant 0 : i32
            %dma_wait3A_152 = tpu.memref_slice %arg9[%dma_wait3A_150, %dma_wait3A_151] : memref<10240x64xf32, #tpu.memory_space<vmem_shared>> -> memref<10240x64xf32, #tpu.memory_space<vmem_shared>>
            tpu.wait_indirect_dma semaphore(%arg15 : memref<!tpu.dma_semaphore, #tpu.memory_space<semaphore_mem>>) src(%arg8 : memref<400x64xf32, #tpu.memory_space<vmem>>) dst(%dma_wait3A_152 : memref<10240x64xf32, #tpu.memory_space<vmem_shared>>)
          } else {
          }
          %mul3A_133 = arith.constant 400 : i32
          %mul3A_134 = arith.muli %sub3A_123, %mul3A_133 : i32
          %add3A_135 = arith.addi %mul3A_22, %mul3A_134 : i32
          %run_scoped3A_136 = arith.constant 2 : i32
          "tpu.region"() ({
            %run_scoped3A_145 = tpu.sem_alloc : memref<!tpu.dma_semaphore, #tpu.memory_space<semaphore_mem>>
            %dma_start3A_146 = arith.constant 0 : i32
            %dma_start3A_147 = arith.constant 0 : i32
            %dma_start3A_148 = tpu.memref_slice %arg5[%run_scoped3A_136, %dma_start3A_146, %dma_start3A_147] : memref<3x2x400xi32, #tpu.memory_space<vmem>> -> memref<1x2x400xi32, #tpu.memory_space<vmem>>
            %dma_start3A_149 = tpu.memref_squeeze %dma_start3A_148 : memref<1x2x400xi32, #tpu.memory_space<vmem>> -> memref<2x400xi32, #tpu.memory_space<vmem>>
            %dma_start3A_150 = arith.constant 0 : i32
            %dma_start3A_151 = tpu.memref_slice %arg2[%dma_start3A_150, %add3A_135] : memref<2x320000xi32, #tpu.memory_space<hbm>> -> memref<2x400xi32, #tpu.memory_space<hbm>>
            %dma_start3A_152 = arith.constant 0 : i32
            %dma_start3A_153 = arith.constant 0 : i32
            %dma_start3A_154 = tpu.memref_slice %arg5[%run_scoped3A_136, %dma_start3A_152, %dma_start3A_153] : memref<3x2x400xi32, #tpu.memory_space<vmem>> -> memref<1x2x400xi32, #tpu.memory_space<vmem>>
            %dma_start3A_155 = tpu.memref_squeeze %dma_start3A_154 : memref<1x2x400xi32, #tpu.memory_space<vmem>> -> memref<2x400xi32, #tpu.memory_space<vmem>>
            %dma_start3A_156 = arith.constant 0 : i32
            %dma_start3A_157 = tpu.memref_slice %arg2[%dma_start3A_156, %add3A_135] : memref<2x320000xi32, #tpu.memory_space<hbm>> -> memref<2x400xi32, #tpu.memory_space<hbm>>
            tpu.enqueue_dma source(%dma_start3A_157 : memref<2x400xi32, #tpu.memory_space<hbm>>) target(%dma_start3A_155 : memref<2x400xi32, #tpu.memory_space<vmem>>) target_semaphore(%run_scoped3A_145 : memref<!tpu.dma_semaphore, #tpu.memory_space<semaphore_mem>>)
            %dma_wait3A_158 = arith.constant 0 : i32
            %dma_wait3A_159 = arith.constant 0 : i32
            %dma_wait3A_160 = tpu.memref_slice %arg5[%run_scoped3A_136, %dma_wait3A_158, %dma_wait3A_159] : memref<3x2x400xi32, #tpu.memory_space<vmem>> -> memref<1x2x400xi32, #tpu.memory_space<vmem>>
            %dma_wait3A_161 = tpu.memref_squeeze %dma_wait3A_160 : memref<1x2x400xi32, #tpu.memory_space<vmem>> -> memref<2x400xi32, #tpu.memory_space<vmem>>
            %dma_wait3A_162 = arith.constant 0 : i32
            %dma_wait3A_163 = tpu.memref_slice %arg2[%dma_wait3A_162, %add3A_135] : memref<2x320000xi32, #tpu.memory_space<hbm>> -> memref<2x400xi32, #tpu.memory_space<hbm>>
            %dma_wait3A_164 = arith.constant 0 : i32
            %dma_wait3A_165 = arith.constant 0 : i32
            %dma_wait3A_166 = tpu.memref_slice %arg5[%run_scoped3A_136, %dma_wait3A_164, %dma_wait3A_165] : memref<3x2x400xi32, #tpu.memory_space<vmem>> -> memref<1x2x400xi32, #tpu.memory_space<vmem>>
            %dma_wait3A_167 = tpu.memref_squeeze %dma_wait3A_166 : memref<1x2x400xi32, #tpu.memory_space<vmem>> -> memref<2x400xi32, #tpu.memory_space<vmem>>
            %dma_wait3A_168 = arith.constant 0 : i32
            %dma_wait3A_169 = tpu.memref_slice %arg2[%dma_wait3A_168, %add3A_135] : memref<2x320000xi32, #tpu.memory_space<hbm>> -> memref<2x400xi32, #tpu.memory_space<hbm>>
            tpu.wait_dma2 semaphore(%run_scoped3A_145 : memref<!tpu.dma_semaphore, #tpu.memory_space<semaphore_mem>>) src(%dma_wait3A_169 : memref<2x400xi32, #tpu.memory_space<hbm>>) dst(%dma_wait3A_167 : memref<2x400xi32, #tpu.memory_space<vmem>>)
            tpu.yield
          }) : () -> ()
          %dma_start3A_137 = arith.constant 2 : i32
          %dma_start3A_138 = arith.constant 0 : i32
          %dma_start3A_139 = arith.constant 0 : i32
          %dma_start3A_140 = tpu.memref_slice %arg5[%dma_start3A_137, %dma_start3A_138, %dma_start3A_139] : memref<3x2x400xi32, #tpu.memory_space<vmem>> -> memref<1x1x400xi32, #tpu.memory_space<vmem>>
          %dma_start3A_141 = tpu.memref_squeeze %dma_start3A_140 : memref<1x1x400xi32, #tpu.memory_space<vmem>> -> memref<400xi32, #tpu.memory_space<vmem>>
          %dma_start3A_142 = arith.constant 0 : i32
          %dma_start3A_143 = arith.constant 0 : i32
          %dma_start3A_144 = tpu.memref_slice %arg3[%dma_start3A_142, %dma_start3A_143] : memref<10000x64xf32, #tpu.memory_space<hbm>> -> memref<10000x64xf32, #tpu.memory_space<hbm>>
          tpu.enqueue_indirect_dma source(%dma_start3A_144 : memref<10000x64xf32, #tpu.memory_space<hbm>>) target(%arg8 : memref<400x64xf32, #tpu.memory_space<vmem>>) offsets(%dma_start3A_141 : memref<400xi32, #tpu.memory_space<vmem>>) semaphore(%arg12 : memref<!tpu.dma_semaphore, #tpu.memory_space<semaphore_mem>>)
        } else {
        }
      } else {
      }
      %mul3A_86 = arith.constant 3 : i32
      %mul3A_87 = arith.muli %mul3A_86, %scan3A_78 : i32
      %add3A_88 = arith.constant 1 : i32
      %add3A_89 = arith.addi %mul3A_87, %add3A_88 : i32
      %lt3A_90 = arith.constant 25 : i32
      %lt3A_91 = arith.cmpi slt, %add3A_89, %lt3A_90 : i32
      %convert_element_type3A_92 = arith.extui %lt3A_91 : i1 to i32
      %cond3A_93 = arith.constant 0 : i32
      %cond3A_94 = arith.cmpi ne, %convert_element_type3A_92, %cond3A_93 : i32
      scf.if %cond3A_94 {
        %dma_wait3A_105 = arith.constant 1 : i32
        %dma_wait3A_106 = arith.constant 0 : i32
        %dma_wait3A_107 = arith.constant 0 : i32
        %dma_wait3A_108 = tpu.memref_slice %arg5[%dma_wait3A_105, %dma_wait3A_106, %dma_wait3A_107] : memref<3x2x400xi32, #tpu.memory_space<vmem>> -> memref<1x1x400xi32, #tpu.memory_space<vmem>>
        %dma_wait3A_109 = tpu.memref_squeeze %dma_wait3A_108 : memref<1x1x400xi32, #tpu.memory_space<vmem>> -> memref<400xi32, #tpu.memory_space<vmem>>
        %dma_wait3A_110 = arith.constant 0 : i32
        %dma_wait3A_111 = arith.constant 0 : i32
        %dma_wait3A_112 = tpu.memref_slice %arg3[%dma_wait3A_110, %dma_wait3A_111] : memref<10000x64xf32, #tpu.memory_space<hbm>> -> memref<10000x64xf32, #tpu.memory_space<hbm>>
        tpu.wait_indirect_dma semaphore(%arg11 : memref<!tpu.dma_semaphore, #tpu.memory_space<semaphore_mem>>) src(%dma_wait3A_112 : memref<10000x64xf32, #tpu.memory_space<hbm>>) dst(%arg7 : memref<400x64xf32, #tpu.memory_space<vmem>>)
        %dma_start3A_113 = arith.constant 1 : i32
        %dma_start3A_114 = arith.constant 1 : i32
        %dma_start3A_115 = arith.constant 0 : i32
        %dma_start3A_116 = tpu.memref_slice %arg5[%dma_start3A_113, %dma_start3A_114, %dma_start3A_115] : memref<3x2x400xi32, #tpu.memory_space<vmem>> -> memref<1x1x400xi32, #tpu.memory_space<vmem>>
        %dma_start3A_117 = tpu.memref_squeeze %dma_start3A_116 : memref<1x1x400xi32, #tpu.memory_space<vmem>> -> memref<400xi32, #tpu.memory_space<vmem>>
        %dma_start3A_118 = arith.constant 0 : i32
        %dma_start3A_119 = arith.constant 0 : i32
        %dma_start3A_120 = tpu.memref_slice %arg9[%dma_start3A_118, %dma_start3A_119] : memref<10240x64xf32, #tpu.memory_space<vmem_shared>> -> memref<10240x64xf32, #tpu.memory_space<vmem_shared>>
        tpu.enqueue_indirect_dma source(%arg7 : memref<400x64xf32, #tpu.memory_space<vmem>>) target(%dma_start3A_120 : memref<10240x64xf32, #tpu.memory_space<vmem_shared>>) offsets(%dma_start3A_117 : memref<400xi32, #tpu.memory_space<vmem>>) semaphore(%arg14 : memref<!tpu.dma_semaphore, #tpu.memory_space<semaphore_mem>>) {add = true}
        %add3A_121 = arith.constant 3 : i32
        %add3A_122 = arith.addi %add3A_89, %add3A_121 : i32
        %sub3A = arith.constant 1 : i32
        %sub3A_123 = arith.subi %add3A_122, %sub3A : i32
        %lt3A_124 = arith.constant 25 : i32
        %lt3A_125 = arith.cmpi slt, %sub3A_123, %lt3A_124 : i32
        %convert_element_type3A_126 = arith.extui %lt3A_125 : i1 to i32
        %cond3A_127 = arith.constant 0 : i32
        %cond3A_128 = arith.cmpi ne, %convert_element_type3A_126, %cond3A_127 : i32
        scf.if %cond3A_128 {
          %ge3A = arith.constant 1 : i32
          %ge3A_129 = arith.cmpi sge, %add3A_89, %ge3A : i32
          %convert_element_type3A_130 = arith.extui %ge3A_129 : i1 to i32
          %cond3A_131 = arith.constant 0 : i32
          %cond3A_132 = arith.cmpi ne, %convert_element_type3A_130, %cond3A_131 : i32
          scf.if %cond3A_132 {
            %dma_wait3A_145 = arith.constant 0 : i32
            %dma_wait3A_146 = arith.constant 1 : i32
            %dma_wait3A_147 = arith.constant 0 : i32
            %dma_wait3A_148 = tpu.memref_slice %arg5[%dma_wait3A_145, %dma_wait3A_146, %dma_wait3A_147] : memref<3x2x400xi32, #tpu.memory_space<vmem>> -> memref<1x1x400xi32, #tpu.memory_space<vmem>>
            %dma_wait3A_149 = tpu.memref_squeeze %dma_wait3A_148 : memref<1x1x400xi32, #tpu.memory_space<vmem>> -> memref<400xi32, #tpu.memory_space<vmem>>
            %dma_wait3A_150 = arith.constant 0 : i32
            %dma_wait3A_151 = arith.constant 0 : i32
            %dma_wait3A_152 = tpu.memref_slice %arg9[%dma_wait3A_150, %dma_wait3A_151] : memref<10240x64xf32, #tpu.memory_space<vmem_shared>> -> memref<10240x64xf32, #tpu.memory_space<vmem_shared>>
            tpu.wait_indirect_dma semaphore(%arg13 : memref<!tpu.dma_semaphore, #tpu.memory_space<semaphore_mem>>) src(%arg6 : memref<400x64xf32, #tpu.memory_space<vmem>>) dst(%dma_wait3A_152 : memref<10240x64xf32, #tpu.memory_space<vmem_shared>>)
          } else {
          }
          %mul3A_133 = arith.constant 400 : i32
          %mul3A_134 = arith.muli %sub3A_123, %mul3A_133 : i32
          %add3A_135 = arith.addi %mul3A_22, %mul3A_134 : i32
          %run_scoped3A_136 = arith.constant 0 : i32
          "tpu.region"() ({
            %run_scoped3A_145 = tpu.sem_alloc : memref<!tpu.dma_semaphore, #tpu.memory_space<semaphore_mem>>
            %dma_start3A_146 = arith.constant 0 : i32
            %dma_start3A_147 = arith.constant 0 : i32
            %dma_start3A_148 = tpu.memref_slice %arg5[%run_scoped3A_136, %dma_start3A_146, %dma_start3A_147] : memref<3x2x400xi32, #tpu.memory_space<vmem>> -> memref<1x2x400xi32, #tpu.memory_space<vmem>>
            %dma_start3A_149 = tpu.memref_squeeze %dma_start3A_148 : memref<1x2x400xi32, #tpu.memory_space<vmem>> -> memref<2x400xi32, #tpu.memory_space<vmem>>
            %dma_start3A_150 = arith.constant 0 : i32
            %dma_start3A_151 = tpu.memref_slice %arg2[%dma_start3A_150, %add3A_135] : memref<2x320000xi32, #tpu.memory_space<hbm>> -> memref<2x400xi32, #tpu.memory_space<hbm>>
            %dma_start3A_152 = arith.constant 0 : i32
            %dma_start3A_153 = arith.constant 0 : i32
            %dma_start3A_154 = tpu.memref_slice %arg5[%run_scoped3A_136, %dma_start3A_152, %dma_start3A_153] : memref<3x2x400xi32, #tpu.memory_space<vmem>> -> memref<1x2x400xi32, #tpu.memory_space<vmem>>
            %dma_start3A_155 = tpu.memref_squeeze %dma_start3A_154 : memref<1x2x400xi32, #tpu.memory_space<vmem>> -> memref<2x400xi32, #tpu.memory_space<vmem>>
            %dma_start3A_156 = arith.constant 0 : i32
            %dma_start3A_157 = tpu.memref_slice %arg2[%dma_start3A_156, %add3A_135] : memref<2x320000xi32, #tpu.memory_space<hbm>> -> memref<2x400xi32, #tpu.memory_space<hbm>>
            tpu.enqueue_dma source(%dma_start3A_157 : memref<2x400xi32, #tpu.memory_space<hbm>>) target(%dma_start3A_155 : memref<2x400xi32, #tpu.memory_space<vmem>>) target_semaphore(%run_scoped3A_145 : memref<!tpu.dma_semaphore, #tpu.memory_space<semaphore_mem>>)
            %dma_wait3A_158 = arith.constant 0 : i32
            %dma_wait3A_159 = arith.constant 0 : i32
            %dma_wait3A_160 = tpu.memref_slice %arg5[%run_scoped3A_136, %dma_wait3A_158, %dma_wait3A_159] : memref<3x2x400xi32, #tpu.memory_space<vmem>> -> memref<1x2x400xi32, #tpu.memory_space<vmem>>
            %dma_wait3A_161 = tpu.memref_squeeze %dma_wait3A_160 : memref<1x2x400xi32, #tpu.memory_space<vmem>> -> memref<2x400xi32, #tpu.memory_space<vmem>>
            %dma_wait3A_162 = arith.constant 0 : i32
            %dma_wait3A_163 = tpu.memref_slice %arg2[%dma_wait3A_162, %add3A_135] : memref<2x320000xi32, #tpu.memory_space<hbm>> -> memref<2x400xi32, #tpu.memory_space<hbm>>
            %dma_wait3A_164 = arith.constant 0 : i32
            %dma_wait3A_165 = arith.constant 0 : i32
            %dma_wait3A_166 = tpu.memref_slice %arg5[%run_scoped3A_136, %dma_wait3A_164, %dma_wait3A_165] : memref<3x2x400xi32, #tpu.memory_space<vmem>> -> memref<1x2x400xi32, #tpu.memory_space<vmem>>
            %dma_wait3A_167 = tpu.memref_squeeze %dma_wait3A_166 : memref<1x2x400xi32, #tpu.memory_space<vmem>> -> memref<2x400xi32, #tpu.memory_space<vmem>>
            %dma_wait3A_168 = arith.constant 0 : i32
            %dma_wait3A_169 = tpu.memref_slice %arg2[%dma_wait3A_168, %add3A_135] : memref<2x320000xi32, #tpu.memory_space<hbm>> -> memref<2x400xi32, #tpu.memory_space<hbm>>
            tpu.wait_dma2 semaphore(%run_scoped3A_145 : memref<!tpu.dma_semaphore, #tpu.memory_space<semaphore_mem>>) src(%dma_wait3A_169 : memref<2x400xi32, #tpu.memory_space<hbm>>) dst(%dma_wait3A_167 : memref<2x400xi32, #tpu.memory_space<vmem>>)
            tpu.yield
          }) : () -> ()
          %dma_start3A_137 = arith.constant 0 : i32
          %dma_start3A_138 = arith.constant 0 : i32
          %dma_start3A_139 = arith.constant 0 : i32
          %dma_start3A_140 = tpu.memref_slice %arg5[%dma_start3A_137, %dma_start3A_138, %dma_start3A_139] : memref<3x2x400xi32, #tpu.memory_space<vmem>> -> memref<1x1x400xi32, #tpu.memory_space<vmem>>
          %dma_start3A_141 = tpu.memref_squeeze %dma_start3A_140 : memref<1x1x400xi32, #tpu.memory_space<vmem>> -> memref<400xi32, #tpu.memory_space<vmem>>
          %dma_start3A_142 = arith.constant 0 : i32
          %dma_start3A_143 = arith.constant 0 : i32
          %dma_start3A_144 = tpu.memref_slice %arg3[%dma_start3A_142, %dma_start3A_143] : memref<10000x64xf32, #tpu.memory_space<hbm>> -> memref<10000x64xf32, #tpu.memory_space<hbm>>
          tpu.enqueue_indirect_dma source(%dma_start3A_144 : memref<10000x64xf32, #tpu.memory_space<hbm>>) target(%arg6 : memref<400x64xf32, #tpu.memory_space<vmem>>) offsets(%dma_start3A_141 : memref<400xi32, #tpu.memory_space<vmem>>) semaphore(%arg10 : memref<!tpu.dma_semaphore, #tpu.memory_space<semaphore_mem>>)
        } else {
        }
      } else {
      }
      %mul3A_95 = arith.constant 3 : i32
      %mul3A_96 = arith.muli %mul3A_95, %scan3A_78 : i32
      %add3A_97 = arith.constant 2 : i32
      %add3A_98 = arith.addi %mul3A_96, %add3A_97 : i32
      %lt3A_99 = arith.constant 25 : i32
      %lt3A_100 = arith.cmpi slt, %add3A_98, %lt3A_99 : i32
      %convert_element_type3A_101 = arith.extui %lt3A_100 : i1 to i32
      %cond3A_102 = arith.constant 0 : i32
      %cond3A_103 = arith.cmpi ne, %convert_element_type3A_101, %cond3A_102 : i32
      scf.if %cond3A_103 {
        %dma_wait3A_105 = arith.constant 2 : i32
        %dma_wait3A_106 = arith.constant 0 : i32
        %dma_wait3A_107 = arith.constant 0 : i32
        %dma_wait3A_108 = tpu.memref_slice %arg5[%dma_wait3A_105, %dma_wait3A_106, %dma_wait3A_107] : memref<3x2x400xi32, #tpu.memory_space<vmem>> -> memref<1x1x400xi32, #tpu.memory_space<vmem>>
        %dma_wait3A_109 = tpu.memref_squeeze %dma_wait3A_108 : memref<1x1x400xi32, #tpu.memory_space<vmem>> -> memref<400xi32, #tpu.memory_space<vmem>>
        %dma_wait3A_110 = arith.constant 0 : i32
        %dma_wait3A_111 = arith.constant 0 : i32
        %dma_wait3A_112 = tpu.memref_slice %arg3[%dma_wait3A_110, %dma_wait3A_111] : memref<10000x64xf32, #tpu.memory_space<hbm>> -> memref<10000x64xf32, #tpu.memory_space<hbm>>
        tpu.wait_indirect_dma semaphore(%arg12 : memref<!tpu.dma_semaphore, #tpu.memory_space<semaphore_mem>>) src(%dma_wait3A_112 : memref<10000x64xf32, #tpu.memory_space<hbm>>) dst(%arg8 : memref<400x64xf32, #tpu.memory_space<vmem>>)
        %dma_start3A_113 = arith.constant 2 : i32
        %dma_start3A_114 = arith.constant 1 : i32
        %dma_start3A_115 = arith.constant 0 : i32
        %dma_start3A_116 = tpu.memref_slice %arg5[%dma_start3A_113, %dma_start3A_114, %dma_start3A_115] : memref<3x2x400xi32, #tpu.memory_space<vmem>> -> memref<1x1x400xi32, #tpu.memory_space<vmem>>
        %dma_start3A_117 = tpu.memref_squeeze %dma_start3A_116 : memref<1x1x400xi32, #tpu.memory_space<vmem>> -> memref<400xi32, #tpu.memory_space<vmem>>
        %dma_start3A_118 = arith.constant 0 : i32
        %dma_start3A_119 = arith.constant 0 : i32
        %dma_start3A_120 = tpu.memref_slice %arg9[%dma_start3A_118, %dma_start3A_119] : memref<10240x64xf32, #tpu.memory_space<vmem_shared>> -> memref<10240x64xf32, #tpu.memory_space<vmem_shared>>
        tpu.enqueue_indirect_dma source(%arg8 : memref<400x64xf32, #tpu.memory_space<vmem>>) target(%dma_start3A_120 : memref<10240x64xf32, #tpu.memory_space<vmem_shared>>) offsets(%dma_start3A_117 : memref<400xi32, #tpu.memory_space<vmem>>) semaphore(%arg15 : memref<!tpu.dma_semaphore, #tpu.memory_space<semaphore_mem>>) {add = true}
        %add3A_121 = arith.constant 3 : i32
        %add3A_122 = arith.addi %add3A_98, %add3A_121 : i32
        %sub3A = arith.constant 1 : i32
        %sub3A_123 = arith.subi %add3A_122, %sub3A : i32
        %lt3A_124 = arith.constant 25 : i32
        %lt3A_125 = arith.cmpi slt, %sub3A_123, %lt3A_124 : i32
        %convert_element_type3A_126 = arith.extui %lt3A_125 : i1 to i32
        %cond3A_127 = arith.constant 0 : i32
        %cond3A_128 = arith.cmpi ne, %convert_element_type3A_126, %cond3A_127 : i32
        scf.if %cond3A_128 {
          %ge3A = arith.constant 1 : i32
          %ge3A_129 = arith.cmpi sge, %add3A_98, %ge3A : i32
          %convert_element_type3A_130 = arith.extui %ge3A_129 : i1 to i32
          %cond3A_131 = arith.constant 0 : i32
          %cond3A_132 = arith.cmpi ne, %convert_element_type3A_130, %cond3A_131 : i32
          scf.if %cond3A_132 {
            %dma_wait3A_145 = arith.constant 1 : i32
            %dma_wait3A_146 = arith.constant 1 : i32
            %dma_wait3A_147 = arith.constant 0 : i32
            %dma_wait3A_148 = tpu.memref_slice %arg5[%dma_wait3A_145, %dma_wait3A_146, %dma_wait3A_147] : memref<3x2x400xi32, #tpu.memory_space<vmem>> -> memref<1x1x400xi32, #tpu.memory_space<vmem>>
            %dma_wait3A_149 = tpu.memref_squeeze %dma_wait3A_148 : memref<1x1x400xi32, #tpu.memory_space<vmem>> -> memref<400xi32, #tpu.memory_space<vmem>>
            %dma_wait3A_150 = arith.constant 0 : i32
            %dma_wait3A_151 = arith.constant 0 : i32
            %dma_wait3A_152 = tpu.memref_slice %arg9[%dma_wait3A_150, %dma_wait3A_151] : memref<10240x64xf32, #tpu.memory_space<vmem_shared>> -> memref<10240x64xf32, #tpu.memory_space<vmem_shared>>
            tpu.wait_indirect_dma semaphore(%arg14 : memref<!tpu.dma_semaphore, #tpu.memory_space<semaphore_mem>>) src(%arg7 : memref<400x64xf32, #tpu.memory_space<vmem>>) dst(%dma_wait3A_152 : memref<10240x64xf32, #tpu.memory_space<vmem_shared>>)
          } else {
          }
          %mul3A_133 = arith.constant 400 : i32
          %mul3A_134 = arith.muli %sub3A_123, %mul3A_133 : i32
          %add3A_135 = arith.addi %mul3A_22, %mul3A_134 : i32
          %run_scoped3A_136 = arith.constant 1 : i32
          "tpu.region"() ({
            %run_scoped3A_145 = tpu.sem_alloc : memref<!tpu.dma_semaphore, #tpu.memory_space<semaphore_mem>>
            %dma_start3A_146 = arith.constant 0 : i32
            %dma_start3A_147 = arith.constant 0 : i32
            %dma_start3A_148 = tpu.memref_slice %arg5[%run_scoped3A_136, %dma_start3A_146, %dma_start3A_147] : memref<3x2x400xi32, #tpu.memory_space<vmem>> -> memref<1x2x400xi32, #tpu.memory_space<vmem>>
            %dma_start3A_149 = tpu.memref_squeeze %dma_start3A_148 : memref<1x2x400xi32, #tpu.memory_space<vmem>> -> memref<2x400xi32, #tpu.memory_space<vmem>>
            %dma_start3A_150 = arith.constant 0 : i32
            %dma_start3A_151 = tpu.memref_slice %arg2[%dma_start3A_150, %add3A_135] : memref<2x320000xi32, #tpu.memory_space<hbm>> -> memref<2x400xi32, #tpu.memory_space<hbm>>
            %dma_start3A_152 = arith.constant 0 : i32
            %dma_start3A_153 = arith.constant 0 : i32
            %dma_start3A_154 = tpu.memref_slice %arg5[%run_scoped3A_136, %dma_start3A_152, %dma_start3A_153] : memref<3x2x400xi32, #tpu.memory_space<vmem>> -> memref<1x2x400xi32, #tpu.memory_space<vmem>>
            %dma_start3A_155 = tpu.memref_squeeze %dma_start3A_154 : memref<1x2x400xi32, #tpu.memory_space<vmem>> -> memref<2x400xi32, #tpu.memory_space<vmem>>
            %dma_start3A_156 = arith.constant 0 : i32
            %dma_start3A_157 = tpu.memref_slice %arg2[%dma_start3A_156, %add3A_135] : memref<2x320000xi32, #tpu.memory_space<hbm>> -> memref<2x400xi32, #tpu.memory_space<hbm>>
            tpu.enqueue_dma source(%dma_start3A_157 : memref<2x400xi32, #tpu.memory_space<hbm>>) target(%dma_start3A_155 : memref<2x400xi32, #tpu.memory_space<vmem>>) target_semaphore(%run_scoped3A_145 : memref<!tpu.dma_semaphore, #tpu.memory_space<semaphore_mem>>)
            %dma_wait3A_158 = arith.constant 0 : i32
            %dma_wait3A_159 = arith.constant 0 : i32
            %dma_wait3A_160 = tpu.memref_slice %arg5[%run_scoped3A_136, %dma_wait3A_158, %dma_wait3A_159] : memref<3x2x400xi32, #tpu.memory_space<vmem>> -> memref<1x2x400xi32, #tpu.memory_space<vmem>>
            %dma_wait3A_161 = tpu.memref_squeeze %dma_wait3A_160 : memref<1x2x400xi32, #tpu.memory_space<vmem>> -> memref<2x400xi32, #tpu.memory_space<vmem>>
            %dma_wait3A_162 = arith.constant 0 : i32
            %dma_wait3A_163 = tpu.memref_slice %arg2[%dma_wait3A_162, %add3A_135] : memref<2x320000xi32, #tpu.memory_space<hbm>> -> memref<2x400xi32, #tpu.memory_space<hbm>>
            %dma_wait3A_164 = arith.constant 0 : i32
            %dma_wait3A_165 = arith.constant 0 : i32
            %dma_wait3A_166 = tpu.memref_slice %arg5[%run_scoped3A_136, %dma_wait3A_164, %dma_wait3A_165] : memref<3x2x400xi32, #tpu.memory_space<vmem>> -> memref<1x2x400xi32, #tpu.memory_space<vmem>>
            %dma_wait3A_167 = tpu.memref_squeeze %dma_wait3A_166 : memref<1x2x400xi32, #tpu.memory_space<vmem>> -> memref<2x400xi32, #tpu.memory_space<vmem>>
            %dma_wait3A_168 = arith.constant 0 : i32
            %dma_wait3A_169 = tpu.memref_slice %arg2[%dma_wait3A_168, %add3A_135] : memref<2x320000xi32, #tpu.memory_space<hbm>> -> memref<2x400xi32, #tpu.memory_space<hbm>>
            tpu.wait_dma2 semaphore(%run_scoped3A_145 : memref<!tpu.dma_semaphore, #tpu.memory_space<semaphore_mem>>) src(%dma_wait3A_169 : memref<2x400xi32, #tpu.memory_space<hbm>>) dst(%dma_wait3A_167 : memref<2x400xi32, #tpu.memory_space<vmem>>)
            tpu.yield
          }) : () -> ()
          %dma_start3A_137 = arith.constant 1 : i32
          %dma_start3A_138 = arith.constant 0 : i32
          %dma_start3A_139 = arith.constant 0 : i32
          %dma_start3A_140 = tpu.memref_slice %arg5[%dma_start3A_137, %dma_start3A_138, %dma_start3A_139] : memref<3x2x400xi32, #tpu.memory_space<vmem>> -> memref<1x1x400xi32, #tpu.memory_space<vmem>>
          %dma_start3A_141 = tpu.memref_squeeze %dma_start3A_140 : memref<1x1x400xi32, #tpu.memory_space<vmem>> -> memref<400xi32, #tpu.memory_space<vmem>>
          %dma_start3A_142 = arith.constant 0 : i32
          %dma_start3A_143 = arith.constant 0 : i32
          %dma_start3A_144 = tpu.memref_slice %arg3[%dma_start3A_142, %dma_start3A_143] : memref<10000x64xf32, #tpu.memory_space<hbm>> -> memref<10000x64xf32, #tpu.memory_space<hbm>>
          tpu.enqueue_indirect_dma source(%dma_start3A_144 : memref<10000x64xf32, #tpu.memory_space<hbm>>) target(%arg7 : memref<400x64xf32, #tpu.memory_space<vmem>>) offsets(%dma_start3A_141 : memref<400xi32, #tpu.memory_space<vmem>>) semaphore(%arg11 : memref<!tpu.dma_semaphore, #tpu.memory_space<semaphore_mem>>)
        } else {
        }
      } else {
      }
      %scan3A_104 = arith.constant 0 : i32
      scf.yield %scan3A_104 : i32
    }
    %scan3A_49 = arith.constant 9 : i32
    %dma_wait3A = arith.constant 0 : i32
    %dma_wait3A_50 = arith.constant 1 : i32
    %dma_wait3A_51 = arith.constant 0 : i32
    %dma_wait3A_52 = tpu.memref_slice %arg5[%dma_wait3A, %dma_wait3A_50, %dma_wait3A_51] : memref<3x2x400xi32, #tpu.memory_space<vmem>> -> memref<1x1x400xi32, #tpu.memory_space<vmem>>
    %dma_wait3A_53 = tpu.memref_squeeze %dma_wait3A_52 : memref<1x1x400xi32, #tpu.memory_space<vmem>> -> memref<400xi32, #tpu.memory_space<vmem>>
    %dma_wait3A_54 = arith.constant 0 : i32
    %dma_wait3A_55 = arith.constant 0 : i32
    %dma_wait3A_56 = tpu.memref_slice %arg9[%dma_wait3A_54, %dma_wait3A_55] : memref<10240x64xf32, #tpu.memory_space<vmem_shared>> -> memref<10240x64xf32, #tpu.memory_space<vmem_shared>>
    tpu.wait_indirect_dma semaphore(%arg13 : memref<!tpu.dma_semaphore, #tpu.memory_space<semaphore_mem>>) src(%arg6 : memref<400x64xf32, #tpu.memory_space<vmem>>) dst(%dma_wait3A_56 : memref<10240x64xf32, #tpu.memory_space<vmem_shared>>)
    %dma_wait3A_57 = arith.constant 1 : i32
    %dma_wait3A_58 = arith.constant 1 : i32
    %dma_wait3A_59 = arith.constant 0 : i32
    %dma_wait3A_60 = tpu.memref_slice %arg5[%dma_wait3A_57, %dma_wait3A_58, %dma_wait3A_59] : memref<3x2x400xi32, #tpu.memory_space<vmem>> -> memref<1x1x400xi32, #tpu.memory_space<vmem>>
    %dma_wait3A_61 = tpu.memref_squeeze %dma_wait3A_60 : memref<1x1x400xi32, #tpu.memory_space<vmem>> -> memref<400xi32, #tpu.memory_space<vmem>>
    %dma_wait3A_62 = arith.constant 0 : i32
    %dma_wait3A_63 = arith.constant 0 : i32
    %dma_wait3A_64 = tpu.memref_slice %arg9[%dma_wait3A_62, %dma_wait3A_63] : memref<10240x64xf32, #tpu.memory_space<vmem_shared>> -> memref<10240x64xf32, #tpu.memory_space<vmem_shared>>
    tpu.wait_indirect_dma semaphore(%arg14 : memref<!tpu.dma_semaphore, #tpu.memory_space<semaphore_mem>>) src(%arg7 : memref<400x64xf32, #tpu.memory_space<vmem>>) dst(%dma_wait3A_64 : memref<10240x64xf32, #tpu.memory_space<vmem_shared>>)
    %dma_wait3A_65 = arith.constant 2 : i32
    %dma_wait3A_66 = arith.constant 1 : i32
    %dma_wait3A_67 = arith.constant 0 : i32
    %dma_wait3A_68 = tpu.memref_slice %arg5[%dma_wait3A_65, %dma_wait3A_66, %dma_wait3A_67] : memref<3x2x400xi32, #tpu.memory_space<vmem>> -> memref<1x1x400xi32, #tpu.memory_space<vmem>>
    %dma_wait3A_69 = tpu.memref_squeeze %dma_wait3A_68 : memref<1x1x400xi32, #tpu.memory_space<vmem>> -> memref<400xi32, #tpu.memory_space<vmem>>
    %dma_wait3A_70 = arith.constant 0 : i32
    %dma_wait3A_71 = arith.constant 0 : i32
    %dma_wait3A_72 = tpu.memref_slice %arg9[%dma_wait3A_70, %dma_wait3A_71] : memref<10240x64xf32, #tpu.memory_space<vmem_shared>> -> memref<10240x64xf32, #tpu.memory_space<vmem_shared>>
    tpu.wait_indirect_dma semaphore(%arg15 : memref<!tpu.dma_semaphore, #tpu.memory_space<semaphore_mem>>) src(%arg8 : memref<400x64xf32, #tpu.memory_space<vmem>>) dst(%dma_wait3A_72 : memref<10240x64xf32, #tpu.memory_space<vmem_shared>>)
    %barrier3A_73 = arith.constant 0 : index
    tpu.barrier barrier_id(%barrier3A_73)
    %mul3A_74 = arith.constant 640 : i32
    %mul3A_75 = arith.muli %arg1, %mul3A_74 : i32
    %mul3A_76 = arith.constant 640 : i32
    %mul3A_77 = arith.muli %arg1, %mul3A_76 : i32
    "tpu.region"() ({
      %run_scoped3A_78 = tpu.sem_alloc : memref<!tpu.dma_semaphore, #tpu.memory_space<semaphore_mem>>
      %dma_start3A_79 = arith.constant 0 : i32
      %dma_start3A_80 = tpu.memref_slice %arg4[%arg0, %mul3A_77, %dma_start3A_79] : memref<2x10240x64xf32, #tpu.memory_space<hbm>> -> memref<1x640x64xf32, #tpu.memory_space<hbm>>
      %dma_start3A_81 = tpu.memref_squeeze %dma_start3A_80 : memref<1x640x64xf32, #tpu.memory_space<hbm>> -> memref<640x64xf32, #tpu.memory_space<hbm>>
      %dma_start3A_82 = arith.constant 0 : i32
      %dma_start3A_83 = tpu.memref_slice %arg9[%mul3A_75, %dma_start3A_82] : memref<10240x64xf32, #tpu.memory_space<vmem_shared>> -> memref<640x64xf32, #tpu.memory_space<vmem_shared>>
      tpu.enqueue_dma source(%dma_start3A_83 : memref<640x64xf32, #tpu.memory_space<vmem_shared>>) target(%dma_start3A_81 : memref<640x64xf32, #tpu.memory_space<hbm>>) target_semaphore(%run_scoped3A_78 : memref<!tpu.dma_semaphore, #tpu.memory_space<semaphore_mem>>)
      %dma_wait3A_84 = arith.constant 0 : i32
      %dma_wait3A_85 = tpu.memref_slice %arg4[%arg0, %mul3A_77, %dma_wait3A_84] : memref<2x10240x64xf32, #tpu.memory_space<hbm>> -> memref<1x640x64xf32, #tpu.memory_space<hbm>>
      %dma_wait3A_86 = tpu.memref_squeeze %dma_wait3A_85 : memref<1x640x64xf32, #tpu.memory_space<hbm>> -> memref<640x64xf32, #tpu.memory_space<hbm>>
      %dma_wait3A_87 = arith.constant 0 : i32
      %dma_wait3A_88 = tpu.memref_slice %arg9[%mul3A_75, %dma_wait3A_87] : memref<10240x64xf32, #tpu.memory_space<vmem_shared>> -> memref<640x64xf32, #tpu.memory_space<vmem_shared>>
      tpu.wait_dma2 semaphore(%run_scoped3A_78 : memref<!tpu.dma_semaphore, #tpu.memory_space<semaphore_mem>>) src(%dma_wait3A_88 : memref<640x64xf32, #tpu.memory_space<vmem_shared>>) dst(%dma_wait3A_86 : memref<640x64xf32, #tpu.memory_space<hbm>>)
      tpu.yield
    }) : () -> ()
    return
  }
}

#map = affine_map<(d0, d1) -> (0, 0)>
#map1 = affine_map<(d0, d1) -> (0, 0, 0)>
module attributes {stable_mosaic.version = 14 : i64} {
  func.func @agg(%arg0: i32, %arg1: i32, %arg2: memref<2x320000xi32, #tpu.memory_space<hbm>>, %arg3: memref<10000x16xf32, #tpu.memory_space<hbm>>, %arg4: memref<2x10240x16xf32, #tpu.memory_space<hbm>>, %arg5: memref<3x2x400xi32, #tpu.memory_space<vmem>>, %arg6: memref<400x16xf32, #tpu.memory_space<vmem>>, %arg7: memref<400x16xf32, #tpu.memory_space<vmem>>, %arg8: memref<400x16xf32, #tpu.memory_space<vmem>>, %arg9: memref<10240x16xf32, #tpu.memory_space<vmem_shared>>, %arg10: memref<!tpu.dma_semaphore, #tpu.memory_space<semaphore_mem>>, %arg11: memref<!tpu.dma_semaphore, #tpu.memory_space<semaphore_mem>>, %arg12: memref<!tpu.dma_semaphore, #tpu.memory_space<semaphore_mem>>, %arg13: memref<!tpu.dma_semaphore, #tpu.memory_space<semaphore_mem>>, %arg14: memref<!tpu.dma_semaphore, #tpu.memory_space<semaphore_mem>>, %arg15: memref<!tpu.dma_semaphore, #tpu.memory_space<semaphore_mem>>) attributes {dimension_semantics = [#tpu.dimension_semantics<core_parallel>, #tpu.dimension_semantics<subcore_parallel>], iteration_bounds = array<i64: 2, 16>, scalar_prefetch = 0 : i64, scratch_operands = 11 : i64, tpu.core_type = #tpu.core_type<sc_vector_subcore>, window_params = [{transform_indices = #map}, {transform_indices = #map}, {transform_indices = #map1}]} {
    %mul3A = arith.constant 2 : i32
    %mul3A_0 = arith.muli %arg1, %mul3A : i32
    %add3A = arith.addi %mul3A_0, %arg0 : i32
    %broadcast_in_dim3A = arith.constant 0.000000e+00 : f32
    %broadcast_in_dim3A_1 = vector.broadcast %broadcast_in_dim3A : f32 to vector<16xf32>
    %scan3A = arith.constant 0 : i32
    %scan3A_2 = arith.constant 0 : i32
    %scan3A_3 = arith.constant 100 : i32
    %scan3A_4 = arith.addi %scan3A_2, %scan3A_3 : i32
    %scan3A_5 = arith.constant 1 : i32
    %scan3A_6 = scf.for %scan3A_78 = %scan3A_2 to %scan3A_4 step %scan3A_5 iter_args(%scan3A_79 = %scan3A) -> (i32)  : i32 {
      %mul3A_80 = arith.constant 4 : i32
      %mul3A_81 = arith.muli %scan3A_78, %mul3A_80 : i32
      %add3A_82 = arith.constant 0 : i32
      %add3A_83 = arith.addi %mul3A_81, %add3A_82 : i32
      %swap3A = arith.index_cast %add3A_83 : i32 to index
      %swap3A_84 = arith.constant 0 : index
      %swap3A_85 = tpu.vector_load %arg6[%swap3A, %swap3A_84] {strides = array<i32>} : memref<400x16xf32, #tpu.memory_space<vmem>>, vector<1x16xf32>,
      %swap3A_86 = vector.shape_cast %swap3A_85 : vector<1x16xf32> to vector<16xf32>
      %swap3A_87 = vector.shape_cast %broadcast_in_dim3A_1 : vector<16xf32> to vector<1x16xf32>
      tpu.vector_store %arg6[%swap3A, %swap3A_84], %swap3A_87 {strides = array<i32>} : memref<400x16xf32, #tpu.memory_space<vmem>>, vector<1x16xf32>,
      %mul3A_88 = arith.constant 4 : i32
      %mul3A_89 = arith.muli %scan3A_78, %mul3A_88 : i32
      %add3A_90 = arith.constant 1 : i32
      %add3A_91 = arith.addi %mul3A_89, %add3A_90 : i32
      %swap3A_92 = arith.index_cast %add3A_91 : i32 to index
      %swap3A_93 = arith.constant 0 : index
      %swap3A_94 = tpu.vector_load %arg6[%swap3A_92, %swap3A_93] {strides = array<i32>} : memref<400x16xf32, #tpu.memory_space<vmem>>, vector<1x16xf32>,
      %swap3A_95 = vector.shape_cast %swap3A_94 : vector<1x16xf32> to vector<16xf32>
      %swap3A_96 = vector.shape_cast %broadcast_in_dim3A_1 : vector<16xf32> to vector<1x16xf32>
      tpu.vector_store %arg6[%swap3A_92, %swap3A_93], %swap3A_96 {strides = array<i32>} : memref<400x16xf32, #tpu.memory_space<vmem>>, vector<1x16xf32>,
      %mul3A_97 = arith.constant 4 : i32
      %mul3A_98 = arith.muli %scan3A_78, %mul3A_97 : i32
      %add3A_99 = arith.constant 2 : i32
      %add3A_100 = arith.addi %mul3A_98, %add3A_99 : i32
      %swap3A_101 = arith.index_cast %add3A_100 : i32 to index
      %swap3A_102 = arith.constant 0 : index
      %swap3A_103 = tpu.vector_load %arg6[%swap3A_101, %swap3A_102] {strides = array<i32>} : memref<400x16xf32, #tpu.memory_space<vmem>>, vector<1x16xf32>,
      %swap3A_104 = vector.shape_cast %swap3A_103 : vector<1x16xf32> to vector<16xf32>
      %swap3A_105 = vector.shape_cast %broadcast_in_dim3A_1 : vector<16xf32> to vector<1x16xf32>
      tpu.vector_store %arg6[%swap3A_101, %swap3A_102], %swap3A_105 {strides = array<i32>} : memref<400x16xf32, #tpu.memory_space<vmem>>, vector<1x16xf32>,
      %mul3A_106 = arith.constant 4 : i32
      %mul3A_107 = arith.muli %scan3A_78, %mul3A_106 : i32
      %add3A_108 = arith.constant 3 : i32
      %add3A_109 = arith.addi %mul3A_107, %add3A_108 : i32
      %swap3A_110 = arith.index_cast %add3A_109 : i32 to index
      %swap3A_111 = arith.constant 0 : index
      %swap3A_112 = tpu.vector_load %arg6[%swap3A_110, %swap3A_111] {strides = array<i32>} : memref<400x16xf32, #tpu.memory_space<vmem>>, vector<1x16xf32>,
      %swap3A_113 = vector.shape_cast %swap3A_112 : vector<1x16xf32> to vector<16xf32>
      %swap3A_114 = vector.shape_cast %broadcast_in_dim3A_1 : vector<16xf32> to vector<1x16xf32>
      tpu.vector_store %arg6[%swap3A_110, %swap3A_111], %swap3A_114 {strides = array<i32>} : memref<400x16xf32, #tpu.memory_space<vmem>>, vector<1x16xf32>,
      %scan3A_115 = arith.constant 0 : i32
      scf.yield %scan3A_115 : i32
    }
    %scan3A_7 = arith.constant 100 : i32
    %scan3A_8 = arith.constant 0 : i32
    %scan3A_9 = arith.constant 0 : i32
    %scan3A_10 = arith.constant 60 : i32
    %scan3A_11 = arith.addi %scan3A_9, %scan3A_10 : i32
    %scan3A_12 = arith.constant 1 : i32
    %scan3A_13 = scf.for %scan3A_78 = %scan3A_9 to %scan3A_11 step %scan3A_12 iter_args(%scan3A_79 = %scan3A_8) -> (i32)  : i32 {
      %mul3A_80 = arith.constant 4 : i32
      %mul3A_81 = arith.muli %scan3A_78, %mul3A_80 : i32
      %add3A_82 = arith.constant 0 : i32
      %add3A_83 = arith.addi %mul3A_81, %add3A_82 : i32
      %swap3A = arith.index_cast %add3A_83 : i32 to index
      %swap3A_84 = arith.constant 0 : index
      %swap3A_85 = tpu.vector_load %arg7[%swap3A, %swap3A_84] {strides = array<i32>} : memref<400x16xf32, #tpu.memory_space<vmem>>, vector<1x16xf32>,
      %swap3A_86 = vector.shape_cast %swap3A_85 : vector<1x16xf32> to vector<16xf32>
      %swap3A_87 = vector.shape_cast %broadcast_in_dim3A_1 : vector<16xf32> to vector<1x16xf32>
      tpu.vector_store %arg7[%swap3A, %swap3A_84], %swap3A_87 {strides = array<i32>} : memref<400x16xf32, #tpu.memory_space<vmem>>, vector<1x16xf32>,
      %mul3A_88 = arith.constant 4 : i32
      %mul3A_89 = arith.muli %scan3A_78, %mul3A_88 : i32
      %add3A_90 = arith.constant 1 : i32
      %add3A_91 = arith.addi %mul3A_89, %add3A_90 : i32
      %swap3A_92 = arith.index_cast %add3A_91 : i32 to index
      %swap3A_93 = arith.constant 0 : index
      %swap3A_94 = tpu.vector_load %arg7[%swap3A_92, %swap3A_93] {strides = array<i32>} : memref<400x16xf32, #tpu.memory_space<vmem>>, vector<1x16xf32>,
      %swap3A_95 = vector.shape_cast %swap3A_94 : vector<1x16xf32> to vector<16xf32>
      %swap3A_96 = vector.shape_cast %broadcast_in_dim3A_1 : vector<16xf32> to vector<1x16xf32>
      tpu.vector_store %arg7[%swap3A_92, %swap3A_93], %swap3A_96 {strides = array<i32>} : memref<400x16xf32, #tpu.memory_space<vmem>>, vector<1x16xf32>,
      %mul3A_97 = arith.constant 4 : i32
      %mul3A_98 = arith.muli %scan3A_78, %mul3A_97 : i32
      %add3A_99 = arith.constant 2 : i32
      %add3A_100 = arith.addi %mul3A_98, %add3A_99 : i32
      %swap3A_101 = arith.index_cast %add3A_100 : i32 to index
      %swap3A_102 = arith.constant 0 : index
      %swap3A_103 = tpu.vector_load %arg7[%swap3A_101, %swap3A_102] {strides = array<i32>} : memref<400x16xf32, #tpu.memory_space<vmem>>, vector<1x16xf32>,
      %swap3A_104 = vector.shape_cast %swap3A_103 : vector<1x16xf32> to vector<16xf32>
      %swap3A_105 = vector.shape_cast %broadcast_in_dim3A_1 : vector<16xf32> to vector<1x16xf32>
      tpu.vector_store %arg7[%swap3A_101, %swap3A_102], %swap3A_105 {strides = array<i32>} : memref<400x16xf32, #tpu.memory_space<vmem>>, vector<1x16xf32>,
      %mul3A_106 = arith.constant 4 : i32
      %mul3A_107 = arith.muli %scan3A_78, %mul3A_106 : i32
      %add3A_108 = arith.constant 3 : i32
      %add3A_109 = arith.addi %mul3A_107, %add3A_108 : i32
      %swap3A_110 = arith.index_cast %add3A_109 : i32 to index
      %swap3A_111 = arith.constant 0 : index
      %swap3A_112 = tpu.vector_load %arg7[%swap3A_110, %swap3A_111] {strides = array<i32>} : memref<400x16xf32, #tpu.memory_space<vmem>>, vector<1x16xf32>,
      %swap3A_113 = vector.shape_cast %swap3A_112 : vector<1x16xf32> to vector<16xf32>
      %swap3A_114 = vector.shape_cast %broadcast_in_dim3A_1 : vector<16xf32> to vector<1x16xf32>
      tpu.vector_store %arg7[%swap3A_110, %swap3A_111], %swap3A_114 {strides = array<i32>} : memref<400x16xf32, #tpu.memory_space<vmem>>, vector<1x16xf32>,
      %scan3A_115 = arith.constant 0 : i32
      scf.yield %scan3A_115 : i32
    }
    %scan3A_14 = arith.constant 60 : i32
    %mul3A_15 = arith.constant 640 : i32
    %mul3A_16 = arith.muli %arg1, %mul3A_15 : i32
    "tpu.region"() ({
      %run_scoped3A_78 = tpu.sem_alloc : memref<!tpu.dma_semaphore, #tpu.memory_space<semaphore_mem>>
      %dma_start3A_79 = arith.constant 0 : i32
      %dma_start3A_80 = tpu.memref_slice %arg9[%mul3A_16, %dma_start3A_79] : memref<10240x16xf32, #tpu.memory_space<vmem_shared>> -> memref<400x16xf32, #tpu.memory_space<vmem_shared>>
      %dma_start3A_81 = arith.constant 0 : i32
      %dma_start3A_82 = tpu.memref_slice %arg9[%mul3A_16, %dma_start3A_81] : memref<10240x16xf32, #tpu.memory_space<vmem_shared>> -> memref<400x16xf32, #tpu.memory_space<vmem_shared>>
      tpu.enqueue_dma source(%arg6 : memref<400x16xf32, #tpu.memory_space<vmem>>) target(%dma_start3A_82 : memref<400x16xf32, #tpu.memory_space<vmem_shared>>) target_semaphore(%run_scoped3A_78 : memref<!tpu.dma_semaphore, #tpu.memory_space<semaphore_mem>>)
      %dma_wait3A_83 = arith.constant 0 : i32
      %dma_wait3A_84 = tpu.memref_slice %arg9[%mul3A_16, %dma_wait3A_83] : memref<10240x16xf32, #tpu.memory_space<vmem_shared>> -> memref<400x16xf32, #tpu.memory_space<vmem_shared>>
      %dma_wait3A_85 = arith.constant 0 : i32
      %dma_wait3A_86 = tpu.memref_slice %arg9[%mul3A_16, %dma_wait3A_85] : memref<10240x16xf32, #tpu.memory_space<vmem_shared>> -> memref<400x16xf32, #tpu.memory_space<vmem_shared>>
      tpu.wait_dma2 semaphore(%run_scoped3A_78 : memref<!tpu.dma_semaphore, #tpu.memory_space<semaphore_mem>>) src(%arg6 : memref<400x16xf32, #tpu.memory_space<vmem>>) dst(%dma_wait3A_86 : memref<400x16xf32, #tpu.memory_space<vmem_shared>>)
      tpu.yield
    }) : () -> ()
    %mul3A_17 = arith.constant 640 : i32
    %mul3A_18 = arith.muli %arg1, %mul3A_17 : i32
    %add3A_19 = arith.constant 400 : i32
    %add3A_20 = arith.addi %mul3A_18, %add3A_19 : i32
    "tpu.region"() ({
      %run_scoped3A_78 = tpu.sem_alloc : memref<!tpu.dma_semaphore, #tpu.memory_space<semaphore_mem>>
      %dma_start3A_79 = arith.constant 0 : i32
      %dma_start3A_80 = arith.constant 0 : i32
      %dma_start3A_81 = tpu.memref_slice %arg7[%dma_start3A_79, %dma_start3A_80] : memref<400x16xf32, #tpu.memory_space<vmem>> -> memref<240x16xf32, #tpu.memory_space<vmem>>
      %dma_start3A_82 = arith.constant 0 : i32
      %dma_start3A_83 = tpu.memref_slice %arg9[%add3A_20, %dma_start3A_82] : memref<10240x16xf32, #tpu.memory_space<vmem_shared>> -> memref<240x16xf32, #tpu.memory_space<vmem_shared>>
      %dma_start3A_84 = arith.constant 0 : i32
      %dma_start3A_85 = tpu.memref_slice %arg9[%add3A_20, %dma_start3A_84] : memref<10240x16xf32, #tpu.memory_space<vmem_shared>> -> memref<240x16xf32, #tpu.memory_space<vmem_shared>>
      %dma_start3A_86 = arith.constant 0 : i32
      %dma_start3A_87 = arith.constant 0 : i32
      %dma_start3A_88 = tpu.memref_slice %arg7[%dma_start3A_86, %dma_start3A_87] : memref<400x16xf32, #tpu.memory_space<vmem>> -> memref<240x16xf32, #tpu.memory_space<vmem>>
      tpu.enqueue_dma source(%dma_start3A_88 : memref<240x16xf32, #tpu.memory_space<vmem>>) target(%dma_start3A_85 : memref<240x16xf32, #tpu.memory_space<vmem_shared>>) target_semaphore(%run_scoped3A_78 : memref<!tpu.dma_semaphore, #tpu.memory_space<semaphore_mem>>)
      %dma_wait3A_89 = arith.constant 0 : i32
      %dma_wait3A_90 = arith.constant 0 : i32
      %dma_wait3A_91 = tpu.memref_slice %arg7[%dma_wait3A_89, %dma_wait3A_90] : memref<400x16xf32, #tpu.memory_space<vmem>> -> memref<240x16xf32, #tpu.memory_space<vmem>>
      %dma_wait3A_92 = arith.constant 0 : i32
      %dma_wait3A_93 = tpu.memref_slice %arg9[%add3A_20, %dma_wait3A_92] : memref<10240x16xf32, #tpu.memory_space<vmem_shared>> -> memref<240x16xf32, #tpu.memory_space<vmem_shared>>
      %dma_wait3A_94 = arith.constant 0 : i32
      %dma_wait3A_95 = tpu.memref_slice %arg9[%add3A_20, %dma_wait3A_94] : memref<10240x16xf32, #tpu.memory_space<vmem_shared>> -> memref<240x16xf32, #tpu.memory_space<vmem_shared>>
      %dma_wait3A_96 = arith.constant 0 : i32
      %dma_wait3A_97 = arith.constant 0 : i32
      %dma_wait3A_98 = tpu.memref_slice %arg7[%dma_wait3A_96, %dma_wait3A_97] : memref<400x16xf32, #tpu.memory_space<vmem>> -> memref<240x16xf32, #tpu.memory_space<vmem>>
      tpu.wait_dma2 semaphore(%run_scoped3A_78 : memref<!tpu.dma_semaphore, #tpu.memory_space<semaphore_mem>>) src(%dma_wait3A_98 : memref<240x16xf32, #tpu.memory_space<vmem>>) dst(%dma_wait3A_95 : memref<240x16xf32, #tpu.memory_space<vmem_shared>>)
      tpu.yield
    }) : () -> ()
    %barrier3A = arith.constant 0 : index
    tpu.barrier barrier_id(%barrier3A)
    %mul3A_21 = arith.constant 10000 : i32
    %mul3A_22 = arith.muli %add3A, %mul3A_21 : i32
    %add3A_23 = arith.constant 0 : i32
    %add3A_24 = arith.addi %mul3A_22, %add3A_23 : i32
    %run_scoped3A = arith.constant 0 : i32
    "tpu.region"() ({
      %run_scoped3A_78 = tpu.sem_alloc : memref<!tpu.dma_semaphore, #tpu.memory_space<semaphore_mem>>
      %dma_start3A_79 = arith.constant 0 : i32
      %dma_start3A_80 = arith.constant 0 : i32
      %dma_start3A_81 = tpu.memref_slice %arg5[%run_scoped3A, %dma_start3A_79, %dma_start3A_80] : memref<3x2x400xi32, #tpu.memory_space<vmem>> -> memref<1x2x400xi32, #tpu.memory_space<vmem>>
      %dma_start3A_82 = tpu.memref_squeeze %dma_start3A_81 : memref<1x2x400xi32, #tpu.memory_space<vmem>> -> memref<2x400xi32, #tpu.memory_space<vmem>>
      %dma_start3A_83 = arith.constant 0 : i32
      %dma_start3A_84 = tpu.memref_slice %arg2[%dma_start3A_83, %add3A_24] : memref<2x320000xi32, #tpu.memory_space<hbm>> -> memref<2x400xi32, #tpu.memory_space<hbm>>
      %dma_start3A_85 = arith.constant 0 : i32
      %dma_start3A_86 = arith.constant 0 : i32
      %dma_start3A_87 = tpu.memref_slice %arg5[%run_scoped3A, %dma_start3A_85, %dma_start3A_86] : memref<3x2x400xi32, #tpu.memory_space<vmem>> -> memref<1x2x400xi32, #tpu.memory_space<vmem>>
      %dma_start3A_88 = tpu.memref_squeeze %dma_start3A_87 : memref<1x2x400xi32, #tpu.memory_space<vmem>> -> memref<2x400xi32, #tpu.memory_space<vmem>>
      %dma_start3A_89 = arith.constant 0 : i32
      %dma_start3A_90 = tpu.memref_slice %arg2[%dma_start3A_89, %add3A_24] : memref<2x320000xi32, #tpu.memory_space<hbm>> -> memref<2x400xi32, #tpu.memory_space<hbm>>
      tpu.enqueue_dma source(%dma_start3A_90 : memref<2x400xi32, #tpu.memory_space<hbm>>) target(%dma_start3A_88 : memref<2x400xi32, #tpu.memory_space<vmem>>) target_semaphore(%run_scoped3A_78 : memref<!tpu.dma_semaphore, #tpu.memory_space<semaphore_mem>>)
      %dma_wait3A_91 = arith.constant 0 : i32
      %dma_wait3A_92 = arith.constant 0 : i32
      %dma_wait3A_93 = tpu.memref_slice %arg5[%run_scoped3A, %dma_wait3A_91, %dma_wait3A_92] : memref<3x2x400xi32, #tpu.memory_space<vmem>> -> memref<1x2x400xi32, #tpu.memory_space<vmem>>
      %dma_wait3A_94 = tpu.memref_squeeze %dma_wait3A_93 : memref<1x2x400xi32, #tpu.memory_space<vmem>> -> memref<2x400xi32, #tpu.memory_space<vmem>>
      %dma_wait3A_95 = arith.constant 0 : i32
      %dma_wait3A_96 = tpu.memref_slice %arg2[%dma_wait3A_95, %add3A_24] : memref<2x320000xi32, #tpu.memory_space<hbm>> -> memref<2x400xi32, #tpu.memory_space<hbm>>
      %dma_wait3A_97 = arith.constant 0 : i32
      %dma_wait3A_98 = arith.constant 0 : i32
      %dma_wait3A_99 = tpu.memref_slice %arg5[%run_scoped3A, %dma_wait3A_97, %dma_wait3A_98] : memref<3x2x400xi32, #tpu.memory_space<vmem>> -> memref<1x2x400xi32, #tpu.memory_space<vmem>>
      %dma_wait3A_100 = tpu.memref_squeeze %dma_wait3A_99 : memref<1x2x400xi32, #tpu.memory_space<vmem>> -> memref<2x400xi32, #tpu.memory_space<vmem>>
      %dma_wait3A_101 = arith.constant 0 : i32
      %dma_wait3A_102 = tpu.memref_slice %arg2[%dma_wait3A_101, %add3A_24] : memref<2x320000xi32, #tpu.memory_space<hbm>> -> memref<2x400xi32, #tpu.memory_space<hbm>>
      tpu.wait_dma2 semaphore(%run_scoped3A_78 : memref<!tpu.dma_semaphore, #tpu.memory_space<semaphore_mem>>) src(%dma_wait3A_102 : memref<2x400xi32, #tpu.memory_space<hbm>>) dst(%dma_wait3A_100 : memref<2x400xi32, #tpu.memory_space<vmem>>)
      tpu.yield
    }) : () -> ()
    %dma_start3A = arith.constant 0 : i32
    %dma_start3A_25 = arith.constant 0 : i32
    %dma_start3A_26 = arith.constant 0 : i32
    %dma_start3A_27 = tpu.memref_slice %arg5[%dma_start3A, %dma_start3A_25, %dma_start3A_26] : memref<3x2x400xi32, #tpu.memory_space<vmem>> -> memref<1x1x400xi32, #tpu.memory_space<vmem>>
    %dma_start3A_28 = tpu.memref_squeeze %dma_start3A_27 : memref<1x1x400xi32, #tpu.memory_space<vmem>> -> memref<400xi32, #tpu.memory_space<vmem>>
    %dma_start3A_29 = arith.constant 0 : i32
    %dma_start3A_30 = arith.constant 0 : i32
    %dma_start3A_31 = tpu.memref_slice %arg3[%dma_start3A_29, %dma_start3A_30] : memref<10000x16xf32, #tpu.memory_space<hbm>> -> memref<10000x16xf32, #tpu.memory_space<hbm>>
    tpu.enqueue_indirect_dma source(%dma_start3A_31 : memref<10000x16xf32, #tpu.memory_space<hbm>>) target(%arg6 : memref<400x16xf32, #tpu.memory_space<vmem>>) offsets(%dma_start3A_28 : memref<400xi32, #tpu.memory_space<vmem>>) semaphore(%arg10 : memref<!tpu.dma_semaphore, #tpu.memory_space<semaphore_mem>>)
    %add3A_32 = arith.constant 400 : i32
    %add3A_33 = arith.addi %mul3A_22, %add3A_32 : i32
    %run_scoped3A_34 = arith.constant 1 : i32
    "tpu.region"() ({
      %run_scoped3A_78 = tpu.sem_alloc : memref<!tpu.dma_semaphore, #tpu.memory_space<semaphore_mem>>
      %dma_start3A_79 = arith.constant 0 : i32
      %dma_start3A_80 = arith.constant 0 : i32
      %dma_start3A_81 = tpu.memref_slice %arg5[%run_scoped3A_34, %dma_start3A_79, %dma_start3A_80] : memref<3x2x400xi32, #tpu.memory_space<vmem>> -> memref<1x2x400xi32, #tpu.memory_space<vmem>>
      %dma_start3A_82 = tpu.memref_squeeze %dma_start3A_81 : memref<1x2x400xi32, #tpu.memory_space<vmem>> -> memref<2x400xi32, #tpu.memory_space<vmem>>
      %dma_start3A_83 = arith.constant 0 : i32
      %dma_start3A_84 = tpu.memref_slice %arg2[%dma_start3A_83, %add3A_33] : memref<2x320000xi32, #tpu.memory_space<hbm>> -> memref<2x400xi32, #tpu.memory_space<hbm>>
      %dma_start3A_85 = arith.constant 0 : i32
      %dma_start3A_86 = arith.constant 0 : i32
      %dma_start3A_87 = tpu.memref_slice %arg5[%run_scoped3A_34, %dma_start3A_85, %dma_start3A_86] : memref<3x2x400xi32, #tpu.memory_space<vmem>> -> memref<1x2x400xi32, #tpu.memory_space<vmem>>
      %dma_start3A_88 = tpu.memref_squeeze %dma_start3A_87 : memref<1x2x400xi32, #tpu.memory_space<vmem>> -> memref<2x400xi32, #tpu.memory_space<vmem>>
      %dma_start3A_89 = arith.constant 0 : i32
      %dma_start3A_90 = tpu.memref_slice %arg2[%dma_start3A_89, %add3A_33] : memref<2x320000xi32, #tpu.memory_space<hbm>> -> memref<2x400xi32, #tpu.memory_space<hbm>>
      tpu.enqueue_dma source(%dma_start3A_90 : memref<2x400xi32, #tpu.memory_space<hbm>>) target(%dma_start3A_88 : memref<2x400xi32, #tpu.memory_space<vmem>>) target_semaphore(%run_scoped3A_78 : memref<!tpu.dma_semaphore, #tpu.memory_space<semaphore_mem>>)
      %dma_wait3A_91 = arith.constant 0 : i32
      %dma_wait3A_92 = arith.constant 0 : i32
      %dma_wait3A_93 = tpu.memref_slice %arg5[%run_scoped3A_34, %dma_wait3A_91, %dma_wait3A_92] : memref<3x2x400xi32, #tpu.memory_space<vmem>> -> memref<1x2x400xi32, #tpu.memory_space<vmem>>
      %dma_wait3A_94 = tpu.memref_squeeze %dma_wait3A_93 : memref<1x2x400xi32, #tpu.memory_space<vmem>> -> memref<2x400xi32, #tpu.memory_space<vmem>>
      %dma_wait3A_95 = arith.constant 0 : i32
      %dma_wait3A_96 = tpu.memref_slice %arg2[%dma_wait3A_95, %add3A_33] : memref<2x320000xi32, #tpu.memory_space<hbm>> -> memref<2x400xi32, #tpu.memory_space<hbm>>
      %dma_wait3A_97 = arith.constant 0 : i32
      %dma_wait3A_98 = arith.constant 0 : i32
      %dma_wait3A_99 = tpu.memref_slice %arg5[%run_scoped3A_34, %dma_wait3A_97, %dma_wait3A_98] : memref<3x2x400xi32, #tpu.memory_space<vmem>> -> memref<1x2x400xi32, #tpu.memory_space<vmem>>
      %dma_wait3A_100 = tpu.memref_squeeze %dma_wait3A_99 : memref<1x2x400xi32, #tpu.memory_space<vmem>> -> memref<2x400xi32, #tpu.memory_space<vmem>>
      %dma_wait3A_101 = arith.constant 0 : i32
      %dma_wait3A_102 = tpu.memref_slice %arg2[%dma_wait3A_101, %add3A_33] : memref<2x320000xi32, #tpu.memory_space<hbm>> -> memref<2x400xi32, #tpu.memory_space<hbm>>
      tpu.wait_dma2 semaphore(%run_scoped3A_78 : memref<!tpu.dma_semaphore, #tpu.memory_space<semaphore_mem>>) src(%dma_wait3A_102 : memref<2x400xi32, #tpu.memory_space<hbm>>) dst(%dma_wait3A_100 : memref<2x400xi32, #tpu.memory_space<vmem>>)
      tpu.yield
    }) : () -> ()
    %dma_start3A_35 = arith.constant 1 : i32
    %dma_start3A_36 = arith.constant 0 : i32
    %dma_start3A_37 = arith.constant 0 : i32
    %dma_start3A_38 = tpu.memref_slice %arg5[%dma_start3A_35, %dma_start3A_36, %dma_start3A_37] : memref<3x2x400xi32, #tpu.memory_space<vmem>> -> memref<1x1x400xi32, #tpu.memory_space<vmem>>
    %dma_start3A_39 = tpu.memref_squeeze %dma_start3A_38 : memref<1x1x400xi32, #tpu.memory_space<vmem>> -> memref<400xi32, #tpu.memory_space<vmem>>
    %dma_start3A_40 = arith.constant 0 : i32
    %dma_start3A_41 = arith.constant 0 : i32
    %dma_start3A_42 = tpu.memref_slice %arg3[%dma_start3A_40, %dma_start3A_41] : memref<10000x16xf32, #tpu.memory_space<hbm>> -> memref<10000x16xf32, #tpu.memory_space<hbm>>
    tpu.enqueue_indirect_dma source(%dma_start3A_42 : memref<10000x16xf32, #tpu.memory_space<hbm>>) target(%arg7 : memref<400x16xf32, #tpu.memory_space<vmem>>) offsets(%dma_start3A_39 : memref<400xi32, #tpu.memory_space<vmem>>) semaphore(%arg11 : memref<!tpu.dma_semaphore, #tpu.memory_space<semaphore_mem>>)
    %scan3A_43 = arith.constant 0 : i32
    %scan3A_44 = arith.constant 0 : i32
    %scan3A_45 = arith.constant 9 : i32
    %scan3A_46 = arith.addi %scan3A_44, %scan3A_45 : i32
    %scan3A_47 = arith.constant 1 : i32
    %scan3A_48 = scf.for %scan3A_78 = %scan3A_44 to %scan3A_46 step %scan3A_47 iter_args(%scan3A_79 = %scan3A_43) -> (i32)  : i32 {
      %mul3A_80 = arith.constant 3 : i32
      %mul3A_81 = arith.muli %mul3A_80, %scan3A_78 : i32
      %add3A_82 = arith.constant 0 : i32
      %add3A_83 = arith.addi %mul3A_81, %add3A_82 : i32
      %lt3A = arith.constant 25 : i32
      %lt3A_84 = arith.cmpi slt, %add3A_83, %lt3A : i32
      %convert_element_type3A = arith.extui %lt3A_84 : i1 to i32
      %cond3A = arith.constant 0 : i32
      %cond3A_85 = arith.cmpi ne, %convert_element_type3A, %cond3A : i32
      scf.if %cond3A_85 {
        %dma_wait3A_105 = arith.constant 0 : i32
        %dma_wait3A_106 = arith.constant 0 : i32
        %dma_wait3A_107 = arith.constant 0 : i32
        %dma_wait3A_108 = tpu.memref_slice %arg5[%dma_wait3A_105, %dma_wait3A_106, %dma_wait3A_107] : memref<3x2x400xi32, #tpu.memory_space<vmem>> -> memref<1x1x400xi32, #tpu.memory_space<vmem>>
        %dma_wait3A_109 = tpu.memref_squeeze %dma_wait3A_108 : memref<1x1x400xi32, #tpu.memory_space<vmem>> -> memref<400xi32, #tpu.memory_space<vmem>>
        %dma_wait3A_110 = arith.constant 0 : i32
        %dma_wait3A_111 = arith.constant 0 : i32
        %dma_wait3A_112 = tpu.memref_slice %arg3[%dma_wait3A_110, %dma_wait3A_111] : memref<10000x16xf32, #tpu.memory_space<hbm>> -> memref<10000x16xf32, #tpu.memory_space<hbm>>
        tpu.wait_indirect_dma semaphore(%arg10 : memref<!tpu.dma_semaphore, #tpu.memory_space<semaphore_mem>>) src(%dma_wait3A_112 : memref<10000x16xf32, #tpu.memory_space<hbm>>) dst(%arg6 : memref<400x16xf32, #tpu.memory_space<vmem>>)
        %dma_start3A_113 = arith.constant 0 : i32
        %dma_start3A_114 = arith.constant 1 : i32
        %dma_start3A_115 = arith.constant 0 : i32
        %dma_start3A_116 = tpu.memref_slice %arg5[%dma_start3A_113, %dma_start3A_114, %dma_start3A_115] : memref<3x2x400xi32, #tpu.memory_space<vmem>> -> memref<1x1x400xi32, #tpu.memory_space<vmem>>
        %dma_start3A_117 = tpu.memref_squeeze %dma_start3A_116 : memref<1x1x400xi32, #tpu.memory_space<vmem>> -> memref<400xi32, #tpu.memory_space<vmem>>
        %dma_start3A_118 = arith.constant 0 : i32
        %dma_start3A_119 = arith.constant 0 : i32
        %dma_start3A_120 = tpu.memref_slice %arg9[%dma_start3A_118, %dma_start3A_119] : memref<10240x16xf32, #tpu.memory_space<vmem_shared>> -> memref<10240x16xf32, #tpu.memory_space<vmem_shared>>
        tpu.enqueue_indirect_dma source(%arg6 : memref<400x16xf32, #tpu.memory_space<vmem>>) target(%dma_start3A_120 : memref<10240x16xf32, #tpu.memory_space<vmem_shared>>) offsets(%dma_start3A_117 : memref<400xi32, #tpu.memory_space<vmem>>) semaphore(%arg13 : memref<!tpu.dma_semaphore, #tpu.memory_space<semaphore_mem>>) {add = true}
        %add3A_121 = arith.constant 3 : i32
        %add3A_122 = arith.addi %add3A_83, %add3A_121 : i32
        %sub3A = arith.constant 1 : i32
        %sub3A_123 = arith.subi %add3A_122, %sub3A : i32
        %lt3A_124 = arith.constant 25 : i32
        %lt3A_125 = arith.cmpi slt, %sub3A_123, %lt3A_124 : i32
        %convert_element_type3A_126 = arith.extui %lt3A_125 : i1 to i32
        %cond3A_127 = arith.constant 0 : i32
        %cond3A_128 = arith.cmpi ne, %convert_element_type3A_126, %cond3A_127 : i32
        scf.if %cond3A_128 {
          %ge3A = arith.constant 1 : i32
          %ge3A_129 = arith.cmpi sge, %add3A_83, %ge3A : i32
          %convert_element_type3A_130 = arith.extui %ge3A_129 : i1 to i32
          %cond3A_131 = arith.constant 0 : i32
          %cond3A_132 = arith.cmpi ne, %convert_element_type3A_130, %cond3A_131 : i32
          scf.if %cond3A_132 {
            %dma_wait3A_145 = arith.constant 2 : i32
            %dma_wait3A_146 = arith.constant 1 : i32
            %dma_wait3A_147 = arith.constant 0 : i32
            %dma_wait3A_148 = tpu.memref_slice %arg5[%dma_wait3A_145, %dma_wait3A_146, %dma_wait3A_147] : memref<3x2x400xi32, #tpu.memory_space<vmem>> -> memref<1x1x400xi32, #tpu.memory_space<vmem>>
            %dma_wait3A_149 = tpu.memref_squeeze %dma_wait3A_148 : memref<1x1x400xi32, #tpu.memory_space<vmem>> -> memref<400xi32, #tpu.memory_space<vmem>>
            %dma_wait3A_150 = arith.constant 0 : i32
            %dma_wait3A_151 = arith.constant 0 : i32
            %dma_wait3A_152 = tpu.memref_slice %arg9[%dma_wait3A_150, %dma_wait3A_151] : memref<10240x16xf32, #tpu.memory_space<vmem_shared>> -> memref<10240x16xf32, #tpu.memory_space<vmem_shared>>
            tpu.wait_indirect_dma semaphore(%arg15 : memref<!tpu.dma_semaphore, #tpu.memory_space<semaphore_mem>>) src(%arg8 : memref<400x16xf32, #tpu.memory_space<vmem>>) dst(%dma_wait3A_152 : memref<10240x16xf32, #tpu.memory_space<vmem_shared>>)
          } else {
          }
          %mul3A_133 = arith.constant 400 : i32
          %mul3A_134 = arith.muli %sub3A_123, %mul3A_133 : i32
          %add3A_135 = arith.addi %mul3A_22, %mul3A_134 : i32
          %run_scoped3A_136 = arith.constant 2 : i32
          "tpu.region"() ({
            %run_scoped3A_145 = tpu.sem_alloc : memref<!tpu.dma_semaphore, #tpu.memory_space<semaphore_mem>>
            %dma_start3A_146 = arith.constant 0 : i32
            %dma_start3A_147 = arith.constant 0 : i32
            %dma_start3A_148 = tpu.memref_slice %arg5[%run_scoped3A_136, %dma_start3A_146, %dma_start3A_147] : memref<3x2x400xi32, #tpu.memory_space<vmem>> -> memref<1x2x400xi32, #tpu.memory_space<vmem>>
            %dma_start3A_149 = tpu.memref_squeeze %dma_start3A_148 : memref<1x2x400xi32, #tpu.memory_space<vmem>> -> memref<2x400xi32, #tpu.memory_space<vmem>>
            %dma_start3A_150 = arith.constant 0 : i32
            %dma_start3A_151 = tpu.memref_slice %arg2[%dma_start3A_150, %add3A_135] : memref<2x320000xi32, #tpu.memory_space<hbm>> -> memref<2x400xi32, #tpu.memory_space<hbm>>
            %dma_start3A_152 = arith.constant 0 : i32
            %dma_start3A_153 = arith.constant 0 : i32
            %dma_start3A_154 = tpu.memref_slice %arg5[%run_scoped3A_136, %dma_start3A_152, %dma_start3A_153] : memref<3x2x400xi32, #tpu.memory_space<vmem>> -> memref<1x2x400xi32, #tpu.memory_space<vmem>>
            %dma_start3A_155 = tpu.memref_squeeze %dma_start3A_154 : memref<1x2x400xi32, #tpu.memory_space<vmem>> -> memref<2x400xi32, #tpu.memory_space<vmem>>
            %dma_start3A_156 = arith.constant 0 : i32
            %dma_start3A_157 = tpu.memref_slice %arg2[%dma_start3A_156, %add3A_135] : memref<2x320000xi32, #tpu.memory_space<hbm>> -> memref<2x400xi32, #tpu.memory_space<hbm>>
            tpu.enqueue_dma source(%dma_start3A_157 : memref<2x400xi32, #tpu.memory_space<hbm>>) target(%dma_start3A_155 : memref<2x400xi32, #tpu.memory_space<vmem>>) target_semaphore(%run_scoped3A_145 : memref<!tpu.dma_semaphore, #tpu.memory_space<semaphore_mem>>)
            %dma_wait3A_158 = arith.constant 0 : i32
            %dma_wait3A_159 = arith.constant 0 : i32
            %dma_wait3A_160 = tpu.memref_slice %arg5[%run_scoped3A_136, %dma_wait3A_158, %dma_wait3A_159] : memref<3x2x400xi32, #tpu.memory_space<vmem>> -> memref<1x2x400xi32, #tpu.memory_space<vmem>>
            %dma_wait3A_161 = tpu.memref_squeeze %dma_wait3A_160 : memref<1x2x400xi32, #tpu.memory_space<vmem>> -> memref<2x400xi32, #tpu.memory_space<vmem>>
            %dma_wait3A_162 = arith.constant 0 : i32
            %dma_wait3A_163 = tpu.memref_slice %arg2[%dma_wait3A_162, %add3A_135] : memref<2x320000xi32, #tpu.memory_space<hbm>> -> memref<2x400xi32, #tpu.memory_space<hbm>>
            %dma_wait3A_164 = arith.constant 0 : i32
            %dma_wait3A_165 = arith.constant 0 : i32
            %dma_wait3A_166 = tpu.memref_slice %arg5[%run_scoped3A_136, %dma_wait3A_164, %dma_wait3A_165] : memref<3x2x400xi32, #tpu.memory_space<vmem>> -> memref<1x2x400xi32, #tpu.memory_space<vmem>>
            %dma_wait3A_167 = tpu.memref_squeeze %dma_wait3A_166 : memref<1x2x400xi32, #tpu.memory_space<vmem>> -> memref<2x400xi32, #tpu.memory_space<vmem>>
            %dma_wait3A_168 = arith.constant 0 : i32
            %dma_wait3A_169 = tpu.memref_slice %arg2[%dma_wait3A_168, %add3A_135] : memref<2x320000xi32, #tpu.memory_space<hbm>> -> memref<2x400xi32, #tpu.memory_space<hbm>>
            tpu.wait_dma2 semaphore(%run_scoped3A_145 : memref<!tpu.dma_semaphore, #tpu.memory_space<semaphore_mem>>) src(%dma_wait3A_169 : memref<2x400xi32, #tpu.memory_space<hbm>>) dst(%dma_wait3A_167 : memref<2x400xi32, #tpu.memory_space<vmem>>)
            tpu.yield
          }) : () -> ()
          %dma_start3A_137 = arith.constant 2 : i32
          %dma_start3A_138 = arith.constant 0 : i32
          %dma_start3A_139 = arith.constant 0 : i32
          %dma_start3A_140 = tpu.memref_slice %arg5[%dma_start3A_137, %dma_start3A_138, %dma_start3A_139] : memref<3x2x400xi32, #tpu.memory_space<vmem>> -> memref<1x1x400xi32, #tpu.memory_space<vmem>>
          %dma_start3A_141 = tpu.memref_squeeze %dma_start3A_140 : memref<1x1x400xi32, #tpu.memory_space<vmem>> -> memref<400xi32, #tpu.memory_space<vmem>>
          %dma_start3A_142 = arith.constant 0 : i32
          %dma_start3A_143 = arith.constant 0 : i32
          %dma_start3A_144 = tpu.memref_slice %arg3[%dma_start3A_142, %dma_start3A_143] : memref<10000x16xf32, #tpu.memory_space<hbm>> -> memref<10000x16xf32, #tpu.memory_space<hbm>>
          tpu.enqueue_indirect_dma source(%dma_start3A_144 : memref<10000x16xf32, #tpu.memory_space<hbm>>) target(%arg8 : memref<400x16xf32, #tpu.memory_space<vmem>>) offsets(%dma_start3A_141 : memref<400xi32, #tpu.memory_space<vmem>>) semaphore(%arg12 : memref<!tpu.dma_semaphore, #tpu.memory_space<semaphore_mem>>)
        } else {
        }
      } else {
      }
      %mul3A_86 = arith.constant 3 : i32
      %mul3A_87 = arith.muli %mul3A_86, %scan3A_78 : i32
      %add3A_88 = arith.constant 1 : i32
      %add3A_89 = arith.addi %mul3A_87, %add3A_88 : i32
      %lt3A_90 = arith.constant 25 : i32
      %lt3A_91 = arith.cmpi slt, %add3A_89, %lt3A_90 : i32
      %convert_element_type3A_92 = arith.extui %lt3A_91 : i1 to i32
      %cond3A_93 = arith.constant 0 : i32
      %cond3A_94 = arith.cmpi ne, %convert_element_type3A_92, %cond3A_93 : i32
      scf.if %cond3A_94 {
        %dma_wait3A_105 = arith.constant 1 : i32
        %dma_wait3A_106 = arith.constant 0 : i32
        %dma_wait3A_107 = arith.constant 0 : i32
        %dma_wait3A_108 = tpu.memref_slice %arg5[%dma_wait3A_105, %dma_wait3A_106, %dma_wait3A_107] : memref<3x2x400xi32, #tpu.memory_space<vmem>> -> memref<1x1x400xi32, #tpu.memory_space<vmem>>
        %dma_wait3A_109 = tpu.memref_squeeze %dma_wait3A_108 : memref<1x1x400xi32, #tpu.memory_space<vmem>> -> memref<400xi32, #tpu.memory_space<vmem>>
        %dma_wait3A_110 = arith.constant 0 : i32
        %dma_wait3A_111 = arith.constant 0 : i32
        %dma_wait3A_112 = tpu.memref_slice %arg3[%dma_wait3A_110, %dma_wait3A_111] : memref<10000x16xf32, #tpu.memory_space<hbm>> -> memref<10000x16xf32, #tpu.memory_space<hbm>>
        tpu.wait_indirect_dma semaphore(%arg11 : memref<!tpu.dma_semaphore, #tpu.memory_space<semaphore_mem>>) src(%dma_wait3A_112 : memref<10000x16xf32, #tpu.memory_space<hbm>>) dst(%arg7 : memref<400x16xf32, #tpu.memory_space<vmem>>)
        %dma_start3A_113 = arith.constant 1 : i32
        %dma_start3A_114 = arith.constant 1 : i32
        %dma_start3A_115 = arith.constant 0 : i32
        %dma_start3A_116 = tpu.memref_slice %arg5[%dma_start3A_113, %dma_start3A_114, %dma_start3A_115] : memref<3x2x400xi32, #tpu.memory_space<vmem>> -> memref<1x1x400xi32, #tpu.memory_space<vmem>>
        %dma_start3A_117 = tpu.memref_squeeze %dma_start3A_116 : memref<1x1x400xi32, #tpu.memory_space<vmem>> -> memref<400xi32, #tpu.memory_space<vmem>>
        %dma_start3A_118 = arith.constant 0 : i32
        %dma_start3A_119 = arith.constant 0 : i32
        %dma_start3A_120 = tpu.memref_slice %arg9[%dma_start3A_118, %dma_start3A_119] : memref<10240x16xf32, #tpu.memory_space<vmem_shared>> -> memref<10240x16xf32, #tpu.memory_space<vmem_shared>>
        tpu.enqueue_indirect_dma source(%arg7 : memref<400x16xf32, #tpu.memory_space<vmem>>) target(%dma_start3A_120 : memref<10240x16xf32, #tpu.memory_space<vmem_shared>>) offsets(%dma_start3A_117 : memref<400xi32, #tpu.memory_space<vmem>>) semaphore(%arg14 : memref<!tpu.dma_semaphore, #tpu.memory_space<semaphore_mem>>) {add = true}
        %add3A_121 = arith.constant 3 : i32
        %add3A_122 = arith.addi %add3A_89, %add3A_121 : i32
        %sub3A = arith.constant 1 : i32
        %sub3A_123 = arith.subi %add3A_122, %sub3A : i32
        %lt3A_124 = arith.constant 25 : i32
        %lt3A_125 = arith.cmpi slt, %sub3A_123, %lt3A_124 : i32
        %convert_element_type3A_126 = arith.extui %lt3A_125 : i1 to i32
        %cond3A_127 = arith.constant 0 : i32
        %cond3A_128 = arith.cmpi ne, %convert_element_type3A_126, %cond3A_127 : i32
        scf.if %cond3A_128 {
          %ge3A = arith.constant 1 : i32
          %ge3A_129 = arith.cmpi sge, %add3A_89, %ge3A : i32
          %convert_element_type3A_130 = arith.extui %ge3A_129 : i1 to i32
          %cond3A_131 = arith.constant 0 : i32
          %cond3A_132 = arith.cmpi ne, %convert_element_type3A_130, %cond3A_131 : i32
          scf.if %cond3A_132 {
            %dma_wait3A_145 = arith.constant 0 : i32
            %dma_wait3A_146 = arith.constant 1 : i32
            %dma_wait3A_147 = arith.constant 0 : i32
            %dma_wait3A_148 = tpu.memref_slice %arg5[%dma_wait3A_145, %dma_wait3A_146, %dma_wait3A_147] : memref<3x2x400xi32, #tpu.memory_space<vmem>> -> memref<1x1x400xi32, #tpu.memory_space<vmem>>
            %dma_wait3A_149 = tpu.memref_squeeze %dma_wait3A_148 : memref<1x1x400xi32, #tpu.memory_space<vmem>> -> memref<400xi32, #tpu.memory_space<vmem>>
            %dma_wait3A_150 = arith.constant 0 : i32
            %dma_wait3A_151 = arith.constant 0 : i32
            %dma_wait3A_152 = tpu.memref_slice %arg9[%dma_wait3A_150, %dma_wait3A_151] : memref<10240x16xf32, #tpu.memory_space<vmem_shared>> -> memref<10240x16xf32, #tpu.memory_space<vmem_shared>>
            tpu.wait_indirect_dma semaphore(%arg13 : memref<!tpu.dma_semaphore, #tpu.memory_space<semaphore_mem>>) src(%arg6 : memref<400x16xf32, #tpu.memory_space<vmem>>) dst(%dma_wait3A_152 : memref<10240x16xf32, #tpu.memory_space<vmem_shared>>)
          } else {
          }
          %mul3A_133 = arith.constant 400 : i32
          %mul3A_134 = arith.muli %sub3A_123, %mul3A_133 : i32
          %add3A_135 = arith.addi %mul3A_22, %mul3A_134 : i32
          %run_scoped3A_136 = arith.constant 0 : i32
          "tpu.region"() ({
            %run_scoped3A_145 = tpu.sem_alloc : memref<!tpu.dma_semaphore, #tpu.memory_space<semaphore_mem>>
            %dma_start3A_146 = arith.constant 0 : i32
            %dma_start3A_147 = arith.constant 0 : i32
            %dma_start3A_148 = tpu.memref_slice %arg5[%run_scoped3A_136, %dma_start3A_146, %dma_start3A_147] : memref<3x2x400xi32, #tpu.memory_space<vmem>> -> memref<1x2x400xi32, #tpu.memory_space<vmem>>
            %dma_start3A_149 = tpu.memref_squeeze %dma_start3A_148 : memref<1x2x400xi32, #tpu.memory_space<vmem>> -> memref<2x400xi32, #tpu.memory_space<vmem>>
            %dma_start3A_150 = arith.constant 0 : i32
            %dma_start3A_151 = tpu.memref_slice %arg2[%dma_start3A_150, %add3A_135] : memref<2x320000xi32, #tpu.memory_space<hbm>> -> memref<2x400xi32, #tpu.memory_space<hbm>>
            %dma_start3A_152 = arith.constant 0 : i32
            %dma_start3A_153 = arith.constant 0 : i32
            %dma_start3A_154 = tpu.memref_slice %arg5[%run_scoped3A_136, %dma_start3A_152, %dma_start3A_153] : memref<3x2x400xi32, #tpu.memory_space<vmem>> -> memref<1x2x400xi32, #tpu.memory_space<vmem>>
            %dma_start3A_155 = tpu.memref_squeeze %dma_start3A_154 : memref<1x2x400xi32, #tpu.memory_space<vmem>> -> memref<2x400xi32, #tpu.memory_space<vmem>>
            %dma_start3A_156 = arith.constant 0 : i32
            %dma_start3A_157 = tpu.memref_slice %arg2[%dma_start3A_156, %add3A_135] : memref<2x320000xi32, #tpu.memory_space<hbm>> -> memref<2x400xi32, #tpu.memory_space<hbm>>
            tpu.enqueue_dma source(%dma_start3A_157 : memref<2x400xi32, #tpu.memory_space<hbm>>) target(%dma_start3A_155 : memref<2x400xi32, #tpu.memory_space<vmem>>) target_semaphore(%run_scoped3A_145 : memref<!tpu.dma_semaphore, #tpu.memory_space<semaphore_mem>>)
            %dma_wait3A_158 = arith.constant 0 : i32
            %dma_wait3A_159 = arith.constant 0 : i32
            %dma_wait3A_160 = tpu.memref_slice %arg5[%run_scoped3A_136, %dma_wait3A_158, %dma_wait3A_159] : memref<3x2x400xi32, #tpu.memory_space<vmem>> -> memref<1x2x400xi32, #tpu.memory_space<vmem>>
            %dma_wait3A_161 = tpu.memref_squeeze %dma_wait3A_160 : memref<1x2x400xi32, #tpu.memory_space<vmem>> -> memref<2x400xi32, #tpu.memory_space<vmem>>
            %dma_wait3A_162 = arith.constant 0 : i32
            %dma_wait3A_163 = tpu.memref_slice %arg2[%dma_wait3A_162, %add3A_135] : memref<2x320000xi32, #tpu.memory_space<hbm>> -> memref<2x400xi32, #tpu.memory_space<hbm>>
            %dma_wait3A_164 = arith.constant 0 : i32
            %dma_wait3A_165 = arith.constant 0 : i32
            %dma_wait3A_166 = tpu.memref_slice %arg5[%run_scoped3A_136, %dma_wait3A_164, %dma_wait3A_165] : memref<3x2x400xi32, #tpu.memory_space<vmem>> -> memref<1x2x400xi32, #tpu.memory_space<vmem>>
            %dma_wait3A_167 = tpu.memref_squeeze %dma_wait3A_166 : memref<1x2x400xi32, #tpu.memory_space<vmem>> -> memref<2x400xi32, #tpu.memory_space<vmem>>
            %dma_wait3A_168 = arith.constant 0 : i32
            %dma_wait3A_169 = tpu.memref_slice %arg2[%dma_wait3A_168, %add3A_135] : memref<2x320000xi32, #tpu.memory_space<hbm>> -> memref<2x400xi32, #tpu.memory_space<hbm>>
            tpu.wait_dma2 semaphore(%run_scoped3A_145 : memref<!tpu.dma_semaphore, #tpu.memory_space<semaphore_mem>>) src(%dma_wait3A_169 : memref<2x400xi32, #tpu.memory_space<hbm>>) dst(%dma_wait3A_167 : memref<2x400xi32, #tpu.memory_space<vmem>>)
            tpu.yield
          }) : () -> ()
          %dma_start3A_137 = arith.constant 0 : i32
          %dma_start3A_138 = arith.constant 0 : i32
          %dma_start3A_139 = arith.constant 0 : i32
          %dma_start3A_140 = tpu.memref_slice %arg5[%dma_start3A_137, %dma_start3A_138, %dma_start3A_139] : memref<3x2x400xi32, #tpu.memory_space<vmem>> -> memref<1x1x400xi32, #tpu.memory_space<vmem>>
          %dma_start3A_141 = tpu.memref_squeeze %dma_start3A_140 : memref<1x1x400xi32, #tpu.memory_space<vmem>> -> memref<400xi32, #tpu.memory_space<vmem>>
          %dma_start3A_142 = arith.constant 0 : i32
          %dma_start3A_143 = arith.constant 0 : i32
          %dma_start3A_144 = tpu.memref_slice %arg3[%dma_start3A_142, %dma_start3A_143] : memref<10000x16xf32, #tpu.memory_space<hbm>> -> memref<10000x16xf32, #tpu.memory_space<hbm>>
          tpu.enqueue_indirect_dma source(%dma_start3A_144 : memref<10000x16xf32, #tpu.memory_space<hbm>>) target(%arg6 : memref<400x16xf32, #tpu.memory_space<vmem>>) offsets(%dma_start3A_141 : memref<400xi32, #tpu.memory_space<vmem>>) semaphore(%arg10 : memref<!tpu.dma_semaphore, #tpu.memory_space<semaphore_mem>>)
        } else {
        }
      } else {
      }
      %mul3A_95 = arith.constant 3 : i32
      %mul3A_96 = arith.muli %mul3A_95, %scan3A_78 : i32
      %add3A_97 = arith.constant 2 : i32
      %add3A_98 = arith.addi %mul3A_96, %add3A_97 : i32
      %lt3A_99 = arith.constant 25 : i32
      %lt3A_100 = arith.cmpi slt, %add3A_98, %lt3A_99 : i32
      %convert_element_type3A_101 = arith.extui %lt3A_100 : i1 to i32
      %cond3A_102 = arith.constant 0 : i32
      %cond3A_103 = arith.cmpi ne, %convert_element_type3A_101, %cond3A_102 : i32
      scf.if %cond3A_103 {
        %dma_wait3A_105 = arith.constant 2 : i32
        %dma_wait3A_106 = arith.constant 0 : i32
        %dma_wait3A_107 = arith.constant 0 : i32
        %dma_wait3A_108 = tpu.memref_slice %arg5[%dma_wait3A_105, %dma_wait3A_106, %dma_wait3A_107] : memref<3x2x400xi32, #tpu.memory_space<vmem>> -> memref<1x1x400xi32, #tpu.memory_space<vmem>>
        %dma_wait3A_109 = tpu.memref_squeeze %dma_wait3A_108 : memref<1x1x400xi32, #tpu.memory_space<vmem>> -> memref<400xi32, #tpu.memory_space<vmem>>
        %dma_wait3A_110 = arith.constant 0 : i32
        %dma_wait3A_111 = arith.constant 0 : i32
        %dma_wait3A_112 = tpu.memref_slice %arg3[%dma_wait3A_110, %dma_wait3A_111] : memref<10000x16xf32, #tpu.memory_space<hbm>> -> memref<10000x16xf32, #tpu.memory_space<hbm>>
        tpu.wait_indirect_dma semaphore(%arg12 : memref<!tpu.dma_semaphore, #tpu.memory_space<semaphore_mem>>) src(%dma_wait3A_112 : memref<10000x16xf32, #tpu.memory_space<hbm>>) dst(%arg8 : memref<400x16xf32, #tpu.memory_space<vmem>>)
        %dma_start3A_113 = arith.constant 2 : i32
        %dma_start3A_114 = arith.constant 1 : i32
        %dma_start3A_115 = arith.constant 0 : i32
        %dma_start3A_116 = tpu.memref_slice %arg5[%dma_start3A_113, %dma_start3A_114, %dma_start3A_115] : memref<3x2x400xi32, #tpu.memory_space<vmem>> -> memref<1x1x400xi32, #tpu.memory_space<vmem>>
        %dma_start3A_117 = tpu.memref_squeeze %dma_start3A_116 : memref<1x1x400xi32, #tpu.memory_space<vmem>> -> memref<400xi32, #tpu.memory_space<vmem>>
        %dma_start3A_118 = arith.constant 0 : i32
        %dma_start3A_119 = arith.constant 0 : i32
        %dma_start3A_120 = tpu.memref_slice %arg9[%dma_start3A_118, %dma_start3A_119] : memref<10240x16xf32, #tpu.memory_space<vmem_shared>> -> memref<10240x16xf32, #tpu.memory_space<vmem_shared>>
        tpu.enqueue_indirect_dma source(%arg8 : memref<400x16xf32, #tpu.memory_space<vmem>>) target(%dma_start3A_120 : memref<10240x16xf32, #tpu.memory_space<vmem_shared>>) offsets(%dma_start3A_117 : memref<400xi32, #tpu.memory_space<vmem>>) semaphore(%arg15 : memref<!tpu.dma_semaphore, #tpu.memory_space<semaphore_mem>>) {add = true}
        %add3A_121 = arith.constant 3 : i32
        %add3A_122 = arith.addi %add3A_98, %add3A_121 : i32
        %sub3A = arith.constant 1 : i32
        %sub3A_123 = arith.subi %add3A_122, %sub3A : i32
        %lt3A_124 = arith.constant 25 : i32
        %lt3A_125 = arith.cmpi slt, %sub3A_123, %lt3A_124 : i32
        %convert_element_type3A_126 = arith.extui %lt3A_125 : i1 to i32
        %cond3A_127 = arith.constant 0 : i32
        %cond3A_128 = arith.cmpi ne, %convert_element_type3A_126, %cond3A_127 : i32
        scf.if %cond3A_128 {
          %ge3A = arith.constant 1 : i32
          %ge3A_129 = arith.cmpi sge, %add3A_98, %ge3A : i32
          %convert_element_type3A_130 = arith.extui %ge3A_129 : i1 to i32
          %cond3A_131 = arith.constant 0 : i32
          %cond3A_132 = arith.cmpi ne, %convert_element_type3A_130, %cond3A_131 : i32
          scf.if %cond3A_132 {
            %dma_wait3A_145 = arith.constant 1 : i32
            %dma_wait3A_146 = arith.constant 1 : i32
            %dma_wait3A_147 = arith.constant 0 : i32
            %dma_wait3A_148 = tpu.memref_slice %arg5[%dma_wait3A_145, %dma_wait3A_146, %dma_wait3A_147] : memref<3x2x400xi32, #tpu.memory_space<vmem>> -> memref<1x1x400xi32, #tpu.memory_space<vmem>>
            %dma_wait3A_149 = tpu.memref_squeeze %dma_wait3A_148 : memref<1x1x400xi32, #tpu.memory_space<vmem>> -> memref<400xi32, #tpu.memory_space<vmem>>
            %dma_wait3A_150 = arith.constant 0 : i32
            %dma_wait3A_151 = arith.constant 0 : i32
            %dma_wait3A_152 = tpu.memref_slice %arg9[%dma_wait3A_150, %dma_wait3A_151] : memref<10240x16xf32, #tpu.memory_space<vmem_shared>> -> memref<10240x16xf32, #tpu.memory_space<vmem_shared>>
            tpu.wait_indirect_dma semaphore(%arg14 : memref<!tpu.dma_semaphore, #tpu.memory_space<semaphore_mem>>) src(%arg7 : memref<400x16xf32, #tpu.memory_space<vmem>>) dst(%dma_wait3A_152 : memref<10240x16xf32, #tpu.memory_space<vmem_shared>>)
          } else {
          }
          %mul3A_133 = arith.constant 400 : i32
          %mul3A_134 = arith.muli %sub3A_123, %mul3A_133 : i32
          %add3A_135 = arith.addi %mul3A_22, %mul3A_134 : i32
          %run_scoped3A_136 = arith.constant 1 : i32
          "tpu.region"() ({
            %run_scoped3A_145 = tpu.sem_alloc : memref<!tpu.dma_semaphore, #tpu.memory_space<semaphore_mem>>
            %dma_start3A_146 = arith.constant 0 : i32
            %dma_start3A_147 = arith.constant 0 : i32
            %dma_start3A_148 = tpu.memref_slice %arg5[%run_scoped3A_136, %dma_start3A_146, %dma_start3A_147] : memref<3x2x400xi32, #tpu.memory_space<vmem>> -> memref<1x2x400xi32, #tpu.memory_space<vmem>>
            %dma_start3A_149 = tpu.memref_squeeze %dma_start3A_148 : memref<1x2x400xi32, #tpu.memory_space<vmem>> -> memref<2x400xi32, #tpu.memory_space<vmem>>
            %dma_start3A_150 = arith.constant 0 : i32
            %dma_start3A_151 = tpu.memref_slice %arg2[%dma_start3A_150, %add3A_135] : memref<2x320000xi32, #tpu.memory_space<hbm>> -> memref<2x400xi32, #tpu.memory_space<hbm>>
            %dma_start3A_152 = arith.constant 0 : i32
            %dma_start3A_153 = arith.constant 0 : i32
            %dma_start3A_154 = tpu.memref_slice %arg5[%run_scoped3A_136, %dma_start3A_152, %dma_start3A_153] : memref<3x2x400xi32, #tpu.memory_space<vmem>> -> memref<1x2x400xi32, #tpu.memory_space<vmem>>
            %dma_start3A_155 = tpu.memref_squeeze %dma_start3A_154 : memref<1x2x400xi32, #tpu.memory_space<vmem>> -> memref<2x400xi32, #tpu.memory_space<vmem>>
            %dma_start3A_156 = arith.constant 0 : i32
            %dma_start3A_157 = tpu.memref_slice %arg2[%dma_start3A_156, %add3A_135] : memref<2x320000xi32, #tpu.memory_space<hbm>> -> memref<2x400xi32, #tpu.memory_space<hbm>>
            tpu.enqueue_dma source(%dma_start3A_157 : memref<2x400xi32, #tpu.memory_space<hbm>>) target(%dma_start3A_155 : memref<2x400xi32, #tpu.memory_space<vmem>>) target_semaphore(%run_scoped3A_145 : memref<!tpu.dma_semaphore, #tpu.memory_space<semaphore_mem>>)
            %dma_wait3A_158 = arith.constant 0 : i32
            %dma_wait3A_159 = arith.constant 0 : i32
            %dma_wait3A_160 = tpu.memref_slice %arg5[%run_scoped3A_136, %dma_wait3A_158, %dma_wait3A_159] : memref<3x2x400xi32, #tpu.memory_space<vmem>> -> memref<1x2x400xi32, #tpu.memory_space<vmem>>
            %dma_wait3A_161 = tpu.memref_squeeze %dma_wait3A_160 : memref<1x2x400xi32, #tpu.memory_space<vmem>> -> memref<2x400xi32, #tpu.memory_space<vmem>>
            %dma_wait3A_162 = arith.constant 0 : i32
            %dma_wait3A_163 = tpu.memref_slice %arg2[%dma_wait3A_162, %add3A_135] : memref<2x320000xi32, #tpu.memory_space<hbm>> -> memref<2x400xi32, #tpu.memory_space<hbm>>
            %dma_wait3A_164 = arith.constant 0 : i32
            %dma_wait3A_165 = arith.constant 0 : i32
            %dma_wait3A_166 = tpu.memref_slice %arg5[%run_scoped3A_136, %dma_wait3A_164, %dma_wait3A_165] : memref<3x2x400xi32, #tpu.memory_space<vmem>> -> memref<1x2x400xi32, #tpu.memory_space<vmem>>
            %dma_wait3A_167 = tpu.memref_squeeze %dma_wait3A_166 : memref<1x2x400xi32, #tpu.memory_space<vmem>> -> memref<2x400xi32, #tpu.memory_space<vmem>>
            %dma_wait3A_168 = arith.constant 0 : i32
            %dma_wait3A_169 = tpu.memref_slice %arg2[%dma_wait3A_168, %add3A_135] : memref<2x320000xi32, #tpu.memory_space<hbm>> -> memref<2x400xi32, #tpu.memory_space<hbm>>
            tpu.wait_dma2 semaphore(%run_scoped3A_145 : memref<!tpu.dma_semaphore, #tpu.memory_space<semaphore_mem>>) src(%dma_wait3A_169 : memref<2x400xi32, #tpu.memory_space<hbm>>) dst(%dma_wait3A_167 : memref<2x400xi32, #tpu.memory_space<vmem>>)
            tpu.yield
          }) : () -> ()
          %dma_start3A_137 = arith.constant 1 : i32
          %dma_start3A_138 = arith.constant 0 : i32
          %dma_start3A_139 = arith.constant 0 : i32
          %dma_start3A_140 = tpu.memref_slice %arg5[%dma_start3A_137, %dma_start3A_138, %dma_start3A_139] : memref<3x2x400xi32, #tpu.memory_space<vmem>> -> memref<1x1x400xi32, #tpu.memory_space<vmem>>
          %dma_start3A_141 = tpu.memref_squeeze %dma_start3A_140 : memref<1x1x400xi32, #tpu.memory_space<vmem>> -> memref<400xi32, #tpu.memory_space<vmem>>
          %dma_start3A_142 = arith.constant 0 : i32
          %dma_start3A_143 = arith.constant 0 : i32
          %dma_start3A_144 = tpu.memref_slice %arg3[%dma_start3A_142, %dma_start3A_143] : memref<10000x16xf32, #tpu.memory_space<hbm>> -> memref<10000x16xf32, #tpu.memory_space<hbm>>
          tpu.enqueue_indirect_dma source(%dma_start3A_144 : memref<10000x16xf32, #tpu.memory_space<hbm>>) target(%arg7 : memref<400x16xf32, #tpu.memory_space<vmem>>) offsets(%dma_start3A_141 : memref<400xi32, #tpu.memory_space<vmem>>) semaphore(%arg11 : memref<!tpu.dma_semaphore, #tpu.memory_space<semaphore_mem>>)
        } else {
        }
      } else {
      }
      %scan3A_104 = arith.constant 0 : i32
      scf.yield %scan3A_104 : i32
    }
    %scan3A_49 = arith.constant 9 : i32
    %dma_wait3A = arith.constant 0 : i32
    %dma_wait3A_50 = arith.constant 1 : i32
    %dma_wait3A_51 = arith.constant 0 : i32
    %dma_wait3A_52 = tpu.memref_slice %arg5[%dma_wait3A, %dma_wait3A_50, %dma_wait3A_51] : memref<3x2x400xi32, #tpu.memory_space<vmem>> -> memref<1x1x400xi32, #tpu.memory_space<vmem>>
    %dma_wait3A_53 = tpu.memref_squeeze %dma_wait3A_52 : memref<1x1x400xi32, #tpu.memory_space<vmem>> -> memref<400xi32, #tpu.memory_space<vmem>>
    %dma_wait3A_54 = arith.constant 0 : i32
    %dma_wait3A_55 = arith.constant 0 : i32
    %dma_wait3A_56 = tpu.memref_slice %arg9[%dma_wait3A_54, %dma_wait3A_55] : memref<10240x16xf32, #tpu.memory_space<vmem_shared>> -> memref<10240x16xf32, #tpu.memory_space<vmem_shared>>
    tpu.wait_indirect_dma semaphore(%arg13 : memref<!tpu.dma_semaphore, #tpu.memory_space<semaphore_mem>>) src(%arg6 : memref<400x16xf32, #tpu.memory_space<vmem>>) dst(%dma_wait3A_56 : memref<10240x16xf32, #tpu.memory_space<vmem_shared>>)
    %dma_wait3A_57 = arith.constant 1 : i32
    %dma_wait3A_58 = arith.constant 1 : i32
    %dma_wait3A_59 = arith.constant 0 : i32
    %dma_wait3A_60 = tpu.memref_slice %arg5[%dma_wait3A_57, %dma_wait3A_58, %dma_wait3A_59] : memref<3x2x400xi32, #tpu.memory_space<vmem>> -> memref<1x1x400xi32, #tpu.memory_space<vmem>>
    %dma_wait3A_61 = tpu.memref_squeeze %dma_wait3A_60 : memref<1x1x400xi32, #tpu.memory_space<vmem>> -> memref<400xi32, #tpu.memory_space<vmem>>
    %dma_wait3A_62 = arith.constant 0 : i32
    %dma_wait3A_63 = arith.constant 0 : i32
    %dma_wait3A_64 = tpu.memref_slice %arg9[%dma_wait3A_62, %dma_wait3A_63] : memref<10240x16xf32, #tpu.memory_space<vmem_shared>> -> memref<10240x16xf32, #tpu.memory_space<vmem_shared>>
    tpu.wait_indirect_dma semaphore(%arg14 : memref<!tpu.dma_semaphore, #tpu.memory_space<semaphore_mem>>) src(%arg7 : memref<400x16xf32, #tpu.memory_space<vmem>>) dst(%dma_wait3A_64 : memref<10240x16xf32, #tpu.memory_space<vmem_shared>>)
    %dma_wait3A_65 = arith.constant 2 : i32
    %dma_wait3A_66 = arith.constant 1 : i32
    %dma_wait3A_67 = arith.constant 0 : i32
    %dma_wait3A_68 = tpu.memref_slice %arg5[%dma_wait3A_65, %dma_wait3A_66, %dma_wait3A_67] : memref<3x2x400xi32, #tpu.memory_space<vmem>> -> memref<1x1x400xi32, #tpu.memory_space<vmem>>
    %dma_wait3A_69 = tpu.memref_squeeze %dma_wait3A_68 : memref<1x1x400xi32, #tpu.memory_space<vmem>> -> memref<400xi32, #tpu.memory_space<vmem>>
    %dma_wait3A_70 = arith.constant 0 : i32
    %dma_wait3A_71 = arith.constant 0 : i32
    %dma_wait3A_72 = tpu.memref_slice %arg9[%dma_wait3A_70, %dma_wait3A_71] : memref<10240x16xf32, #tpu.memory_space<vmem_shared>> -> memref<10240x16xf32, #tpu.memory_space<vmem_shared>>
    tpu.wait_indirect_dma semaphore(%arg15 : memref<!tpu.dma_semaphore, #tpu.memory_space<semaphore_mem>>) src(%arg8 : memref<400x16xf32, #tpu.memory_space<vmem>>) dst(%dma_wait3A_72 : memref<10240x16xf32, #tpu.memory_space<vmem_shared>>)
    %barrier3A_73 = arith.constant 0 : index
    tpu.barrier barrier_id(%barrier3A_73)
    %mul3A_74 = arith.constant 640 : i32
    %mul3A_75 = arith.muli %arg1, %mul3A_74 : i32
    %mul3A_76 = arith.constant 640 : i32
    %mul3A_77 = arith.muli %arg1, %mul3A_76 : i32
    "tpu.region"() ({
      %run_scoped3A_78 = tpu.sem_alloc : memref<!tpu.dma_semaphore, #tpu.memory_space<semaphore_mem>>
      %dma_start3A_79 = arith.constant 0 : i32
      %dma_start3A_80 = tpu.memref_slice %arg4[%arg0, %mul3A_77, %dma_start3A_79] : memref<2x10240x16xf32, #tpu.memory_space<hbm>> -> memref<1x640x16xf32, #tpu.memory_space<hbm>>
      %dma_start3A_81 = tpu.memref_squeeze %dma_start3A_80 : memref<1x640x16xf32, #tpu.memory_space<hbm>> -> memref<640x16xf32, #tpu.memory_space<hbm>>
      %dma_start3A_82 = arith.constant 0 : i32
      %dma_start3A_83 = tpu.memref_slice %arg9[%mul3A_75, %dma_start3A_82] : memref<10240x16xf32, #tpu.memory_space<vmem_shared>> -> memref<640x16xf32, #tpu.memory_space<vmem_shared>>
      tpu.enqueue_dma source(%dma_start3A_83 : memref<640x16xf32, #tpu.memory_space<vmem_shared>>) target(%dma_start3A_81 : memref<640x16xf32, #tpu.memory_space<hbm>>) target_semaphore(%run_scoped3A_78 : memref<!tpu.dma_semaphore, #tpu.memory_space<semaphore_mem>>)
      %dma_wait3A_84 = arith.constant 0 : i32
      %dma_wait3A_85 = tpu.memref_slice %arg4[%arg0, %mul3A_77, %dma_wait3A_84] : memref<2x10240x16xf32, #tpu.memory_space<hbm>> -> memref<1x640x16xf32, #tpu.memory_space<hbm>>
      %dma_wait3A_86 = tpu.memref_squeeze %dma_wait3A_85 : memref<1x640x16xf32, #tpu.memory_space<hbm>> -> memref<640x16xf32, #tpu.memory_space<hbm>>
      %dma_wait3A_87 = arith.constant 0 : i32
      %dma_wait3A_88 = tpu.memref_slice %arg9[%mul3A_75, %dma_wait3A_87] : memref<10240x16xf32, #tpu.memory_space<vmem_shared>> -> memref<640x16xf32, #tpu.memory_space<vmem_shared>>
      tpu.wait_dma2 semaphore(%run_scoped3A_78 : memref<!tpu.dma_semaphore, #tpu.memory_space<semaphore_mem>>) src(%dma_wait3A_88 : memref<640x16xf32, #tpu.memory_space<vmem_shared>>) dst(%dma_wait3A_86 : memref<640x16xf32, #tpu.memory_space<hbm>>)
      tpu.yield
    }) : () -> ()
    return
  }
}

module attributes {stable_mosaic.version = 14 : i64} {
  func.func @_tc_mm_body(%arg0: memref<10000x128xf32, #tpu.memory_space<vmem>>, %arg1: memref<128x64xf32, #tpu.memory_space<vmem>>, %arg2: memref<10000x64xf32, #tpu.memory_space<vmem>>) attributes {dimension_semantics = [], scalar_prefetch = 0 : i64, scratch_operands = 0 : i64, tpu.core_type = #tpu.core_type<tc>} {
    %get3A = arith.constant 0 : index
    %get3A_0 = arith.constant 0 : index
    %get3A_1 = vector.load %arg0[%get3A, %get3A_0] : memref<10000x128xf32, #tpu.memory_space<vmem>>, vector<10000x128xf32>
    %get3A_2 = arith.constant 0 : index
    %get3A_3 = arith.constant 0 : index
    %get3A_4 = vector.load %arg1[%get3A_2, %get3A_3] : memref<128x64xf32, #tpu.memory_space<vmem>>, vector<128x64xf32>
    %dot_general3A = arith.constant dense<0.000000e+00> : vector<10000x64xf32>
    %dot_general3A_5 = tpu.matmul %get3A_1, %get3A_4, %dot_general3A {dimension_numbers = #tpu.dot_dimension_numbers<[1], [0], [0], [1], [0, 0, 1, 1], [], []>, transpose_lhs_hint = false} : vector<10000x128xf32>, vector<128x64xf32>, vector<10000x64xf32> -> vector<10000x64xf32>
    %swap3A = arith.constant 0 : index
    %swap3A_6 = arith.constant 0 : index
    %swap3A_7 = vector.load %arg2[%swap3A, %swap3A_6] : memref<10000x64xf32, #tpu.memory_space<vmem>>, vector<10000x64xf32>
    tpu.vector_store %arg2[%swap3A, %swap3A_6], %dot_general3A_5 {strides = array<i32>} : memref<10000x64xf32, #tpu.memory_space<vmem>>, vector<10000x64xf32>,
    return
  }
}

module attributes {stable_mosaic.version = 14 : i64} {
  func.func @_tc_mid1_body(%arg0: memref<2x10240x64xf32, #tpu.memory_space<vmem>>, %arg1: memref<2x10240x16xf32, #tpu.memory_space<vmem>>, %arg2: memref<10000x64xf32, #tpu.memory_space<vmem>>, %arg3: memref<64xf32, #tpu.memory_space<vmem>>, %arg4: memref<64xf32, #tpu.memory_space<vmem>>, %arg5: memref<64x64xf32, #tpu.memory_space<vmem>>, %arg6: memref<10000x64xf32, #tpu.memory_space<vmem>>, %arg7: memref<10000x64xf32, #tpu.memory_space<vmem>>, %arg8: memref<10000x1xf32, #tpu.memory_space<vmem>>) attributes {dimension_semantics = [], scalar_prefetch = 0 : i64, scratch_operands = 0 : i64, tpu.core_type = #tpu.core_type<tc>} {
    %get3A = arith.constant 0 : index
    %get3A_0 = arith.constant 0 : index
    %get3A_1 = arith.constant 0 : index
    %get3A_2 = vector.load %arg0[%get3A, %get3A_0, %get3A_1] : memref<2x10240x64xf32, #tpu.memory_space<vmem>>, vector<1x10240x64xf32>
    %get3A_3 = vector.shape_cast %get3A_2 : vector<1x10240x64xf32> to vector<10240x64xf32>
    %get3A_4 = arith.constant 1 : index
    %get3A_5 = arith.constant 0 : index
    %get3A_6 = arith.constant 0 : index
    %get3A_7 = vector.load %arg0[%get3A_4, %get3A_5, %get3A_6] : memref<2x10240x64xf32, #tpu.memory_space<vmem>>, vector<1x10240x64xf32>
    %get3A_8 = vector.shape_cast %get3A_7 : vector<1x10240x64xf32> to vector<10240x64xf32>
    %add3A = arith.addf %get3A_3, %get3A_8 : vector<10240x64xf32>
    %slice3A = vector.extract_strided_slice %add3A {offsets = [0, 0], sizes = [10000, 64], strides = [1, 1]} : vector<10240x64xf32> to vector<10000x64xf32>
    %get3A_9 = arith.constant 0 : index
    %get3A_10 = arith.constant 0 : index
    %get3A_11 = arith.constant 0 : index
    %get3A_12 = vector.load %arg1[%get3A_9, %get3A_10, %get3A_11] : memref<2x10240x16xf32, #tpu.memory_space<vmem>>, vector<1x10240x16xf32>
    %get3A_13 = vector.shape_cast %get3A_12 : vector<1x10240x16xf32> to vector<10240x16xf32>
    %get3A_14 = arith.constant 1 : index
    %get3A_15 = arith.constant 0 : index
    %get3A_16 = arith.constant 0 : index
    %get3A_17 = vector.load %arg1[%get3A_14, %get3A_15, %get3A_16] : memref<2x10240x16xf32, #tpu.memory_space<vmem>>, vector<1x10240x16xf32>
    %get3A_18 = vector.shape_cast %get3A_17 : vector<1x10240x16xf32> to vector<10240x16xf32>
    %add3A_19 = arith.addf %get3A_13, %get3A_18 : vector<10240x16xf32>
    %slice3A_20 = vector.extract_strided_slice %add3A_19 {offsets = [0, 0], sizes = [10000, 16], strides = [1, 1]} : vector<10240x16xf32> to vector<10000x16xf32>
    %slice3A_21 = vector.extract_strided_slice %slice3A_20 {offsets = [0, 0], sizes = [10000, 1], strides = [1, 1]} : vector<10000x16xf32> to vector<10000x1xf32>
    %max3A = arith.constant 1.000000e+00 : f32
    %max3A_22 = vector.broadcast %max3A : f32 to vector<10000x1xf32>
    %max3A_23 = arith.maximumf %slice3A_21, %max3A_22 : vector<10000x1xf32>
    %div3A = arith.constant 1.000000e+00 : f32
    %div3A_24 = vector.broadcast %div3A : f32 to vector<10000x1xf32>
    %div3A_25 = arith.divf %div3A_24, %max3A_23 : vector<10000x1xf32>
    %mul3A = vector.broadcast %div3A_25 : vector<10000x1xf32> to vector<10000x64xf32>
    %mul3A_26 = arith.mulf %slice3A, %mul3A : vector<10000x64xf32>
    %get3A_27 = arith.constant 0 : index
    %get3A_28 = vector.load %arg3[%get3A_27] : memref<64xf32, #tpu.memory_space<vmem>>, vector<64xf32>
    %broadcast_in_dim3A = vector.shape_cast %get3A_28 : vector<64xf32> to vector<1x64xf32>
    %add3A_29 = vector.broadcast %broadcast_in_dim3A : vector<1x64xf32> to vector<10000x64xf32>
    %add3A_30 = arith.addf %mul3A_26, %add3A_29 : vector<10000x64xf32>
    %get3A_31 = arith.constant 0 : index
    %get3A_32 = arith.constant 0 : index
    %get3A_33 = vector.load %arg2[%get3A_31, %get3A_32] : memref<10000x64xf32, #tpu.memory_space<vmem>>, vector<10000x64xf32>
    %add3A_34 = arith.addf %add3A_30, %get3A_33 : vector<10000x64xf32>
    %get3A_35 = arith.constant 0 : index
    %get3A_36 = vector.load %arg4[%get3A_35] : memref<64xf32, #tpu.memory_space<vmem>>, vector<64xf32>
    %broadcast_in_dim3A_37 = vector.shape_cast %get3A_36 : vector<64xf32> to vector<1x64xf32>
    %add3A_38 = vector.broadcast %broadcast_in_dim3A_37 : vector<1x64xf32> to vector<10000x64xf32>
    %add3A_39 = arith.addf %add3A_34, %add3A_38 : vector<10000x64xf32>
    %max3A_40 = arith.constant 0.000000e+00 : f32
    %max3A_41 = vector.broadcast %max3A_40 : f32 to vector<10000x64xf32>
    %max3A_42 = arith.maximumf %add3A_39, %max3A_41 : vector<10000x64xf32>
    %get3A_43 = arith.constant 0 : index
    %get3A_44 = arith.constant 0 : index
    %get3A_45 = vector.load %arg5[%get3A_43, %get3A_44] : memref<64x64xf32, #tpu.memory_space<vmem>>, vector<64x64xf32>
    %dot_general3A = arith.constant dense<0.000000e+00> : vector<10000x64xf32>
    %dot_general3A_46 = tpu.matmul %max3A_42, %get3A_45, %dot_general3A {dimension_numbers = #tpu.dot_dimension_numbers<[1], [0], [0], [1], [0, 0, 1, 1], [], []>, transpose_lhs_hint = false} : vector<10000x64xf32>, vector<64x64xf32>, vector<10000x64xf32> -> vector<10000x64xf32>
    %swap3A = arith.constant 0 : index
    %swap3A_47 = arith.constant 0 : index
    %swap3A_48 = vector.load %arg6[%swap3A, %swap3A_47] : memref<10000x64xf32, #tpu.memory_space<vmem>>, vector<10000x64xf32>
    tpu.vector_store %arg6[%swap3A, %swap3A_47], %dot_general3A_46 {strides = array<i32>} : memref<10000x64xf32, #tpu.memory_space<vmem>>, vector<10000x64xf32>,
    %swap3A_49 = arith.constant 0 : index
    %swap3A_50 = arith.constant 0 : index
    %swap3A_51 = vector.load %arg7[%swap3A_49, %swap3A_50] : memref<10000x64xf32, #tpu.memory_space<vmem>>, vector<10000x64xf32>
    tpu.vector_store %arg7[%swap3A_49, %swap3A_50], %max3A_42 {strides = array<i32>} : memref<10000x64xf32, #tpu.memory_space<vmem>>, vector<10000x64xf32>,
    %swap3A_52 = arith.constant 0 : index
    %swap3A_53 = arith.constant 0 : index
    %swap3A_54 = vector.load %arg8[%swap3A_52, %swap3A_53] : memref<10000x1xf32, #tpu.memory_space<vmem>>, vector<10000x1xf32>
    tpu.vector_store %arg8[%swap3A_52, %swap3A_53], %div3A_25 {strides = array<i32>} : memref<10000x1xf32, #tpu.memory_space<vmem>>, vector<10000x1xf32>,
    return
  }
}

module attributes {stable_mosaic.version = 14 : i64} {
  func.func @_tc_mm_body(%arg0: memref<10000x64xf32, #tpu.memory_space<vmem>>, %arg1: memref<64x64xf32, #tpu.memory_space<vmem>>, %arg2: memref<10000x64xf32, #tpu.memory_space<vmem>>) attributes {dimension_semantics = [], scalar_prefetch = 0 : i64, scratch_operands = 0 : i64, tpu.core_type = #tpu.core_type<tc>} {
    %get3A = arith.constant 0 : index
    %get3A_0 = arith.constant 0 : index
    %get3A_1 = vector.load %arg0[%get3A, %get3A_0] : memref<10000x64xf32, #tpu.memory_space<vmem>>, vector<10000x64xf32>
    %get3A_2 = arith.constant 0 : index
    %get3A_3 = arith.constant 0 : index
    %get3A_4 = vector.load %arg1[%get3A_2, %get3A_3] : memref<64x64xf32, #tpu.memory_space<vmem>>, vector<64x64xf32>
    %dot_general3A = arith.constant dense<0.000000e+00> : vector<10000x64xf32>
    %dot_general3A_5 = tpu.matmul %get3A_1, %get3A_4, %dot_general3A {dimension_numbers = #tpu.dot_dimension_numbers<[1], [0], [0], [1], [0, 0, 1, 1], [], []>, transpose_lhs_hint = false} : vector<10000x64xf32>, vector<64x64xf32>, vector<10000x64xf32> -> vector<10000x64xf32>
    %swap3A = arith.constant 0 : index
    %swap3A_6 = arith.constant 0 : index
    %swap3A_7 = vector.load %arg2[%swap3A, %swap3A_6] : memref<10000x64xf32, #tpu.memory_space<vmem>>, vector<10000x64xf32>
    tpu.vector_store %arg2[%swap3A, %swap3A_6], %dot_general3A_5 {strides = array<i32>} : memref<10000x64xf32, #tpu.memory_space<vmem>>, vector<10000x64xf32>,
    return
  }
}

module attributes {stable_mosaic.version = 14 : i64} {
  func.func @_tc_mid2_body(%arg0: memref<2x10240x64xf32, #tpu.memory_space<vmem>>, %arg1: memref<10000x1xf32, #tpu.memory_space<vmem>>, %arg2: memref<10000x64xf32, #tpu.memory_space<vmem>>, %arg3: memref<64xf32, #tpu.memory_space<vmem>>, %arg4: memref<64xf32, #tpu.memory_space<vmem>>, %arg5: memref<64x16xf32, #tpu.memory_space<vmem>>, %arg6: memref<64x1xf32, #tpu.memory_space<vmem>>, %arg7: memref<10000x16xf32, #tpu.memory_space<vmem>>, %arg8: memref<10000x1xf32, #tpu.memory_space<vmem>>) attributes {dimension_semantics = [], scalar_prefetch = 0 : i64, scratch_operands = 0 : i64, tpu.core_type = #tpu.core_type<tc>} {
    %get3A = arith.constant 0 : index
    %get3A_0 = arith.constant 0 : index
    %get3A_1 = arith.constant 0 : index
    %get3A_2 = vector.load %arg0[%get3A, %get3A_0, %get3A_1] : memref<2x10240x64xf32, #tpu.memory_space<vmem>>, vector<1x10240x64xf32>
    %get3A_3 = vector.shape_cast %get3A_2 : vector<1x10240x64xf32> to vector<10240x64xf32>
    %get3A_4 = arith.constant 1 : index
    %get3A_5 = arith.constant 0 : index
    %get3A_6 = arith.constant 0 : index
    %get3A_7 = vector.load %arg0[%get3A_4, %get3A_5, %get3A_6] : memref<2x10240x64xf32, #tpu.memory_space<vmem>>, vector<1x10240x64xf32>
    %get3A_8 = vector.shape_cast %get3A_7 : vector<1x10240x64xf32> to vector<10240x64xf32>
    %add3A = arith.addf %get3A_3, %get3A_8 : vector<10240x64xf32>
    %slice3A = vector.extract_strided_slice %add3A {offsets = [0, 0], sizes = [10000, 64], strides = [1, 1]} : vector<10240x64xf32> to vector<10000x64xf32>
    %get3A_9 = arith.constant 0 : index
    %get3A_10 = arith.constant 0 : index
    %get3A_11 = vector.load %arg1[%get3A_9, %get3A_10] : memref<10000x1xf32, #tpu.memory_space<vmem>>, vector<10000x1xf32>
    %mul3A = vector.broadcast %get3A_11 : vector<10000x1xf32> to vector<10000x64xf32>
    %mul3A_12 = arith.mulf %slice3A, %mul3A : vector<10000x64xf32>
    %get3A_13 = arith.constant 0 : index
    %get3A_14 = vector.load %arg3[%get3A_13] : memref<64xf32, #tpu.memory_space<vmem>>, vector<64xf32>
    %broadcast_in_dim3A = vector.shape_cast %get3A_14 : vector<64xf32> to vector<1x64xf32>
    %add3A_15 = vector.broadcast %broadcast_in_dim3A : vector<1x64xf32> to vector<10000x64xf32>
    %add3A_16 = arith.addf %mul3A_12, %add3A_15 : vector<10000x64xf32>
    %get3A_17 = arith.constant 0 : index
    %get3A_18 = arith.constant 0 : index
    %get3A_19 = vector.load %arg2[%get3A_17, %get3A_18] : memref<10000x64xf32, #tpu.memory_space<vmem>>, vector<10000x64xf32>
    %add3A_20 = arith.addf %add3A_16, %get3A_19 : vector<10000x64xf32>
    %get3A_21 = arith.constant 0 : index
    %get3A_22 = vector.load %arg4[%get3A_21] : memref<64xf32, #tpu.memory_space<vmem>>, vector<64xf32>
    %broadcast_in_dim3A_23 = vector.shape_cast %get3A_22 : vector<64xf32> to vector<1x64xf32>
    %add3A_24 = vector.broadcast %broadcast_in_dim3A_23 : vector<1x64xf32> to vector<10000x64xf32>
    %add3A_25 = arith.addf %add3A_20, %add3A_24 : vector<10000x64xf32>
    %max3A = arith.constant 0.000000e+00 : f32
    %max3A_26 = vector.broadcast %max3A : f32 to vector<10000x64xf32>
    %max3A_27 = arith.maximumf %add3A_25, %max3A_26 : vector<10000x64xf32>
    %get3A_28 = arith.constant 0 : index
    %get3A_29 = arith.constant 0 : index
    %get3A_30 = vector.load %arg5[%get3A_28, %get3A_29] : memref<64x16xf32, #tpu.memory_space<vmem>>, vector<64x16xf32>
    %dot_general3A = arith.constant dense<0.000000e+00> : vector<10000x16xf32>
    %dot_general3A_31 = tpu.matmul %max3A_27, %get3A_30, %dot_general3A {dimension_numbers = #tpu.dot_dimension_numbers<[1], [0], [0], [1], [0, 0, 1, 1], [], []>, transpose_lhs_hint = false} : vector<10000x64xf32>, vector<64x16xf32>, vector<10000x16xf32> -> vector<10000x16xf32>
    %swap3A = arith.constant 0 : index
    %swap3A_32 = arith.constant 0 : index
    %swap3A_33 = vector.load %arg7[%swap3A, %swap3A_32] : memref<10000x16xf32, #tpu.memory_space<vmem>>, vector<10000x16xf32>
    tpu.vector_store %arg7[%swap3A, %swap3A_32], %dot_general3A_31 {strides = array<i32>} : memref<10000x16xf32, #tpu.memory_space<vmem>>, vector<10000x16xf32>,
    %get3A_34 = arith.constant 0 : index
    %get3A_35 = arith.constant 0 : index
    %get3A_36 = vector.load %arg6[%get3A_34, %get3A_35] : memref<64x1xf32, #tpu.memory_space<vmem>>, vector<64x1xf32>
    %dot_general3A_37 = arith.constant dense<0.000000e+00> : vector<10000x1xf32>
    %dot_general3A_38 = tpu.matmul %max3A_27, %get3A_36, %dot_general3A_37 {dimension_numbers = #tpu.dot_dimension_numbers<[1], [0], [0], [1], [0, 0, 1, 1], [], []>, transpose_lhs_hint = false} : vector<10000x64xf32>, vector<64x1xf32>, vector<10000x1xf32> -> vector<10000x1xf32>
    %swap3A_39 = arith.constant 0 : index
    %swap3A_40 = arith.constant 0 : index
    %swap3A_41 = vector.load %arg8[%swap3A_39, %swap3A_40] : memref<10000x1xf32, #tpu.memory_space<vmem>>, vector<10000x1xf32>
    tpu.vector_store %arg8[%swap3A_39, %swap3A_40], %dot_general3A_38 {strides = array<i32>} : memref<10000x1xf32, #tpu.memory_space<vmem>>, vector<10000x1xf32>,
    return
  }
}

module attributes {stable_mosaic.version = 14 : i64} {
  func.func @_tc_final_body(%arg0: memref<2x10240x16xf32, #tpu.memory_space<vmem>>, %arg1: memref<10000x1xf32, #tpu.memory_space<vmem>>, %arg2: memref<10000x1xf32, #tpu.memory_space<vmem>>, %arg3: memref<1xf32, #tpu.memory_space<vmem>>, %arg4: memref<1xf32, #tpu.memory_space<vmem>>, %arg5: memref<10000xf32, #tpu.memory_space<vmem>>) attributes {dimension_semantics = [], scalar_prefetch = 0 : i64, scratch_operands = 0 : i64, tpu.core_type = #tpu.core_type<tc>} {
    %get3A = arith.constant 0 : index
    %get3A_0 = arith.constant 0 : index
    %get3A_1 = arith.constant 0 : index
    %get3A_2 = vector.load %arg0[%get3A, %get3A_0, %get3A_1] : memref<2x10240x16xf32, #tpu.memory_space<vmem>>, vector<1x10240x16xf32>
    %get3A_3 = vector.shape_cast %get3A_2 : vector<1x10240x16xf32> to vector<10240x16xf32>
    %get3A_4 = arith.constant 1 : index
    %get3A_5 = arith.constant 0 : index
    %get3A_6 = arith.constant 0 : index
    %get3A_7 = vector.load %arg0[%get3A_4, %get3A_5, %get3A_6] : memref<2x10240x16xf32, #tpu.memory_space<vmem>>, vector<1x10240x16xf32>
    %get3A_8 = vector.shape_cast %get3A_7 : vector<1x10240x16xf32> to vector<10240x16xf32>
    %add3A = arith.addf %get3A_3, %get3A_8 : vector<10240x16xf32>
    %slice3A = vector.extract_strided_slice %add3A {offsets = [0, 0], sizes = [10000, 16], strides = [1, 1]} : vector<10240x16xf32> to vector<10000x16xf32>
    %slice3A_9 = vector.extract_strided_slice %slice3A {offsets = [0, 0], sizes = [10000, 1], strides = [1, 1]} : vector<10000x16xf32> to vector<10000x1xf32>
    %get3A_10 = arith.constant 0 : index
    %get3A_11 = arith.constant 0 : index
    %get3A_12 = vector.load %arg1[%get3A_10, %get3A_11] : memref<10000x1xf32, #tpu.memory_space<vmem>>, vector<10000x1xf32>
    %mul3A = arith.mulf %slice3A_9, %get3A_12 : vector<10000x1xf32>
    %get3A_13 = arith.constant 0 : index
    %get3A_14 = vector.load %arg3[%get3A_13] : memref<1xf32, #tpu.memory_space<vmem>>, vector<1xf32>
    %broadcast_in_dim3A = vector.shape_cast %get3A_14 : vector<1xf32> to vector<1x1xf32>
    %add3A_15 = vector.broadcast %broadcast_in_dim3A : vector<1x1xf32> to vector<10000x1xf32>
    %add3A_16 = arith.addf %mul3A, %add3A_15 : vector<10000x1xf32>
    %get3A_17 = arith.constant 0 : index
    %get3A_18 = arith.constant 0 : index
    %get3A_19 = vector.load %arg2[%get3A_17, %get3A_18] : memref<10000x1xf32, #tpu.memory_space<vmem>>, vector<10000x1xf32>
    %add3A_20 = arith.addf %add3A_16, %get3A_19 : vector<10000x1xf32>
    %get3A_21 = arith.constant 0 : index
    %get3A_22 = vector.load %arg4[%get3A_21] : memref<1xf32, #tpu.memory_space<vmem>>, vector<1xf32>
    %broadcast_in_dim3A_23 = vector.shape_cast %get3A_22 : vector<1xf32> to vector<1x1xf32>
    %add3A_24 = vector.broadcast %broadcast_in_dim3A_23 : vector<1x1xf32> to vector<10000x1xf32>
    %add3A_25 = arith.addf %add3A_20, %add3A_24 : vector<10000x1xf32>
    %reshape3A = vector.shape_cast %add3A_25 : vector<10000x1xf32> to vector<10000xf32>
    %swap3A = arith.constant 0 : index
    %swap3A_26 = vector.load %arg5[%swap3A] : memref<10000xf32, #tpu.memory_space<vmem>>, vector<10000xf32>
    tpu.vector_store %arg5[%swap3A], %reshape3A {strides = array<i32>} : memref<10000xf32, #tpu.memory_space<vmem>>, vector<10000xf32>,
    return
  }
}

</mosaic_0001>

<sc_bundles>
// kernel: kernel.12.cloned.1.call-start
scs
__scs_entry_jumppad:
0x0: {  	(pc) =	sbr.rel $0x88, $3  }
0x1: {  	(tag) =	ssettag $0x0;
	lr =	simm.s32 $0x1  }
0x2: {  	[smem:$0x3F93] =	sst lr;
	_ =	strace $0xD0000000  }
0x3: {  	_ = 	snop  }
0x4: {  	_ = 	snop  }
0x5: {  	_ = 	snop  }
0x6: {  	_ = 	snop  }
0x7: {  	_ = 	snop  }
__scs_overlays_trampoline_lowered:
0x8: {  	[smem:$0x3FA2] =	sst s0  }
0x9: {  	[smem:$0x3FA3] =	sst s1  }
0xa: {  	[smem:$0x3FA4] =	sst s2  }
0xb: {  	[smem:$0x3FA5] =	sst s3  }
0xc: {  	[smem:$0x3FA6] =	sst s4  }
0xd: {  	[smem:$0x3FA7] =	sst s5  }
0xe: {  	[smem:$0x3FA8] =	sst s6  }
0xf: {  	[smem:$0x3FA9] =	sst s7  }
0x10: {  	[smem:$0x3FAA] =	sst s8  }
0x11: {  	[smem:$0x3FAB] =	sst s9;
	s0 =	simm.s32 @!p0 $0x0  }
0x12: {  	s1 =	sld [smem:$0x3F91];
	s0 =	simm.s32 @p0 $0x1  }
0x13: {  	[smem:$0x3FAC] =	sst s0;
	s0 =	simm.s32 @!p1 $0x0  }
0x14: {  	s2 =	sld [smem:$0x3F90];
	s0 =	simm.s32 @p1 $0x1  }
0x15: {  	[smem:$0x3FAD] =	sst s0;
	s0 =	simm.s32 @!p2 $0x0  }
0x16: {  	s3 =	sld [smem:$0x3FDB];
	s0 =	simm.s32 @p2 $0x1  }
0x17: {  	s4 =	simm.s32 $0x1BF5;
	[smem:$0x3FAF] =	sst s0  }
0x18: {  	s0 =	sld [smem:$0x3F92];
	_ =	swait.ge [sflag:s4], $0x0  }
0x19: {  	s7 =	sld [smem:$0x3F93]  }
0x1a: {  	s8 =	sadd.s32 $0xFFFFE003, lr  }
0x1b: {  	s9 =	sadd.s32 $0xFFFFFEF7, lr;
	s5 =	simm.s32 $0xFFFFFFFF;
	p2 =	slt.u32 s8, $0xFFFFF086  }
0x1c: {  	p1 =	slt.u32 s9, $0xF7A;
	s5 =	simm.s32 @!p2 $0x0  }
0x1d: {  	s5 =	simm.s32 @p1 $0x1;
	p0 =	seq.s32 s7, s2  }
0x1e: {  	s7 =	smul.u32 @!p0 $0xF7A, s2;
	p2 =	seq.s32 @!p0 s5, $0x0  }
0x1f: {  	s9 =	smul.u32 $0xF7A, s1;
	s8 =	simm.s32 @!p0 $0x1BF5;
	p2 =	por !p2, p0  }
0x20: {  	[sflag:s8] =	ssyncset.s32 @!p0 $0xFFFFF086;
	s6 =	sadd.s32 @!p0 s3, s7;
	s7 =	simm.s32 @!p0 $0x108  }
0x21: {  	s3 =	sadd.s32 s3, s9;
	s6 =	sadd.s32 @!p0 $0x88, s6;
	s7 =	simm.s32 @p2 $0x1082  }
0x22: {  	[simem:s7], [sflag:s8] =	dma.local @!p0 [hbm:s6], $0xF7A  }
0x23: {  	s9 =	sor.u32 $0xD0000000, s2;
	s6 =	simm.s32 $0x108;
	_ =	swait.ge @!p0 [sflag:s8], $0x0  }
0x24: {  	s3 =	sadd.s32 $0x88, s3;
	s6 =	simm.s32 @!p1 $0x1082;
	[sflag:s4] =	ssyncset.s32 $0xFFFFF086  }
0x25: {  	[simem:s6], [sflag:s4] =	dma.local [hbm:s3], $0xF7A  }
0x26: {  	[smem:$0x3F93] =	sst s1;
	(tag) =	ssettag s2;
	_ =	strace s9  }
0x27: {  	s1 =	sld [smem:$0x3FA3]  }
0x28: {  	s2 =	sld [smem:$0x3FA4]  }
0x29: {  	s4 =	sld [smem:$0x3FA6]  }
0x2a: {  	p0 =	seq.s32 s5, $0x0;
	s5 =	sld [smem:$0x3FA7]  }
0x2b: {  	s6 =	sld [smem:$0x3FA8]  }
0x2c: {  	s7 =	sld [smem:$0x3FA9]  }
0x2d: {  	s3 =	simm.s32 $0x108;
	s8 =	sld [smem:$0x3FAA]  }
0x2e: {  	s3 =	simm.s32 @!p0 $0x1082;
	s9 =	sld [smem:$0x3FAB]  }
0x2f: {  	lr =	sadd.s32 s0, s3;
	s0 =	sld [smem:$0x3FA2]  }
0x30: {  	s3 =	sld [smem:$0x3FA5]  }
0x31: {  	[smem:$0x3FAE] =	sst s10  }
0x32: {  	s10 =	sld [smem:$0x3FAC];
	_ =	sdelay $0x3  }
0x33: {  	p0 =	seq.s32 s10, $0x1;
	s10 =	sld [smem:$0x3FAE];
	_ =	sdelay $0x3  }
0x34: {  	[smem:$0x3FAE] =	sst s10  }
0x35: {  	s10 =	sld [smem:$0x3FAD];
	_ =	sdelay $0x3  }
0x36: {  	p1 =	seq.s32 s10, $0x1;
	s10 =	sld [smem:$0x3FAE];
	_ =	sdelay $0x3  }
0x37: {  	[smem:$0x3FAE] =	sst s10  }
0x38: {  	s10 =	sld [smem:$0x3FAF]  }
0x39: {  	_ = 	snop;
	(pc) =	sbr.ind lr, $3  }
0x3a: {  	_ = 	snop  }
0x3b: {  	_ = 	snop  }
0x3c: {  	p2 =	seq.s32 s10, $0x1;
	s10 =	sld [smem:$0x3FAE]  }
0x3d: {  	_ =	shalt  }
0x3e: {  	_ =	shalt  }
0x3f: {  	_ =	shalt  }
0x40: {  	_ =	shalt  }
0x41: {  	_ =	shalt  }
0x42: {  	_ =	shalt  }
0x43: {  	_ =	shalt  }
0x44: {  	_ =	shalt  }
0x45: {  	_ =	shalt  }
0x46: {  	_ =	shalt  }
0x47: {  	_ =	shalt  }
0x48: {  	_ =	shalt  }
0x49: {  	_ =	shalt  }
0x4a: {  	_ =	shalt  }
0x4b: {  	_ =	shalt  }
0x4c: {  	_ =	shalt  }
0x4d: {  	_ =	shalt  }
0x4e: {  	_ =	shalt  }
0x4f: {  	_ =	shalt  }
0x50: {  	_ =	shalt  }
0x51: {  	_ =	shalt  }
0x52: {  	_ =	shalt  }
0x53: {  	_ =	shalt  }
0x54: {  	_ =	shalt  }
0x55: {  	_ =	shalt  }
0x56: {  	_ =	shalt  }
0x57: {  	_ =	shalt  }
0x58: {  	_ =	shalt  }
0x59: {  	_ =	shalt  }
0x5a: {  	_ =	shalt  }
0x5b: {  	_ =	shalt  }
0x5c: {  	_ =	shalt  }
0x5d: {  	_ =	shalt  }
0x5e: {  	_ =	shalt  }
0x5f: {  	_ =	shalt  }
0x60: {  	_ =	shalt  }
0x61: {  	_ =	shalt  }
0x62: {  	_ =	shalt  }
0x63: {  	_ =	shalt  }
0x64: {  	_ =	shalt  }
0x65: {  	_ =	shalt  }
0x66: {  	_ =	shalt  }
0x67: {  	_ =	shalt  }
0x68: {  	_ =	shalt  }
0x69: {  	_ =	shalt  }
0x6a: {  	_ =	shalt  }
0x6b: {  	_ =	shalt  }
0x6c: {  	_ =	shalt  }
0x6d: {  	_ =	shalt  }
0x6e: {  	_ =	shalt  }
0x6f: {  	_ =	shalt  }
0x70: {  	_ =	shalt  }
0x71: {  	_ =	shalt  }
0x72: {  	_ =	shalt  }
0x73: {  	_ =	shalt  }
0x74: {  	_ =	shalt  }
0x75: {  	_ =	shalt  }
0x76: {  	_ =	shalt  }
0x77: {  	_ =	shalt  }
0x78: {  	_ =	shalt  }
0x79: {  	_ =	shalt  }
0x7a: {  	_ =	shalt  }
0x7b: {  	_ =	shalt  }
0x7c: {  	_ =	shalt  }
0x7d: {  	_ =	shalt  }
0x7e: {  	_ =	shalt  }
0x7f: {  	_ =	shalt  }
0x80: {  	_ =	shalt  }
0x81: {  	_ =	shalt  }
0x82: {  	_ =	shalt  }
0x83: {  	_ =	shalt  }
0x84: {  	_ =	shalt  }
0x85: {  	_ =	shalt  }
0x86: {  	_ =	shalt  }
0x87: {  	_ =	shalt  }
.Lfunc_end0:
.L_simem_size_0:
called_computation_lowered:
.L_overlay_start_0:
0x88: {  	s2 =	sld [smem:$0x3FD9]  }
0x89: {  	s3 =	sld [smem:$0x3FFE];
	_ =	sdelay $0x1  }
0x8a: {  	s1 =	srdreg.scid  }
0x8b: {  	s0 =	sand.u32 $0x1, s1  }
0x8c: {  	s16 =	sshll.u32 s0, $0xA;
	s2 =	sadd.s32 s3, s2  }
0x8d: {  	s2 =	sadd.s32 s2, s16  }
0x8e: {  	[smem:$0x3FBA] =	sst s2  }
0x8f: {  	_ = 	snop  }
0x90: {  	(tm) =	ssettm $0x1  }
0x91: {  	s17 =	sld [smem:$0x3FFB];
	_ =	sdelay $0x3  }
0x92: {  	_ =	strace s17  }
0x93: {  	s2 =	sld [smem:$0x3FFC];
	_ =	sdelay $0x3  }
0x94: {  	_ =	strace s2  }
0x95: {  	s2 =	sld [smem:$0x3FFD];
	_ =	sdelay $0x3  }
0x96: {  	_ =	strace s2  }
0x97: {  	_ =	strace $0x8FFFFFFF  }
0x98: {  	s18 =	sld [smem:$0x3FDB];
	_ =	sdelay $0x1  }
0x99: {  	s19 =	simm.s32 $_scs_section_size  }
0x9a: {  	s4 =	simm.s32 $_size__tile_overlayer_lowered;
	s5 =	simm.s32 $_tile_overlayer_lowered  }
0x9b: {  	s22 =	simm.s32 $0x1BFF;
	s21 =	sshll.u32 s5, $0x1;
	s2 =	sadd.s32 s19, s18  }
0x9c: {  	s6 =	simm.s32 $0x0;
	s20 =	sshll.u32 s4, $0x1;
	s4 =	sadd.s32 s21, s2  }
0x9d: {  	[timem:s6], [sflag:s22] =	dma.local [hbm:s4], s20  }
0x9e: {  	_ =	swait.ge [sflag:s22], s20  }
0x9f: {  	s3 =	ssub.s32 $0x0, s20;
	[sflag:s22] =	ssyncset.done $0x0  }
0xa0: {  	[sflag:s22] =	ssyncadd.s32 s3;
	_ =	sdelay $0x1  }
0xa1: {  	s23 =	simm.s32 $0x1B8B  }
0xa2: {  	_ =	swait.ge [sflag:s23], $0x1  }
0xa3: {  	[sflag:s23] =	ssyncset.done $0x0  }
0xa4: {  	s25 =	simm.s32 $0x1B8E;
	s24 =	sld [smem:$0x3FFE];
	[sflag:s23] =	ssyncadd.s32 $0xFFFFFFFF  }
0xa5: {  	s26 =	simm.s32 $execute0_lowered;
	[smem:$0x3FD2] =	sst s25  }
0xa6: {  	s4 =	sshll.u32 s26, $0x1;
	_ =	strace $0x80000046;
	[dreg:$0x1] =	wrdreg $0xFFFFFFFF  }
0xa7: {  	s28 =	simm.s32 $_size_execute0_lowered;
	s2 =	sadd.s32 s2, s4;
	[dreg:$0x0] =	wrdreg $0x0  }
0xa8: {  	s4 =	sshll.u32 s28, $0x1;
	[dreg:$0x2] =	wrdreg s2  }
0xa9: {  	[dreg:$0x3] =	wrdreg s4  }
0xaa: {  	[dreg:$0x4] =	wrdreg $0xC0  }
0xab: {  	_ =	task [dreg:s6], $0x5FFFF  }
0xac: {  	[dreg:$0x1] =	wrdreg $0xFFFFFFFF  }
0xad: {  	[dreg:$0x0] =	wrdreg $0x60  }
0xae: {  	[dreg:$0x2] =	wrdreg s24  }
0xaf: {  	[dreg:$0x3] =	wrdreg $0x8CA00  }
0xb0: {  	[dreg:$0x4] =	wrdreg $0x9  }
0xb1: {  	_ =	task.clear_ibuf [dreg:s6], $0x5FFFF;
	_ =	strace $0x90000046  }
0xb2: {  	s29 =	simm.s32 $0x9;
	_ =	strace $0x80000048  }
0xb3: {  	_ =	swait.ge [sflag:s29], $0x1  }
0xb4: {  	[sflag:s29] =	ssyncadd.s32 $0xFFFFFFFF  }
0xb5: {  	_ =	strace $0x90000048  }
0xb6: {  	_ =	sfence  }
0xb7: {  	s30 =	sld [smem:$0x0];
	_ =	sdelay $0x2  }
0xb8: {  	s31 =	sshll.u32 s1, $0xD;
	s1 =	sshrl.u32 s1, $0x2  }
0xb9: {  	s3 =	sand.u32 $0x4000, s31;
	s1 =	sadd.s32 s1, s30  }
0xba: {  	s0 =	sor.u32 s3, s0;
	s1 =	sshll.u32 s1, $0x11  }
0xbb: {  	s0 =	sor.u32 s1, s0  }
0xbc: {  	s0 =	sadd.s32 $0x8F2B, s0  }
0xbd: {  	[sflag:s0] =	ssyncadd.remote.s32 $0x1  }
0xbe: {  	_ =	sfence.sel $0xFFFF  }
0xbf: {  	[dreg:$0x0] =	wrdreg $0xFFFFFFFF;
	(pc) =	sbr.abs _section_cstart, $3  }
0xc0: {  	[dreg:$0x1] =	wrdreg $0xFFFFFFFF  }
0xc1: {  	_ =	task.clear_ibuf [dreg:s6], $0x2FFFF;
	_ =	strace $0x9FFFFFFF  }
0xc2: {  	(tm) =	ssettm $0x7FFFFFFF  }
0xc3: {  	_ =	shalt  }
tec
execute0_lowered:
.L_overlay_start_1:
0x0: {  	(tag) =	ssettag $0x1  }
0x1: {  	s4 =	rddreg [dreg:$0x0]  }
0x2: {  	s2 =	rddreg [dreg:$0x1]  }
0x3: {  	s0 =	rddreg [dreg:$0x2]  }
0x4: {  	s5 =	srdreg.scid;
	s1 =	stileid.u32;
	s3 =	simm.s32 $0x0  }
0x5: {  	s18 =	simm.s32 $0x1;
	s19 =	simm.s32 $0x7D0;
	s20 =	simm.s32 $0x4E200  }
0x6: {  	s21 =	simm.s32 $0x0;
	s5 =	sand.u32 $0x1, s5;
	s6 =	smul.u32 $0x2800, s1  }
0x7: {  	[smem:$0x7FF] =	sst s3;
	s8 =	sshll.u32 s1, $0x1;
	s7 =	smul.u32 $0x28000, s5  }
0x8: {  	s15 =	sadd.s32 $0x3600, s4;
	s16 =	sadd.s32 $0x21000, s4;
	s8 =	sor.u32 s5, s8  }
0x9: {  	s5 =	ssub.s32 $0x2, s5;
	s8 =	smul.u32 $0x2710, s8;
	s7 =	sadd.s32 s6, s7  }
0xa: {  	_ =	strace $0x80000047;
	s31 =	sshrl.u32 s5, $0x1;
	s7 =	sshrl.u32 s7, $0x3  }
0xb: {  	s9 =	ssub.s32 s5, s31;
	s13 =	sshrl.u32 s8, $0x3;
	s7 =	sadd.s32 s7, s4  }
0xc: {  	s4 =	sadd.s32 s6, s2;
	s6 =	sadd.s32 s15, s13;
	s8 =	sadd.s32 s16, s13  }
0xd: {  	s10 =	sadd.s32 $0xFA, s13;
	s12 =	sadd.s32 $0x1F4, s13;
	s14 =	sadd.s32 $0x2EE, s13  }
0xe: {  	s17 =	sadd.s32 $0x3E8, s13;
	s5 =	sadd.s32 $0x17000, s7;
	s7 =	smax.u32 s9, $0x1  }
0xf: {  	s9 =	sadd.s32 s15, s10;
	s10 =	sadd.s32 s16, s10;
	s11 =	sadd.s32 s15, s12  }
0x10: {  	v0 =	vimm.f32 $0.0e+00;
	vm0 =	vcmask $0x300;
	s12 =	sadd.s32 s16, s12;
	s13 =	sadd.s32 s15, s14;
	s14 =	sadd.s32 s16, s14  }
0x11: {  	v1 =	vsel vm0, $0x3F800000, v0;
	s15 =	sadd.s32 s15, s17;
	s16 =	sadd.s32 s16, s17;
	s17 =	simm.s32 $0xFA0  }
.LBB2_1:
0x12: {  	s23 =	simm.s32 $0x100;
	s22 =	simm.s32 $0x0  }
.LBB2_2:
0x13: {  	p0 =	sne.s32 s23, $0x9F00;
	[tilespmem:s22+$0xFD0] =	vst v0;
	s24 =	smov.u32 s23;
	s23 =	sadd.s32 $0x100, s23  }
.Ltmp0:
0x14: {  	[tilespmem:s22+$0xFC0] =	vst v0;
	(pc) =	sbr.rel @p0 .LBB2_2-.Ltmp0, $3  }
0x15: {  	[tilespmem:s22+$0xFA0] =	vst v0  }
0x16: {  	[tilespmem:s22+$0xFB0] =	vst v0;
	_ =	sdelay $0x1  }
0x17: {  	s22 =	sshra.s32 s24, $0x2  }
0x18: {  	[tilespmem:s22+$0xFD0] =	vst v0  }
0x19: {  	[tilespmem:s22+$0xFC0] =	vst v0  }
0x1a: {  	[tilespmem:s22+$0xFA0] =	vst v0  }
0x1b: {  	[tilespmem:s22+$0xFB0] =	vst v0  }
0x1c: {  	[spmem:s4] =	stream.linear.scatter [tilespmem:s17], [sflag:$0x1], $0x2800, $0x38;
	[tilespmem:$0xB4A0] =	vst v63  }
0x1d: {  	_ =	swait.ge [sflag:s18], $0x2800  }
0x1e: {  	[sflag:s18] =	ssyncset.done $0x0  }
0x1f: {  	s23 =	simm.s32 $0x100;
	s22 =	simm.s32 $0x0;
	[sflag:s18] =	ssyncadd.s32 $0xFFFFD800  }
.LBB2_4:
0x20: {  	p0 =	sne.s32 s23, $0x1F300;
	[tilespmem:s22+$0xFD0] =	vst v1;
	s24 =	smov.u32 s23;
	s23 =	sadd.s32 $0x100, s23  }
.Ltmp1:
0x21: {  	[tilespmem:s22+$0xFC0] =	vst v1;
	(pc) =	sbr.rel @p0 .LBB2_4-.Ltmp1, $3  }
0x22: {  	[tilespmem:s22+$0xFA0] =	vst v1  }
0x23: {  	[tilespmem:s22+$0xFB0] =	vst v1;
	_ =	sdelay $0x1  }
0x24: {  	s22 =	sshra.s32 s24, $0x2  }
0x25: {  	[tilespmem:s22+$0xFD0] =	vst v1  }
0x26: {  	[tilespmem:s22+$0xFC0] =	vst v1  }
0x27: {  	[tilespmem:s22+$0xFA0] =	vst v1  }
0x28: {  	[tilespmem:s22+$0xFB0] =	vst v1  }
0x29: {  	[bflag:$0x0] =	sbarrier.arrive $0xFFFF  }
0x2a: {  	[tilespmem:s3], [sflag:$0x1] =	stream.strided.gather [hbm4b:s6+s19], $0xFA0, s20, s19, $0x38;
	[tilespmem:$0xB4A0] =	vst v63  }
0x2b: {  	_ =	swait.ge [sflag:s18], $0xFA0  }
0x2c: {  	[sflag:s18] =	ssyncset.done $0x0  }
0x2d: {  	[sflag:s18] =	ssyncadd.s32 $0xFFFFF060  }
0x2e: {  	[hbm4b:s8+s19] =	stream.strided.scatter [tilespmem:s3], [sflag:$0x1], $0xFA0, s20, s19, $0x38;
	[tilespmem:$0xB4A0] =	vst v63  }
0x2f: {  	_ =	swait.ge [sflag:s18], $0xFA0  }
0x30: {  	[sflag:s18] =	ssyncset.done $0x0  }
0x31: {  	[sflag:s18] =	ssyncadd.s32 $0xFFFFF060  }
0x32: {  	[spmem:s2] =	stream.indirect.scatter.add.f32 [tilespmem:s17], [sflag:$0x1], $0x10, s19, s19, $0xb8;
	[tilespmem:$0xB4A0] =	vst v63  }
0x33: {  	_ =	swait.ge [sflag:s18], $0x7D00  }
0x34: {  	[sflag:s18] =	ssyncset.done $0x0  }
0x35: {  	[sflag:s18] =	ssyncadd.s32 $0xFFFF8300  }
0x36: {  	[tilespmem:s3], [sflag:$0x1] =	stream.strided.gather [hbm4b:s9+s19], $0xFA0, s20, s19, $0x38;
	[tilespmem:$0xB4A0] =	vst v63  }
0x37: {  	_ =	swait.ge [sflag:s18], $0xFA0  }
0x38: {  	[sflag:s18] =	ssyncset.done $0x0  }
0x39: {  	[sflag:s18] =	ssyncadd.s32 $0xFFFFF060  }
0x3a: {  	[hbm4b:s10+s19] =	stream.strided.scatter [tilespmem:s3], [sflag:$0x1], $0xFA0, s20, s19, $0x38;
	[tilespmem:$0xB4A0] =	vst v63  }
0x3b: {  	_ =	swait.ge [sflag:s18], $0xFA0  }
0x3c: {  	[sflag:s18] =	ssyncset.done $0x0  }
0x3d: {  	[sflag:s18] =	ssyncadd.s32 $0xFFFFF060  }
0x3e: {  	[spmem:s2] =	stream.indirect.scatter.add.f32 [tilespmem:s17], [sflag:$0x1], $0x10, s19, s19, $0xb8;
	[tilespmem:$0xB4A0] =	vst v63  }
0x3f: {  	_ =	swait.ge [sflag:s18], $0x7D00  }
0x40: {  	[sflag:s18] =	ssyncset.done $0x0  }
0x41: {  	[sflag:s18] =	ssyncadd.s32 $0xFFFF8300  }
0x42: {  	[tilespmem:s3], [sflag:$0x1] =	stream.strided.gather [hbm4b:s11+s19], $0xFA0, s20, s19, $0x38;
	[tilespmem:$0xB4A0] =	vst v63  }
0x43: {  	_ =	swait.ge [sflag:s18], $0xFA0  }
0x44: {  	[sflag:s18] =	ssyncset.done $0x0  }
0x45: {  	[sflag:s18] =	ssyncadd.s32 $0xFFFFF060  }
0x46: {  	[hbm4b:s12+s19] =	stream.strided.scatter [tilespmem:s3], [sflag:$0x1], $0xFA0, s20, s19, $0x38;
	[tilespmem:$0xB4A0] =	vst v63  }
0x47: {  	_ =	swait.ge [sflag:s18], $0xFA0  }
0x48: {  	[sflag:s18] =	ssyncset.done $0x0  }
0x49: {  	[sflag:s18] =	ssyncadd.s32 $0xFFFFF060  }
0x4a: {  	[spmem:s2] =	stream.indirect.scatter.add.f32 [tilespmem:s17], [sflag:$0x1], $0x10, s19, s19, $0xb8;
	[tilespmem:$0xB4A0] =	vst v63  }
0x4b: {  	_ =	swait.ge [sflag:s18], $0x7D00  }
0x4c: {  	[sflag:s18] =	ssyncset.done $0x0  }
0x4d: {  	[sflag:s18] =	ssyncadd.s32 $0xFFFF8300  }
0x4e: {  	[tilespmem:s3], [sflag:$0x1] =	stream.strided.gather [hbm4b:s13+s19], $0xFA0, s20, s19, $0x38;
	[tilespmem:$0xB4A0] =	vst v63  }
0x4f: {  	_ =	swait.ge [sflag:s18], $0xFA0  }
0x50: {  	[sflag:s18] =	ssyncset.done $0x0  }
0x51: {  	[sflag:s18] =	ssyncadd.s32 $0xFFFFF060  }
0x52: {  	[hbm4b:s14+s19] =	stream.strided.scatter [tilespmem:s3], [sflag:$0x1], $0xFA0, s20, s19, $0x38;
	[tilespmem:$0xB4A0] =	vst v63  }
0x53: {  	_ =	swait.ge [sflag:s18], $0xFA0  }
0x54: {  	[sflag:s18] =	ssyncset.done $0x0  }
0x55: {  	[sflag:s18] =	ssyncadd.s32 $0xFFFFF060  }
0x56: {  	[spmem:s2] =	stream.indirect.scatter.add.f32 [tilespmem:s17], [sflag:$0x1], $0x10, s19, s19, $0xb8;
	[tilespmem:$0xB4A0] =	vst v63  }
0x57: {  	_ =	swait.ge [sflag:s18], $0x7D00  }
0x58: {  	[sflag:s18] =	ssyncset.done $0x0  }
0x59: {  	[sflag:s18] =	ssyncadd.s32 $0xFFFF8300  }
0x5a: {  	[tilespmem:s3], [sflag:$0x1] =	stream.strided.gather [hbm4b:s15+s19], $0xFA0, s20, s19, $0x38;
	[tilespmem:$0xB4A0] =	vst v63  }
0x5b: {  	_ =	swait.ge [sflag:s18], $0xFA0  }
0x5c: {  	[sflag:s18] =	ssyncset.done $0x0  }
0x5d: {  	[sflag:s18] =	ssyncadd.s32 $0xFFFFF060  }
0x5e: {  	[hbm4b:s16+s19] =	stream.strided.scatter [tilespmem:s3], [sflag:$0x1], $0xFA0, s20, s19, $0x38;
	[tilespmem:$0xB4A0] =	vst v63  }
0x5f: {  	_ =	swait.ge [sflag:s18], $0xFA0  }
0x60: {  	[sflag:s18] =	ssyncset.done $0x0  }
0x61: {  	[sflag:s18] =	ssyncadd.s32 $0xFFFFF060  }
0x62: {  	[spmem:s2] =	stream.indirect.scatter.add.f32 [tilespmem:s17], [sflag:$0x1], $0x10, s19, s19, $0xb8;
	[tilespmem:$0xB4A0] =	vst v63  }
0x63: {  	_ =	swait.ge [sflag:s18], $0x7D00  }
0x64: {  	s31 =	sshll.u32 s1, $0x6;
	s21 =	sadd.s32 $0x1, s21;
	[sflag:s18] =	ssyncset.done $0x0  }
0x65: {  	s23 =	sshrl.u32 s4, $0x3;
	p0 =	sne.s32 s21, s7;
	[sflag:s18] =	ssyncadd.s32 $0xFFFF8300  }
.Ltmp2:
0x66: {  	s22 =	sor.u32 $0x1C01, s31;
	[bflag:$0x0] =	sbarrier.arrive $0xFFFF;
	(pc) =	sbr.rel @p0 .LBB2_1-.Ltmp2, $4  }
0x67: {  	[hbm:s5], [sflag:s22] =	dma.local [spmem:s23], $0x500  }
0x68: {  	_ =	swait.ge [sflag:s18], $0x500  }
0x69: {  	[sflag:s18] =	ssyncset.done $0x0  }
0x6a: {  	[sflag:s18] =	ssyncadd.s32 $0xFFFFFB00  }
0x6b: {  	_ =	sfence.sel $0x180000  }
0x6c: {  	[bflag:$0x0] =	sbarrier.arrive $0xFFFF  }
0x6d: {  	p0 =	sne.s32 s1, $0x0;
	_ =	strace $0x90000047  }
0x6e: {  	s0 =	sadd.s32 @!p0 $0x100000, s0;
	[bflag:$0x2] =	sbarrier.arrive $0xFFFF  }
0x6f: {  	[sflag:s0] =	ssyncadd.tile.s32 @!p0 $0x1;
	_ =	shalt  }
.Lfunc_end2:
_tile_overlayer_lowered:
.L_overlay_start_2:
0x70: {  	(tag) =	ssettag $0x2  }
0x71: {  	s0 =	rddreg [dreg:$0x0];
	s2 =	stileid.u32  }
0x72: {  	s1 =	rddreg [dreg:$0x1];
	p0 =	sne.s32 s2, $0x0  }
0x73: {  	s3 =	rddreg [dreg:$0x2];
	[bflag:$0x3] =	sbarrier.arrive $0xFFFF;
	s2 =	simm.s32 @!p0 $0x1C01  }
0x74: {  	[timem:s3], [sflag:s2] =	dma.local @!p0 [hbm:s0], s1  }
0x75: {  	s0 =	simm.s32 @!p0 $0x1  }
0x76: {  	_ =	swait.ge @!p0 [sflag:s0], s1  }
0x77: {  	s1 =	ssub.s32 @!p0 $0x0, s1;
	[sflag:s0] =	ssyncset.done @!p0 $0x0  }
0x78: {  	[sflag:s0] =	ssyncadd.s32 @!p0 s1  }
0x79: {  	[bflag:$0x3] =	sbarrier.arrive $0xFFFF  }
0x7a: {  	_ =	shalt  }

// kernel: kernel.15.cloned.1.call-start
scs
__scs_entry_jumppad:
0x0: {  	(pc) =	sbr.rel $0x88, $3  }
0x1: {  	(tag) =	ssettag $0x0;
	lr =	simm.s32 $0x1  }
0x2: {  	[smem:$0x3F93] =	sst lr;
	_ =	strace $0xD0000000  }
0x3: {  	_ = 	snop  }
0x4: {  	_ = 	snop  }
0x5: {  	_ = 	snop  }
0x6: {  	_ = 	snop  }
0x7: {  	_ = 	snop  }
__scs_overlays_trampoline_lowered:
0x8: {  	[smem:$0x3FA2] =	sst s0  }
0x9: {  	[smem:$0x3FA3] =	sst s1  }
0xa: {  	[smem:$0x3FA4] =	sst s2  }
0xb: {  	[smem:$0x3FA5] =	sst s3  }
0xc: {  	[smem:$0x3FA6] =	sst s4  }
0xd: {  	[smem:$0x3FA7] =	sst s5  }
0xe: {  	[smem:$0x3FA8] =	sst s6  }
0xf: {  	[smem:$0x3FA9] =	sst s7  }
0x10: {  	[smem:$0x3FAA] =	sst s8  }
0x11: {  	[smem:$0x3FAB] =	sst s9;
	s0 =	simm.s32 @!p0 $0x0  }
0x12: {  	s1 =	sld [smem:$0x3F91];
	s0 =	simm.s32 @p0 $0x1  }
0x13: {  	[smem:$0x3FAC] =	sst s0;
	s0 =	simm.s32 @!p1 $0x0  }
0x14: {  	s2 =	sld [smem:$0x3F90];
	s0 =	simm.s32 @p1 $0x1  }
0x15: {  	[smem:$0x3FAD] =	sst s0;
	s0 =	simm.s32 @!p2 $0x0  }
0x16: {  	s3 =	sld [smem:$0x3FDB];
	s0 =	simm.s32 @p2 $0x1  }
0x17: {  	s4 =	simm.s32 $0x1BF5;
	[smem:$0x3FAF] =	sst s0  }
0x18: {  	s0 =	sld [smem:$0x3F92];
	_ =	swait.ge [sflag:s4], $0x0  }
0x19: {  	s7 =	sld [smem:$0x3F93]  }
0x1a: {  	s8 =	sadd.s32 $0xFFFFE003, lr  }
0x1b: {  	s9 =	sadd.s32 $0xFFFFFEF7, lr;
	s5 =	simm.s32 $0xFFFFFFFF;
	p2 =	slt.u32 s8, $0xFFFFF086  }
0x1c: {  	p1 =	slt.u32 s9, $0xF7A;
	s5 =	simm.s32 @!p2 $0x0  }
0x1d: {  	s5 =	simm.s32 @p1 $0x1;
	p0 =	seq.s32 s7, s2  }
0x1e: {  	s7 =	smul.u32 @!p0 $0xF7A, s2;
	p2 =	seq.s32 @!p0 s5, $0x0  }
0x1f: {  	s9 =	smul.u32 $0xF7A, s1;
	s8 =	simm.s32 @!p0 $0x1BF5;
	p2 =	por !p2, p0  }
0x20: {  	[sflag:s8] =	ssyncset.s32 @!p0 $0xFFFFF086;
	s6 =	sadd.s32 @!p0 s3, s7;
	s7 =	simm.s32 @!p0 $0x108  }
0x21: {  	s3 =	sadd.s32 s3, s9;
	s6 =	sadd.s32 @!p0 $0x88, s6;
	s7 =	simm.s32 @p2 $0x1082  }
0x22: {  	[simem:s7], [sflag:s8] =	dma.local @!p0 [hbm:s6], $0xF7A  }
0x23: {  	s9 =	sor.u32 $0xD0000000, s2;
	s6 =	simm.s32 $0x108;
	_ =	swait.ge @!p0 [sflag:s8], $0x0  }
0x24: {  	s3 =	sadd.s32 $0x88, s3;
	s6 =	simm.s32 @!p1 $0x1082;
	[sflag:s4] =	ssyncset.s32 $0xFFFFF086  }
0x25: {  	[simem:s6], [sflag:s4] =	dma.local [hbm:s3], $0xF7A  }
0x26: {  	[smem:$0x3F93] =	sst s1;
	(tag) =	ssettag s2;
	_ =	strace s9  }
0x27: {  	s1 =	sld [smem:$0x3FA3]  }
0x28: {  	s2 =	sld [smem:$0x3FA4]  }
0x29: {  	s4 =	sld [smem:$0x3FA6]  }
0x2a: {  	p0 =	seq.s32 s5, $0x0;
	s5 =	sld [smem:$0x3FA7]  }
0x2b: {  	s6 =	sld [smem:$0x3FA8]  }
0x2c: {  	s7 =	sld [smem:$0x3FA9]  }
0x2d: {  	s3 =	simm.s32 $0x108;
	s8 =	sld [smem:$0x3FAA]  }
0x2e: {  	s3 =	simm.s32 @!p0 $0x1082;
	s9 =	sld [smem:$0x3FAB]  }
0x2f: {  	lr =	sadd.s32 s0, s3;
	s0 =	sld [smem:$0x3FA2]  }
0x30: {  	s3 =	sld [smem:$0x3FA5]  }
0x31: {  	[smem:$0x3FAE] =	sst s10  }
0x32: {  	s10 =	sld [smem:$0x3FAC];
	_ =	sdelay $0x3  }
0x33: {  	p0 =	seq.s32 s10, $0x1;
	s10 =	sld [smem:$0x3FAE];
	_ =	sdelay $0x3  }
0x34: {  	[smem:$0x3FAE] =	sst s10  }
0x35: {  	s10 =	sld [smem:$0x3FAD];
	_ =	sdelay $0x3  }
0x36: {  	p1 =	seq.s32 s10, $0x1;
	s10 =	sld [smem:$0x3FAE];
	_ =	sdelay $0x3  }
0x37: {  	[smem:$0x3FAE] =	sst s10  }
0x38: {  	s10 =	sld [smem:$0x3FAF]  }
0x39: {  	_ = 	snop;
	(pc) =	sbr.ind lr, $3  }
0x3a: {  	_ = 	snop  }
0x3b: {  	_ = 	snop  }
0x3c: {  	p2 =	seq.s32 s10, $0x1;
	s10 =	sld [smem:$0x3FAE]  }
0x3d: {  	_ =	shalt  }
0x3e: {  	_ =	shalt  }
0x3f: {  	_ =	shalt  }
0x40: {  	_ =	shalt  }
0x41: {  	_ =	shalt  }
0x42: {  	_ =	shalt  }
0x43: {  	_ =	shalt  }
0x44: {  	_ =	shalt  }
0x45: {  	_ =	shalt  }
0x46: {  	_ =	shalt  }
0x47: {  	_ =	shalt  }
0x48: {  	_ =	shalt  }
0x49: {  	_ =	shalt  }
0x4a: {  	_ =	shalt  }
0x4b: {  	_ =	shalt  }
0x4c: {  	_ =	shalt  }
0x4d: {  	_ =	shalt  }
0x4e: {  	_ =	shalt  }
0x4f: {  	_ =	shalt  }
0x50: {  	_ =	shalt  }
0x51: {  	_ =	shalt  }
0x52: {  	_ =	shalt  }
0x53: {  	_ =	shalt  }
0x54: {  	_ =	shalt  }
0x55: {  	_ =	shalt  }
0x56: {  	_ =	shalt  }
0x57: {  	_ =	shalt  }
0x58: {  	_ =	shalt  }
0x59: {  	_ =	shalt  }
0x5a: {  	_ =	shalt  }
0x5b: {  	_ =	shalt  }
0x5c: {  	_ =	shalt  }
0x5d: {  	_ =	shalt  }
0x5e: {  	_ =	shalt  }
0x5f: {  	_ =	shalt  }
0x60: {  	_ =	shalt  }
0x61: {  	_ =	shalt  }
0x62: {  	_ =	shalt  }
0x63: {  	_ =	shalt  }
0x64: {  	_ =	shalt  }
0x65: {  	_ =	shalt  }
0x66: {  	_ =	shalt  }
0x67: {  	_ =	shalt  }
0x68: {  	_ =	shalt  }
0x69: {  	_ =	shalt  }
0x6a: {  	_ =	shalt  }
0x6b: {  	_ =	shalt  }
0x6c: {  	_ =	shalt  }
0x6d: {  	_ =	shalt  }
0x6e: {  	_ =	shalt  }
0x6f: {  	_ =	shalt  }
0x70: {  	_ =	shalt  }
0x71: {  	_ =	shalt  }
0x72: {  	_ =	shalt  }
0x73: {  	_ =	shalt  }
0x74: {  	_ =	shalt  }
0x75: {  	_ =	shalt  }
0x76: {  	_ =	shalt  }
0x77: {  	_ =	shalt  }
0x78: {  	_ =	shalt  }
0x79: {  	_ =	shalt  }
0x7a: {  	_ =	shalt  }
0x7b: {  	_ =	shalt  }
0x7c: {  	_ =	shalt  }
0x7d: {  	_ =	shalt  }
0x7e: {  	_ =	shalt  }
0x7f: {  	_ =	shalt  }
0x80: {  	_ =	shalt  }
0x81: {  	_ =	shalt  }
0x82: {  	_ =	shalt  }
0x83: {  	_ =	shalt  }
0x84: {  	_ =	shalt  }
0x85: {  	_ =	shalt  }
0x86: {  	_ =	shalt  }
0x87: {  	_ =	shalt  }
.Lfunc_end0:
.L_simem_size_0:
called_computation.1_lowered:
.L_overlay_start_0:
0x88: {  	s2 =	sld [smem:$0x3FD9]  }
0x89: {  	s3 =	sld [smem:$0x3FFE];
	_ =	sdelay $0x1  }
0x8a: {  	s1 =	srdreg.scid  }
0x8b: {  	s0 =	sand.u32 $0x1, s1  }
0x8c: {  	s16 =	sshll.u32 s0, $0xA;
	s2 =	sadd.s32 s3, s2  }
0x8d: {  	s2 =	sadd.s32 s2, s16  }
0x8e: {  	[smem:$0x3FBA] =	sst s2  }
0x8f: {  	_ = 	snop  }
0x90: {  	(tm) =	ssettm $0x1  }
0x91: {  	s17 =	sld [smem:$0x3FFB];
	_ =	sdelay $0x3  }
0x92: {  	_ =	strace s17  }
0x93: {  	s2 =	sld [smem:$0x3FFC];
	_ =	sdelay $0x3  }
0x94: {  	_ =	strace s2  }
0x95: {  	s2 =	sld [smem:$0x3FFD];
	_ =	sdelay $0x3  }
0x96: {  	_ =	strace s2  }
0x97: {  	_ =	strace $0x8FFFFFFF  }
0x98: {  	s18 =	sld [smem:$0x3FDB];
	_ =	sdelay $0x1  }
0x99: {  	s19 =	simm.s32 $_scs_section_size  }
0x9a: {  	s4 =	simm.s32 $_size__tile_overlayer_lowered;
	s5 =	simm.s32 $_tile_overlayer_lowered  }
0x9b: {  	s22 =	simm.s32 $0x1BFF;
	s21 =	sshll.u32 s5, $0x1;
	s2 =	sadd.s32 s19, s18  }
0x9c: {  	s6 =	simm.s32 $0x0;
	s20 =	sshll.u32 s4, $0x1;
	s4 =	sadd.s32 s21, s2  }
0x9d: {  	[timem:s6], [sflag:s22] =	dma.local [hbm:s4], s20  }
0x9e: {  	_ =	swait.ge [sflag:s22], s20  }
0x9f: {  	s3 =	ssub.s32 $0x0, s20;
	[sflag:s22] =	ssyncset.done $0x0  }
0xa0: {  	[sflag:s22] =	ssyncadd.s32 s3;
	_ =	sdelay $0x1  }
0xa1: {  	s23 =	simm.s32 $0x1B8B  }
0xa2: {  	_ =	swait.ge [sflag:s23], $0x1  }
0xa3: {  	[sflag:s23] =	ssyncset.done $0x0  }
0xa4: {  	s25 =	simm.s32 $0x1B8E;
	s24 =	sld [smem:$0x3FFE];
	[sflag:s23] =	ssyncadd.s32 $0xFFFFFFFF  }
0xa5: {  	s26 =	simm.s32 $execute0_lowered;
	[smem:$0x3FD2] =	sst s25  }
0xa6: {  	s4 =	sshll.u32 s26, $0x1;
	_ =	strace $0x80000049;
	[dreg:$0x1] =	wrdreg $0xFFFFFFFF  }
0xa7: {  	s28 =	simm.s32 $_size_execute0_lowered;
	s2 =	sadd.s32 s2, s4;
	[dreg:$0x0] =	wrdreg $0x0  }
0xa8: {  	s4 =	sshll.u32 s28, $0x1;
	[dreg:$0x2] =	wrdreg s2  }
0xa9: {  	[dreg:$0x3] =	wrdreg s4  }
0xaa: {  	[dreg:$0x4] =	wrdreg $0xC0  }
0xab: {  	_ =	task [dreg:s6], $0x5FFFF  }
0xac: {  	[dreg:$0x1] =	wrdreg $0xFFFFFFFF  }
0xad: {  	[dreg:$0x0] =	wrdreg $0x60  }
0xae: {  	[dreg:$0x2] =	wrdreg s24  }
0xaf: {  	[dreg:$0x3] =	wrdreg $0x135600  }
0xb0: {  	[dreg:$0x4] =	wrdreg $0x9  }
0xb1: {  	_ =	task.clear_ibuf [dreg:s6], $0x5FFFF;
	_ =	strace $0x90000049  }
0xb2: {  	s29 =	simm.s32 $0x9;
	_ =	strace $0x8000004B  }
0xb3: {  	_ =	swait.ge [sflag:s29], $0x1  }
0xb4: {  	[sflag:s29] =	ssyncadd.s32 $0xFFFFFFFF  }
0xb5: {  	_ =	strace $0x9000004B  }
0xb6: {  	_ =	sfence  }
0xb7: {  	s30 =	sld [smem:$0x0];
	_ =	sdelay $0x2  }
0xb8: {  	s31 =	sshll.u32 s1, $0xD;
	s1 =	sshrl.u32 s1, $0x2  }
0xb9: {  	s3 =	sand.u32 $0x4000, s31;
	s1 =	sadd.s32 s1, s30  }
0xba: {  	s0 =	sor.u32 s3, s0;
	s1 =	sshll.u32 s1, $0x11  }
0xbb: {  	s0 =	sor.u32 s1, s0  }
0xbc: {  	s0 =	sadd.s32 $0x8F2B, s0  }
0xbd: {  	[sflag:s0] =	ssyncadd.remote.s32 $0x1  }
0xbe: {  	_ =	sfence.sel $0xFFFF  }
0xbf: {  	[dreg:$0x0] =	wrdreg $0xFFFFFFFF;
	(pc) =	sbr.abs _section_cstart, $3  }
0xc0: {  	[dreg:$0x1] =	wrdreg $0xFFFFFFFF  }
0xc1: {  	_ =	task.clear_ibuf [dreg:s6], $0x2FFFF;
	_ =	strace $0x9FFFFFFF  }
0xc2: {  	(tm) =	ssettm $0x7FFFFFFF  }
0xc3: {  	_ =	shalt  }
tec
execute0_lowered:
.L_overlay_start_1:
0x0: {  	(tag) =	ssettag $0x1  }
0x1: {  	s0 =	rddreg [dreg:$0x0]  }
0x2: {  	s2 =	rddreg [dreg:$0x1]  }
0x3: {  	s3 =	simm.s32 $0x0;
	s1 =	srdreg.scid;
	s11 =	stileid.u32  }
0x4: {  	s15 =	simm.s32 $0x960;
	s16 =	simm.s32 $0x7;
	s17 =	simm.s32 $0x6D60  }
0x5: {  	s18 =	simm.s32 $0x190;
	s19 =	simm.s32 $0x4E200;
	s20 =	simm.s32 $0x320  }
0x6: {  	s21 =	simm.s32 $0x1;
	s22 =	simm.s32 $0x640;
	s28 =	simm.s32 $0x3  }
0x7: {  	s29 =	simm.s32 $0x7D0;
	s30 =	simm.s32 $0x5;
	s6 =	smul.u32 $0xA000, s11  }
0x8: {  	s31 =	simm.s32 $0x6;
	[smem:$0x7FF] =	sst s3;
	s9 =	smul.u32 $0x28000, s11  }
0x9: {  	s1 =	sand.u32 $0x1, s1;
	s8 =	sshll.u32 s11, $0x1;
	s11 =	smul.u32 $0x4E20, s11  }
0xa: {  	s4 =	sadd.s32 $0x21000, s0;
	s5 =	sadd.s32 $0x34A00, s0;
	s7 =	smul.u32 $0xA0000, s1  }
0xb: {  	s8 =	sor.u32 s1, s8;
	s10 =	ssub.s32 $0x2, s1;
	s1 =	smul.u32 $0x2710, s1  }
0xc: {  	_ =	strace $0x8000004A;
	s8 =	smul.u32 $0x2710, s8;
	s23 =	sshrl.u32 s10, $0x1  }
0xd: {  	s9 =	sshrl.u32 s9, $0x2;
	s7 =	sadd.s32 s6, s7;
	s6 =	sadd.s32 s6, s2  }
0xe: {  	s9 =	sadd.s32 s9, s2;
	s1 =	sadd.s32 s1, s11;
	s7 =	sshrl.u32 s7, $0x3  }
0xf: {  	s8 =	sshrl.u32 s8, $0x3;
	s9 =	sadd.s32 $0x6400, s9;
	s24 =	sadd.s32 $0x640, s1  }
0x10: {  	s25 =	sadd.s32 $0x320, s1;
	s0 =	sadd.s32 s7, s0;
	s7 =	ssub.s32 s10, s23  }
0x11: {  	[dreg:$0x3] =	wrdreg s9;
	s8 =	sadd.s32 s4, s8;
	s9 =	sadd.s32 $0x4B0, s1  }
0x12: {  	s26 =	sshrl.u32 s25, $0x3;
	[dreg:$0x4] =	wrdreg s8;
	s8 =	sadd.s32 $0x32, s8  }
.Ltmp0:
0x13: {  	s0 =	sadd.s32 $0x48400, s0;
	[dreg:$0x5] =	wrdreg s8;
	(pc) =	sbr.rel .LBB2_1-.Ltmp0, $4  }
0x14: {  	s23 =	simm.s32 $0xD160;
	s7 =	smax.u32 s7, $0x1;
	[dreg:$0x6] =	wrdreg s0  }
0x15: {  	s25 =	simm.s32 $0x4B0;
	[dreg:$0x7] =	wrdreg s7;
	s0 =	sshrl.u32 s24, $0x3  }
0x16: {  	s7 =	sadd.s32 s26, s4;
	s24 =	simm.s32 $0x2;
	s0 =	sadd.s32 s0, s4  }
0x17: {  	v0 =	vimm.f32 $0.0e+00;
	s26 =	simm.s32 $0x4;
	[dreg:$0x8] =	wrdreg s0;
	s0 =	simm.s32 $0x0  }
.LBB2_10:
0x18: {  	_ =	swait.ge [sflag:s26], $0x6400  }
0x19: {  	[sflag:s26] =	ssyncset.done $0x0  }
0x1a: {  	[sflag:s26] =	ssyncadd.s32 $0xFFFF9C00  }
0x1b: {  	_ =	swait.ge [sflag:s30], $0x6400  }
0x1c: {  	[sflag:s30] =	ssyncset.done $0x0  }
0x1d: {  	[sflag:s30] =	ssyncadd.s32 $0xFFFF9C00  }
0x1e: {  	_ =	swait.ge [sflag:s31], $0x6400  }
0x1f: {  	[sflag:s31] =	ssyncset.done $0x0  }
0x20: {  	s1 =	stileid.u32;
	[sflag:s31] =	ssyncadd.s32 $0xFFFF9C00  }
0x21: {  	s1 =	sshll.u32 s1, $0x6;
	[bflag:$0x0] =	sbarrier.arrive $0xFFFF  }
0x22: {  	s8 =	sshrl.u32 s6, $0x3;
	s1 =	sor.u32 $0x1C07, s1;
	s10 =	rddreg [dreg:$0x6]  }
0x23: {  	[hbm:s10], [sflag:s1] =	dma.local [spmem:s8], $0x1400  }
0x24: {  	_ =	swait.ge [sflag:s16], $0x1400  }
0x25: {  	s0 =	sadd.s32 $0x1, s0;
	s14 =	rddreg [dreg:$0x7]  }
0x26: {  	p0 =	sne.s32 s0, s14  }
.Ltmp1:
0x27: {  	_ = 	snop;
	(pc) =	sbr.rel @!p0 .LBB2_11-.Ltmp1, $3  }
0x28: {  	_ =	sdelay $0x1  }
0x29: {  	[sflag:s16] =	ssyncset.done $0x0  }
0x2a: {  	[sflag:s16] =	ssyncadd.s32 $0xFFFFEC00  }
.LBB2_1:
0x2b: {  	s1 =	simm.s32 $0x0;
	s12 =	simm.s32 $0x400  }
.LBB2_2:
0x2c: {  	p0 =	sne.s32 s12, $0x18C00;
	[tilespmem:s1+$0xA50] =	vst v0  }
0x2d: {  	[tilespmem:s1+$0x960] =	vst v0  }
0x2e: {  	[tilespmem:s1+$0x970] =	vst v0  }
0x2f: {  	[tilespmem:s1+$0x980] =	vst v0  }
0x30: {  	[tilespmem:s1+$0x990] =	vst v0  }
0x31: {  	[tilespmem:s1+$0x9A0] =	vst v0  }
0x32: {  	[tilespmem:s1+$0x9B0] =	vst v0  }
0x33: {  	[tilespmem:s1+$0x9C0] =	vst v0  }
0x34: {  	[tilespmem:s1+$0x9D0] =	vst v0  }
0x35: {  	[tilespmem:s1+$0x9E0] =	vst v0  }
0x36: {  	[tilespmem:s1+$0x9F0] =	vst v0  }
.Ltmp2:
0x37: {  	[tilespmem:s1+$0xA00] =	vst v0;
	(pc) =	sbr.rel @p0 .LBB2_2-.Ltmp2, $4  }
0x38: {  	[tilespmem:s1+$0xA10] =	vst v0  }
0x39: {  	[tilespmem:s1+$0xA20] =	vst v0  }
0x3a: {  	[tilespmem:s1+$0xA30] =	vst v0  }
0x3b: {  	[tilespmem:s1+$0xA40] =	vst v0;
	s1 =	sshra.s32 s12, $0x2;
	s12 =	sadd.s32 $0x400, s12  }
0x3c: {  	[tilespmem:s1+$0xA50] =	vst v0  }
0x3d: {  	[tilespmem:s1+$0x960] =	vst v0  }
0x3e: {  	[tilespmem:s1+$0x970] =	vst v0  }
0x3f: {  	[tilespmem:s1+$0x980] =	vst v0  }
0x40: {  	[tilespmem:s1+$0x990] =	vst v0  }
0x41: {  	[tilespmem:s1+$0x9A0] =	vst v0  }
0x42: {  	[tilespmem:s1+$0x9B0] =	vst v0  }
0x43: {  	[tilespmem:s1+$0x9C0] =	vst v0  }
0x44: {  	[tilespmem:s1+$0x9D0] =	vst v0  }
0x45: {  	[tilespmem:s1+$0x9E0] =	vst v0  }
0x46: {  	[tilespmem:s1+$0x9F0] =	vst v0  }
0x47: {  	[tilespmem:s1+$0xA00] =	vst v0  }
0x48: {  	[tilespmem:s1+$0xA10] =	vst v0  }
0x49: {  	[tilespmem:s1+$0xA20] =	vst v0  }
0x4a: {  	[tilespmem:s1+$0xA30] =	vst v0  }
0x4b: {  	[tilespmem:s1+$0xA40] =	vst v0;
	s1 =	simm.s32 $0x0;
	s12 =	simm.s32 $0x400  }
.LBB2_4:
0x4c: {  	p0 =	sne.s32 s12, $0xEC00;
	[tilespmem:s1+$0x6E50] =	vst v0  }
0x4d: {  	[tilespmem:s1+$0x6D60] =	vst v0  }
0x4e: {  	[tilespmem:s1+$0x6D70] =	vst v0  }
0x4f: {  	[tilespmem:s1+$0x6D80] =	vst v0  }
0x50: {  	[tilespmem:s1+$0x6D90] =	vst v0  }
0x51: {  	[tilespmem:s1+$0x6DA0] =	vst v0  }
0x52: {  	[tilespmem:s1+$0x6DB0] =	vst v0  }
0x53: {  	[tilespmem:s1+$0x6DC0] =	vst v0  }
0x54: {  	[tilespmem:s1+$0x6DD0] =	vst v0  }
0x55: {  	[tilespmem:s1+$0x6DE0] =	vst v0  }
0x56: {  	[tilespmem:s1+$0x6DF0] =	vst v0  }
.Ltmp3:
0x57: {  	[tilespmem:s1+$0x6E00] =	vst v0;
	(pc) =	sbr.rel @p0 .LBB2_4-.Ltmp3, $4  }
0x58: {  	[tilespmem:s1+$0x6E10] =	vst v0  }
0x59: {  	[tilespmem:s1+$0x6E20] =	vst v0  }
0x5a: {  	[tilespmem:s1+$0x6E30] =	vst v0  }
0x5b: {  	[tilespmem:s1+$0x6E40] =	vst v0;
	s1 =	sshra.s32 s12, $0x2;
	s12 =	sadd.s32 $0x400, s12  }
0x5c: {  	[tilespmem:s1+$0x6E50] =	vst v0  }
0x5d: {  	[tilespmem:s1+$0x6D60] =	vst v0  }
0x5e: {  	[tilespmem:s1+$0x6D70] =	vst v0  }
0x5f: {  	[tilespmem:s1+$0x6D80] =	vst v0  }
0x60: {  	[tilespmem:s1+$0x6D90] =	vst v0  }
0x61: {  	[tilespmem:s1+$0x6DA0] =	vst v0  }
0x62: {  	[tilespmem:s1+$0x6DB0] =	vst v0  }
0x63: {  	[tilespmem:s1+$0x6DC0] =	vst v0  }
0x64: {  	[tilespmem:s1+$0x6DD0] =	vst v0  }
0x65: {  	[tilespmem:s1+$0x6DE0] =	vst v0  }
0x66: {  	[tilespmem:s1+$0x6DF0] =	vst v0  }
0x67: {  	[tilespmem:s1+$0x6E00] =	vst v0  }
0x68: {  	[tilespmem:s1+$0x6E10] =	vst v0  }
0x69: {  	[tilespmem:s1+$0x6E20] =	vst v0  }
0x6a: {  	[tilespmem:s1+$0x6E30] =	vst v0  }
0x6b: {  	[tilespmem:s1+$0x6E40] =	vst v0  }
0x6c: {  	[spmem:s6] =	stream.linear.scatter [tilespmem:s15], [sflag:$0x7], $0x6400, $0x38;
	[tilespmem:$0x1D560] =	vst v63  }
0x6d: {  	_ =	swait.ge [sflag:s16], $0x6400  }
0x6e: {  	[sflag:s16] =	ssyncset.done $0x0  }
0x6f: {  	s13 =	rddreg [dreg:$0x3];
	[sflag:s16] =	ssyncadd.s32 $0xFFFF9C00  }
0x70: {  	[spmem:s13] =	stream.linear.scatter [tilespmem:s17], [sflag:$0x7], $0x3C00, $0x38;
	[tilespmem:$0x1D560] =	vst v63  }
0x71: {  	_ =	swait.ge [sflag:s16], $0x3C00  }
0x72: {  	[sflag:s16] =	ssyncset.done $0x0  }
0x73: {  	[sflag:s16] =	ssyncadd.s32 $0xFFFFC400  }
0x74: {  	[bflag:$0x0] =	sbarrier.arrive $0xFFFF  }
0x75: {  	s1 =	simm.s32 $0x0;
	s8 =	rddreg [dreg:$0x4]  }
0x76: {  	[tilespmem:s1], [sflag:$0x7] =	stream.strided.gather [hbm4b:s8+s18], $0x320, s19, s18, $0x38;
	[tilespmem:$0x1D560] =	vst v63  }
0x77: {  	_ =	swait.ge [sflag:s16], $0x320  }
0x78: {  	[sflag:s16] =	ssyncset.done $0x0  }
0x79: {  	[sflag:s16] =	ssyncadd.s32 $0xFFFFFCE0  }
0x7a: {  	[tilespmem:s15], [sflag:$0x1] =	stream.indirect.gather [hbm4b:s5+s18], $0x40, s1, s18, $0xb8;
	[tilespmem:$0x1D560] =	vst v63  }
0x7b: {  	s14 =	rddreg [dreg:$0x5]  }
0x7c: {  	[tilespmem:s20], [sflag:$0x7] =	stream.strided.gather [hbm4b:s14+s18], $0x320, s19, s18, $0x38;
	[tilespmem:$0x1D560] =	vst v63  }
.Ltmp4:
0x7d: {  	_ = 	snop;
	(pc) =	sbr.rel .LBB2_6-.Ltmp4, $4  }
0x7e: {  	_ =	swait.ge [sflag:s16], $0x320  }
0x7f: {  	s13 =	smov.u32 s9;
	[sflag:s16] =	ssyncset.done $0x0  }
0x80: {  	s14 =	smov.u32 s7;
	s12 =	rddreg [dreg:$0x8];
	[sflag:s16] =	ssyncadd.s32 $0xFFFFFCE0  }
0x81: {  	[tilespmem:s17], [sflag:$0x2] =	stream.indirect.gather [hbm4b:s5+s18], $0x40, s20, s18, $0xb8;
	[tilespmem:$0x1D560] =	vst v63  }
.LBB2_9:
0x82: {  	[tilespmem:s22], [sflag:$0x7] =	stream.strided.gather [hbm4b:s14+s18], $0x320, s19, s18, $0x38;
	[tilespmem:$0x1D560] =	vst v63  }
0x83: {  	_ =	swait.ge [sflag:s16], $0x320  }
0x84: {  	[sflag:s16] =	ssyncset.done $0x0  }
0x85: {  	[sflag:s16] =	ssyncadd.s32 $0xFFFFFCE0  }
0x86: {  	[tilespmem:s23], [sflag:$0x3] =	stream.indirect.gather [hbm4b:s5+s18], $0x40, s22, s18, $0xb8;
	[tilespmem:$0x1D560] =	vst v63  }
0x87: {  	_ =	swait.ge [sflag:s24], $0x6400  }
0x88: {  	[sflag:s24] =	ssyncset.done $0x0  }
0x89: {  	[sflag:s24] =	ssyncadd.s32 $0xFFFF9C00  }
0x8a: {  	[spmem:s2] =	stream.indirect.scatter.add.f32 [tilespmem:s17], [sflag:$0x5], $0x40, s25, s18, $0xb8;
	[tilespmem:$0x1D560] =	vst v63  }
0x8b: {  	_ =	swait.ge [sflag:s26], $0x6400  }
0x8c: {  	s11 =	sshrl.u32 s13, $0x3;
	[sflag:s26] =	ssyncset.done $0x0  }
0x8d: {  	s11 =	sadd.s32 s4, s11;
	[sflag:s26] =	ssyncadd.s32 $0xFFFF9C00  }
0x8e: {  	[tilespmem:s3], [sflag:$0x7] =	stream.strided.gather [hbm4b:s11+s18], $0x320, s19, s18, $0x38;
	[tilespmem:$0x1D560] =	vst v63  }
0x8f: {  	_ =	swait.ge [sflag:s16], $0x320  }
0x90: {  	[sflag:s16] =	ssyncset.done $0x0  }
0x91: {  	[sflag:s16] =	ssyncadd.s32 $0xFFFFFCE0  }
0x92: {  	[tilespmem:s15], [sflag:$0x1] =	stream.indirect.gather [hbm4b:s5+s18], $0x40, s3, s18, $0xb8;
	[tilespmem:$0x1D560] =	vst v63  }
0x93: {  	_ =	swait.ge [sflag:s28], $0x6400  }
0x94: {  	p0 =	sgt.u32 s1, $0x6;
	[sflag:s28] =	ssyncset.done $0x0  }
0x95: {  	s11 =	simm.s32 @!p0 $0x5;
	[sflag:s28] =	ssyncadd.s32 $0xFFFF9C00  }
0x96: {  	[spmem:s2] =	stream.indirect.scatter.add.f32 [tilespmem:s23], [sflag:$0x6], $0x40, s29, s18, $0xb8;
	[tilespmem:$0x1D560] =	vst v63  }
0x97: {  	_ =	swait.ge @!p0 [sflag:s11], $0x6400  }
0x98: {  	s8 =	simm.s32 @!p0 $0x4E200;
	[sflag:s11] =	ssyncset.done @!p0 $0x0  }
0x99: {  	s10 =	simm.s32 @!p0 $0x320;
	[sflag:s11] =	ssyncadd.s32 @!p0 $0xFFFF9C00;
	s11 =	simm.s32 @!p0 $0x190  }
0x9a: {  	[tilespmem:s10], [sflag:$0x7] =	stream.strided.gather @!p0 [hbm4b:s12+s11], $0x320, s8, s11, $0x38;
	[tilespmem:$0x1D560] =	vst v63  }
0x9b: {  	s8 =	simm.s32 @!p0 $0x7  }
0x9c: {  	_ =	swait.ge @!p0 [sflag:s8], $0x320  }
0x9d: {  	[sflag:s8] =	ssyncset.done @!p0 $0x0  }
0x9e: {  	s1 =	sadd.s32 $0x1, s1;
	[sflag:s8] =	ssyncadd.s32 @!p0 $0xFFFFFCE0;
	s8 =	simm.s32 @!p0 $0x6D60  }
0x9f: {  	[tilespmem:s8], [sflag:$0x2] =	stream.indirect.gather @!p0 [hbm4b:s5+s11], $0x40, s10, s11, $0xb8;
	[tilespmem:$0x1D560] =	vst v63  }
0xa0: {  	p0 =	sne.s32 s1, $0x9  }
.Ltmp5:
0xa1: {  	_ = 	snop;
	(pc) =	sbr.rel @!p0 .LBB2_10-.Ltmp5, $2  }
0xa2: {  	_ =	sdelay $0x2  }
0xa3: {  	s13 =	sadd.s32 $0x4B0, s13;
	s14 =	sadd.s32 $0x96, s14;
	s12 =	sadd.s32 $0x96, s12  }
.LBB2_6:
0xa4: {  	p0 =	seq.s32 s1, $0x0  }
.Ltmp6:
0xa5: {  	_ = 	snop;
	(pc) =	sbr.rel @p0 .LBB2_9-.Ltmp6, $4  }
0xa6: {  	_ =	swait.ge [sflag:s21], $0x6400  }
0xa7: {  	[sflag:s21] =	ssyncset.done $0x0  }
0xa8: {  	[sflag:s21] =	ssyncadd.s32 $0xFFFF9C00  }
0xa9: {  	[spmem:s2] =	stream.indirect.scatter.add.f32 [tilespmem:s15], [sflag:$0x4], $0x40, s18, s18, $0xb8;
	[tilespmem:$0x1D560] =	vst v63  }
0xaa: {  	p0 =	seq.s32 s1, $0x8  }
.Ltmp7:
0xab: {  	_ = 	snop;
	(pc) =	sbr.rel @p0 .LBB2_10-.Ltmp7, $1  }
0xac: {  	_ =	sdelay $0x3  }
.Ltmp8:
0xad: {  	(pc) =	sbr.rel .LBB2_9-.Ltmp8, $4  }
0xae: {  	_ = 	snop  }
0xaf: {  	_ =	swait.ge [sflag:s31], $0x6400  }
0xb0: {  	[sflag:s31] =	ssyncset.done $0x0  }
0xb1: {  	[sflag:s31] =	ssyncadd.s32 $0xFFFF9C00  }
.LBB2_11:
0xb2: {  	_ =	sfence.sel $0x180000  }
0xb3: {  	[bflag:$0x0] =	sbarrier.arrive $0xFFFF  }
0xb4: {  	_ =	strace $0x9000004A  }
0xb5: {  	s0 =	stileid.u32;
	[bflag:$0x2] =	sbarrier.arrive $0xFFFF  }
0xb6: {  	p0 =	sne.s32 s0, $0x0;
	s0 =	rddreg [dreg:$0x2]  }
0xb7: {  	s0 =	sadd.s32 @!p0 $0x100000, s0  }
0xb8: {  	[sflag:s0] =	ssyncadd.tile.s32 @!p0 $0x1;
	_ =	shalt  }
.Lfunc_end2:
_tile_overlayer_lowered:
.L_overlay_start_2:
0xb9: {  	(tag) =	ssettag $0x2  }
0xba: {  	s0 =	rddreg [dreg:$0x0];
	s2 =	stileid.u32  }
0xbb: {  	s1 =	rddreg [dreg:$0x1];
	p0 =	sne.s32 s2, $0x0  }
0xbc: {  	s3 =	rddreg [dreg:$0x2];
	[bflag:$0x3] =	sbarrier.arrive $0xFFFF;
	s2 =	simm.s32 @!p0 $0x1C07  }
0xbd: {  	[timem:s3], [sflag:s2] =	dma.local @!p0 [hbm:s0], s1  }
0xbe: {  	s0 =	simm.s32 @!p0 $0x7  }
0xbf: {  	_ =	swait.ge @!p0 [sflag:s0], s1  }
0xc0: {  	s1 =	ssub.s32 @!p0 $0x0, s1;
	[sflag:s0] =	ssyncset.done @!p0 $0x0  }
0xc1: {  	[sflag:s0] =	ssyncadd.s32 @!p0 s1  }
0xc2: {  	[bflag:$0x3] =	sbarrier.arrive $0xFFFF  }
0xc3: {  	_ =	shalt  }

// kernel: kernel.18.cloned.1.call-start
scs
__scs_entry_jumppad:
0x0: {  	(pc) =	sbr.rel $0x88, $3  }
0x1: {  	(tag) =	ssettag $0x0;
	lr =	simm.s32 $0x1  }
0x2: {  	[smem:$0x3F93] =	sst lr;
	_ =	strace $0xD0000000  }
0x3: {  	_ = 	snop  }
0x4: {  	_ = 	snop  }
0x5: {  	_ = 	snop  }
0x6: {  	_ = 	snop  }
0x7: {  	_ = 	snop  }
__scs_overlays_trampoline_lowered:
0x8: {  	[smem:$0x3FA2] =	sst s0  }
0x9: {  	[smem:$0x3FA3] =	sst s1  }
0xa: {  	[smem:$0x3FA4] =	sst s2  }
0xb: {  	[smem:$0x3FA5] =	sst s3  }
0xc: {  	[smem:$0x3FA6] =	sst s4  }
0xd: {  	[smem:$0x3FA7] =	sst s5  }
0xe: {  	[smem:$0x3FA8] =	sst s6  }
0xf: {  	[smem:$0x3FA9] =	sst s7  }
0x10: {  	[smem:$0x3FAA] =	sst s8  }
0x11: {  	[smem:$0x3FAB] =	sst s9;
	s0 =	simm.s32 @!p0 $0x0  }
0x12: {  	s1 =	sld [smem:$0x3F91];
	s0 =	simm.s32 @p0 $0x1  }
0x13: {  	[smem:$0x3FAC] =	sst s0;
	s0 =	simm.s32 @!p1 $0x0  }
0x14: {  	s2 =	sld [smem:$0x3F90];
	s0 =	simm.s32 @p1 $0x1  }
0x15: {  	[smem:$0x3FAD] =	sst s0;
	s0 =	simm.s32 @!p2 $0x0  }
0x16: {  	s3 =	sld [smem:$0x3FDB];
	s0 =	simm.s32 @p2 $0x1  }
0x17: {  	s4 =	simm.s32 $0x1BF5;
	[smem:$0x3FAF] =	sst s0  }
0x18: {  	s0 =	sld [smem:$0x3F92];
	_ =	swait.ge [sflag:s4], $0x0  }
0x19: {  	s7 =	sld [smem:$0x3F93]  }
0x1a: {  	s8 =	sadd.s32 $0xFFFFE003, lr  }
0x1b: {  	s9 =	sadd.s32 $0xFFFFFEF7, lr;
	s5 =	simm.s32 $0xFFFFFFFF;
	p2 =	slt.u32 s8, $0xFFFFF086  }
0x1c: {  	p1 =	slt.u32 s9, $0xF7A;
	s5 =	simm.s32 @!p2 $0x0  }
0x1d: {  	s5 =	simm.s32 @p1 $0x1;
	p0 =	seq.s32 s7, s2  }
0x1e: {  	s7 =	smul.u32 @!p0 $0xF7A, s2;
	p2 =	seq.s32 @!p0 s5, $0x0  }
0x1f: {  	s9 =	smul.u32 $0xF7A, s1;
	s8 =	simm.s32 @!p0 $0x1BF5;
	p2 =	por !p2, p0  }
0x20: {  	[sflag:s8] =	ssyncset.s32 @!p0 $0xFFFFF086;
	s6 =	sadd.s32 @!p0 s3, s7;
	s7 =	simm.s32 @!p0 $0x108  }
0x21: {  	s3 =	sadd.s32 s3, s9;
	s6 =	sadd.s32 @!p0 $0x88, s6;
	s7 =	simm.s32 @p2 $0x1082  }
0x22: {  	[simem:s7], [sflag:s8] =	dma.local @!p0 [hbm:s6], $0xF7A  }
0x23: {  	s9 =	sor.u32 $0xD0000000, s2;
	s6 =	simm.s32 $0x108;
	_ =	swait.ge @!p0 [sflag:s8], $0x0  }
0x24: {  	s3 =	sadd.s32 $0x88, s3;
	s6 =	simm.s32 @!p1 $0x1082;
	[sflag:s4] =	ssyncset.s32 $0xFFFFF086  }
0x25: {  	[simem:s6], [sflag:s4] =	dma.local [hbm:s3], $0xF7A  }
0x26: {  	[smem:$0x3F93] =	sst s1;
	(tag) =	ssettag s2;
	_ =	strace s9  }
0x27: {  	s1 =	sld [smem:$0x3FA3]  }
0x28: {  	s2 =	sld [smem:$0x3FA4]  }
0x29: {  	s4 =	sld [smem:$0x3FA6]  }
0x2a: {  	p0 =	seq.s32 s5, $0x0;
	s5 =	sld [smem:$0x3FA7]  }
0x2b: {  	s6 =	sld [smem:$0x3FA8]  }
0x2c: {  	s7 =	sld [smem:$0x3FA9]  }
0x2d: {  	s3 =	simm.s32 $0x108;
	s8 =	sld [smem:$0x3FAA]  }
0x2e: {  	s3 =	simm.s32 @!p0 $0x1082;
	s9 =	sld [smem:$0x3FAB]  }
0x2f: {  	lr =	sadd.s32 s0, s3;
	s0 =	sld [smem:$0x3FA2]  }
0x30: {  	s3 =	sld [smem:$0x3FA5]  }
0x31: {  	[smem:$0x3FAE] =	sst s10  }
0x32: {  	s10 =	sld [smem:$0x3FAC];
	_ =	sdelay $0x3  }
0x33: {  	p0 =	seq.s32 s10, $0x1;
	s10 =	sld [smem:$0x3FAE];
	_ =	sdelay $0x3  }
0x34: {  	[smem:$0x3FAE] =	sst s10  }
0x35: {  	s10 =	sld [smem:$0x3FAD];
	_ =	sdelay $0x3  }
0x36: {  	p1 =	seq.s32 s10, $0x1;
	s10 =	sld [smem:$0x3FAE];
	_ =	sdelay $0x3  }
0x37: {  	[smem:$0x3FAE] =	sst s10  }
0x38: {  	s10 =	sld [smem:$0x3FAF]  }
0x39: {  	_ = 	snop;
	(pc) =	sbr.ind lr, $3  }
0x3a: {  	_ = 	snop  }
0x3b: {  	_ = 	snop  }
0x3c: {  	p2 =	seq.s32 s10, $0x1;
	s10 =	sld [smem:$0x3FAE]  }
0x3d: {  	_ =	shalt  }
0x3e: {  	_ =	shalt  }
0x3f: {  	_ =	shalt  }
0x40: {  	_ =	shalt  }
0x41: {  	_ =	shalt  }
0x42: {  	_ =	shalt  }
0x43: {  	_ =	shalt  }
0x44: {  	_ =	shalt  }
0x45: {  	_ =	shalt  }
0x46: {  	_ =	shalt  }
0x47: {  	_ =	shalt  }
0x48: {  	_ =	shalt  }
0x49: {  	_ =	shalt  }
0x4a: {  	_ =	shalt  }
0x4b: {  	_ =	shalt  }
0x4c: {  	_ =	shalt  }
0x4d: {  	_ =	shalt  }
0x4e: {  	_ =	shalt  }
0x4f: {  	_ =	shalt  }
0x50: {  	_ =	shalt  }
0x51: {  	_ =	shalt  }
0x52: {  	_ =	shalt  }
0x53: {  	_ =	shalt  }
0x54: {  	_ =	shalt  }
0x55: {  	_ =	shalt  }
0x56: {  	_ =	shalt  }
0x57: {  	_ =	shalt  }
0x58: {  	_ =	shalt  }
0x59: {  	_ =	shalt  }
0x5a: {  	_ =	shalt  }
0x5b: {  	_ =	shalt  }
0x5c: {  	_ =	shalt  }
0x5d: {  	_ =	shalt  }
0x5e: {  	_ =	shalt  }
0x5f: {  	_ =	shalt  }
0x60: {  	_ =	shalt  }
0x61: {  	_ =	shalt  }
0x62: {  	_ =	shalt  }
0x63: {  	_ =	shalt  }
0x64: {  	_ =	shalt  }
0x65: {  	_ =	shalt  }
0x66: {  	_ =	shalt  }
0x67: {  	_ =	shalt  }
0x68: {  	_ =	shalt  }
0x69: {  	_ =	shalt  }
0x6a: {  	_ =	shalt  }
0x6b: {  	_ =	shalt  }
0x6c: {  	_ =	shalt  }
0x6d: {  	_ =	shalt  }
0x6e: {  	_ =	shalt  }
0x6f: {  	_ =	shalt  }
0x70: {  	_ =	shalt  }
0x71: {  	_ =	shalt  }
0x72: {  	_ =	shalt  }
0x73: {  	_ =	shalt  }
0x74: {  	_ =	shalt  }
0x75: {  	_ =	shalt  }
0x76: {  	_ =	shalt  }
0x77: {  	_ =	shalt  }
0x78: {  	_ =	shalt  }
0x79: {  	_ =	shalt  }
0x7a: {  	_ =	shalt  }
0x7b: {  	_ =	shalt  }
0x7c: {  	_ =	shalt  }
0x7d: {  	_ =	shalt  }
0x7e: {  	_ =	shalt  }
0x7f: {  	_ =	shalt  }
0x80: {  	_ =	shalt  }
0x81: {  	_ =	shalt  }
0x82: {  	_ =	shalt  }
0x83: {  	_ =	shalt  }
0x84: {  	_ =	shalt  }
0x85: {  	_ =	shalt  }
0x86: {  	_ =	shalt  }
0x87: {  	_ =	shalt  }
.Lfunc_end0:
.L_simem_size_0:
called_computation.2_lowered:
.L_overlay_start_0:
0x88: {  	s2 =	sld [smem:$0x3FD9]  }
0x89: {  	s3 =	sld [smem:$0x3FFE];
	_ =	sdelay $0x1  }
0x8a: {  	s1 =	srdreg.scid  }
0x8b: {  	s0 =	sand.u32 $0x1, s1  }
0x8c: {  	s16 =	sshll.u32 s0, $0xA;
	s2 =	sadd.s32 s3, s2  }
0x8d: {  	s2 =	sadd.s32 s2, s16  }
0x8e: {  	[smem:$0x3FBA] =	sst s2  }
0x8f: {  	_ = 	snop  }
0x90: {  	(tm) =	ssettm $0x1  }
0x91: {  	s17 =	sld [smem:$0x3FFB];
	_ =	sdelay $0x3  }
0x92: {  	_ =	strace s17  }
0x93: {  	s2 =	sld [smem:$0x3FFC];
	_ =	sdelay $0x3  }
0x94: {  	_ =	strace s2  }
0x95: {  	s2 =	sld [smem:$0x3FFD];
	_ =	sdelay $0x3  }
0x96: {  	_ =	strace s2  }
0x97: {  	_ =	strace $0x8FFFFFFF  }
0x98: {  	s18 =	sld [smem:$0x3FDB];
	_ =	sdelay $0x1  }
0x99: {  	s19 =	simm.s32 $_scs_section_size  }
0x9a: {  	s4 =	simm.s32 $_size__tile_overlayer_lowered;
	s5 =	simm.s32 $_tile_overlayer_lowered  }
0x9b: {  	s22 =	simm.s32 $0x1BFF;
	s21 =	sshll.u32 s5, $0x1;
	s2 =	sadd.s32 s19, s18  }
0x9c: {  	s6 =	simm.s32 $0x0;
	s20 =	sshll.u32 s4, $0x1;
	s4 =	sadd.s32 s21, s2  }
0x9d: {  	[timem:s6], [sflag:s22] =	dma.local [hbm:s4], s20  }
0x9e: {  	_ =	swait.ge [sflag:s22], s20  }
0x9f: {  	s3 =	ssub.s32 $0x0, s20;
	[sflag:s22] =	ssyncset.done $0x0  }
0xa0: {  	[sflag:s22] =	ssyncadd.s32 s3;
	_ =	sdelay $0x1  }
0xa1: {  	s23 =	simm.s32 $0x1B8B  }
0xa2: {  	_ =	swait.ge [sflag:s23], $0x1  }
0xa3: {  	[sflag:s23] =	ssyncset.done $0x0  }
0xa4: {  	s25 =	simm.s32 $0x1B8E;
	s24 =	sld [smem:$0x3FFE];
	[sflag:s23] =	ssyncadd.s32 $0xFFFFFFFF  }
0xa5: {  	s26 =	simm.s32 $execute0_lowered;
	[smem:$0x3FD2] =	sst s25  }
0xa6: {  	s4 =	sshll.u32 s26, $0x1;
	_ =	strace $0x8000004C;
	[dreg:$0x1] =	wrdreg $0xFFFFFFFF  }
0xa7: {  	s28 =	simm.s32 $_size_execute0_lowered;
	s2 =	sadd.s32 s2, s4;
	[dreg:$0x0] =	wrdreg $0x0  }
0xa8: {  	s4 =	sshll.u32 s28, $0x1;
	[dreg:$0x2] =	wrdreg s2  }
0xa9: {  	[dreg:$0x3] =	wrdreg s4  }
0xaa: {  	[dreg:$0x4] =	wrdreg $0xC0  }
0xab: {  	_ =	task [dreg:s6], $0x5FFFF  }
0xac: {  	[dreg:$0x1] =	wrdreg $0xFFFFFFFF  }
0xad: {  	[dreg:$0x0] =	wrdreg $0x60  }
0xae: {  	[dreg:$0x2] =	wrdreg s24  }
0xaf: {  	[dreg:$0x3] =	wrdreg $0x135600  }
0xb0: {  	[dreg:$0x4] =	wrdreg $0x9  }
0xb1: {  	_ =	task.clear_ibuf [dreg:s6], $0x5FFFF;
	_ =	strace $0x9000004C  }
0xb2: {  	s29 =	simm.s32 $0x9;
	_ =	strace $0x8000004E  }
0xb3: {  	_ =	swait.ge [sflag:s29], $0x1  }
0xb4: {  	[sflag:s29] =	ssyncadd.s32 $0xFFFFFFFF  }
0xb5: {  	_ =	strace $0x9000004E  }
0xb6: {  	_ =	sfence  }
0xb7: {  	s30 =	sld [smem:$0x0];
	_ =	sdelay $0x2  }
0xb8: {  	s31 =	sshll.u32 s1, $0xD;
	s1 =	sshrl.u32 s1, $0x2  }
0xb9: {  	s3 =	sand.u32 $0x4000, s31;
	s1 =	sadd.s32 s1, s30  }
0xba: {  	s0 =	sor.u32 s3, s0;
	s1 =	sshll.u32 s1, $0x11  }
0xbb: {  	s0 =	sor.u32 s1, s0  }
0xbc: {  	s0 =	sadd.s32 $0x8F2B, s0  }
0xbd: {  	[sflag:s0] =	ssyncadd.remote.s32 $0x1  }
0xbe: {  	_ =	sfence.sel $0xFFFF  }
0xbf: {  	[dreg:$0x0] =	wrdreg $0xFFFFFFFF;
	(pc) =	sbr.abs _section_cstart, $3  }
0xc0: {  	[dreg:$0x1] =	wrdreg $0xFFFFFFFF  }
0xc1: {  	_ =	task.clear_ibuf [dreg:s6], $0x2FFFF;
	_ =	strace $0x9FFFFFFF  }
0xc2: {  	(tm) =	ssettm $0x7FFFFFFF  }
0xc3: {  	_ =	shalt  }
tec
execute0_lowered:
.L_overlay_start_1:
0x0: {  	(tag) =	ssettag $0x1  }
0x1: {  	s0 =	rddreg [dreg:$0x0]  }
0x2: {  	s2 =	rddreg [dreg:$0x1]  }
0x3: {  	s3 =	simm.s32 $0x0;
	s1 =	srdreg.scid;
	s11 =	stileid.u32  }
0x4: {  	s15 =	simm.s32 $0x960;
	s16 =	simm.s32 $0x7;
	s17 =	simm.s32 $0x6D60  }
0x5: {  	s18 =	simm.s32 $0x190;
	s19 =	simm.s32 $0x4E200;
	s20 =	simm.s32 $0x320  }
0x6: {  	s21 =	simm.s32 $0x1;
	s22 =	simm.s32 $0x640;
	s28 =	simm.s32 $0x3  }
0x7: {  	s29 =	simm.s32 $0x7D0;
	s30 =	simm.s32 $0x5;
	s6 =	smul.u32 $0xA000, s11  }
0x8: {  	s31 =	simm.s32 $0x6;
	[smem:$0x7FF] =	sst s3;
	s9 =	smul.u32 $0x28000, s11  }
0x9: {  	s1 =	sand.u32 $0x1, s1;
	s8 =	sshll.u32 s11, $0x1;
	s11 =	smul.u32 $0x4E20, s11  }
0xa: {  	s4 =	sadd.s32 $0x21000, s0;
	s5 =	sadd.s32 $0x3600, s0;
	s7 =	smul.u32 $0xA0000, s1  }
0xb: {  	s8 =	sor.u32 s1, s8;
	s10 =	ssub.s32 $0x2, s1;
	s1 =	smul.u32 $0x2710, s1  }
0xc: {  	_ =	strace $0x8000004D;
	s8 =	smul.u32 $0x2710, s8;
	s23 =	sshrl.u32 s10, $0x1  }
0xd: {  	s9 =	sshrl.u32 s9, $0x2;
	s7 =	sadd.s32 s6, s7;
	s6 =	sadd.s32 s6, s2  }
0xe: {  	s9 =	sadd.s32 s9, s2;
	s1 =	sadd.s32 s1, s11;
	s7 =	sshrl.u32 s7, $0x3  }
0xf: {  	s8 =	sshrl.u32 s8, $0x3;
	s9 =	sadd.s32 $0x6400, s9;
	s24 =	sadd.s32 $0x640, s1  }
0x10: {  	s25 =	sadd.s32 $0x320, s1;
	s0 =	sadd.s32 s7, s0;
	s7 =	ssub.s32 s10, s23  }
0x11: {  	[dreg:$0x3] =	wrdreg s9;
	s8 =	sadd.s32 s4, s8;
	s9 =	sadd.s32 $0x4B0, s1  }
0x12: {  	s26 =	sshrl.u32 s25, $0x3;
	[dreg:$0x4] =	wrdreg s8;
	s8 =	sadd.s32 $0x32, s8  }
.Ltmp0:
0x13: {  	s0 =	sadd.s32 $0x34A00, s0;
	[dreg:$0x5] =	wrdreg s8;
	(pc) =	sbr.rel .LBB2_1-.Ltmp0, $4  }
0x14: {  	s23 =	simm.s32 $0xD160;
	s7 =	smax.u32 s7, $0x1;
	[dreg:$0x6] =	wrdreg s0  }
0x15: {  	s25 =	simm.s32 $0x4B0;
	[dreg:$0x7] =	wrdreg s7;
	s0 =	sshrl.u32 s24, $0x3  }
0x16: {  	s7 =	sadd.s32 s26, s4;
	s24 =	simm.s32 $0x2;
	s0 =	sadd.s32 s0, s4  }
0x17: {  	v0 =	vimm.f32 $0.0e+00;
	s26 =	simm.s32 $0x4;
	[dreg:$0x8] =	wrdreg s0;
	s0 =	simm.s32 $0x0  }
.LBB2_10:
0x18: {  	_ =	swait.ge [sflag:s26], $0x6400  }
0x19: {  	[sflag:s26] =	ssyncset.done $0x0  }
0x1a: {  	[sflag:s26] =	ssyncadd.s32 $0xFFFF9C00  }
0x1b: {  	_ =	swait.ge [sflag:s30], $0x6400  }
0x1c: {  	[sflag:s30] =	ssyncset.done $0x0  }
0x1d: {  	[sflag:s30] =	ssyncadd.s32 $0xFFFF9C00  }
0x1e: {  	_ =	swait.ge [sflag:s31], $0x6400  }
0x1f: {  	[sflag:s31] =	ssyncset.done $0x0  }
0x20: {  	s1 =	stileid.u32;
	[sflag:s31] =	ssyncadd.s32 $0xFFFF9C00  }
0x21: {  	s1 =	sshll.u32 s1, $0x6;
	[bflag:$0x0] =	sbarrier.arrive $0xFFFF  }
0x22: {  	s8 =	sshrl.u32 s6, $0x3;
	s1 =	sor.u32 $0x1C07, s1;
	s10 =	rddreg [dreg:$0x6]  }
0x23: {  	[hbm:s10], [sflag:s1] =	dma.local [spmem:s8], $0x1400  }
0x24: {  	_ =	swait.ge [sflag:s16], $0x1400  }
0x25: {  	s0 =	sadd.s32 $0x1, s0;
	s14 =	rddreg [dreg:$0x7]  }
0x26: {  	p0 =	sne.s32 s0, s14  }
.Ltmp1:
0x27: {  	_ = 	snop;
	(pc) =	sbr.rel @!p0 .LBB2_11-.Ltmp1, $3  }
0x28: {  	_ =	sdelay $0x1  }
0x29: {  	[sflag:s16] =	ssyncset.done $0x0  }
0x2a: {  	[sflag:s16] =	ssyncadd.s32 $0xFFFFEC00  }
.LBB2_1:
0x2b: {  	s1 =	simm.s32 $0x0;
	s12 =	simm.s32 $0x400  }
.LBB2_2:
0x2c: {  	p0 =	sne.s32 s12, $0x18C00;
	[tilespmem:s1+$0xA50] =	vst v0  }
0x2d: {  	[tilespmem:s1+$0x960] =	vst v0  }
0x2e: {  	[tilespmem:s1+$0x970] =	vst v0  }
0x2f: {  	[tilespmem:s1+$0x980] =	vst v0  }
0x30: {  	[tilespmem:s1+$0x990] =	vst v0  }
0x31: {  	[tilespmem:s1+$0x9A0] =	vst v0  }
0x32: {  	[tilespmem:s1+$0x9B0] =	vst v0  }
0x33: {  	[tilespmem:s1+$0x9C0] =	vst v0  }
0x34: {  	[tilespmem:s1+$0x9D0] =	vst v0  }
0x35: {  	[tilespmem:s1+$0x9E0] =	vst v0  }
0x36: {  	[tilespmem:s1+$0x9F0] =	vst v0  }
.Ltmp2:
0x37: {  	[tilespmem:s1+$0xA00] =	vst v0;
	(pc) =	sbr.rel @p0 .LBB2_2-.Ltmp2, $4  }
0x38: {  	[tilespmem:s1+$0xA10] =	vst v0  }
0x39: {  	[tilespmem:s1+$0xA20] =	vst v0  }
0x3a: {  	[tilespmem:s1+$0xA30] =	vst v0  }
0x3b: {  	[tilespmem:s1+$0xA40] =	vst v0;
	s1 =	sshra.s32 s12, $0x2;
	s12 =	sadd.s32 $0x400, s12  }
0x3c: {  	[tilespmem:s1+$0xA50] =	vst v0  }
0x3d: {  	[tilespmem:s1+$0x960] =	vst v0  }
0x3e: {  	[tilespmem:s1+$0x970] =	vst v0  }
0x3f: {  	[tilespmem:s1+$0x980] =	vst v0  }
0x40: {  	[tilespmem:s1+$0x990] =	vst v0  }
0x41: {  	[tilespmem:s1+$0x9A0] =	vst v0  }
0x42: {  	[tilespmem:s1+$0x9B0] =	vst v0  }
0x43: {  	[tilespmem:s1+$0x9C0] =	vst v0  }
0x44: {  	[tilespmem:s1+$0x9D0] =	vst v0  }
0x45: {  	[tilespmem:s1+$0x9E0] =	vst v0  }
0x46: {  	[tilespmem:s1+$0x9F0] =	vst v0  }
0x47: {  	[tilespmem:s1+$0xA00] =	vst v0  }
0x48: {  	[tilespmem:s1+$0xA10] =	vst v0  }
0x49: {  	[tilespmem:s1+$0xA20] =	vst v0  }
0x4a: {  	[tilespmem:s1+$0xA30] =	vst v0  }
0x4b: {  	[tilespmem:s1+$0xA40] =	vst v0;
	s1 =	simm.s32 $0x0;
	s12 =	simm.s32 $0x400  }
.LBB2_4:
0x4c: {  	p0 =	sne.s32 s12, $0xEC00;
	[tilespmem:s1+$0x6E50] =	vst v0  }
0x4d: {  	[tilespmem:s1+$0x6D60] =	vst v0  }
0x4e: {  	[tilespmem:s1+$0x6D70] =	vst v0  }
0x4f: {  	[tilespmem:s1+$0x6D80] =	vst v0  }
0x50: {  	[tilespmem:s1+$0x6D90] =	vst v0  }
0x51: {  	[tilespmem:s1+$0x6DA0] =	vst v0  }
0x52: {  	[tilespmem:s1+$0x6DB0] =	vst v0  }
0x53: {  	[tilespmem:s1+$0x6DC0] =	vst v0  }
0x54: {  	[tilespmem:s1+$0x6DD0] =	vst v0  }
0x55: {  	[tilespmem:s1+$0x6DE0] =	vst v0  }
0x56: {  	[tilespmem:s1+$0x6DF0] =	vst v0  }
.Ltmp3:
0x57: {  	[tilespmem:s1+$0x6E00] =	vst v0;
	(pc) =	sbr.rel @p0 .LBB2_4-.Ltmp3, $4  }
0x58: {  	[tilespmem:s1+$0x6E10] =	vst v0  }
0x59: {  	[tilespmem:s1+$0x6E20] =	vst v0  }
0x5a: {  	[tilespmem:s1+$0x6E30] =	vst v0  }
0x5b: {  	[tilespmem:s1+$0x6E40] =	vst v0;
	s1 =	sshra.s32 s12, $0x2;
	s12 =	sadd.s32 $0x400, s12  }
0x5c: {  	[tilespmem:s1+$0x6E50] =	vst v0  }
0x5d: {  	[tilespmem:s1+$0x6D60] =	vst v0  }
0x5e: {  	[tilespmem:s1+$0x6D70] =	vst v0  }
0x5f: {  	[tilespmem:s1+$0x6D80] =	vst v0  }
0x60: {  	[tilespmem:s1+$0x6D90] =	vst v0  }
0x61: {  	[tilespmem:s1+$0x6DA0] =	vst v0  }
0x62: {  	[tilespmem:s1+$0x6DB0] =	vst v0  }
0x63: {  	[tilespmem:s1+$0x6DC0] =	vst v0  }
0x64: {  	[tilespmem:s1+$0x6DD0] =	vst v0  }
0x65: {  	[tilespmem:s1+$0x6DE0] =	vst v0  }
0x66: {  	[tilespmem:s1+$0x6DF0] =	vst v0  }
0x67: {  	[tilespmem:s1+$0x6E00] =	vst v0  }
0x68: {  	[tilespmem:s1+$0x6E10] =	vst v0  }
0x69: {  	[tilespmem:s1+$0x6E20] =	vst v0  }
0x6a: {  	[tilespmem:s1+$0x6E30] =	vst v0  }
0x6b: {  	[tilespmem:s1+$0x6E40] =	vst v0  }
0x6c: {  	[spmem:s6] =	stream.linear.scatter [tilespmem:s15], [sflag:$0x7], $0x6400, $0x38;
	[tilespmem:$0x1D560] =	vst v63  }
0x6d: {  	_ =	swait.ge [sflag:s16], $0x6400  }
0x6e: {  	[sflag:s16] =	ssyncset.done $0x0  }
0x6f: {  	s13 =	rddreg [dreg:$0x3];
	[sflag:s16] =	ssyncadd.s32 $0xFFFF9C00  }
0x70: {  	[spmem:s13] =	stream.linear.scatter [tilespmem:s17], [sflag:$0x7], $0x3C00, $0x38;
	[tilespmem:$0x1D560] =	vst v63  }
0x71: {  	_ =	swait.ge [sflag:s16], $0x3C00  }
0x72: {  	[sflag:s16] =	ssyncset.done $0x0  }
0x73: {  	[sflag:s16] =	ssyncadd.s32 $0xFFFFC400  }
0x74: {  	[bflag:$0x0] =	sbarrier.arrive $0xFFFF  }
0x75: {  	s1 =	simm.s32 $0x0;
	s8 =	rddreg [dreg:$0x4]  }
0x76: {  	[tilespmem:s1], [sflag:$0x7] =	stream.strided.gather [hbm4b:s8+s18], $0x320, s19, s18, $0x38;
	[tilespmem:$0x1D560] =	vst v63  }
0x77: {  	_ =	swait.ge [sflag:s16], $0x320  }
0x78: {  	[sflag:s16] =	ssyncset.done $0x0  }
0x79: {  	[sflag:s16] =	ssyncadd.s32 $0xFFFFFCE0  }
0x7a: {  	[tilespmem:s15], [sflag:$0x1] =	stream.indirect.gather [hbm4b:s5+s18], $0x40, s1, s18, $0xb8;
	[tilespmem:$0x1D560] =	vst v63  }
0x7b: {  	s14 =	rddreg [dreg:$0x5]  }
0x7c: {  	[tilespmem:s20], [sflag:$0x7] =	stream.strided.gather [hbm4b:s14+s18], $0x320, s19, s18, $0x38;
	[tilespmem:$0x1D560] =	vst v63  }
.Ltmp4:
0x7d: {  	_ = 	snop;
	(pc) =	sbr.rel .LBB2_6-.Ltmp4, $4  }
0x7e: {  	_ =	swait.ge [sflag:s16], $0x320  }
0x7f: {  	s13 =	smov.u32 s9;
	[sflag:s16] =	ssyncset.done $0x0  }
0x80: {  	s14 =	smov.u32 s7;
	s12 =	rddreg [dreg:$0x8];
	[sflag:s16] =	ssyncadd.s32 $0xFFFFFCE0  }
0x81: {  	[tilespmem:s17], [sflag:$0x2] =	stream.indirect.gather [hbm4b:s5+s18], $0x40, s20, s18, $0xb8;
	[tilespmem:$0x1D560] =	vst v63  }
.LBB2_9:
0x82: {  	[tilespmem:s22], [sflag:$0x7] =	stream.strided.gather [hbm4b:s14+s18], $0x320, s19, s18, $0x38;
	[tilespmem:$0x1D560] =	vst v63  }
0x83: {  	_ =	swait.ge [sflag:s16], $0x320  }
0x84: {  	[sflag:s16] =	ssyncset.done $0x0  }
0x85: {  	[sflag:s16] =	ssyncadd.s32 $0xFFFFFCE0  }
0x86: {  	[tilespmem:s23], [sflag:$0x3] =	stream.indirect.gather [hbm4b:s5+s18], $0x40, s22, s18, $0xb8;
	[tilespmem:$0x1D560] =	vst v63  }
0x87: {  	_ =	swait.ge [sflag:s24], $0x6400  }
0x88: {  	[sflag:s24] =	ssyncset.done $0x0  }
0x89: {  	[sflag:s24] =	ssyncadd.s32 $0xFFFF9C00  }
0x8a: {  	[spmem:s2] =	stream.indirect.scatter.add.f32 [tilespmem:s17], [sflag:$0x5], $0x40, s25, s18, $0xb8;
	[tilespmem:$0x1D560] =	vst v63  }
0x8b: {  	_ =	swait.ge [sflag:s26], $0x6400  }
0x8c: {  	s11 =	sshrl.u32 s13, $0x3;
	[sflag:s26] =	ssyncset.done $0x0  }
0x8d: {  	s11 =	sadd.s32 s4, s11;
	[sflag:s26] =	ssyncadd.s32 $0xFFFF9C00  }
0x8e: {  	[tilespmem:s3], [sflag:$0x7] =	stream.strided.gather [hbm4b:s11+s18], $0x320, s19, s18, $0x38;
	[tilespmem:$0x1D560] =	vst v63  }
0x8f: {  	_ =	swait.ge [sflag:s16], $0x320  }
0x90: {  	[sflag:s16] =	ssyncset.done $0x0  }
0x91: {  	[sflag:s16] =	ssyncadd.s32 $0xFFFFFCE0  }
0x92: {  	[tilespmem:s15], [sflag:$0x1] =	stream.indirect.gather [hbm4b:s5+s18], $0x40, s3, s18, $0xb8;
	[tilespmem:$0x1D560] =	vst v63  }
0x93: {  	_ =	swait.ge [sflag:s28], $0x6400  }
0x94: {  	p0 =	sgt.u32 s1, $0x6;
	[sflag:s28] =	ssyncset.done $0x0  }
0x95: {  	s11 =	simm.s32 @!p0 $0x5;
	[sflag:s28] =	ssyncadd.s32 $0xFFFF9C00  }
0x96: {  	[spmem:s2] =	stream.indirect.scatter.add.f32 [tilespmem:s23], [sflag:$0x6], $0x40, s29, s18, $0xb8;
	[tilespmem:$0x1D560] =	vst v63  }
0x97: {  	_ =	swait.ge @!p0 [sflag:s11], $0x6400  }
0x98: {  	s8 =	simm.s32 @!p0 $0x4E200;
	[sflag:s11] =	ssyncset.done @!p0 $0x0  }
0x99: {  	s10 =	simm.s32 @!p0 $0x320;
	[sflag:s11] =	ssyncadd.s32 @!p0 $0xFFFF9C00;
	s11 =	simm.s32 @!p0 $0x190  }
0x9a: {  	[tilespmem:s10], [sflag:$0x7] =	stream.strided.gather @!p0 [hbm4b:s12+s11], $0x320, s8, s11, $0x38;
	[tilespmem:$0x1D560] =	vst v63  }
0x9b: {  	s8 =	simm.s32 @!p0 $0x7  }
0x9c: {  	_ =	swait.ge @!p0 [sflag:s8], $0x320  }
0x9d: {  	[sflag:s8] =	ssyncset.done @!p0 $0x0  }
0x9e: {  	s1 =	sadd.s32 $0x1, s1;
	[sflag:s8] =	ssyncadd.s32 @!p0 $0xFFFFFCE0;
	s8 =	simm.s32 @!p0 $0x6D60  }
0x9f: {  	[tilespmem:s8], [sflag:$0x2] =	stream.indirect.gather @!p0 [hbm4b:s5+s11], $0x40, s10, s11, $0xb8;
	[tilespmem:$0x1D560] =	vst v63  }
0xa0: {  	p0 =	sne.s32 s1, $0x9  }
.Ltmp5:
0xa1: {  	_ = 	snop;
	(pc) =	sbr.rel @!p0 .LBB2_10-.Ltmp5, $2  }
0xa2: {  	_ =	sdelay $0x2  }
0xa3: {  	s13 =	sadd.s32 $0x4B0, s13;
	s14 =	sadd.s32 $0x96, s14;
	s12 =	sadd.s32 $0x96, s12  }
.LBB2_6:
0xa4: {  	p0 =	seq.s32 s1, $0x0  }
.Ltmp6:
0xa5: {  	_ = 	snop;
	(pc) =	sbr.rel @p0 .LBB2_9-.Ltmp6, $4  }
0xa6: {  	_ =	swait.ge [sflag:s21], $0x6400  }
0xa7: {  	[sflag:s21] =	ssyncset.done $0x0  }
0xa8: {  	[sflag:s21] =	ssyncadd.s32 $0xFFFF9C00  }
0xa9: {  	[spmem:s2] =	stream.indirect.scatter.add.f32 [tilespmem:s15], [sflag:$0x4], $0x40, s18, s18, $0xb8;
	[tilespmem:$0x1D560] =	vst v63  }
0xaa: {  	p0 =	seq.s32 s1, $0x8  }
.Ltmp7:
0xab: {  	_ = 	snop;
	(pc) =	sbr.rel @p0 .LBB2_10-.Ltmp7, $1  }
0xac: {  	_ =	sdelay $0x3  }
.Ltmp8:
0xad: {  	(pc) =	sbr.rel .LBB2_9-.Ltmp8, $4  }
0xae: {  	_ = 	snop  }
0xaf: {  	_ =	swait.ge [sflag:s31], $0x6400  }
0xb0: {  	[sflag:s31] =	ssyncset.done $0x0  }
0xb1: {  	[sflag:s31] =	ssyncadd.s32 $0xFFFF9C00  }
.LBB2_11:
0xb2: {  	_ =	sfence.sel $0x180000  }
0xb3: {  	[bflag:$0x0] =	sbarrier.arrive $0xFFFF  }
0xb4: {  	_ =	strace $0x9000004D  }
0xb5: {  	s0 =	stileid.u32;
	[bflag:$0x2] =	sbarrier.arrive $0xFFFF  }
0xb6: {  	p0 =	sne.s32 s0, $0x0;
	s0 =	rddreg [dreg:$0x2]  }
0xb7: {  	s0 =	sadd.s32 @!p0 $0x100000, s0  }
0xb8: {  	[sflag:s0] =	ssyncadd.tile.s32 @!p0 $0x1;
	_ =	shalt  }
.Lfunc_end2:
_tile_overlayer_lowered:
.L_overlay_start_2:
0xb9: {  	(tag) =	ssettag $0x2  }
0xba: {  	s0 =	rddreg [dreg:$0x0];
	s2 =	stileid.u32  }
0xbb: {  	s1 =	rddreg [dreg:$0x1];
	p0 =	sne.s32 s2, $0x0  }
0xbc: {  	s3 =	rddreg [dreg:$0x2];
	[bflag:$0x3] =	sbarrier.arrive $0xFFFF;
	s2 =	simm.s32 @!p0 $0x1C07  }
0xbd: {  	[timem:s3], [sflag:s2] =	dma.local @!p0 [hbm:s0], s1  }
0xbe: {  	s0 =	simm.s32 @!p0 $0x7  }
0xbf: {  	_ =	swait.ge @!p0 [sflag:s0], s1  }
0xc0: {  	s1 =	ssub.s32 @!p0 $0x0, s1;
	[sflag:s0] =	ssyncset.done @!p0 $0x0  }
0xc1: {  	[sflag:s0] =	ssyncadd.s32 @!p0 s1  }
0xc2: {  	[bflag:$0x3] =	sbarrier.arrive $0xFFFF  }
0xc3: {  	_ =	shalt  }

// kernel: kernel.21.cloned.1.call-start
scs
__scs_entry_jumppad:
0x0: {  	(pc) =	sbr.rel $0x88, $3  }
0x1: {  	(tag) =	ssettag $0x0;
	lr =	simm.s32 $0x1  }
0x2: {  	[smem:$0x3F93] =	sst lr;
	_ =	strace $0xD0000000  }
0x3: {  	_ = 	snop  }
0x4: {  	_ = 	snop  }
0x5: {  	_ = 	snop  }
0x6: {  	_ = 	snop  }
0x7: {  	_ = 	snop  }
__scs_overlays_trampoline_lowered:
0x8: {  	[smem:$0x3FA2] =	sst s0  }
0x9: {  	[smem:$0x3FA3] =	sst s1  }
0xa: {  	[smem:$0x3FA4] =	sst s2  }
0xb: {  	[smem:$0x3FA5] =	sst s3  }
0xc: {  	[smem:$0x3FA6] =	sst s4  }
0xd: {  	[smem:$0x3FA7] =	sst s5  }
0xe: {  	[smem:$0x3FA8] =	sst s6  }
0xf: {  	[smem:$0x3FA9] =	sst s7  }
0x10: {  	[smem:$0x3FAA] =	sst s8  }
0x11: {  	[smem:$0x3FAB] =	sst s9;
	s0 =	simm.s32 @!p0 $0x0  }
0x12: {  	s1 =	sld [smem:$0x3F91];
	s0 =	simm.s32 @p0 $0x1  }
0x13: {  	[smem:$0x3FAC] =	sst s0;
	s0 =	simm.s32 @!p1 $0x0  }
0x14: {  	s2 =	sld [smem:$0x3F90];
	s0 =	simm.s32 @p1 $0x1  }
0x15: {  	[smem:$0x3FAD] =	sst s0;
	s0 =	simm.s32 @!p2 $0x0  }
0x16: {  	s3 =	sld [smem:$0x3FDB];
	s0 =	simm.s32 @p2 $0x1  }
0x17: {  	s4 =	simm.s32 $0x1BF5;
	[smem:$0x3FAF] =	sst s0  }
0x18: {  	s0 =	sld [smem:$0x3F92];
	_ =	swait.ge [sflag:s4], $0x0  }
0x19: {  	s7 =	sld [smem:$0x3F93]  }
0x1a: {  	s8 =	sadd.s32 $0xFFFFE003, lr  }
0x1b: {  	s9 =	sadd.s32 $0xFFFFFEF7, lr;
	s5 =	simm.s32 $0xFFFFFFFF;
	p2 =	slt.u32 s8, $0xFFFFF086  }
0x1c: {  	p1 =	slt.u32 s9, $0xF7A;
	s5 =	simm.s32 @!p2 $0x0  }
0x1d: {  	s5 =	simm.s32 @p1 $0x1;
	p0 =	seq.s32 s7, s2  }
0x1e: {  	s7 =	smul.u32 @!p0 $0xF7A, s2;
	p2 =	seq.s32 @!p0 s5, $0x0  }
0x1f: {  	s9 =	smul.u32 $0xF7A, s1;
	s8 =	simm.s32 @!p0 $0x1BF5;
	p2 =	por !p2, p0  }
0x20: {  	[sflag:s8] =	ssyncset.s32 @!p0 $0xFFFFF086;
	s6 =	sadd.s32 @!p0 s3, s7;
	s7 =	simm.s32 @!p0 $0x108  }
0x21: {  	s3 =	sadd.s32 s3, s9;
	s6 =	sadd.s32 @!p0 $0x88, s6;
	s7 =	simm.s32 @p2 $0x1082  }
0x22: {  	[simem:s7], [sflag:s8] =	dma.local @!p0 [hbm:s6], $0xF7A  }
0x23: {  	s9 =	sor.u32 $0xD0000000, s2;
	s6 =	simm.s32 $0x108;
	_ =	swait.ge @!p0 [sflag:s8], $0x0  }
0x24: {  	s3 =	sadd.s32 $0x88, s3;
	s6 =	simm.s32 @!p1 $0x1082;
	[sflag:s4] =	ssyncset.s32 $0xFFFFF086  }
0x25: {  	[simem:s6], [sflag:s4] =	dma.local [hbm:s3], $0xF7A  }
0x26: {  	[smem:$0x3F93] =	sst s1;
	(tag) =	ssettag s2;
	_ =	strace s9  }
0x27: {  	s1 =	sld [smem:$0x3FA3]  }
0x28: {  	s2 =	sld [smem:$0x3FA4]  }
0x29: {  	s4 =	sld [smem:$0x3FA6]  }
0x2a: {  	p0 =	seq.s32 s5, $0x0;
	s5 =	sld [smem:$0x3FA7]  }
0x2b: {  	s6 =	sld [smem:$0x3FA8]  }
0x2c: {  	s7 =	sld [smem:$0x3FA9]  }
0x2d: {  	s3 =	simm.s32 $0x108;
	s8 =	sld [smem:$0x3FAA]  }
0x2e: {  	s3 =	simm.s32 @!p0 $0x1082;
	s9 =	sld [smem:$0x3FAB]  }
0x2f: {  	lr =	sadd.s32 s0, s3;
	s0 =	sld [smem:$0x3FA2]  }
0x30: {  	s3 =	sld [smem:$0x3FA5]  }
0x31: {  	[smem:$0x3FAE] =	sst s10  }
0x32: {  	s10 =	sld [smem:$0x3FAC];
	_ =	sdelay $0x3  }
0x33: {  	p0 =	seq.s32 s10, $0x1;
	s10 =	sld [smem:$0x3FAE];
	_ =	sdelay $0x3  }
0x34: {  	[smem:$0x3FAE] =	sst s10  }
0x35: {  	s10 =	sld [smem:$0x3FAD];
	_ =	sdelay $0x3  }
0x36: {  	p1 =	seq.s32 s10, $0x1;
	s10 =	sld [smem:$0x3FAE];
	_ =	sdelay $0x3  }
0x37: {  	[smem:$0x3FAE] =	sst s10  }
0x38: {  	s10 =	sld [smem:$0x3FAF]  }
0x39: {  	_ = 	snop;
	(pc) =	sbr.ind lr, $3  }
0x3a: {  	_ = 	snop  }
0x3b: {  	_ = 	snop  }
0x3c: {  	p2 =	seq.s32 s10, $0x1;
	s10 =	sld [smem:$0x3FAE]  }
0x3d: {  	_ =	shalt  }
0x3e: {  	_ =	shalt  }
0x3f: {  	_ =	shalt  }
0x40: {  	_ =	shalt  }
0x41: {  	_ =	shalt  }
0x42: {  	_ =	shalt  }
0x43: {  	_ =	shalt  }
0x44: {  	_ =	shalt  }
0x45: {  	_ =	shalt  }
0x46: {  	_ =	shalt  }
0x47: {  	_ =	shalt  }
0x48: {  	_ =	shalt  }
0x49: {  	_ =	shalt  }
0x4a: {  	_ =	shalt  }
0x4b: {  	_ =	shalt  }
0x4c: {  	_ =	shalt  }
0x4d: {  	_ =	shalt  }
0x4e: {  	_ =	shalt  }
0x4f: {  	_ =	shalt  }
0x50: {  	_ =	shalt  }
0x51: {  	_ =	shalt  }
0x52: {  	_ =	shalt  }
0x53: {  	_ =	shalt  }
0x54: {  	_ =	shalt  }
0x55: {  	_ =	shalt  }
0x56: {  	_ =	shalt  }
0x57: {  	_ =	shalt  }
0x58: {  	_ =	shalt  }
0x59: {  	_ =	shalt  }
0x5a: {  	_ =	shalt  }
0x5b: {  	_ =	shalt  }
0x5c: {  	_ =	shalt  }
0x5d: {  	_ =	shalt  }
0x5e: {  	_ =	shalt  }
0x5f: {  	_ =	shalt  }
0x60: {  	_ =	shalt  }
0x61: {  	_ =	shalt  }
0x62: {  	_ =	shalt  }
0x63: {  	_ =	shalt  }
0x64: {  	_ =	shalt  }
0x65: {  	_ =	shalt  }
0x66: {  	_ =	shalt  }
0x67: {  	_ =	shalt  }
0x68: {  	_ =	shalt  }
0x69: {  	_ =	shalt  }
0x6a: {  	_ =	shalt  }
0x6b: {  	_ =	shalt  }
0x6c: {  	_ =	shalt  }
0x6d: {  	_ =	shalt  }
0x6e: {  	_ =	shalt  }
0x6f: {  	_ =	shalt  }
0x70: {  	_ =	shalt  }
0x71: {  	_ =	shalt  }
0x72: {  	_ =	shalt  }
0x73: {  	_ =	shalt  }
0x74: {  	_ =	shalt  }
0x75: {  	_ =	shalt  }
0x76: {  	_ =	shalt  }
0x77: {  	_ =	shalt  }
0x78: {  	_ =	shalt  }
0x79: {  	_ =	shalt  }
0x7a: {  	_ =	shalt  }
0x7b: {  	_ =	shalt  }
0x7c: {  	_ =	shalt  }
0x7d: {  	_ =	shalt  }
0x7e: {  	_ =	shalt  }
0x7f: {  	_ =	shalt  }
0x80: {  	_ =	shalt  }
0x81: {  	_ =	shalt  }
0x82: {  	_ =	shalt  }
0x83: {  	_ =	shalt  }
0x84: {  	_ =	shalt  }
0x85: {  	_ =	shalt  }
0x86: {  	_ =	shalt  }
0x87: {  	_ =	shalt  }
.Lfunc_end0:
.L_simem_size_0:
called_computation.3_lowered:
.L_overlay_start_0:
0x88: {  	s2 =	sld [smem:$0x3FD9]  }
0x89: {  	s3 =	sld [smem:$0x3FFE];
	_ =	sdelay $0x1  }
0x8a: {  	s1 =	srdreg.scid  }
0x8b: {  	s0 =	sand.u32 $0x1, s1  }
0x8c: {  	s16 =	sshll.u32 s0, $0xA;
	s2 =	sadd.s32 s3, s2  }
0x8d: {  	s2 =	sadd.s32 s2, s16  }
0x8e: {  	[smem:$0x3FBA] =	sst s2  }
0x8f: {  	_ = 	snop  }
0x90: {  	(tm) =	ssettm $0x1  }
0x91: {  	s17 =	sld [smem:$0x3FFB];
	_ =	sdelay $0x3  }
0x92: {  	_ =	strace s17  }
0x93: {  	s2 =	sld [smem:$0x3FFC];
	_ =	sdelay $0x3  }
0x94: {  	_ =	strace s2  }
0x95: {  	s2 =	sld [smem:$0x3FFD];
	_ =	sdelay $0x3  }
0x96: {  	_ =	strace s2  }
0x97: {  	_ =	strace $0x8FFFFFFF  }
0x98: {  	s18 =	sld [smem:$0x3FDB];
	_ =	sdelay $0x1  }
0x99: {  	s19 =	simm.s32 $_scs_section_size  }
0x9a: {  	s4 =	simm.s32 $_size__tile_overlayer_lowered;
	s5 =	simm.s32 $_tile_overlayer_lowered  }
0x9b: {  	s22 =	simm.s32 $0x1BFF;
	s21 =	sshll.u32 s5, $0x1;
	s2 =	sadd.s32 s19, s18  }
0x9c: {  	s6 =	simm.s32 $0x0;
	s20 =	sshll.u32 s4, $0x1;
	s4 =	sadd.s32 s21, s2  }
0x9d: {  	[timem:s6], [sflag:s22] =	dma.local [hbm:s4], s20  }
0x9e: {  	_ =	swait.ge [sflag:s22], s20  }
0x9f: {  	s3 =	ssub.s32 $0x0, s20;
	[sflag:s22] =	ssyncset.done $0x0  }
0xa0: {  	[sflag:s22] =	ssyncadd.s32 s3;
	_ =	sdelay $0x1  }
0xa1: {  	s23 =	simm.s32 $0x1B8B  }
0xa2: {  	_ =	swait.ge [sflag:s23], $0x1  }
0xa3: {  	[sflag:s23] =	ssyncset.done $0x0  }
0xa4: {  	s25 =	simm.s32 $0x1B8E;
	s24 =	sld [smem:$0x3FFE];
	[sflag:s23] =	ssyncadd.s32 $0xFFFFFFFF  }
0xa5: {  	s26 =	simm.s32 $execute0_lowered;
	[smem:$0x3FD2] =	sst s25  }
0xa6: {  	s4 =	sshll.u32 s26, $0x1;
	_ =	strace $0x8000004F;
	[dreg:$0x1] =	wrdreg $0xFFFFFFFF  }
0xa7: {  	s28 =	simm.s32 $_size_execute0_lowered;
	s2 =	sadd.s32 s2, s4;
	[dreg:$0x0] =	wrdreg $0x0  }
0xa8: {  	s4 =	sshll.u32 s28, $0x1;
	[dreg:$0x2] =	wrdreg s2  }
0xa9: {  	[dreg:$0x3] =	wrdreg s4  }
0xaa: {  	[dreg:$0x4] =	wrdreg $0xC0  }
0xab: {  	_ =	task [dreg:s6], $0x5FFFF  }
0xac: {  	[dreg:$0x1] =	wrdreg $0xFFFFFFFF  }
0xad: {  	[dreg:$0x0] =	wrdreg $0x60  }
0xae: {  	[dreg:$0x2] =	wrdreg s24  }
0xaf: {  	[dreg:$0x3] =	wrdreg $0x54600  }
0xb0: {  	[dreg:$0x4] =	wrdreg $0x9  }
0xb1: {  	_ =	task.clear_ibuf [dreg:s6], $0x5FFFF;
	_ =	strace $0x9000004F  }
0xb2: {  	s29 =	simm.s32 $0x9;
	_ =	strace $0x80000051  }
0xb3: {  	_ =	swait.ge [sflag:s29], $0x1  }
0xb4: {  	[sflag:s29] =	ssyncadd.s32 $0xFFFFFFFF  }
0xb5: {  	_ =	strace $0x90000051  }
0xb6: {  	_ =	sfence  }
0xb7: {  	s30 =	sld [smem:$0x0];
	_ =	sdelay $0x2  }
0xb8: {  	s31 =	sshll.u32 s1, $0xD;
	s1 =	sshrl.u32 s1, $0x2  }
0xb9: {  	s3 =	sand.u32 $0x4000, s31;
	s1 =	sadd.s32 s1, s30  }
0xba: {  	s0 =	sor.u32 s3, s0;
	s1 =	sshll.u32 s1, $0x11  }
0xbb: {  	s0 =	sor.u32 s1, s0  }
0xbc: {  	s0 =	sadd.s32 $0x8F2B, s0  }
0xbd: {  	[sflag:s0] =	ssyncadd.remote.s32 $0x1  }
0xbe: {  	_ =	sfence.sel $0xFFFF  }
0xbf: {  	[dreg:$0x0] =	wrdreg $0xFFFFFFFF;
	(pc) =	sbr.abs _section_cstart, $3  }
0xc0: {  	[dreg:$0x1] =	wrdreg $0xFFFFFFFF  }
0xc1: {  	_ =	task.clear_ibuf [dreg:s6], $0x2FFFF;
	_ =	strace $0x9FFFFFFF  }
0xc2: {  	(tm) =	ssettm $0x7FFFFFFF  }
0xc3: {  	_ =	shalt  }
tec
execute0_lowered:
.L_overlay_start_1:
0x0: {  	(tag) =	ssettag $0x1  }
0x1: {  	s0 =	rddreg [dreg:$0x0]  }
0x2: {  	s2 =	rddreg [dreg:$0x1]  }
0x3: {  	s3 =	simm.s32 $0x0;
	s1 =	srdreg.scid;
	s11 =	stileid.u32  }
0x4: {  	s15 =	simm.s32 $0x960;
	s16 =	simm.s32 $0x7;
	s17 =	simm.s32 $0x2260  }
0x5: {  	s18 =	simm.s32 $0x190;
	s19 =	simm.s32 $0x4E200;
	s20 =	simm.s32 $0x320  }
0x6: {  	s21 =	simm.s32 $0x1;
	s22 =	simm.s32 $0x640;
	s28 =	simm.s32 $0x3  }
0x7: {  	s29 =	simm.s32 $0x7D0;
	s30 =	simm.s32 $0x5;
	s6 =	smul.u32 $0x2800, s11  }
0x8: {  	s31 =	simm.s32 $0x6;
	[smem:$0x7FF] =	sst s3;
	s9 =	smul.u32 $0xA000, s11  }
0x9: {  	s1 =	sand.u32 $0x1, s1;
	s8 =	sshll.u32 s11, $0x1;
	s11 =	smul.u32 $0x4E20, s11  }
0xa: {  	s4 =	sadd.s32 $0x21000, s0;
	s5 =	sadd.s32 $0x3600, s0;
	s7 =	smul.u32 $0x28000, s1  }
0xb: {  	s8 =	sor.u32 s1, s8;
	s10 =	ssub.s32 $0x2, s1;
	s1 =	smul.u32 $0x2710, s1  }
0xc: {  	_ =	strace $0x80000050;
	s8 =	smul.u32 $0x2710, s8;
	s23 =	sshrl.u32 s10, $0x1  }
0xd: {  	s9 =	sshrl.u32 s9, $0x2;
	s7 =	sadd.s32 s6, s7;
	s6 =	sadd.s32 s6, s2  }
0xe: {  	s9 =	sadd.s32 s9, s2;
	s1 =	sadd.s32 s1, s11;
	s7 =	sshrl.u32 s7, $0x3  }
0xf: {  	s8 =	sshrl.u32 s8, $0x3;
	s9 =	sadd.s32 $0x1900, s9;
	s24 =	sadd.s32 $0x640, s1  }
0x10: {  	s25 =	sadd.s32 $0x320, s1;
	s0 =	sadd.s32 s7, s0;
	s7 =	ssub.s32 s10, s23  }
0x11: {  	[dreg:$0x3] =	wrdreg s9;
	s8 =	sadd.s32 s4, s8;
	s9 =	sadd.s32 $0x4B0, s1  }
0x12: {  	s26 =	sshrl.u32 s25, $0x3;
	[dreg:$0x4] =	wrdreg s8;
	s8 =	sadd.s32 $0x32, s8  }
.Ltmp0:
0x13: {  	s0 =	sadd.s32 $0x8600, s0;
	[dreg:$0x5] =	wrdreg s8;
	(pc) =	sbr.rel .LBB2_1-.Ltmp0, $4  }
0x14: {  	s23 =	simm.s32 $0x3B60;
	s7 =	smax.u32 s7, $0x1;
	[dreg:$0x6] =	wrdreg s0  }
0x15: {  	s25 =	simm.s32 $0x4B0;
	[dreg:$0x7] =	wrdreg s7;
	s0 =	sshrl.u32 s24, $0x3  }
0x16: {  	s7 =	sadd.s32 s26, s4;
	s24 =	simm.s32 $0x2;
	s0 =	sadd.s32 s0, s4  }
0x17: {  	v0 =	vimm.f32 $0.0e+00;
	s26 =	simm.s32 $0x4;
	[dreg:$0x8] =	wrdreg s0;
	s0 =	simm.s32 $0x0  }
.LBB2_10:
0x18: {  	_ =	swait.ge [sflag:s26], $0x1900  }
0x19: {  	[sflag:s26] =	ssyncset.done $0x0  }
0x1a: {  	[sflag:s26] =	ssyncadd.s32 $0xFFFFE700  }
0x1b: {  	_ =	swait.ge [sflag:s30], $0x1900  }
0x1c: {  	[sflag:s30] =	ssyncset.done $0x0  }
0x1d: {  	[sflag:s30] =	ssyncadd.s32 $0xFFFFE700  }
0x1e: {  	_ =	swait.ge [sflag:s31], $0x1900  }
0x1f: {  	[sflag:s31] =	ssyncset.done $0x0  }
0x20: {  	s1 =	stileid.u32;
	[sflag:s31] =	ssyncadd.s32 $0xFFFFE700  }
0x21: {  	s1 =	sshll.u32 s1, $0x6;
	[bflag:$0x0] =	sbarrier.arrive $0xFFFF  }
0x22: {  	s8 =	sshrl.u32 s6, $0x3;
	s1 =	sor.u32 $0x1C07, s1;
	s10 =	rddreg [dreg:$0x6]  }
0x23: {  	[hbm:s10], [sflag:s1] =	dma.local [spmem:s8], $0x500  }
0x24: {  	_ =	swait.ge [sflag:s16], $0x500  }
0x25: {  	s0 =	sadd.s32 $0x1, s0;
	s14 =	rddreg [dreg:$0x7]  }
0x26: {  	p0 =	sne.s32 s0, s14  }
.Ltmp1:
0x27: {  	_ = 	snop;
	(pc) =	sbr.rel @!p0 .LBB2_11-.Ltmp1, $3  }
0x28: {  	_ =	sdelay $0x1  }
0x29: {  	[sflag:s16] =	ssyncset.done $0x0  }
0x2a: {  	[sflag:s16] =	ssyncadd.s32 $0xFFFFFB00  }
.LBB2_1:
0x2b: {  	s1 =	simm.s32 $0x0  }
.LBB2_2:
0x2c: {  	p0 =	sne.s32 s1, $0x6300  }
.Ltmp2:
0x2d: {  	s12 =	sshra.s32 s1, $0x2;
	(pc) =	sbr.rel @p0 .LBB2_2-.Ltmp2, $4  }
0x2e: {  	[tilespmem:s12+$0x960] =	vst v0  }
0x2f: {  	[tilespmem:s12+$0x970] =	vst v0  }
0x30: {  	[tilespmem:s12+$0x980] =	vst v0  }
0x31: {  	s1 =	sadd.s32 $0x100, s1;
	[tilespmem:s12+$0x990] =	vst v0  }
0x32: {  	s12 =	simm.s32 $0x100;
	s1 =	simm.s32 $0x0  }
.LBB2_4:
0x33: {  	p0 =	sne.s32 s12, $0x3B00;
	[tilespmem:s1+$0x2290] =	vst v0;
	s13 =	smov.u32 s12;
	s12 =	sadd.s32 $0x100, s12  }
.Ltmp3:
0x34: {  	[tilespmem:s1+$0x2280] =	vst v0;
	(pc) =	sbr.rel @p0 .LBB2_4-.Ltmp3, $3  }
0x35: {  	[tilespmem:s1+$0x2260] =	vst v0  }
0x36: {  	[tilespmem:s1+$0x2270] =	vst v0;
	_ =	sdelay $0x1  }
0x37: {  	s1 =	sshra.s32 s13, $0x2  }
0x38: {  	[tilespmem:s1+$0x2290] =	vst v0  }
0x39: {  	[tilespmem:s1+$0x2280] =	vst v0  }
0x3a: {  	[tilespmem:s1+$0x2260] =	vst v0  }
0x3b: {  	[tilespmem:s1+$0x2270] =	vst v0  }
0x3c: {  	[spmem:s6] =	stream.linear.scatter [tilespmem:s15], [sflag:$0x7], $0x1900, $0x38;
	[tilespmem:$0x7C60] =	vst v63  }
0x3d: {  	_ =	swait.ge [sflag:s16], $0x1900  }
0x3e: {  	[sflag:s16] =	ssyncset.done $0x0  }
0x3f: {  	s13 =	rddreg [dreg:$0x3];
	[sflag:s16] =	ssyncadd.s32 $0xFFFFE700  }
0x40: {  	[spmem:s13] =	stream.linear.scatter [tilespmem:s17], [sflag:$0x7], $0xF00, $0x38;
	[tilespmem:$0x7C60] =	vst v63  }
0x41: {  	_ =	swait.ge [sflag:s16], $0xF00  }
0x42: {  	[sflag:s16] =	ssyncset.done $0x0  }
0x43: {  	[sflag:s16] =	ssyncadd.s32 $0xFFFFF100  }
0x44: {  	[bflag:$0x0] =	sbarrier.arrive $0xFFFF  }
0x45: {  	s1 =	simm.s32 $0x0;
	s8 =	rddreg [dreg:$0x4]  }
0x46: {  	[tilespmem:s1], [sflag:$0x7] =	stream.strided.gather [hbm4b:s8+s18], $0x320, s19, s18, $0x38;
	[tilespmem:$0x7C60] =	vst v63  }
0x47: {  	_ =	swait.ge [sflag:s16], $0x320  }
0x48: {  	[sflag:s16] =	ssyncset.done $0x0  }
0x49: {  	[sflag:s16] =	ssyncadd.s32 $0xFFFFFCE0  }
0x4a: {  	[tilespmem:s15], [sflag:$0x1] =	stream.indirect.gather [hbm4b:s5+s18], $0x10, s1, s18, $0xb8;
	[tilespmem:$0x7C60] =	vst v63  }
0x4b: {  	s14 =	rddreg [dreg:$0x5]  }
0x4c: {  	[tilespmem:s20], [sflag:$0x7] =	stream.strided.gather [hbm4b:s14+s18], $0x320, s19, s18, $0x38;
	[tilespmem:$0x7C60] =	vst v63  }
.Ltmp4:
0x4d: {  	_ = 	snop;
	(pc) =	sbr.rel .LBB2_6-.Ltmp4, $4  }
0x4e: {  	_ =	swait.ge [sflag:s16], $0x320  }
0x4f: {  	s13 =	smov.u32 s9;
	[sflag:s16] =	ssyncset.done $0x0  }
0x50: {  	s14 =	smov.u32 s7;
	s12 =	rddreg [dreg:$0x8];
	[sflag:s16] =	ssyncadd.s32 $0xFFFFFCE0  }
0x51: {  	[tilespmem:s17], [sflag:$0x2] =	stream.indirect.gather [hbm4b:s5+s18], $0x10, s20, s18, $0xb8;
	[tilespmem:$0x7C60] =	vst v63  }
.LBB2_9:
0x52: {  	[tilespmem:s22], [sflag:$0x7] =	stream.strided.gather [hbm4b:s14+s18], $0x320, s19, s18, $0x38;
	[tilespmem:$0x7C60] =	vst v63  }
0x53: {  	_ =	swait.ge [sflag:s16], $0x320  }
0x54: {  	[sflag:s16] =	ssyncset.done $0x0  }
0x55: {  	[sflag:s16] =	ssyncadd.s32 $0xFFFFFCE0  }
0x56: {  	[tilespmem:s23], [sflag:$0x3] =	stream.indirect.gather [hbm4b:s5+s18], $0x10, s22, s18, $0xb8;
	[tilespmem:$0x7C60] =	vst v63  }
0x57: {  	_ =	swait.ge [sflag:s24], $0x1900  }
0x58: {  	[sflag:s24] =	ssyncset.done $0x0  }
0x59: {  	[sflag:s24] =	ssyncadd.s32 $0xFFFFE700  }
0x5a: {  	[spmem:s2] =	stream.indirect.scatter.add.f32 [tilespmem:s17], [sflag:$0x5], $0x10, s25, s18, $0xb8;
	[tilespmem:$0x7C60] =	vst v63  }
0x5b: {  	_ =	swait.ge [sflag:s26], $0x1900  }
0x5c: {  	s11 =	sshrl.u32 s13, $0x3;
	[sflag:s26] =	ssyncset.done $0x0  }
0x5d: {  	s11 =	sadd.s32 s4, s11;
	[sflag:s26] =	ssyncadd.s32 $0xFFFFE700  }
0x5e: {  	[tilespmem:s3], [sflag:$0x7] =	stream.strided.gather [hbm4b:s11+s18], $0x320, s19, s18, $0x38;
	[tilespmem:$0x7C60] =	vst v63  }
0x5f: {  	_ =	swait.ge [sflag:s16], $0x320  }
0x60: {  	[sflag:s16] =	ssyncset.done $0x0  }
0x61: {  	[sflag:s16] =	ssyncadd.s32 $0xFFFFFCE0  }
0x62: {  	[tilespmem:s15], [sflag:$0x1] =	stream.indirect.gather [hbm4b:s5+s18], $0x10, s3, s18, $0xb8;
	[tilespmem:$0x7C60] =	vst v63  }
0x63: {  	_ =	swait.ge [sflag:s28], $0x1900  }
0x64: {  	p0 =	sgt.u32 s1, $0x6;
	[sflag:s28] =	ssyncset.done $0x0  }
0x65: {  	s11 =	simm.s32 @!p0 $0x5;
	[sflag:s28] =	ssyncadd.s32 $0xFFFFE700  }
0x66: {  	[spmem:s2] =	stream.indirect.scatter.add.f32 [tilespmem:s23], [sflag:$0x6], $0x10, s29, s18, $0xb8;
	[tilespmem:$0x7C60] =	vst v63  }
0x67: {  	_ =	swait.ge @!p0 [sflag:s11], $0x1900  }
0x68: {  	s8 =	simm.s32 @!p0 $0x4E200;
	[sflag:s11] =	ssyncset.done @!p0 $0x0  }
0x69: {  	s10 =	simm.s32 @!p0 $0x320;
	[sflag:s11] =	ssyncadd.s32 @!p0 $0xFFFFE700;
	s11 =	simm.s32 @!p0 $0x190  }
0x6a: {  	[tilespmem:s10], [sflag:$0x7] =	stream.strided.gather @!p0 [hbm4b:s12+s11], $0x320, s8, s11, $0x38;
	[tilespmem:$0x7C60] =	vst v63  }
0x6b: {  	s8 =	simm.s32 @!p0 $0x7  }
0x6c: {  	_ =	swait.ge @!p0 [sflag:s8], $0x320  }
0x6d: {  	[sflag:s8] =	ssyncset.done @!p0 $0x0  }
0x6e: {  	s1 =	sadd.s32 $0x1, s1;
	[sflag:s8] =	ssyncadd.s32 @!p0 $0xFFFFFCE0;
	s8 =	simm.s32 @!p0 $0x2260  }
0x6f: {  	[tilespmem:s8], [sflag:$0x2] =	stream.indirect.gather @!p0 [hbm4b:s5+s11], $0x10, s10, s11, $0xb8;
	[tilespmem:$0x7C60] =	vst v63  }
0x70: {  	p0 =	sne.s32 s1, $0x9  }
.Ltmp5:
0x71: {  	_ = 	snop;
	(pc) =	sbr.rel @!p0 .LBB2_10-.Ltmp5, $2  }
0x72: {  	_ =	sdelay $0x2  }
0x73: {  	s13 =	sadd.s32 $0x4B0, s13;
	s14 =	sadd.s32 $0x96, s14;
	s12 =	sadd.s32 $0x96, s12  }
.LBB2_6:
0x74: {  	p0 =	seq.s32 s1, $0x0  }
.Ltmp6:
0x75: {  	_ = 	snop;
	(pc) =	sbr.rel @p0 .LBB2_9-.Ltmp6, $4  }
0x76: {  	_ =	swait.ge [sflag:s21], $0x1900  }
0x77: {  	[sflag:s21] =	ssyncset.done $0x0  }
0x78: {  	[sflag:s21] =	ssyncadd.s32 $0xFFFFE700  }
0x79: {  	[spmem:s2] =	stream.indirect.scatter.add.f32 [tilespmem:s15], [sflag:$0x4], $0x10, s18, s18, $0xb8;
	[tilespmem:$0x7C60] =	vst v63  }
0x7a: {  	p0 =	seq.s32 s1, $0x8  }
.Ltmp7:
0x7b: {  	_ = 	snop;
	(pc) =	sbr.rel @p0 .LBB2_10-.Ltmp7, $1  }
0x7c: {  	_ =	sdelay $0x3  }
.Ltmp8:
0x7d: {  	(pc) =	sbr.rel .LBB2_9-.Ltmp8, $4  }
0x7e: {  	_ = 	snop  }
0x7f: {  	_ =	swait.ge [sflag:s31], $0x1900  }
0x80: {  	[sflag:s31] =	ssyncset.done $0x0  }
0x81: {  	[sflag:s31] =	ssyncadd.s32 $0xFFFFE700  }
.LBB2_11:
0x82: {  	_ =	sfence.sel $0x180000  }
0x83: {  	[bflag:$0x0] =	sbarrier.arrive $0xFFFF  }
0x84: {  	_ =	strace $0x90000050  }
0x85: {  	s0 =	stileid.u32;
	[bflag:$0x2] =	sbarrier.arrive $0xFFFF  }
0x86: {  	p0 =	sne.s32 s0, $0x0;
	s0 =	rddreg [dreg:$0x2]  }
0x87: {  	s0 =	sadd.s32 @!p0 $0x100000, s0  }
0x88: {  	[sflag:s0] =	ssyncadd.tile.s32 @!p0 $0x1;
	_ =	shalt  }
.Lfunc_end2:
_tile_overlayer_lowered:
.L_overlay_start_2:
0x89: {  	(tag) =	ssettag $0x2  }
0x8a: {  	s0 =	rddreg [dreg:$0x0];
	s2 =	stileid.u32  }
0x8b: {  	s1 =	rddreg [dreg:$0x1];
	p0 =	sne.s32 s2, $0x0  }
0x8c: {  	s3 =	rddreg [dreg:$0x2];
	[bflag:$0x3] =	sbarrier.arrive $0xFFFF;
	s2 =	simm.s32 @!p0 $0x1C07  }
0x8d: {  	[timem:s3], [sflag:s2] =	dma.local @!p0 [hbm:s0], s1  }
0x8e: {  	s0 =	simm.s32 @!p0 $0x7  }
0x8f: {  	_ =	swait.ge @!p0 [sflag:s0], s1  }
0x90: {  	s1 =	ssub.s32 @!p0 $0x0, s1;
	[sflag:s0] =	ssyncset.done @!p0 $0x0  }
0x91: {  	[sflag:s0] =	ssyncadd.s32 @!p0 s1  }
0x92: {  	[bflag:$0x3] =	sbarrier.arrive $0xFFFF  }
0x93: {  	_ =	shalt  }

</sc_bundles>
